<compile_context>
chip_gen: v7x
topology: tpu7x:2x2x1
jax: 0.10.2.dev20260603
libtpu: 0.0.44.dev20260713+nightly
codegen_flags: <defaults>
</compile_context>

<pallas_src>
import functools

import jax
import jax.numpy as jnp
from jax import lax
from jax.experimental import pallas as pl
from jax.experimental.pallas import tpu as pltpu
from jax.experimental.pallas import tpu_sc as plsc

B = 16384
BAG = 50
TD = 64
CD = 32

NC = 2
NS = 16
NW = NC * NS
EPW = B // NW

CHUNK = 16
RPC = CHUNK * BAG
GB = 100
NG = RPC // GB
NCHUNK = EPW // CHUNK
CAT_GB = 64
CAT_PASS = 256


def _sc_body(text_hbm, cat_hbm, ttab_hbm, ctab_hbm, sum_hbm, cemb_hbm,
             idx0, idx1, rows0, rows1, out0, out1, cidx_v, crows_v,
             sem0, sem1, osem):
    c = lax.axis_index("c")
    s = lax.axis_index("s")
    wid = c * NS + s
    base = pl.multiple_of(wid * EPW, EPW)

    def fire(k, ibuf, rbuf, sem):
        trow0 = pl.multiple_of((base + k * CHUNK) * BAG // GB, NG)
        pltpu.sync_copy(text_hbm.at[pl.ds(trow0, NG)], ibuf)
        for g in range(NG):
            pltpu.async_copy(ttab_hbm.at[ibuf.at[g]],
                             rbuf.at[pl.ds(g * GB, GB)], sem)

    def drain(rbuf, sem):
        pltpu.make_async_copy(sum_hbm.at[pl.ds(0, RPC)], rbuf, sem).wait()

    def reduce_chunk(k, rbuf, obuf):
        def elem_body(e, c2):
            r0 = e * BAG
            for d in range(TD // 16):
                acc = rbuf[r0, pl.ds(d * 16, 16)]
                for l in range(1, BAG):
                    acc = acc + rbuf[r0 + l, pl.ds(d * 16, 16)]
                obuf[e, pl.ds(d * 16, 16)] = acc
            return c2

        lax.fori_loop(0, CHUNK, elem_body, 0)
        ebase = pl.multiple_of(base + k * CHUNK, CHUNK)
        pltpu.async_copy(obuf, sum_hbm.at[pl.ds(ebase, CHUNK)], osem)

    fire(0, idx0, rows0, sem0)

    for h in range(EPW // CAT_PASS):
        hbase = pl.multiple_of(base + h * CAT_PASS, CAT_PASS)
        crow0 = pl.multiple_of(hbase // CAT_GB, CAT_PASS // CAT_GB)
        pltpu.sync_copy(cat_hbm.at[pl.ds(crow0, CAT_PASS // CAT_GB)], cidx_v)
        cds = [pltpu.async_copy(ctab_hbm.at[cidx_v.at[j]],
                                crows_v.at[pl.ds(j * CAT_GB, CAT_GB)], osem)
               for j in range(CAT_PASS // CAT_GB)]
        for d in cds:
            d.wait()
        pltpu.sync_copy(crows_v, cemb_hbm.at[pl.ds(hbase, CAT_PASS)])

    def pipe_body(m, carry):
        k = pl.multiple_of(m * 2, 2)
        fire(k + 1, idx1, rows1, sem1)
        drain(rows0, sem0)
        reduce_chunk(k, rows0, out0)

        @pl.when(m < NCHUNK // 2 - 1)
        def _():
            fire(k + 2, idx0, rows0, sem0)

        drain(rows1, sem1)
        reduce_chunk(k + 1, rows1, out1)
        pltpu.make_async_copy(out0, sum_hbm.at[pl.ds(0, CHUNK)], osem).wait()
        pltpu.make_async_copy(out1, sum_hbm.at[pl.ds(0, CHUNK)], osem).wait()
        return carry

    lax.fori_loop(0, NCHUNK // 2, pipe_body, 0)


_sc_gather = functools.partial(
    pl.kernel,
    out_type=[
        jax.ShapeDtypeStruct((B, TD), jnp.float32),
        jax.ShapeDtypeStruct((B, CD), jnp.float32),
    ],
    mesh=plsc.VectorSubcoreMesh(core_axis_name="c", subcore_axis_name="s"),
    compiler_params=pltpu.CompilerParams(use_tc_tiling_on_sc=False),
    scratch_types=[
        pltpu.VMEM((NG, GB), jnp.int32),
        pltpu.VMEM((NG, GB), jnp.int32),
        pltpu.VMEM((RPC, TD), jnp.float32),
        pltpu.VMEM((RPC, TD), jnp.float32),
        pltpu.VMEM((CHUNK, TD), jnp.float32),
        pltpu.VMEM((CHUNK, TD), jnp.float32),
        pltpu.VMEM((CAT_PASS // CAT_GB, CAT_GB), jnp.int32),
        pltpu.VMEM((CAT_PASS, CD), jnp.float32),
        pltpu.SemaphoreType.DMA,
        pltpu.SemaphoreType.DMA,
        pltpu.SemaphoreType.DMA,
    ],
)(_sc_body)


MLP_BLK = 4096


def _mlp_body(s_ref, c_ref, t_ref, a1_ref, a2_ref, w2_ref, w3_ref,
              b1_ref, b2_ref, b3_ref, o_ref):
    cnt = jnp.sum((t_ref[...] != 0).astype(jnp.float32), axis=1,
                  keepdims=True)
    t = s_ref[...] / jnp.maximum(cnt, 1.0)
    h = jnp.dot(t, a1_ref[...], preferred_element_type=jnp.float32)
    h = h + jnp.dot(c_ref[...], a2_ref[...],
                    preferred_element_type=jnp.float32)
    h = jnp.maximum(h + b1_ref[...], 0.0)
    h = jnp.maximum(
        jnp.dot(h, w2_ref[...], preferred_element_type=jnp.float32)
        + b2_ref[...], 0.0)
    o_ref[...] = (jnp.dot(h, w3_ref[...], preferred_element_type=jnp.float32)
                  + b3_ref[...])


def _mlp(sums, cemb, text, a1, a2, w2t, w3t, b1, b2, b3):
    grid = B // MLP_BLK
    h1 = b1.shape[-1]
    h2 = b2.shape[-1]
    return pl.pallas_call(
        _mlp_body,
        grid=(grid,),
        in_specs=[
            pl.BlockSpec((MLP_BLK, TD), lambda i: (i, 0)),
            pl.BlockSpec((MLP_BLK, CD), lambda i: (i, 0)),
            pl.BlockSpec((MLP_BLK, BAG), lambda i: (i, 0)),
            pl.BlockSpec((TD, h1), lambda i: (0, 0)),
            pl.BlockSpec((CD, h1), lambda i: (0, 0)),
            pl.BlockSpec((h1, h2), lambda i: (0, 0)),
            pl.BlockSpec((h2, TD), lambda i: (0, 0)),
            pl.BlockSpec((1, h1), lambda i: (0, 0)),
            pl.BlockSpec((1, h2), lambda i: (0, 0)),
            pl.BlockSpec((1, TD), lambda i: (0, 0)),
        ],
        out_specs=pl.BlockSpec((MLP_BLK, TD), lambda i: (i, 0)),
        out_shape=jax.ShapeDtypeStruct((B, TD), jnp.float32),
    )(sums, cemb, text, a1, a2, w2t, w3t, b1, b2, b3)


def kernel(text, category, text_table, cat_table, W1, b1, W2, b2, W3, b3):
    text = text.astype(jnp.int32)
    category = category.astype(jnp.int32)
    text2d = text.reshape(B * BAG // GB, GB)
    cat2d = category.reshape(B // CAT_GB, CAT_GB)
    sums, cemb = _sc_gather(text2d, cat2d, text_table, cat_table)
    a1 = W1.T[:TD, :]
    a2 = W1.T[TD:, :]
    return _mlp(sums, cemb, text, a1, a2, W2.T, W3.T,
                b1.reshape(1, -1), b2.reshape(1, -1), b3.reshape(1, -1))

# --- scband reference (transcript-rebuilt; emitter-appended) ---
"""Pipeline reference for scband-multi-modal-two-tower-44624710205755 (READ-ONLY COPY).

The authoritative reference and input builder live on the scoring server;
editing this copy changes nothing except your own understanding.
"""

import jax, jax.numpy as jnp
import numpy as np

NUM_EMB = 1000000
TEXT_DIM = 64
CAT_NUM = 100000
CAT_DIM = 32
HIDDEN = [256, 128]
OUT_DIM = 64
BATCH = 16384
BAG = 50


def _linear_params(key, in_dim, out_dim):
    kw, kb = jax.random.split(key)
    bound = 1.0 / np.sqrt(in_dim)
    W = jax.random.uniform(kw, (out_dim, in_dim), minval=-bound, maxval=bound, dtype=jnp.float32)
    b = jax.random.uniform(kb, (out_dim,), minval=-bound, maxval=bound, dtype=jnp.float32)
    return W, b


def setup_inputs(seed: int = 0) -> dict:
    key = jax.random.key(seed)
    ks = jax.random.split(key, 8)
    text = jax.random.randint(ks[0], (BATCH, BAG), 0, NUM_EMB, dtype=jnp.int64 if jax.config.jax_enable_x64 else jnp.int32)
    category = jax.random.randint(ks[1], (BATCH,), 0, CAT_NUM, dtype=jnp.int64 if jax.config.jax_enable_x64 else jnp.int32)
    text_table = jax.random.normal(ks[2], (NUM_EMB, TEXT_DIM), dtype=jnp.float32)
    # padding_idx=0 row zeroed as in torch EmbeddingBag init
    text_table = text_table.at[0].set(0.0)
    cat_table = jax.random.normal(ks[3], (CAT_NUM, CAT_DIM), dtype=jnp.float32)
    in_dim = TEXT_DIM + CAT_DIM
    W1, b1 = _linear_params(ks[4], in_dim, HIDDEN[0])
    W2, b2 = _linear_params(ks[5], HIDDEN[0], HIDDEN[1])
    W3, b3 = _linear_params(ks[6], HIDDEN[1], OUT_DIM)
    return {"text": text, "category": category, "text_table": text_table,
            "cat_table": cat_table, "W1": W1, "b1": b1, "W2": W2, "b2": b2,
            "W3": W3, "b3": b3}


def reference(text, category, text_table, cat_table, W1, b1, W2, b2, W3, b3):
    # EmbeddingBag(mode='mean', padding_idx=0): padding entries excluded from mean
    emb = jnp.take(text_table, text, axis=0)              # [B, L, D]
    mask = (text != 0).astype(jnp.float32)                # [B, L]
    emb = emb * mask[:, :, None]
    denom = jnp.maximum(mask.sum(axis=1), 1.0)            # avoid div by zero
    t = emb.sum(axis=1) / denom[:, None]                  # [B, TEXT_DIM]
    c = jnp.take(cat_table, category, axis=0)             # [B, CAT_DIM]
    combined = jnp.concatenate([t, c], axis=1)            # [B, TEXT_DIM+CAT_DIM]
    h = jax.nn.relu(combined @ W1.T + b1)
    h = jax.nn.relu(h @ W2.T + b2)
    out = h @ W3.T + b3
    return out

if __name__ == "__main__":
    import jax
    _d = setup_inputs()
    print(jax.jit(kernel)(*tuple(_d.values())))

</pallas_src>

<mosaic_0001>
#map = affine_map<(d0, d1) -> (0, 0)>
module attributes {stable_mosaic.version = 14 : i64} {
  func.func @_sc_body(%arg0: i32, %arg1: i32, %arg2: memref<8192x100xi32, #tpu.memory_space<hbm>>, %arg3: memref<256x64xi32, #tpu.memory_space<hbm>>, %arg4: memref<1000000x64xf32, #tpu.memory_space<hbm>>, %arg5: memref<100000x32xf32, #tpu.memory_space<hbm>>, %arg6: memref<16384x64xf32, #tpu.memory_space<hbm>>, %arg7: memref<16384x32xf32, #tpu.memory_space<hbm>>, %arg8: memref<8x100xi32, #tpu.memory_space<vmem>>, %arg9: memref<8x100xi32, #tpu.memory_space<vmem>>, %arg10: memref<800x64xf32, #tpu.memory_space<vmem>>, %arg11: memref<800x64xf32, #tpu.memory_space<vmem>>, %arg12: memref<16x64xf32, #tpu.memory_space<vmem>>, %arg13: memref<16x64xf32, #tpu.memory_space<vmem>>, %arg14: memref<4x64xi32, #tpu.memory_space<vmem>>, %arg15: memref<256x32xf32, #tpu.memory_space<vmem>>, %arg16: memref<!tpu.dma_semaphore, #tpu.memory_space<semaphore_mem>>, %arg17: memref<!tpu.dma_semaphore, #tpu.memory_space<semaphore_mem>>, %arg18: memref<!tpu.dma_semaphore, #tpu.memory_space<semaphore_mem>>) attributes {dimension_semantics = [#tpu.dimension_semantics<core_parallel>, #tpu.dimension_semantics<subcore_parallel>], iteration_bounds = array<i64: 2, 16>, scalar_prefetch = 0 : i64, scratch_operands = 11 : i64, tpu.core_type = #tpu.core_type<sc_vector_subcore>, window_params = [{transform_indices = #map}, {transform_indices = #map}, {transform_indices = #map}, {transform_indices = #map}, {transform_indices = #map}, {transform_indices = #map}]} {
    %mul3A = arith.constant 16 : i32
    %mul3A_0 = arith.muli %arg0, %mul3A : i32
    %add3A = arith.addi %mul3A_0, %arg1 : i32
    %mul3A_1 = arith.constant 512 : i32
    %mul3A_2 = arith.muli %add3A, %mul3A_1 : i32
    %multiple_of3A = tpu.assume_multiple %mul3A_2, 512 : i32
    %add3A_3 = arith.constant 0 : i32
    %add3A_4 = arith.addi %multiple_of3A, %add3A_3 : i32
    %mul3A_5 = arith.constant 50 : i32
    %mul3A_6 = arith.muli %add3A_4, %mul3A_5 : i32
    %jit3A = arith.constant 100 : i32
    %div3A = arith.divsi %mul3A_6, %jit3A : i32
    %sign3A = arith.constant 0 : i32
    %sign3A_7 = arith.cmpi sgt, %mul3A_6, %sign3A : i32
    %sign3A_8 = arith.extui %sign3A_7 : i1 to i32
    %sign3A_9 = arith.constant 0 : i32
    %sign3A_10 = arith.cmpi slt, %mul3A_6, %sign3A_9 : i32
    %sign3A_11 = arith.extui %sign3A_10 : i1 to i32
    %sign3A_12 = arith.subi %sign3A_8, %sign3A_11 : i32
    %sign3A_13 = arith.constant 0 : i32
    %sign3A_14 = arith.cmpi sgt, %jit3A, %sign3A_13 : i32
    %sign3A_15 = arith.extui %sign3A_14 : i1 to i32
    %sign3A_16 = arith.constant 0 : i32
    %sign3A_17 = arith.cmpi slt, %jit3A, %sign3A_16 : i32
    %sign3A_18 = arith.extui %sign3A_17 : i1 to i32
    %sign3A_19 = arith.subi %sign3A_15, %sign3A_18 : i32
    %ne3A = arith.cmpi ne, %sign3A_12, %sign3A_19 : i32
    %rem3A = arith.remsi %mul3A_6, %jit3A : i32
    %ne3A_20 = arith.constant 0 : i32
    %ne3A_21 = arith.cmpi ne, %rem3A, %ne3A_20 : i32
    %and3A = arith.andi %ne3A, %ne3A_21 : i1
    %sub3A = arith.constant 1 : i32
    %sub3A_22 = arith.subi %div3A, %sub3A : i32
    %select_n3A = arith.select %and3A, %sub3A_22, %div3A : i32
    %multiple_of3A_23 = tpu.assume_multiple %select_n3A, 8 : i32
    "tpu.region"() ({
      %run_scoped3A = tpu.sem_alloc : memref<!tpu.dma_semaphore, #tpu.memory_space<semaphore_mem>>
      %dma_start3A_323 = arith.constant 0 : i32
      %dma_start3A_324 = tpu.memref_slice %arg2[%multiple_of3A_23, %dma_start3A_323] : memref<8192x100xi32, #tpu.memory_space<hbm>> -> memref<8x100xi32, #tpu.memory_space<hbm>>
      %dma_start3A_325 = arith.constant 0 : i32
      %dma_start3A_326 = tpu.memref_slice %arg2[%multiple_of3A_23, %dma_start3A_325] : memref<8192x100xi32, #tpu.memory_space<hbm>> -> memref<8x100xi32, #tpu.memory_space<hbm>>
      tpu.enqueue_dma source(%dma_start3A_326 : memref<8x100xi32, #tpu.memory_space<hbm>>) target(%arg8 : memref<8x100xi32, #tpu.memory_space<vmem>>) target_semaphore(%run_scoped3A : memref<!tpu.dma_semaphore, #tpu.memory_space<semaphore_mem>>)
      %dma_wait3A_327 = arith.constant 0 : i32
      %dma_wait3A_328 = tpu.memref_slice %arg2[%multiple_of3A_23, %dma_wait3A_327] : memref<8192x100xi32, #tpu.memory_space<hbm>> -> memref<8x100xi32, #tpu.memory_space<hbm>>
      %dma_wait3A_329 = arith.constant 0 : i32
      %dma_wait3A_330 = tpu.memref_slice %arg2[%multiple_of3A_23, %dma_wait3A_329] : memref<8192x100xi32, #tpu.memory_space<hbm>> -> memref<8x100xi32, #tpu.memory_space<hbm>>
      tpu.wait_dma2 semaphore(%run_scoped3A : memref<!tpu.dma_semaphore, #tpu.memory_space<semaphore_mem>>) src(%dma_wait3A_330 : memref<8x100xi32, #tpu.memory_space<hbm>>) dst(%arg8 : memref<8x100xi32, #tpu.memory_space<vmem>>)
      tpu.yield
    }) : () -> ()
    %dma_start3A = arith.constant 0 : i32
    %dma_start3A_24 = arith.constant 0 : i32
    %dma_start3A_25 = arith.constant 0 : i32
    %dma_start3A_26 = tpu.memref_slice %arg10[%dma_start3A_24, %dma_start3A_25] : memref<800x64xf32, #tpu.memory_space<vmem>> -> memref<100x64xf32, #tpu.memory_space<vmem>>
    %dma_start3A_27 = arith.constant 0 : i32
    %dma_start3A_28 = tpu.memref_slice %arg8[%dma_start3A, %dma_start3A_27] : memref<8x100xi32, #tpu.memory_space<vmem>> -> memref<1x100xi32, #tpu.memory_space<vmem>>
    %dma_start3A_29 = tpu.memref_squeeze %dma_start3A_28 : memref<1x100xi32, #tpu.memory_space<vmem>> -> memref<100xi32, #tpu.memory_space<vmem>>
    %dma_start3A_30 = arith.constant 0 : i32
    %dma_start3A_31 = arith.constant 0 : i32
    %dma_start3A_32 = tpu.memref_slice %arg4[%dma_start3A_30, %dma_start3A_31] : memref<1000000x64xf32, #tpu.memory_space<hbm>> -> memref<1000000x64xf32, #tpu.memory_space<hbm>>
    tpu.enqueue_indirect_dma source(%dma_start3A_32 : memref<1000000x64xf32, #tpu.memory_space<hbm>>) target(%dma_start3A_26 : memref<100x64xf32, #tpu.memory_space<vmem>>) offsets(%dma_start3A_29 : memref<100xi32, #tpu.memory_space<vmem>>) semaphore(%arg16 : memref<!tpu.dma_semaphore, #tpu.memory_space<semaphore_mem>>)
    %dma_start3A_33 = arith.constant 1 : i32
    %dma_start3A_34 = arith.constant 100 : i32
    %dma_start3A_35 = arith.constant 0 : i32
    %dma_start3A_36 = tpu.memref_slice %arg10[%dma_start3A_34, %dma_start3A_35] : memref<800x64xf32, #tpu.memory_space<vmem>> -> memref<100x64xf32, #tpu.memory_space<vmem>>
    %dma_start3A_37 = arith.constant 0 : i32
    %dma_start3A_38 = tpu.memref_slice %arg8[%dma_start3A_33, %dma_start3A_37] : memref<8x100xi32, #tpu.memory_space<vmem>> -> memref<1x100xi32, #tpu.memory_space<vmem>>
    %dma_start3A_39 = tpu.memref_squeeze %dma_start3A_38 : memref<1x100xi32, #tpu.memory_space<vmem>> -> memref<100xi32, #tpu.memory_space<vmem>>
    %dma_start3A_40 = arith.constant 0 : i32
    %dma_start3A_41 = arith.constant 0 : i32
    %dma_start3A_42 = tpu.memref_slice %arg4[%dma_start3A_40, %dma_start3A_41] : memref<1000000x64xf32, #tpu.memory_space<hbm>> -> memref<1000000x64xf32, #tpu.memory_space<hbm>>
    tpu.enqueue_indirect_dma source(%dma_start3A_42 : memref<1000000x64xf32, #tpu.memory_space<hbm>>) target(%dma_start3A_36 : memref<100x64xf32, #tpu.memory_space<vmem>>) offsets(%dma_start3A_39 : memref<100xi32, #tpu.memory_space<vmem>>) semaphore(%arg16 : memref<!tpu.dma_semaphore, #tpu.memory_space<semaphore_mem>>)
    %dma_start3A_43 = arith.constant 2 : i32
    %dma_start3A_44 = arith.constant 200 : i32
    %dma_start3A_45 = arith.constant 0 : i32
    %dma_start3A_46 = tpu.memref_slice %arg10[%dma_start3A_44, %dma_start3A_45] : memref<800x64xf32, #tpu.memory_space<vmem>> -> memref<100x64xf32, #tpu.memory_space<vmem>>
    %dma_start3A_47 = arith.constant 0 : i32
    %dma_start3A_48 = tpu.memref_slice %arg8[%dma_start3A_43, %dma_start3A_47] : memref<8x100xi32, #tpu.memory_space<vmem>> -> memref<1x100xi32, #tpu.memory_space<vmem>>
    %dma_start3A_49 = tpu.memref_squeeze %dma_start3A_48 : memref<1x100xi32, #tpu.memory_space<vmem>> -> memref<100xi32, #tpu.memory_space<vmem>>
    %dma_start3A_50 = arith.constant 0 : i32
    %dma_start3A_51 = arith.constant 0 : i32
    %dma_start3A_52 = tpu.memref_slice %arg4[%dma_start3A_50, %dma_start3A_51] : memref<1000000x64xf32, #tpu.memory_space<hbm>> -> memref<1000000x64xf32, #tpu.memory_space<hbm>>
    tpu.enqueue_indirect_dma source(%dma_start3A_52 : memref<1000000x64xf32, #tpu.memory_space<hbm>>) target(%dma_start3A_46 : memref<100x64xf32, #tpu.memory_space<vmem>>) offsets(%dma_start3A_49 : memref<100xi32, #tpu.memory_space<vmem>>) semaphore(%arg16 : memref<!tpu.dma_semaphore, #tpu.memory_space<semaphore_mem>>)
    %dma_start3A_53 = arith.constant 3 : i32
    %dma_start3A_54 = arith.constant 300 : i32
    %dma_start3A_55 = arith.constant 0 : i32
    %dma_start3A_56 = tpu.memref_slice %arg10[%dma_start3A_54, %dma_start3A_55] : memref<800x64xf32, #tpu.memory_space<vmem>> -> memref<100x64xf32, #tpu.memory_space<vmem>>
    %dma_start3A_57 = arith.constant 0 : i32
    %dma_start3A_58 = tpu.memref_slice %arg8[%dma_start3A_53, %dma_start3A_57] : memref<8x100xi32, #tpu.memory_space<vmem>> -> memref<1x100xi32, #tpu.memory_space<vmem>>
    %dma_start3A_59 = tpu.memref_squeeze %dma_start3A_58 : memref<1x100xi32, #tpu.memory_space<vmem>> -> memref<100xi32, #tpu.memory_space<vmem>>
    %dma_start3A_60 = arith.constant 0 : i32
    %dma_start3A_61 = arith.constant 0 : i32
    %dma_start3A_62 = tpu.memref_slice %arg4[%dma_start3A_60, %dma_start3A_61] : memref<1000000x64xf32, #tpu.memory_space<hbm>> -> memref<1000000x64xf32, #tpu.memory_space<hbm>>
    tpu.enqueue_indirect_dma source(%dma_start3A_62 : memref<1000000x64xf32, #tpu.memory_space<hbm>>) target(%dma_start3A_56 : memref<100x64xf32, #tpu.memory_space<vmem>>) offsets(%dma_start3A_59 : memref<100xi32, #tpu.memory_space<vmem>>) semaphore(%arg16 : memref<!tpu.dma_semaphore, #tpu.memory_space<semaphore_mem>>)
    %dma_start3A_63 = arith.constant 4 : i32
    %dma_start3A_64 = arith.constant 400 : i32
    %dma_start3A_65 = arith.constant 0 : i32
    %dma_start3A_66 = tpu.memref_slice %arg10[%dma_start3A_64, %dma_start3A_65] : memref<800x64xf32, #tpu.memory_space<vmem>> -> memref<100x64xf32, #tpu.memory_space<vmem>>
    %dma_start3A_67 = arith.constant 0 : i32
    %dma_start3A_68 = tpu.memref_slice %arg8[%dma_start3A_63, %dma_start3A_67] : memref<8x100xi32, #tpu.memory_space<vmem>> -> memref<1x100xi32, #tpu.memory_space<vmem>>
    %dma_start3A_69 = tpu.memref_squeeze %dma_start3A_68 : memref<1x100xi32, #tpu.memory_space<vmem>> -> memref<100xi32, #tpu.memory_space<vmem>>
    %dma_start3A_70 = arith.constant 0 : i32
    %dma_start3A_71 = arith.constant 0 : i32
    %dma_start3A_72 = tpu.memref_slice %arg4[%dma_start3A_70, %dma_start3A_71] : memref<1000000x64xf32, #tpu.memory_space<hbm>> -> memref<1000000x64xf32, #tpu.memory_space<hbm>>
    tpu.enqueue_indirect_dma source(%dma_start3A_72 : memref<1000000x64xf32, #tpu.memory_space<hbm>>) target(%dma_start3A_66 : memref<100x64xf32, #tpu.memory_space<vmem>>) offsets(%dma_start3A_69 : memref<100xi32, #tpu.memory_space<vmem>>) semaphore(%arg16 : memref<!tpu.dma_semaphore, #tpu.memory_space<semaphore_mem>>)
    %dma_start3A_73 = arith.constant 5 : i32
    %dma_start3A_74 = arith.constant 500 : i32
    %dma_start3A_75 = arith.constant 0 : i32
    %dma_start3A_76 = tpu.memref_slice %arg10[%dma_start3A_74, %dma_start3A_75] : memref<800x64xf32, #tpu.memory_space<vmem>> -> memref<100x64xf32, #tpu.memory_space<vmem>>
    %dma_start3A_77 = arith.constant 0 : i32
    %dma_start3A_78 = tpu.memref_slice %arg8[%dma_start3A_73, %dma_start3A_77] : memref<8x100xi32, #tpu.memory_space<vmem>> -> memref<1x100xi32, #tpu.memory_space<vmem>>
    %dma_start3A_79 = tpu.memref_squeeze %dma_start3A_78 : memref<1x100xi32, #tpu.memory_space<vmem>> -> memref<100xi32, #tpu.memory_space<vmem>>
    %dma_start3A_80 = arith.constant 0 : i32
    %dma_start3A_81 = arith.constant 0 : i32
    %dma_start3A_82 = tpu.memref_slice %arg4[%dma_start3A_80, %dma_start3A_81] : memref<1000000x64xf32, #tpu.memory_space<hbm>> -> memref<1000000x64xf32, #tpu.memory_space<hbm>>
    tpu.enqueue_indirect_dma source(%dma_start3A_82 : memref<1000000x64xf32, #tpu.memory_space<hbm>>) target(%dma_start3A_76 : memref<100x64xf32, #tpu.memory_space<vmem>>) offsets(%dma_start3A_79 : memref<100xi32, #tpu.memory_space<vmem>>) semaphore(%arg16 : memref<!tpu.dma_semaphore, #tpu.memory_space<semaphore_mem>>)
    %dma_start3A_83 = arith.constant 6 : i32
    %dma_start3A_84 = arith.constant 600 : i32
    %dma_start3A_85 = arith.constant 0 : i32
    %dma_start3A_86 = tpu.memref_slice %arg10[%dma_start3A_84, %dma_start3A_85] : memref<800x64xf32, #tpu.memory_space<vmem>> -> memref<100x64xf32, #tpu.memory_space<vmem>>
    %dma_start3A_87 = arith.constant 0 : i32
    %dma_start3A_88 = tpu.memref_slice %arg8[%dma_start3A_83, %dma_start3A_87] : memref<8x100xi32, #tpu.memory_space<vmem>> -> memref<1x100xi32, #tpu.memory_space<vmem>>
    %dma_start3A_89 = tpu.memref_squeeze %dma_start3A_88 : memref<1x100xi32, #tpu.memory_space<vmem>> -> memref<100xi32, #tpu.memory_space<vmem>>
    %dma_start3A_90 = arith.constant 0 : i32
    %dma_start3A_91 = arith.constant 0 : i32
    %dma_start3A_92 = tpu.memref_slice %arg4[%dma_start3A_90, %dma_start3A_91] : memref<1000000x64xf32, #tpu.memory_space<hbm>> -> memref<1000000x64xf32, #tpu.memory_space<hbm>>
    tpu.enqueue_indirect_dma source(%dma_start3A_92 : memref<1000000x64xf32, #tpu.memory_space<hbm>>) target(%dma_start3A_86 : memref<100x64xf32, #tpu.memory_space<vmem>>) offsets(%dma_start3A_89 : memref<100xi32, #tpu.memory_space<vmem>>) semaphore(%arg16 : memref<!tpu.dma_semaphore, #tpu.memory_space<semaphore_mem>>)
    %dma_start3A_93 = arith.constant 7 : i32
    %dma_start3A_94 = arith.constant 700 : i32
    %dma_start3A_95 = arith.constant 0 : i32
    %dma_start3A_96 = tpu.memref_slice %arg10[%dma_start3A_94, %dma_start3A_95] : memref<800x64xf32, #tpu.memory_space<vmem>> -> memref<100x64xf32, #tpu.memory_space<vmem>>
    %dma_start3A_97 = arith.constant 0 : i32
    %dma_start3A_98 = tpu.memref_slice %arg8[%dma_start3A_93, %dma_start3A_97] : memref<8x100xi32, #tpu.memory_space<vmem>> -> memref<1x100xi32, #tpu.memory_space<vmem>>
    %dma_start3A_99 = tpu.memref_squeeze %dma_start3A_98 : memref<1x100xi32, #tpu.memory_space<vmem>> -> memref<100xi32, #tpu.memory_space<vmem>>
    %dma_start3A_100 = arith.constant 0 : i32
    %dma_start3A_101 = arith.constant 0 : i32
    %dma_start3A_102 = tpu.memref_slice %arg4[%dma_start3A_100, %dma_start3A_101] : memref<1000000x64xf32, #tpu.memory_space<hbm>> -> memref<1000000x64xf32, #tpu.memory_space<hbm>>
    tpu.enqueue_indirect_dma source(%dma_start3A_102 : memref<1000000x64xf32, #tpu.memory_space<hbm>>) target(%dma_start3A_96 : memref<100x64xf32, #tpu.memory_space<vmem>>) offsets(%dma_start3A_99 : memref<100xi32, #tpu.memory_space<vmem>>) semaphore(%arg16 : memref<!tpu.dma_semaphore, #tpu.memory_space<semaphore_mem>>)
    %add3A_103 = arith.constant 0 : i32
    %add3A_104 = arith.addi %multiple_of3A, %add3A_103 : i32
    %multiple_of3A_105 = tpu.assume_multiple %add3A_104, 256 : i32
    %jit3A_106 = arith.constant 64 : i32
    %div3A_107 = arith.divsi %multiple_of3A_105, %jit3A_106 : i32
    %sign3A_108 = arith.constant 0 : i32
    %sign3A_109 = arith.cmpi sgt, %multiple_of3A_105, %sign3A_108 : i32
    %sign3A_110 = arith.extui %sign3A_109 : i1 to i32
    %sign3A_111 = arith.constant 0 : i32
    %sign3A_112 = arith.cmpi slt, %multiple_of3A_105, %sign3A_111 : i32
    %sign3A_113 = arith.extui %sign3A_112 : i1 to i32
    %sign3A_114 = arith.subi %sign3A_110, %sign3A_113 : i32
    %sign3A_115 = arith.constant 0 : i32
    %sign3A_116 = arith.cmpi sgt, %jit3A_106, %sign3A_115 : i32
    %sign3A_117 = arith.extui %sign3A_116 : i1 to i32
    %sign3A_118 = arith.constant 0 : i32
    %sign3A_119 = arith.cmpi slt, %jit3A_106, %sign3A_118 : i32
    %sign3A_120 = arith.extui %sign3A_119 : i1 to i32
    %sign3A_121 = arith.subi %sign3A_117, %sign3A_120 : i32
    %ne3A_122 = arith.cmpi ne, %sign3A_114, %sign3A_121 : i32
    %rem3A_123 = arith.remsi %multiple_of3A_105, %jit3A_106 : i32
    %ne3A_124 = arith.constant 0 : i32
    %ne3A_125 = arith.cmpi ne, %rem3A_123, %ne3A_124 : i32
    %and3A_126 = arith.andi %ne3A_122, %ne3A_125 : i1
    %sub3A_127 = arith.constant 1 : i32
    %sub3A_128 = arith.subi %div3A_107, %sub3A_127 : i32
    %select_n3A_129 = arith.select %and3A_126, %sub3A_128, %div3A_107 : i32
    %multiple_of3A_130 = tpu.assume_multiple %select_n3A_129, 4 : i32
    "tpu.region"() ({
      %run_scoped3A = tpu.sem_alloc : memref<!tpu.dma_semaphore, #tpu.memory_space<semaphore_mem>>
      %dma_start3A_323 = arith.constant 0 : i32
      %dma_start3A_324 = tpu.memref_slice %arg3[%multiple_of3A_130, %dma_start3A_323] : memref<256x64xi32, #tpu.memory_space<hbm>> -> memref<4x64xi32, #tpu.memory_space<hbm>>
      %dma_start3A_325 = arith.constant 0 : i32
      %dma_start3A_326 = tpu.memref_slice %arg3[%multiple_of3A_130, %dma_start3A_325] : memref<256x64xi32, #tpu.memory_space<hbm>> -> memref<4x64xi32, #tpu.memory_space<hbm>>
      tpu.enqueue_dma source(%dma_start3A_326 : memref<4x64xi32, #tpu.memory_space<hbm>>) target(%arg14 : memref<4x64xi32, #tpu.memory_space<vmem>>) target_semaphore(%run_scoped3A : memref<!tpu.dma_semaphore, #tpu.memory_space<semaphore_mem>>)
      %dma_wait3A_327 = arith.constant 0 : i32
      %dma_wait3A_328 = tpu.memref_slice %arg3[%multiple_of3A_130, %dma_wait3A_327] : memref<256x64xi32, #tpu.memory_space<hbm>> -> memref<4x64xi32, #tpu.memory_space<hbm>>
      %dma_wait3A_329 = arith.constant 0 : i32
      %dma_wait3A_330 = tpu.memref_slice %arg3[%multiple_of3A_130, %dma_wait3A_329] : memref<256x64xi32, #tpu.memory_space<hbm>> -> memref<4x64xi32, #tpu.memory_space<hbm>>
      tpu.wait_dma2 semaphore(%run_scoped3A : memref<!tpu.dma_semaphore, #tpu.memory_space<semaphore_mem>>) src(%dma_wait3A_330 : memref<4x64xi32, #tpu.memory_space<hbm>>) dst(%arg14 : memref<4x64xi32, #tpu.memory_space<vmem>>)
      tpu.yield
    }) : () -> ()
    %dma_start3A_131 = arith.constant 0 : i32
    %dma_start3A_132 = arith.constant 0 : i32
    %dma_start3A_133 = arith.constant 0 : i32
    %dma_start3A_134 = tpu.memref_slice %arg15[%dma_start3A_132, %dma_start3A_133] : memref<256x32xf32, #tpu.memory_space<vmem>> -> memref<64x32xf32, #tpu.memory_space<vmem>>
    %dma_start3A_135 = arith.constant 0 : i32
    %dma_start3A_136 = tpu.memref_slice %arg14[%dma_start3A_131, %dma_start3A_135] : memref<4x64xi32, #tpu.memory_space<vmem>> -> memref<1x64xi32, #tpu.memory_space<vmem>>
    %dma_start3A_137 = tpu.memref_squeeze %dma_start3A_136 : memref<1x64xi32, #tpu.memory_space<vmem>> -> memref<64xi32, #tpu.memory_space<vmem>>
    %dma_start3A_138 = arith.constant 0 : i32
    %dma_start3A_139 = arith.constant 0 : i32
    %dma_start3A_140 = tpu.memref_slice %arg5[%dma_start3A_138, %dma_start3A_139] : memref<100000x32xf32, #tpu.memory_space<hbm>> -> memref<100000x32xf32, #tpu.memory_space<hbm>>
    tpu.enqueue_indirect_dma source(%dma_start3A_140 : memref<100000x32xf32, #tpu.memory_space<hbm>>) target(%dma_start3A_134 : memref<64x32xf32, #tpu.memory_space<vmem>>) offsets(%dma_start3A_137 : memref<64xi32, #tpu.memory_space<vmem>>) semaphore(%arg18 : memref<!tpu.dma_semaphore, #tpu.memory_space<semaphore_mem>>)
    %dma_start3A_141 = arith.constant 1 : i32
    %dma_start3A_142 = arith.constant 64 : i32
    %dma_start3A_143 = arith.constant 0 : i32
    %dma_start3A_144 = tpu.memref_slice %arg15[%dma_start3A_142, %dma_start3A_143] : memref<256x32xf32, #tpu.memory_space<vmem>> -> memref<64x32xf32, #tpu.memory_space<vmem>>
    %dma_start3A_145 = arith.constant 0 : i32
    %dma_start3A_146 = tpu.memref_slice %arg14[%dma_start3A_141, %dma_start3A_145] : memref<4x64xi32, #tpu.memory_space<vmem>> -> memref<1x64xi32, #tpu.memory_space<vmem>>
    %dma_start3A_147 = tpu.memref_squeeze %dma_start3A_146 : memref<1x64xi32, #tpu.memory_space<vmem>> -> memref<64xi32, #tpu.memory_space<vmem>>
    %dma_start3A_148 = arith.constant 0 : i32
    %dma_start3A_149 = arith.constant 0 : i32
    %dma_start3A_150 = tpu.memref_slice %arg5[%dma_start3A_148, %dma_start3A_149] : memref<100000x32xf32, #tpu.memory_space<hbm>> -> memref<100000x32xf32, #tpu.memory_space<hbm>>
    tpu.enqueue_indirect_dma source(%dma_start3A_150 : memref<100000x32xf32, #tpu.memory_space<hbm>>) target(%dma_start3A_144 : memref<64x32xf32, #tpu.memory_space<vmem>>) offsets(%dma_start3A_147 : memref<64xi32, #tpu.memory_space<vmem>>) semaphore(%arg18 : memref<!tpu.dma_semaphore, #tpu.memory_space<semaphore_mem>>)
    %dma_start3A_151 = arith.constant 2 : i32
    %dma_start3A_152 = arith.constant 128 : i32
    %dma_start3A_153 = arith.constant 0 : i32
    %dma_start3A_154 = tpu.memref_slice %arg15[%dma_start3A_152, %dma_start3A_153] : memref<256x32xf32, #tpu.memory_space<vmem>> -> memref<64x32xf32, #tpu.memory_space<vmem>>
    %dma_start3A_155 = arith.constant 0 : i32
    %dma_start3A_156 = tpu.memref_slice %arg14[%dma_start3A_151, %dma_start3A_155] : memref<4x64xi32, #tpu.memory_space<vmem>> -> memref<1x64xi32, #tpu.memory_space<vmem>>
    %dma_start3A_157 = tpu.memref_squeeze %dma_start3A_156 : memref<1x64xi32, #tpu.memory_space<vmem>> -> memref<64xi32, #tpu.memory_space<vmem>>
    %dma_start3A_158 = arith.constant 0 : i32
    %dma_start3A_159 = arith.constant 0 : i32
    %dma_start3A_160 = tpu.memref_slice %arg5[%dma_start3A_158, %dma_start3A_159] : memref<100000x32xf32, #tpu.memory_space<hbm>> -> memref<100000x32xf32, #tpu.memory_space<hbm>>
    tpu.enqueue_indirect_dma source(%dma_start3A_160 : memref<100000x32xf32, #tpu.memory_space<hbm>>) target(%dma_start3A_154 : memref<64x32xf32, #tpu.memory_space<vmem>>) offsets(%dma_start3A_157 : memref<64xi32, #tpu.memory_space<vmem>>) semaphore(%arg18 : memref<!tpu.dma_semaphore, #tpu.memory_space<semaphore_mem>>)
    %dma_start3A_161 = arith.constant 3 : i32
    %dma_start3A_162 = arith.constant 192 : i32
    %dma_start3A_163 = arith.constant 0 : i32
    %dma_start3A_164 = tpu.memref_slice %arg15[%dma_start3A_162, %dma_start3A_163] : memref<256x32xf32, #tpu.memory_space<vmem>> -> memref<64x32xf32, #tpu.memory_space<vmem>>
    %dma_start3A_165 = arith.constant 0 : i32
    %dma_start3A_166 = tpu.memref_slice %arg14[%dma_start3A_161, %dma_start3A_165] : memref<4x64xi32, #tpu.memory_space<vmem>> -> memref<1x64xi32, #tpu.memory_space<vmem>>
    %dma_start3A_167 = tpu.memref_squeeze %dma_start3A_166 : memref<1x64xi32, #tpu.memory_space<vmem>> -> memref<64xi32, #tpu.memory_space<vmem>>
    %dma_start3A_168 = arith.constant 0 : i32
    %dma_start3A_169 = arith.constant 0 : i32
    %dma_start3A_170 = tpu.memref_slice %arg5[%dma_start3A_168, %dma_start3A_169] : memref<100000x32xf32, #tpu.memory_space<hbm>> -> memref<100000x32xf32, #tpu.memory_space<hbm>>
    tpu.enqueue_indirect_dma source(%dma_start3A_170 : memref<100000x32xf32, #tpu.memory_space<hbm>>) target(%dma_start3A_164 : memref<64x32xf32, #tpu.memory_space<vmem>>) offsets(%dma_start3A_167 : memref<64xi32, #tpu.memory_space<vmem>>) semaphore(%arg18 : memref<!tpu.dma_semaphore, #tpu.memory_space<semaphore_mem>>)
    %dma_wait3A = arith.constant 0 : i32
    %dma_wait3A_171 = arith.constant 0 : i32
    %dma_wait3A_172 = arith.constant 0 : i32
    %dma_wait3A_173 = tpu.memref_slice %arg15[%dma_wait3A_171, %dma_wait3A_172] : memref<256x32xf32, #tpu.memory_space<vmem>> -> memref<64x32xf32, #tpu.memory_space<vmem>>
    %dma_wait3A_174 = arith.constant 0 : i32
    %dma_wait3A_175 = tpu.memref_slice %arg14[%dma_wait3A, %dma_wait3A_174] : memref<4x64xi32, #tpu.memory_space<vmem>> -> memref<1x64xi32, #tpu.memory_space<vmem>>
    %dma_wait3A_176 = tpu.memref_squeeze %dma_wait3A_175 : memref<1x64xi32, #tpu.memory_space<vmem>> -> memref<64xi32, #tpu.memory_space<vmem>>
    %dma_wait3A_177 = arith.constant 0 : i32
    %dma_wait3A_178 = arith.constant 0 : i32
    %dma_wait3A_179 = tpu.memref_slice %arg5[%dma_wait3A_177, %dma_wait3A_178] : memref<100000x32xf32, #tpu.memory_space<hbm>> -> memref<100000x32xf32, #tpu.memory_space<hbm>>
    tpu.wait_indirect_dma semaphore(%arg18 : memref<!tpu.dma_semaphore, #tpu.memory_space<semaphore_mem>>) src(%dma_wait3A_179 : memref<100000x32xf32, #tpu.memory_space<hbm>>) dst(%dma_wait3A_173 : memref<64x32xf32, #tpu.memory_space<vmem>>)
    %dma_wait3A_180 = arith.constant 1 : i32
    %dma_wait3A_181 = arith.constant 64 : i32
    %dma_wait3A_182 = arith.constant 0 : i32
    %dma_wait3A_183 = tpu.memref_slice %arg15[%dma_wait3A_181, %dma_wait3A_182] : memref<256x32xf32, #tpu.memory_space<vmem>> -> memref<64x32xf32, #tpu.memory_space<vmem>>
    %dma_wait3A_184 = arith.constant 0 : i32
    %dma_wait3A_185 = tpu.memref_slice %arg14[%dma_wait3A_180, %dma_wait3A_184] : memref<4x64xi32, #tpu.memory_space<vmem>> -> memref<1x64xi32, #tpu.memory_space<vmem>>
    %dma_wait3A_186 = tpu.memref_squeeze %dma_wait3A_185 : memref<1x64xi32, #tpu.memory_space<vmem>> -> memref<64xi32, #tpu.memory_space<vmem>>
    %dma_wait3A_187 = arith.constant 0 : i32
    %dma_wait3A_188 = arith.constant 0 : i32
    %dma_wait3A_189 = tpu.memref_slice %arg5[%dma_wait3A_187, %dma_wait3A_188] : memref<100000x32xf32, #tpu.memory_space<hbm>> -> memref<100000x32xf32, #tpu.memory_space<hbm>>
    tpu.wait_indirect_dma semaphore(%arg18 : memref<!tpu.dma_semaphore, #tpu.memory_space<semaphore_mem>>) src(%dma_wait3A_189 : memref<100000x32xf32, #tpu.memory_space<hbm>>) dst(%dma_wait3A_183 : memref<64x32xf32, #tpu.memory_space<vmem>>)
    %dma_wait3A_190 = arith.constant 2 : i32
    %dma_wait3A_191 = arith.constant 128 : i32
    %dma_wait3A_192 = arith.constant 0 : i32
    %dma_wait3A_193 = tpu.memref_slice %arg15[%dma_wait3A_191, %dma_wait3A_192] : memref<256x32xf32, #tpu.memory_space<vmem>> -> memref<64x32xf32, #tpu.memory_space<vmem>>
    %dma_wait3A_194 = arith.constant 0 : i32
    %dma_wait3A_195 = tpu.memref_slice %arg14[%dma_wait3A_190, %dma_wait3A_194] : memref<4x64xi32, #tpu.memory_space<vmem>> -> memref<1x64xi32, #tpu.memory_space<vmem>>
    %dma_wait3A_196 = tpu.memref_squeeze %dma_wait3A_195 : memref<1x64xi32, #tpu.memory_space<vmem>> -> memref<64xi32, #tpu.memory_space<vmem>>
    %dma_wait3A_197 = arith.constant 0 : i32
    %dma_wait3A_198 = arith.constant 0 : i32
    %dma_wait3A_199 = tpu.memref_slice %arg5[%dma_wait3A_197, %dma_wait3A_198] : memref<100000x32xf32, #tpu.memory_space<hbm>> -> memref<100000x32xf32, #tpu.memory_space<hbm>>
    tpu.wait_indirect_dma semaphore(%arg18 : memref<!tpu.dma_semaphore, #tpu.memory_space<semaphore_mem>>) src(%dma_wait3A_199 : memref<100000x32xf32, #tpu.memory_space<hbm>>) dst(%dma_wait3A_193 : memref<64x32xf32, #tpu.memory_space<vmem>>)
    %dma_wait3A_200 = arith.constant 3 : i32
    %dma_wait3A_201 = arith.constant 192 : i32
    %dma_wait3A_202 = arith.constant 0 : i32
    %dma_wait3A_203 = tpu.memref_slice %arg15[%dma_wait3A_201, %dma_wait3A_202] : memref<256x32xf32, #tpu.memory_space<vmem>> -> memref<64x32xf32, #tpu.memory_space<vmem>>
    %dma_wait3A_204 = arith.constant 0 : i32
    %dma_wait3A_205 = tpu.memref_slice %arg14[%dma_wait3A_200, %dma_wait3A_204] : memref<4x64xi32, #tpu.memory_space<vmem>> -> memref<1x64xi32, #tpu.memory_space<vmem>>
    %dma_wait3A_206 = tpu.memref_squeeze %dma_wait3A_205 : memref<1x64xi32, #tpu.memory_space<vmem>> -> memref<64xi32, #tpu.memory_space<vmem>>
    %dma_wait3A_207 = arith.constant 0 : i32
    %dma_wait3A_208 = arith.constant 0 : i32
    %dma_wait3A_209 = tpu.memref_slice %arg5[%dma_wait3A_207, %dma_wait3A_208] : memref<100000x32xf32, #tpu.memory_space<hbm>> -> memref<100000x32xf32, #tpu.memory_space<hbm>>
    tpu.wait_indirect_dma semaphore(%arg18 : memref<!tpu.dma_semaphore, #tpu.memory_space<semaphore_mem>>) src(%dma_wait3A_209 : memref<100000x32xf32, #tpu.memory_space<hbm>>) dst(%dma_wait3A_203 : memref<64x32xf32, #tpu.memory_space<vmem>>)
    "tpu.region"() ({
      %run_scoped3A = tpu.sem_alloc : memref<!tpu.dma_semaphore, #tpu.memory_space<semaphore_mem>>
      %dma_start3A_323 = arith.constant 0 : i32
      %dma_start3A_324 = tpu.memref_slice %arg7[%multiple_of3A_105, %dma_start3A_323] : memref<16384x32xf32, #tpu.memory_space<hbm>> -> memref<256x32xf32, #tpu.memory_space<hbm>>
      %dma_start3A_325 = arith.constant 0 : i32
      %dma_start3A_326 = tpu.memref_slice %arg7[%multiple_of3A_105, %dma_start3A_325] : memref<16384x32xf32, #tpu.memory_space<hbm>> -> memref<256x32xf32, #tpu.memory_space<hbm>>
      tpu.enqueue_dma source(%arg15 : memref<256x32xf32, #tpu.memory_space<vmem>>) target(%dma_start3A_326 : memref<256x32xf32, #tpu.memory_space<hbm>>) target_semaphore(%run_scoped3A : memref<!tpu.dma_semaphore, #tpu.memory_space<semaphore_mem>>)
      %dma_wait3A_327 = arith.constant 0 : i32
      %dma_wait3A_328 = tpu.memref_slice %arg7[%multiple_of3A_105, %dma_wait3A_327] : memref<16384x32xf32, #tpu.memory_space<hbm>> -> memref<256x32xf32, #tpu.memory_space<hbm>>
      %dma_wait3A_329 = arith.constant 0 : i32
      %dma_wait3A_330 = tpu.memref_slice %arg7[%multiple_of3A_105, %dma_wait3A_329] : memref<16384x32xf32, #tpu.memory_space<hbm>> -> memref<256x32xf32, #tpu.memory_space<hbm>>
      tpu.wait_dma2 semaphore(%run_scoped3A : memref<!tpu.dma_semaphore, #tpu.memory_space<semaphore_mem>>) src(%arg15 : memref<256x32xf32, #tpu.memory_space<vmem>>) dst(%dma_wait3A_330 : memref<256x32xf32, #tpu.memory_space<hbm>>)
      tpu.yield
    }) : () -> ()
    %add3A_210 = arith.constant 256 : i32
    %add3A_211 = arith.addi %multiple_of3A, %add3A_210 : i32
    %multiple_of3A_212 = tpu.assume_multiple %add3A_211, 256 : i32
    %jit3A_213 = arith.constant 64 : i32
    %div3A_214 = arith.divsi %multiple_of3A_212, %jit3A_213 : i32
    %sign3A_215 = arith.constant 0 : i32
    %sign3A_216 = arith.cmpi sgt, %multiple_of3A_212, %sign3A_215 : i32
    %sign3A_217 = arith.extui %sign3A_216 : i1 to i32
    %sign3A_218 = arith.constant 0 : i32
    %sign3A_219 = arith.cmpi slt, %multiple_of3A_212, %sign3A_218 : i32
    %sign3A_220 = arith.extui %sign3A_219 : i1 to i32
    %sign3A_221 = arith.subi %sign3A_217, %sign3A_220 : i32
    %sign3A_222 = arith.constant 0 : i32
    %sign3A_223 = arith.cmpi sgt, %jit3A_213, %sign3A_222 : i32
    %sign3A_224 = arith.extui %sign3A_223 : i1 to i32
    %sign3A_225 = arith.constant 0 : i32
    %sign3A_226 = arith.cmpi slt, %jit3A_213, %sign3A_225 : i32
    %sign3A_227 = arith.extui %sign3A_226 : i1 to i32
    %sign3A_228 = arith.subi %sign3A_224, %sign3A_227 : i32
    %ne3A_229 = arith.cmpi ne, %sign3A_221, %sign3A_228 : i32
    %rem3A_230 = arith.remsi %multiple_of3A_212, %jit3A_213 : i32
    %ne3A_231 = arith.constant 0 : i32
    %ne3A_232 = arith.cmpi ne, %rem3A_230, %ne3A_231 : i32
    %and3A_233 = arith.andi %ne3A_229, %ne3A_232 : i1
    %sub3A_234 = arith.constant 1 : i32
    %sub3A_235 = arith.subi %div3A_214, %sub3A_234 : i32
    %select_n3A_236 = arith.select %and3A_233, %sub3A_235, %div3A_214 : i32
    %multiple_of3A_237 = tpu.assume_multiple %select_n3A_236, 4 : i32
    "tpu.region"() ({
      %run_scoped3A = tpu.sem_alloc : memref<!tpu.dma_semaphore, #tpu.memory_space<semaphore_mem>>
      %dma_start3A_323 = arith.constant 0 : i32
      %dma_start3A_324 = tpu.memref_slice %arg3[%multiple_of3A_237, %dma_start3A_323] : memref<256x64xi32, #tpu.memory_space<hbm>> -> memref<4x64xi32, #tpu.memory_space<hbm>>
      %dma_start3A_325 = arith.constant 0 : i32
      %dma_start3A_326 = tpu.memref_slice %arg3[%multiple_of3A_237, %dma_start3A_325] : memref<256x64xi32, #tpu.memory_space<hbm>> -> memref<4x64xi32, #tpu.memory_space<hbm>>
      tpu.enqueue_dma source(%dma_start3A_326 : memref<4x64xi32, #tpu.memory_space<hbm>>) target(%arg14 : memref<4x64xi32, #tpu.memory_space<vmem>>) target_semaphore(%run_scoped3A : memref<!tpu.dma_semaphore, #tpu.memory_space<semaphore_mem>>)
      %dma_wait3A_327 = arith.constant 0 : i32
      %dma_wait3A_328 = tpu.memref_slice %arg3[%multiple_of3A_237, %dma_wait3A_327] : memref<256x64xi32, #tpu.memory_space<hbm>> -> memref<4x64xi32, #tpu.memory_space<hbm>>
      %dma_wait3A_329 = arith.constant 0 : i32
      %dma_wait3A_330 = tpu.memref_slice %arg3[%multiple_of3A_237, %dma_wait3A_329] : memref<256x64xi32, #tpu.memory_space<hbm>> -> memref<4x64xi32, #tpu.memory_space<hbm>>
      tpu.wait_dma2 semaphore(%run_scoped3A : memref<!tpu.dma_semaphore, #tpu.memory_space<semaphore_mem>>) src(%dma_wait3A_330 : memref<4x64xi32, #tpu.memory_space<hbm>>) dst(%arg14 : memref<4x64xi32, #tpu.memory_space<vmem>>)
      tpu.yield
    }) : () -> ()
    %dma_start3A_238 = arith.constant 0 : i32
    %dma_start3A_239 = arith.constant 0 : i32
    %dma_start3A_240 = arith.constant 0 : i32
    %dma_start3A_241 = tpu.memref_slice %arg15[%dma_start3A_239, %dma_start3A_240] : memref<256x32xf32, #tpu.memory_space<vmem>> -> memref<64x32xf32, #tpu.memory_space<vmem>>
    %dma_start3A_242 = arith.constant 0 : i32
    %dma_start3A_243 = tpu.memref_slice %arg14[%dma_start3A_238, %dma_start3A_242] : memref<4x64xi32, #tpu.memory_space<vmem>> -> memref<1x64xi32, #tpu.memory_space<vmem>>
    %dma_start3A_244 = tpu.memref_squeeze %dma_start3A_243 : memref<1x64xi32, #tpu.memory_space<vmem>> -> memref<64xi32, #tpu.memory_space<vmem>>
    %dma_start3A_245 = arith.constant 0 : i32
    %dma_start3A_246 = arith.constant 0 : i32
    %dma_start3A_247 = tpu.memref_slice %arg5[%dma_start3A_245, %dma_start3A_246] : memref<100000x32xf32, #tpu.memory_space<hbm>> -> memref<100000x32xf32, #tpu.memory_space<hbm>>
    tpu.enqueue_indirect_dma source(%dma_start3A_247 : memref<100000x32xf32, #tpu.memory_space<hbm>>) target(%dma_start3A_241 : memref<64x32xf32, #tpu.memory_space<vmem>>) offsets(%dma_start3A_244 : memref<64xi32, #tpu.memory_space<vmem>>) semaphore(%arg18 : memref<!tpu.dma_semaphore, #tpu.memory_space<semaphore_mem>>)
    %dma_start3A_248 = arith.constant 1 : i32
    %dma_start3A_249 = arith.constant 64 : i32
    %dma_start3A_250 = arith.constant 0 : i32
    %dma_start3A_251 = tpu.memref_slice %arg15[%dma_start3A_249, %dma_start3A_250] : memref<256x32xf32, #tpu.memory_space<vmem>> -> memref<64x32xf32, #tpu.memory_space<vmem>>
    %dma_start3A_252 = arith.constant 0 : i32
    %dma_start3A_253 = tpu.memref_slice %arg14[%dma_start3A_248, %dma_start3A_252] : memref<4x64xi32, #tpu.memory_space<vmem>> -> memref<1x64xi32, #tpu.memory_space<vmem>>
    %dma_start3A_254 = tpu.memref_squeeze %dma_start3A_253 : memref<1x64xi32, #tpu.memory_space<vmem>> -> memref<64xi32, #tpu.memory_space<vmem>>
    %dma_start3A_255 = arith.constant 0 : i32
    %dma_start3A_256 = arith.constant 0 : i32
    %dma_start3A_257 = tpu.memref_slice %arg5[%dma_start3A_255, %dma_start3A_256] : memref<100000x32xf32, #tpu.memory_space<hbm>> -> memref<100000x32xf32, #tpu.memory_space<hbm>>
    tpu.enqueue_indirect_dma source(%dma_start3A_257 : memref<100000x32xf32, #tpu.memory_space<hbm>>) target(%dma_start3A_251 : memref<64x32xf32, #tpu.memory_space<vmem>>) offsets(%dma_start3A_254 : memref<64xi32, #tpu.memory_space<vmem>>) semaphore(%arg18 : memref<!tpu.dma_semaphore, #tpu.memory_space<semaphore_mem>>)
    %dma_start3A_258 = arith.constant 2 : i32
    %dma_start3A_259 = arith.constant 128 : i32
    %dma_start3A_260 = arith.constant 0 : i32
    %dma_start3A_261 = tpu.memref_slice %arg15[%dma_start3A_259, %dma_start3A_260] : memref<256x32xf32, #tpu.memory_space<vmem>> -> memref<64x32xf32, #tpu.memory_space<vmem>>
    %dma_start3A_262 = arith.constant 0 : i32
    %dma_start3A_263 = tpu.memref_slice %arg14[%dma_start3A_258, %dma_start3A_262] : memref<4x64xi32, #tpu.memory_space<vmem>> -> memref<1x64xi32, #tpu.memory_space<vmem>>
    %dma_start3A_264 = tpu.memref_squeeze %dma_start3A_263 : memref<1x64xi32, #tpu.memory_space<vmem>> -> memref<64xi32, #tpu.memory_space<vmem>>
    %dma_start3A_265 = arith.constant 0 : i32
    %dma_start3A_266 = arith.constant 0 : i32
    %dma_start3A_267 = tpu.memref_slice %arg5[%dma_start3A_265, %dma_start3A_266] : memref<100000x32xf32, #tpu.memory_space<hbm>> -> memref<100000x32xf32, #tpu.memory_space<hbm>>
    tpu.enqueue_indirect_dma source(%dma_start3A_267 : memref<100000x32xf32, #tpu.memory_space<hbm>>) target(%dma_start3A_261 : memref<64x32xf32, #tpu.memory_space<vmem>>) offsets(%dma_start3A_264 : memref<64xi32, #tpu.memory_space<vmem>>) semaphore(%arg18 : memref<!tpu.dma_semaphore, #tpu.memory_space<semaphore_mem>>)
    %dma_start3A_268 = arith.constant 3 : i32
    %dma_start3A_269 = arith.constant 192 : i32
    %dma_start3A_270 = arith.constant 0 : i32
    %dma_start3A_271 = tpu.memref_slice %arg15[%dma_start3A_269, %dma_start3A_270] : memref<256x32xf32, #tpu.memory_space<vmem>> -> memref<64x32xf32, #tpu.memory_space<vmem>>
    %dma_start3A_272 = arith.constant 0 : i32
    %dma_start3A_273 = tpu.memref_slice %arg14[%dma_start3A_268, %dma_start3A_272] : memref<4x64xi32, #tpu.memory_space<vmem>> -> memref<1x64xi32, #tpu.memory_space<vmem>>
    %dma_start3A_274 = tpu.memref_squeeze %dma_start3A_273 : memref<1x64xi32, #tpu.memory_space<vmem>> -> memref<64xi32, #tpu.memory_space<vmem>>
    %dma_start3A_275 = arith.constant 0 : i32
    %dma_start3A_276 = arith.constant 0 : i32
    %dma_start3A_277 = tpu.memref_slice %arg5[%dma_start3A_275, %dma_start3A_276] : memref<100000x32xf32, #tpu.memory_space<hbm>> -> memref<100000x32xf32, #tpu.memory_space<hbm>>
    tpu.enqueue_indirect_dma source(%dma_start3A_277 : memref<100000x32xf32, #tpu.memory_space<hbm>>) target(%dma_start3A_271 : memref<64x32xf32, #tpu.memory_space<vmem>>) offsets(%dma_start3A_274 : memref<64xi32, #tpu.memory_space<vmem>>) semaphore(%arg18 : memref<!tpu.dma_semaphore, #tpu.memory_space<semaphore_mem>>)
    %dma_wait3A_278 = arith.constant 0 : i32
    %dma_wait3A_279 = arith.constant 0 : i32
    %dma_wait3A_280 = arith.constant 0 : i32
    %dma_wait3A_281 = tpu.memref_slice %arg15[%dma_wait3A_279, %dma_wait3A_280] : memref<256x32xf32, #tpu.memory_space<vmem>> -> memref<64x32xf32, #tpu.memory_space<vmem>>
    %dma_wait3A_282 = arith.constant 0 : i32
    %dma_wait3A_283 = tpu.memref_slice %arg14[%dma_wait3A_278, %dma_wait3A_282] : memref<4x64xi32, #tpu.memory_space<vmem>> -> memref<1x64xi32, #tpu.memory_space<vmem>>
    %dma_wait3A_284 = tpu.memref_squeeze %dma_wait3A_283 : memref<1x64xi32, #tpu.memory_space<vmem>> -> memref<64xi32, #tpu.memory_space<vmem>>
    %dma_wait3A_285 = arith.constant 0 : i32
    %dma_wait3A_286 = arith.constant 0 : i32
    %dma_wait3A_287 = tpu.memref_slice %arg5[%dma_wait3A_285, %dma_wait3A_286] : memref<100000x32xf32, #tpu.memory_space<hbm>> -> memref<100000x32xf32, #tpu.memory_space<hbm>>
    tpu.wait_indirect_dma semaphore(%arg18 : memref<!tpu.dma_semaphore, #tpu.memory_space<semaphore_mem>>) src(%dma_wait3A_287 : memref<100000x32xf32, #tpu.memory_space<hbm>>) dst(%dma_wait3A_281 : memref<64x32xf32, #tpu.memory_space<vmem>>)
    %dma_wait3A_288 = arith.constant 1 : i32
    %dma_wait3A_289 = arith.constant 64 : i32
    %dma_wait3A_290 = arith.constant 0 : i32
    %dma_wait3A_291 = tpu.memref_slice %arg15[%dma_wait3A_289, %dma_wait3A_290] : memref<256x32xf32, #tpu.memory_space<vmem>> -> memref<64x32xf32, #tpu.memory_space<vmem>>
    %dma_wait3A_292 = arith.constant 0 : i32
    %dma_wait3A_293 = tpu.memref_slice %arg14[%dma_wait3A_288, %dma_wait3A_292] : memref<4x64xi32, #tpu.memory_space<vmem>> -> memref<1x64xi32, #tpu.memory_space<vmem>>
    %dma_wait3A_294 = tpu.memref_squeeze %dma_wait3A_293 : memref<1x64xi32, #tpu.memory_space<vmem>> -> memref<64xi32, #tpu.memory_space<vmem>>
    %dma_wait3A_295 = arith.constant 0 : i32
    %dma_wait3A_296 = arith.constant 0 : i32
    %dma_wait3A_297 = tpu.memref_slice %arg5[%dma_wait3A_295, %dma_wait3A_296] : memref<100000x32xf32, #tpu.memory_space<hbm>> -> memref<100000x32xf32, #tpu.memory_space<hbm>>
    tpu.wait_indirect_dma semaphore(%arg18 : memref<!tpu.dma_semaphore, #tpu.memory_space<semaphore_mem>>) src(%dma_wait3A_297 : memref<100000x32xf32, #tpu.memory_space<hbm>>) dst(%dma_wait3A_291 : memref<64x32xf32, #tpu.memory_space<vmem>>)
    %dma_wait3A_298 = arith.constant 2 : i32
    %dma_wait3A_299 = arith.constant 128 : i32
    %dma_wait3A_300 = arith.constant 0 : i32
    %dma_wait3A_301 = tpu.memref_slice %arg15[%dma_wait3A_299, %dma_wait3A_300] : memref<256x32xf32, #tpu.memory_space<vmem>> -> memref<64x32xf32, #tpu.memory_space<vmem>>
    %dma_wait3A_302 = arith.constant 0 : i32
    %dma_wait3A_303 = tpu.memref_slice %arg14[%dma_wait3A_298, %dma_wait3A_302] : memref<4x64xi32, #tpu.memory_space<vmem>> -> memref<1x64xi32, #tpu.memory_space<vmem>>
    %dma_wait3A_304 = tpu.memref_squeeze %dma_wait3A_303 : memref<1x64xi32, #tpu.memory_space<vmem>> -> memref<64xi32, #tpu.memory_space<vmem>>
    %dma_wait3A_305 = arith.constant 0 : i32
    %dma_wait3A_306 = arith.constant 0 : i32
    %dma_wait3A_307 = tpu.memref_slice %arg5[%dma_wait3A_305, %dma_wait3A_306] : memref<100000x32xf32, #tpu.memory_space<hbm>> -> memref<100000x32xf32, #tpu.memory_space<hbm>>
    tpu.wait_indirect_dma semaphore(%arg18 : memref<!tpu.dma_semaphore, #tpu.memory_space<semaphore_mem>>) src(%dma_wait3A_307 : memref<100000x32xf32, #tpu.memory_space<hbm>>) dst(%dma_wait3A_301 : memref<64x32xf32, #tpu.memory_space<vmem>>)
    %dma_wait3A_308 = arith.constant 3 : i32
    %dma_wait3A_309 = arith.constant 192 : i32
    %dma_wait3A_310 = arith.constant 0 : i32
    %dma_wait3A_311 = tpu.memref_slice %arg15[%dma_wait3A_309, %dma_wait3A_310] : memref<256x32xf32, #tpu.memory_space<vmem>> -> memref<64x32xf32, #tpu.memory_space<vmem>>
    %dma_wait3A_312 = arith.constant 0 : i32
    %dma_wait3A_313 = tpu.memref_slice %arg14[%dma_wait3A_308, %dma_wait3A_312] : memref<4x64xi32, #tpu.memory_space<vmem>> -> memref<1x64xi32, #tpu.memory_space<vmem>>
    %dma_wait3A_314 = tpu.memref_squeeze %dma_wait3A_313 : memref<1x64xi32, #tpu.memory_space<vmem>> -> memref<64xi32, #tpu.memory_space<vmem>>
    %dma_wait3A_315 = arith.constant 0 : i32
    %dma_wait3A_316 = arith.constant 0 : i32
    %dma_wait3A_317 = tpu.memref_slice %arg5[%dma_wait3A_315, %dma_wait3A_316] : memref<100000x32xf32, #tpu.memory_space<hbm>> -> memref<100000x32xf32, #tpu.memory_space<hbm>>
    tpu.wait_indirect_dma semaphore(%arg18 : memref<!tpu.dma_semaphore, #tpu.memory_space<semaphore_mem>>) src(%dma_wait3A_317 : memref<100000x32xf32, #tpu.memory_space<hbm>>) dst(%dma_wait3A_311 : memref<64x32xf32, #tpu.memory_space<vmem>>)
    "tpu.region"() ({
      %run_scoped3A = tpu.sem_alloc : memref<!tpu.dma_semaphore, #tpu.memory_space<semaphore_mem>>
      %dma_start3A_323 = arith.constant 0 : i32
      %dma_start3A_324 = tpu.memref_slice %arg7[%multiple_of3A_212, %dma_start3A_323] : memref<16384x32xf32, #tpu.memory_space<hbm>> -> memref<256x32xf32, #tpu.memory_space<hbm>>
      %dma_start3A_325 = arith.constant 0 : i32
      %dma_start3A_326 = tpu.memref_slice %arg7[%multiple_of3A_212, %dma_start3A_325] : memref<16384x32xf32, #tpu.memory_space<hbm>> -> memref<256x32xf32, #tpu.memory_space<hbm>>
      tpu.enqueue_dma source(%arg15 : memref<256x32xf32, #tpu.memory_space<vmem>>) target(%dma_start3A_326 : memref<256x32xf32, #tpu.memory_space<hbm>>) target_semaphore(%run_scoped3A : memref<!tpu.dma_semaphore, #tpu.memory_space<semaphore_mem>>)
      %dma_wait3A_327 = arith.constant 0 : i32
      %dma_wait3A_328 = tpu.memref_slice %arg7[%multiple_of3A_212, %dma_wait3A_327] : memref<16384x32xf32, #tpu.memory_space<hbm>> -> memref<256x32xf32, #tpu.memory_space<hbm>>
      %dma_wait3A_329 = arith.constant 0 : i32
      %dma_wait3A_330 = tpu.memref_slice %arg7[%multiple_of3A_212, %dma_wait3A_329] : memref<16384x32xf32, #tpu.memory_space<hbm>> -> memref<256x32xf32, #tpu.memory_space<hbm>>
      tpu.wait_dma2 semaphore(%run_scoped3A : memref<!tpu.dma_semaphore, #tpu.memory_space<semaphore_mem>>) src(%arg15 : memref<256x32xf32, #tpu.memory_space<vmem>>) dst(%dma_wait3A_330 : memref<256x32xf32, #tpu.memory_space<hbm>>)
      tpu.yield
    }) : () -> ()
    %scan3A = arith.constant 0 : i32
    %scan3A_318 = arith.constant 0 : i32
    %scan3A_319 = arith.constant 16 : i32
    %scan3A_320 = arith.addi %scan3A_318, %scan3A_319 : i32
    %scan3A_321 = arith.constant 1 : i32
    scf.for %scan3A_323 = %scan3A_318 to %scan3A_320 step %scan3A_321  : i32 {
      %mul3A_324 = arith.constant 2 : i32
      %mul3A_325 = arith.muli %scan3A_323, %mul3A_324 : i32
      %multiple_of3A_326 = tpu.assume_multiple %mul3A_325, 2 : i32
      %add3A_327 = arith.constant 1 : i32
      %add3A_328 = arith.addi %multiple_of3A_326, %add3A_327 : i32
      %mul3A_329 = arith.constant 16 : i32
      %mul3A_330 = arith.muli %add3A_328, %mul3A_329 : i32
      %add3A_331 = arith.addi %multiple_of3A, %mul3A_330 : i32
      %mul3A_332 = arith.constant 50 : i32
      %mul3A_333 = arith.muli %add3A_331, %mul3A_332 : i32
      %jit3A_334 = arith.constant 100 : i32
      %div3A_335 = arith.divsi %mul3A_333, %jit3A_334 : i32
      %sign3A_336 = arith.constant 0 : i32
      %sign3A_337 = arith.cmpi sgt, %mul3A_333, %sign3A_336 : i32
      %sign3A_338 = arith.extui %sign3A_337 : i1 to i32
      %sign3A_339 = arith.constant 0 : i32
      %sign3A_340 = arith.cmpi slt, %mul3A_333, %sign3A_339 : i32
      %sign3A_341 = arith.extui %sign3A_340 : i1 to i32
      %sign3A_342 = arith.subi %sign3A_338, %sign3A_341 : i32
      %sign3A_343 = arith.constant 0 : i32
      %sign3A_344 = arith.cmpi sgt, %jit3A_334, %sign3A_343 : i32
      %sign3A_345 = arith.extui %sign3A_344 : i1 to i32
      %sign3A_346 = arith.constant 0 : i32
      %sign3A_347 = arith.cmpi slt, %jit3A_334, %sign3A_346 : i32
      %sign3A_348 = arith.extui %sign3A_347 : i1 to i32
      %sign3A_349 = arith.subi %sign3A_345, %sign3A_348 : i32
      %ne3A_350 = arith.cmpi ne, %sign3A_342, %sign3A_349 : i32
      %rem3A_351 = arith.remsi %mul3A_333, %jit3A_334 : i32
      %ne3A_352 = arith.constant 0 : i32
      %ne3A_353 = arith.cmpi ne, %rem3A_351, %ne3A_352 : i32
      %and3A_354 = arith.andi %ne3A_350, %ne3A_353 : i1
      %sub3A_355 = arith.constant 1 : i32
      %sub3A_356 = arith.subi %div3A_335, %sub3A_355 : i32
      %select_n3A_357 = arith.select %and3A_354, %sub3A_356, %div3A_335 : i32
      %multiple_of3A_358 = tpu.assume_multiple %select_n3A_357, 8 : i32
      "tpu.region"() ({
        %run_scoped3A = tpu.sem_alloc : memref<!tpu.dma_semaphore, #tpu.memory_space<semaphore_mem>>
        %dma_start3A_495 = arith.constant 0 : i32
        %dma_start3A_496 = tpu.memref_slice %arg2[%multiple_of3A_358, %dma_start3A_495] : memref<8192x100xi32, #tpu.memory_space<hbm>> -> memref<8x100xi32, #tpu.memory_space<hbm>>
        %dma_start3A_497 = arith.constant 0 : i32
        %dma_start3A_498 = tpu.memref_slice %arg2[%multiple_of3A_358, %dma_start3A_497] : memref<8192x100xi32, #tpu.memory_space<hbm>> -> memref<8x100xi32, #tpu.memory_space<hbm>>
        tpu.enqueue_dma source(%dma_start3A_498 : memref<8x100xi32, #tpu.memory_space<hbm>>) target(%arg9 : memref<8x100xi32, #tpu.memory_space<vmem>>) target_semaphore(%run_scoped3A : memref<!tpu.dma_semaphore, #tpu.memory_space<semaphore_mem>>)
        %dma_wait3A_499 = arith.constant 0 : i32
        %dma_wait3A_500 = tpu.memref_slice %arg2[%multiple_of3A_358, %dma_wait3A_499] : memref<8192x100xi32, #tpu.memory_space<hbm>> -> memref<8x100xi32, #tpu.memory_space<hbm>>
        %dma_wait3A_501 = arith.constant 0 : i32
        %dma_wait3A_502 = tpu.memref_slice %arg2[%multiple_of3A_358, %dma_wait3A_501] : memref<8192x100xi32, #tpu.memory_space<hbm>> -> memref<8x100xi32, #tpu.memory_space<hbm>>
        tpu.wait_dma2 semaphore(%run_scoped3A : memref<!tpu.dma_semaphore, #tpu.memory_space<semaphore_mem>>) src(%dma_wait3A_502 : memref<8x100xi32, #tpu.memory_space<hbm>>) dst(%arg9 : memref<8x100xi32, #tpu.memory_space<vmem>>)
        tpu.yield
      }) : () -> ()
      %dma_start3A_359 = arith.constant 0 : i32
      %dma_start3A_360 = arith.constant 0 : i32
      %dma_start3A_361 = arith.constant 0 : i32
      %dma_start3A_362 = tpu.memref_slice %arg11[%dma_start3A_360, %dma_start3A_361] : memref<800x64xf32, #tpu.memory_space<vmem>> -> memref<100x64xf32, #tpu.memory_space<vmem>>
      %dma_start3A_363 = arith.constant 0 : i32
      %dma_start3A_364 = tpu.memref_slice %arg9[%dma_start3A_359, %dma_start3A_363] : memref<8x100xi32, #tpu.memory_space<vmem>> -> memref<1x100xi32, #tpu.memory_space<vmem>>
      %dma_start3A_365 = tpu.memref_squeeze %dma_start3A_364 : memref<1x100xi32, #tpu.memory_space<vmem>> -> memref<100xi32, #tpu.memory_space<vmem>>
      %dma_start3A_366 = arith.constant 0 : i32
      %dma_start3A_367 = arith.constant 0 : i32
      %dma_start3A_368 = tpu.memref_slice %arg4[%dma_start3A_366, %dma_start3A_367] : memref<1000000x64xf32, #tpu.memory_space<hbm>> -> memref<1000000x64xf32, #tpu.memory_space<hbm>>
      tpu.enqueue_indirect_dma source(%dma_start3A_368 : memref<1000000x64xf32, #tpu.memory_space<hbm>>) target(%dma_start3A_362 : memref<100x64xf32, #tpu.memory_space<vmem>>) offsets(%dma_start3A_365 : memref<100xi32, #tpu.memory_space<vmem>>) semaphore(%arg17 : memref<!tpu.dma_semaphore, #tpu.memory_space<semaphore_mem>>)
      %dma_start3A_369 = arith.constant 1 : i32
      %dma_start3A_370 = arith.constant 100 : i32
      %dma_start3A_371 = arith.constant 0 : i32
      %dma_start3A_372 = tpu.memref_slice %arg11[%dma_start3A_370, %dma_start3A_371] : memref<800x64xf32, #tpu.memory_space<vmem>> -> memref<100x64xf32, #tpu.memory_space<vmem>>
      %dma_start3A_373 = arith.constant 0 : i32
      %dma_start3A_374 = tpu.memref_slice %arg9[%dma_start3A_369, %dma_start3A_373] : memref<8x100xi32, #tpu.memory_space<vmem>> -> memref<1x100xi32, #tpu.memory_space<vmem>>
      %dma_start3A_375 = tpu.memref_squeeze %dma_start3A_374 : memref<1x100xi32, #tpu.memory_space<vmem>> -> memref<100xi32, #tpu.memory_space<vmem>>
      %dma_start3A_376 = arith.constant 0 : i32
      %dma_start3A_377 = arith.constant 0 : i32
      %dma_start3A_378 = tpu.memref_slice %arg4[%dma_start3A_376, %dma_start3A_377] : memref<1000000x64xf32, #tpu.memory_space<hbm>> -> memref<1000000x64xf32, #tpu.memory_space<hbm>>
      tpu.enqueue_indirect_dma source(%dma_start3A_378 : memref<1000000x64xf32, #tpu.memory_space<hbm>>) target(%dma_start3A_372 : memref<100x64xf32, #tpu.memory_space<vmem>>) offsets(%dma_start3A_375 : memref<100xi32, #tpu.memory_space<vmem>>) semaphore(%arg17 : memref<!tpu.dma_semaphore, #tpu.memory_space<semaphore_mem>>)
      %dma_start3A_379 = arith.constant 2 : i32
      %dma_start3A_380 = arith.constant 200 : i32
      %dma_start3A_381 = arith.constant 0 : i32
      %dma_start3A_382 = tpu.memref_slice %arg11[%dma_start3A_380, %dma_start3A_381] : memref<800x64xf32, #tpu.memory_space<vmem>> -> memref<100x64xf32, #tpu.memory_space<vmem>>
      %dma_start3A_383 = arith.constant 0 : i32
      %dma_start3A_384 = tpu.memref_slice %arg9[%dma_start3A_379, %dma_start3A_383] : memref<8x100xi32, #tpu.memory_space<vmem>> -> memref<1x100xi32, #tpu.memory_space<vmem>>
      %dma_start3A_385 = tpu.memref_squeeze %dma_start3A_384 : memref<1x100xi32, #tpu.memory_space<vmem>> -> memref<100xi32, #tpu.memory_space<vmem>>
      %dma_start3A_386 = arith.constant 0 : i32
      %dma_start3A_387 = arith.constant 0 : i32
      %dma_start3A_388 = tpu.memref_slice %arg4[%dma_start3A_386, %dma_start3A_387] : memref<1000000x64xf32, #tpu.memory_space<hbm>> -> memref<1000000x64xf32, #tpu.memory_space<hbm>>
      tpu.enqueue_indirect_dma source(%dma_start3A_388 : memref<1000000x64xf32, #tpu.memory_space<hbm>>) target(%dma_start3A_382 : memref<100x64xf32, #tpu.memory_space<vmem>>) offsets(%dma_start3A_385 : memref<100xi32, #tpu.memory_space<vmem>>) semaphore(%arg17 : memref<!tpu.dma_semaphore, #tpu.memory_space<semaphore_mem>>)
      %dma_start3A_389 = arith.constant 3 : i32
      %dma_start3A_390 = arith.constant 300 : i32
      %dma_start3A_391 = arith.constant 0 : i32
      %dma_start3A_392 = tpu.memref_slice %arg11[%dma_start3A_390, %dma_start3A_391] : memref<800x64xf32, #tpu.memory_space<vmem>> -> memref<100x64xf32, #tpu.memory_space<vmem>>
      %dma_start3A_393 = arith.constant 0 : i32
      %dma_start3A_394 = tpu.memref_slice %arg9[%dma_start3A_389, %dma_start3A_393] : memref<8x100xi32, #tpu.memory_space<vmem>> -> memref<1x100xi32, #tpu.memory_space<vmem>>
      %dma_start3A_395 = tpu.memref_squeeze %dma_start3A_394 : memref<1x100xi32, #tpu.memory_space<vmem>> -> memref<100xi32, #tpu.memory_space<vmem>>
      %dma_start3A_396 = arith.constant 0 : i32
      %dma_start3A_397 = arith.constant 0 : i32
      %dma_start3A_398 = tpu.memref_slice %arg4[%dma_start3A_396, %dma_start3A_397] : memref<1000000x64xf32, #tpu.memory_space<hbm>> -> memref<1000000x64xf32, #tpu.memory_space<hbm>>
      tpu.enqueue_indirect_dma source(%dma_start3A_398 : memref<1000000x64xf32, #tpu.memory_space<hbm>>) target(%dma_start3A_392 : memref<100x64xf32, #tpu.memory_space<vmem>>) offsets(%dma_start3A_395 : memref<100xi32, #tpu.memory_space<vmem>>) semaphore(%arg17 : memref<!tpu.dma_semaphore, #tpu.memory_space<semaphore_mem>>)
      %dma_start3A_399 = arith.constant 4 : i32
      %dma_start3A_400 = arith.constant 400 : i32
      %dma_start3A_401 = arith.constant 0 : i32
      %dma_start3A_402 = tpu.memref_slice %arg11[%dma_start3A_400, %dma_start3A_401] : memref<800x64xf32, #tpu.memory_space<vmem>> -> memref<100x64xf32, #tpu.memory_space<vmem>>
      %dma_start3A_403 = arith.constant 0 : i32
      %dma_start3A_404 = tpu.memref_slice %arg9[%dma_start3A_399, %dma_start3A_403] : memref<8x100xi32, #tpu.memory_space<vmem>> -> memref<1x100xi32, #tpu.memory_space<vmem>>
      %dma_start3A_405 = tpu.memref_squeeze %dma_start3A_404 : memref<1x100xi32, #tpu.memory_space<vmem>> -> memref<100xi32, #tpu.memory_space<vmem>>
      %dma_start3A_406 = arith.constant 0 : i32
      %dma_start3A_407 = arith.constant 0 : i32
      %dma_start3A_408 = tpu.memref_slice %arg4[%dma_start3A_406, %dma_start3A_407] : memref<1000000x64xf32, #tpu.memory_space<hbm>> -> memref<1000000x64xf32, #tpu.memory_space<hbm>>
      tpu.enqueue_indirect_dma source(%dma_start3A_408 : memref<1000000x64xf32, #tpu.memory_space<hbm>>) target(%dma_start3A_402 : memref<100x64xf32, #tpu.memory_space<vmem>>) offsets(%dma_start3A_405 : memref<100xi32, #tpu.memory_space<vmem>>) semaphore(%arg17 : memref<!tpu.dma_semaphore, #tpu.memory_space<semaphore_mem>>)
      %dma_start3A_409 = arith.constant 5 : i32
      %dma_start3A_410 = arith.constant 500 : i32
      %dma_start3A_411 = arith.constant 0 : i32
      %dma_start3A_412 = tpu.memref_slice %arg11[%dma_start3A_410, %dma_start3A_411] : memref<800x64xf32, #tpu.memory_space<vmem>> -> memref<100x64xf32, #tpu.memory_space<vmem>>
      %dma_start3A_413 = arith.constant 0 : i32
      %dma_start3A_414 = tpu.memref_slice %arg9[%dma_start3A_409, %dma_start3A_413] : memref<8x100xi32, #tpu.memory_space<vmem>> -> memref<1x100xi32, #tpu.memory_space<vmem>>
      %dma_start3A_415 = tpu.memref_squeeze %dma_start3A_414 : memref<1x100xi32, #tpu.memory_space<vmem>> -> memref<100xi32, #tpu.memory_space<vmem>>
      %dma_start3A_416 = arith.constant 0 : i32
      %dma_start3A_417 = arith.constant 0 : i32
      %dma_start3A_418 = tpu.memref_slice %arg4[%dma_start3A_416, %dma_start3A_417] : memref<1000000x64xf32, #tpu.memory_space<hbm>> -> memref<1000000x64xf32, #tpu.memory_space<hbm>>
      tpu.enqueue_indirect_dma source(%dma_start3A_418 : memref<1000000x64xf32, #tpu.memory_space<hbm>>) target(%dma_start3A_412 : memref<100x64xf32, #tpu.memory_space<vmem>>) offsets(%dma_start3A_415 : memref<100xi32, #tpu.memory_space<vmem>>) semaphore(%arg17 : memref<!tpu.dma_semaphore, #tpu.memory_space<semaphore_mem>>)
      %dma_start3A_419 = arith.constant 6 : i32
      %dma_start3A_420 = arith.constant 600 : i32
      %dma_start3A_421 = arith.constant 0 : i32
      %dma_start3A_422 = tpu.memref_slice %arg11[%dma_start3A_420, %dma_start3A_421] : memref<800x64xf32, #tpu.memory_space<vmem>> -> memref<100x64xf32, #tpu.memory_space<vmem>>
      %dma_start3A_423 = arith.constant 0 : i32
      %dma_start3A_424 = tpu.memref_slice %arg9[%dma_start3A_419, %dma_start3A_423] : memref<8x100xi32, #tpu.memory_space<vmem>> -> memref<1x100xi32, #tpu.memory_space<vmem>>
      %dma_start3A_425 = tpu.memref_squeeze %dma_start3A_424 : memref<1x100xi32, #tpu.memory_space<vmem>> -> memref<100xi32, #tpu.memory_space<vmem>>
      %dma_start3A_426 = arith.constant 0 : i32
      %dma_start3A_427 = arith.constant 0 : i32
      %dma_start3A_428 = tpu.memref_slice %arg4[%dma_start3A_426, %dma_start3A_427] : memref<1000000x64xf32, #tpu.memory_space<hbm>> -> memref<1000000x64xf32, #tpu.memory_space<hbm>>
      tpu.enqueue_indirect_dma source(%dma_start3A_428 : memref<1000000x64xf32, #tpu.memory_space<hbm>>) target(%dma_start3A_422 : memref<100x64xf32, #tpu.memory_space<vmem>>) offsets(%dma_start3A_425 : memref<100xi32, #tpu.memory_space<vmem>>) semaphore(%arg17 : memref<!tpu.dma_semaphore, #tpu.memory_space<semaphore_mem>>)
      %dma_start3A_429 = arith.constant 7 : i32
      %dma_start3A_430 = arith.constant 700 : i32
      %dma_start3A_431 = arith.constant 0 : i32
      %dma_start3A_432 = tpu.memref_slice %arg11[%dma_start3A_430, %dma_start3A_431] : memref<800x64xf32, #tpu.memory_space<vmem>> -> memref<100x64xf32, #tpu.memory_space<vmem>>
      %dma_start3A_433 = arith.constant 0 : i32
      %dma_start3A_434 = tpu.memref_slice %arg9[%dma_start3A_429, %dma_start3A_433] : memref<8x100xi32, #tpu.memory_space<vmem>> -> memref<1x100xi32, #tpu.memory_space<vmem>>
      %dma_start3A_435 = tpu.memref_squeeze %dma_start3A_434 : memref<1x100xi32, #tpu.memory_space<vmem>> -> memref<100xi32, #tpu.memory_space<vmem>>
      %dma_start3A_436 = arith.constant 0 : i32
      %dma_start3A_437 = arith.constant 0 : i32
      %dma_start3A_438 = tpu.memref_slice %arg4[%dma_start3A_436, %dma_start3A_437] : memref<1000000x64xf32, #tpu.memory_space<hbm>> -> memref<1000000x64xf32, #tpu.memory_space<hbm>>
      tpu.enqueue_indirect_dma source(%dma_start3A_438 : memref<1000000x64xf32, #tpu.memory_space<hbm>>) target(%dma_start3A_432 : memref<100x64xf32, #tpu.memory_space<vmem>>) offsets(%dma_start3A_435 : memref<100xi32, #tpu.memory_space<vmem>>) semaphore(%arg17 : memref<!tpu.dma_semaphore, #tpu.memory_space<semaphore_mem>>)
      %dma_wait3A_439 = arith.constant 0 : i32
      %dma_wait3A_440 = arith.constant 0 : i32
      %dma_wait3A_441 = tpu.memref_slice %arg6[%dma_wait3A_439, %dma_wait3A_440] : memref<16384x64xf32, #tpu.memory_space<hbm>> -> memref<800x64xf32, #tpu.memory_space<hbm>>
      %dma_wait3A_442 = arith.constant 0 : i32
      %dma_wait3A_443 = arith.constant 0 : i32
      %dma_wait3A_444 = tpu.memref_slice %arg6[%dma_wait3A_442, %dma_wait3A_443] : memref<16384x64xf32, #tpu.memory_space<hbm>> -> memref<800x64xf32, #tpu.memory_space<hbm>>
      tpu.wait_dma2 semaphore(%arg16 : memref<!tpu.dma_semaphore, #tpu.memory_space<semaphore_mem>>) src(%dma_wait3A_444 : memref<800x64xf32, #tpu.memory_space<hbm>>) dst(%arg10 : memref<800x64xf32, #tpu.memory_space<vmem>>)
      %scan3A_445 = arith.constant 0 : i32
      %scan3A_446 = arith.constant 0 : i32
      %scan3A_447 = arith.constant 16 : i32
      %scan3A_448 = arith.addi %scan3A_446, %scan3A_447 : i32
      %scan3A_449 = arith.constant 1 : i32
      scf.for %scan3A_495 = %scan3A_446 to %scan3A_448 step %scan3A_449  : i32 {
        %mul3A_496 = arith.constant 50 : i32
        %mul3A_497 = arith.muli %scan3A_495, %mul3A_496 : i32
        %get3A = arith.index_cast %mul3A_497 : i32 to index
        %get3A_498 = arith.constant 0 : index
        %get3A_499 = tpu.vector_load %arg10[%get3A, %get3A_498] {strides = array<i32>} : memref<800x64xf32, #tpu.memory_space<vmem>>, vector<1x16xf32>,
        %get3A_500 = vector.shape_cast %get3A_499 : vector<1x16xf32> to vector<16xf32>
        %add3A_501 = arith.constant 1 : i32
        %add3A_502 = arith.addi %mul3A_497, %add3A_501 : i32
        %get3A_503 = arith.index_cast %add3A_502 : i32 to index
        %get3A_504 = arith.constant 0 : index
        %get3A_505 = tpu.vector_load %arg10[%get3A_503, %get3A_504] {strides = array<i32>} : memref<800x64xf32, #tpu.memory_space<vmem>>, vector<1x16xf32>,
        %get3A_506 = vector.shape_cast %get3A_505 : vector<1x16xf32> to vector<16xf32>
        %add3A_507 = arith.addf %get3A_500, %get3A_506 : vector<16xf32>
        %add3A_508 = arith.constant 2 : i32
        %add3A_509 = arith.addi %mul3A_497, %add3A_508 : i32
        %get3A_510 = arith.index_cast %add3A_509 : i32 to index
        %get3A_511 = arith.constant 0 : index
        %get3A_512 = tpu.vector_load %arg10[%get3A_510, %get3A_511] {strides = array<i32>} : memref<800x64xf32, #tpu.memory_space<vmem>>, vector<1x16xf32>,
        %get3A_513 = vector.shape_cast %get3A_512 : vector<1x16xf32> to vector<16xf32>
        %add3A_514 = arith.addf %add3A_507, %get3A_513 : vector<16xf32>
        %add3A_515 = arith.constant 3 : i32
        %add3A_516 = arith.addi %mul3A_497, %add3A_515 : i32
        %get3A_517 = arith.index_cast %add3A_516 : i32 to index
        %get3A_518 = arith.constant 0 : index
        %get3A_519 = tpu.vector_load %arg10[%get3A_517, %get3A_518] {strides = array<i32>} : memref<800x64xf32, #tpu.memory_space<vmem>>, vector<1x16xf32>,
        %get3A_520 = vector.shape_cast %get3A_519 : vector<1x16xf32> to vector<16xf32>
        %add3A_521 = arith.addf %add3A_514, %get3A_520 : vector<16xf32>
        %add3A_522 = arith.constant 4 : i32
        %add3A_523 = arith.addi %mul3A_497, %add3A_522 : i32
        %get3A_524 = arith.index_cast %add3A_523 : i32 to index
        %get3A_525 = arith.constant 0 : index
        %get3A_526 = tpu.vector_load %arg10[%get3A_524, %get3A_525] {strides = array<i32>} : memref<800x64xf32, #tpu.memory_space<vmem>>, vector<1x16xf32>,
        %get3A_527 = vector.shape_cast %get3A_526 : vector<1x16xf32> to vector<16xf32>
        %add3A_528 = arith.addf %add3A_521, %get3A_527 : vector<16xf32>
        %add3A_529 = arith.constant 5 : i32
        %add3A_530 = arith.addi %mul3A_497, %add3A_529 : i32
        %get3A_531 = arith.index_cast %add3A_530 : i32 to index
        %get3A_532 = arith.constant 0 : index
        %get3A_533 = tpu.vector_load %arg10[%get3A_531, %get3A_532] {strides = array<i32>} : memref<800x64xf32, #tpu.memory_space<vmem>>, vector<1x16xf32>,
        %get3A_534 = vector.shape_cast %get3A_533 : vector<1x16xf32> to vector<16xf32>
        %add3A_535 = arith.addf %add3A_528, %get3A_534 : vector<16xf32>
        %add3A_536 = arith.constant 6 : i32
        %add3A_537 = arith.addi %mul3A_497, %add3A_536 : i32
        %get3A_538 = arith.index_cast %add3A_537 : i32 to index
        %get3A_539 = arith.constant 0 : index
        %get3A_540 = tpu.vector_load %arg10[%get3A_538, %get3A_539] {strides = array<i32>} : memref<800x64xf32, #tpu.memory_space<vmem>>, vector<1x16xf32>,
        %get3A_541 = vector.shape_cast %get3A_540 : vector<1x16xf32> to vector<16xf32>
        %add3A_542 = arith.addf %add3A_535, %get3A_541 : vector<16xf32>
        %add3A_543 = arith.constant 7 : i32
        %add3A_544 = arith.addi %mul3A_497, %add3A_543 : i32
        %get3A_545 = arith.index_cast %add3A_544 : i32 to index
        %get3A_546 = arith.constant 0 : index
        %get3A_547 = tpu.vector_load %arg10[%get3A_545, %get3A_546] {strides = array<i32>} : memref<800x64xf32, #tpu.memory_space<vmem>>, vector<1x16xf32>,
        %get3A_548 = vector.shape_cast %get3A_547 : vector<1x16xf32> to vector<16xf32>
        %add3A_549 = arith.addf %add3A_542, %get3A_548 : vector<16xf32>
        %add3A_550 = arith.constant 8 : i32
        %add3A_551 = arith.addi %mul3A_497, %add3A_550 : i32
        %get3A_552 = arith.index_cast %add3A_551 : i32 to index
        %get3A_553 = arith.constant 0 : index
        %get3A_554 = tpu.vector_load %arg10[%get3A_552, %get3A_553] {strides = array<i32>} : memref<800x64xf32, #tpu.memory_space<vmem>>, vector<1x16xf32>,
        %get3A_555 = vector.shape_cast %get3A_554 : vector<1x16xf32> to vector<16xf32>
        %add3A_556 = arith.addf %add3A_549, %get3A_555 : vector<16xf32>
        %add3A_557 = arith.constant 9 : i32
        %add3A_558 = arith.addi %mul3A_497, %add3A_557 : i32
        %get3A_559 = arith.index_cast %add3A_558 : i32 to index
        %get3A_560 = arith.constant 0 : index
        %get3A_561 = tpu.vector_load %arg10[%get3A_559, %get3A_560] {strides = array<i32>} : memref<800x64xf32, #tpu.memory_space<vmem>>, vector<1x16xf32>,
        %get3A_562 = vector.shape_cast %get3A_561 : vector<1x16xf32> to vector<16xf32>
        %add3A_563 = arith.addf %add3A_556, %get3A_562 : vector<16xf32>
        %add3A_564 = arith.constant 10 : i32
        %add3A_565 = arith.addi %mul3A_497, %add3A_564 : i32
        %get3A_566 = arith.index_cast %add3A_565 : i32 to index
        %get3A_567 = arith.constant 0 : index
        %get3A_568 = tpu.vector_load %arg10[%get3A_566, %get3A_567] {strides = array<i32>} : memref<800x64xf32, #tpu.memory_space<vmem>>, vector<1x16xf32>,
        %get3A_569 = vector.shape_cast %get3A_568 : vector<1x16xf32> to vector<16xf32>
        %add3A_570 = arith.addf %add3A_563, %get3A_569 : vector<16xf32>
        %add3A_571 = arith.constant 11 : i32
        %add3A_572 = arith.addi %mul3A_497, %add3A_571 : i32
        %get3A_573 = arith.index_cast %add3A_572 : i32 to index
        %get3A_574 = arith.constant 0 : index
        %get3A_575 = tpu.vector_load %arg10[%get3A_573, %get3A_574] {strides = array<i32>} : memref<800x64xf32, #tpu.memory_space<vmem>>, vector<1x16xf32>,
        %get3A_576 = vector.shape_cast %get3A_575 : vector<1x16xf32> to vector<16xf32>
        %add3A_577 = arith.addf %add3A_570, %get3A_576 : vector<16xf32>
        %add3A_578 = arith.constant 12 : i32
        %add3A_579 = arith.addi %mul3A_497, %add3A_578 : i32
        %get3A_580 = arith.index_cast %add3A_579 : i32 to index
        %get3A_581 = arith.constant 0 : index
        %get3A_582 = tpu.vector_load %arg10[%get3A_580, %get3A_581] {strides = array<i32>} : memref<800x64xf32, #tpu.memory_space<vmem>>, vector<1x16xf32>,
        %get3A_583 = vector.shape_cast %get3A_582 : vector<1x16xf32> to vector<16xf32>
        %add3A_584 = arith.addf %add3A_577, %get3A_583 : vector<16xf32>
        %add3A_585 = arith.constant 13 : i32
        %add3A_586 = arith.addi %mul3A_497, %add3A_585 : i32
        %get3A_587 = arith.index_cast %add3A_586 : i32 to index
        %get3A_588 = arith.constant 0 : index
        %get3A_589 = tpu.vector_load %arg10[%get3A_587, %get3A_588] {strides = array<i32>} : memref<800x64xf32, #tpu.memory_space<vmem>>, vector<1x16xf32>,
        %get3A_590 = vector.shape_cast %get3A_589 : vector<1x16xf32> to vector<16xf32>
        %add3A_591 = arith.addf %add3A_584, %get3A_590 : vector<16xf32>
        %add3A_592 = arith.constant 14 : i32
        %add3A_593 = arith.addi %mul3A_497, %add3A_592 : i32
        %get3A_594 = arith.index_cast %add3A_593 : i32 to index
        %get3A_595 = arith.constant 0 : index
        %get3A_596 = tpu.vector_load %arg10[%get3A_594, %get3A_595] {strides = array<i32>} : memref<800x64xf32, #tpu.memory_space<vmem>>, vector<1x16xf32>,
        %get3A_597 = vector.shape_cast %get3A_596 : vector<1x16xf32> to vector<16xf32>
        %add3A_598 = arith.addf %add3A_591, %get3A_597 : vector<16xf32>
        %add3A_599 = arith.constant 15 : i32
        %add3A_600 = arith.addi %mul3A_497, %add3A_599 : i32
        %get3A_601 = arith.index_cast %add3A_600 : i32 to index
        %get3A_602 = arith.constant 0 : index
        %get3A_603 = tpu.vector_load %arg10[%get3A_601, %get3A_602] {strides = array<i32>} : memref<800x64xf32, #tpu.memory_space<vmem>>, vector<1x16xf32>,
        %get3A_604 = vector.shape_cast %get3A_603 : vector<1x16xf32> to vector<16xf32>
        %add3A_605 = arith.addf %add3A_598, %get3A_604 : vector<16xf32>
        %add3A_606 = arith.constant 16 : i32
        %add3A_607 = arith.addi %mul3A_497, %add3A_606 : i32
        %get3A_608 = arith.index_cast %add3A_607 : i32 to index
        %get3A_609 = arith.constant 0 : index
        %get3A_610 = tpu.vector_load %arg10[%get3A_608, %get3A_609] {strides = array<i32>} : memref<800x64xf32, #tpu.memory_space<vmem>>, vector<1x16xf32>,
        %get3A_611 = vector.shape_cast %get3A_610 : vector<1x16xf32> to vector<16xf32>
        %add3A_612 = arith.addf %add3A_605, %get3A_611 : vector<16xf32>
        %add3A_613 = arith.constant 17 : i32
        %add3A_614 = arith.addi %mul3A_497, %add3A_613 : i32
        %get3A_615 = arith.index_cast %add3A_614 : i32 to index
        %get3A_616 = arith.constant 0 : index
        %get3A_617 = tpu.vector_load %arg10[%get3A_615, %get3A_616] {strides = array<i32>} : memref<800x64xf32, #tpu.memory_space<vmem>>, vector<1x16xf32>,
        %get3A_618 = vector.shape_cast %get3A_617 : vector<1x16xf32> to vector<16xf32>
        %add3A_619 = arith.addf %add3A_612, %get3A_618 : vector<16xf32>
        %add3A_620 = arith.constant 18 : i32
        %add3A_621 = arith.addi %mul3A_497, %add3A_620 : i32
        %get3A_622 = arith.index_cast %add3A_621 : i32 to index
        %get3A_623 = arith.constant 0 : index
        %get3A_624 = tpu.vector_load %arg10[%get3A_622, %get3A_623] {strides = array<i32>} : memref<800x64xf32, #tpu.memory_space<vmem>>, vector<1x16xf32>,
        %get3A_625 = vector.shape_cast %get3A_624 : vector<1x16xf32> to vector<16xf32>
        %add3A_626 = arith.addf %add3A_619, %get3A_625 : vector<16xf32>
        %add3A_627 = arith.constant 19 : i32
        %add3A_628 = arith.addi %mul3A_497, %add3A_627 : i32
        %get3A_629 = arith.index_cast %add3A_628 : i32 to index
        %get3A_630 = arith.constant 0 : index
        %get3A_631 = tpu.vector_load %arg10[%get3A_629, %get3A_630] {strides = array<i32>} : memref<800x64xf32, #tpu.memory_space<vmem>>, vector<1x16xf32>,
        %get3A_632 = vector.shape_cast %get3A_631 : vector<1x16xf32> to vector<16xf32>
        %add3A_633 = arith.addf %add3A_626, %get3A_632 : vector<16xf32>
        %add3A_634 = arith.constant 20 : i32
        %add3A_635 = arith.addi %mul3A_497, %add3A_634 : i32
        %get3A_636 = arith.index_cast %add3A_635 : i32 to index
        %get3A_637 = arith.constant 0 : index
        %get3A_638 = tpu.vector_load %arg10[%get3A_636, %get3A_637] {strides = array<i32>} : memref<800x64xf32, #tpu.memory_space<vmem>>, vector<1x16xf32>,
        %get3A_639 = vector.shape_cast %get3A_638 : vector<1x16xf32> to vector<16xf32>
        %add3A_640 = arith.addf %add3A_633, %get3A_639 : vector<16xf32>
        %add3A_641 = arith.constant 21 : i32
        %add3A_642 = arith.addi %mul3A_497, %add3A_641 : i32
        %get3A_643 = arith.index_cast %add3A_642 : i32 to index
        %get3A_644 = arith.constant 0 : index
        %get3A_645 = tpu.vector_load %arg10[%get3A_643, %get3A_644] {strides = array<i32>} : memref<800x64xf32, #tpu.memory_space<vmem>>, vector<1x16xf32>,
        %get3A_646 = vector.shape_cast %get3A_645 : vector<1x16xf32> to vector<16xf32>
        %add3A_647 = arith.addf %add3A_640, %get3A_646 : vector<16xf32>
        %add3A_648 = arith.constant 22 : i32
        %add3A_649 = arith.addi %mul3A_497, %add3A_648 : i32
        %get3A_650 = arith.index_cast %add3A_649 : i32 to index
        %get3A_651 = arith.constant 0 : index
        %get3A_652 = tpu.vector_load %arg10[%get3A_650, %get3A_651] {strides = array<i32>} : memref<800x64xf32, #tpu.memory_space<vmem>>, vector<1x16xf32>,
        %get3A_653 = vector.shape_cast %get3A_652 : vector<1x16xf32> to vector<16xf32>
        %add3A_654 = arith.addf %add3A_647, %get3A_653 : vector<16xf32>
        %add3A_655 = arith.constant 23 : i32
        %add3A_656 = arith.addi %mul3A_497, %add3A_655 : i32
        %get3A_657 = arith.index_cast %add3A_656 : i32 to index
        %get3A_658 = arith.constant 0 : index
        %get3A_659 = tpu.vector_load %arg10[%get3A_657, %get3A_658] {strides = array<i32>} : memref<800x64xf32, #tpu.memory_space<vmem>>, vector<1x16xf32>,
        %get3A_660 = vector.shape_cast %get3A_659 : vector<1x16xf32> to vector<16xf32>
        %add3A_661 = arith.addf %add3A_654, %get3A_660 : vector<16xf32>
        %add3A_662 = arith.constant 24 : i32
        %add3A_663 = arith.addi %mul3A_497, %add3A_662 : i32
        %get3A_664 = arith.index_cast %add3A_663 : i32 to index
        %get3A_665 = arith.constant 0 : index
        %get3A_666 = tpu.vector_load %arg10[%get3A_664, %get3A_665] {strides = array<i32>} : memref<800x64xf32, #tpu.memory_space<vmem>>, vector<1x16xf32>,
        %get3A_667 = vector.shape_cast %get3A_666 : vector<1x16xf32> to vector<16xf32>
        %add3A_668 = arith.addf %add3A_661, %get3A_667 : vector<16xf32>
        %add3A_669 = arith.constant 25 : i32
        %add3A_670 = arith.addi %mul3A_497, %add3A_669 : i32
        %get3A_671 = arith.index_cast %add3A_670 : i32 to index
        %get3A_672 = arith.constant 0 : index
        %get3A_673 = tpu.vector_load %arg10[%get3A_671, %get3A_672] {strides = array<i32>} : memref<800x64xf32, #tpu.memory_space<vmem>>, vector<1x16xf32>,
        %get3A_674 = vector.shape_cast %get3A_673 : vector<1x16xf32> to vector<16xf32>
        %add3A_675 = arith.addf %add3A_668, %get3A_674 : vector<16xf32>
        %add3A_676 = arith.constant 26 : i32
        %add3A_677 = arith.addi %mul3A_497, %add3A_676 : i32
        %get3A_678 = arith.index_cast %add3A_677 : i32 to index
        %get3A_679 = arith.constant 0 : index
        %get3A_680 = tpu.vector_load %arg10[%get3A_678, %get3A_679] {strides = array<i32>} : memref<800x64xf32, #tpu.memory_space<vmem>>, vector<1x16xf32>,
        %get3A_681 = vector.shape_cast %get3A_680 : vector<1x16xf32> to vector<16xf32>
        %add3A_682 = arith.addf %add3A_675, %get3A_681 : vector<16xf32>
        %add3A_683 = arith.constant 27 : i32
        %add3A_684 = arith.addi %mul3A_497, %add3A_683 : i32
        %get3A_685 = arith.index_cast %add3A_684 : i32 to index
        %get3A_686 = arith.constant 0 : index
        %get3A_687 = tpu.vector_load %arg10[%get3A_685, %get3A_686] {strides = array<i32>} : memref<800x64xf32, #tpu.memory_space<vmem>>, vector<1x16xf32>,
        %get3A_688 = vector.shape_cast %get3A_687 : vector<1x16xf32> to vector<16xf32>
        %add3A_689 = arith.addf %add3A_682, %get3A_688 : vector<16xf32>
        %add3A_690 = arith.constant 28 : i32
        %add3A_691 = arith.addi %mul3A_497, %add3A_690 : i32
        %get3A_692 = arith.index_cast %add3A_691 : i32 to index
        %get3A_693 = arith.constant 0 : index
        %get3A_694 = tpu.vector_load %arg10[%get3A_692, %get3A_693] {strides = array<i32>} : memref<800x64xf32, #tpu.memory_space<vmem>>, vector<1x16xf32>,
        %get3A_695 = vector.shape_cast %get3A_694 : vector<1x16xf32> to vector<16xf32>
        %add3A_696 = arith.addf %add3A_689, %get3A_695 : vector<16xf32>
        %add3A_697 = arith.constant 29 : i32
        %add3A_698 = arith.addi %mul3A_497, %add3A_697 : i32
        %get3A_699 = arith.index_cast %add3A_698 : i32 to index
        %get3A_700 = arith.constant 0 : index
        %get3A_701 = tpu.vector_load %arg10[%get3A_699, %get3A_700] {strides = array<i32>} : memref<800x64xf32, #tpu.memory_space<vmem>>, vector<1x16xf32>,
        %get3A_702 = vector.shape_cast %get3A_701 : vector<1x16xf32> to vector<16xf32>
        %add3A_703 = arith.addf %add3A_696, %get3A_702 : vector<16xf32>
        %add3A_704 = arith.constant 30 : i32
        %add3A_705 = arith.addi %mul3A_497, %add3A_704 : i32
        %get3A_706 = arith.index_cast %add3A_705 : i32 to index
        %get3A_707 = arith.constant 0 : index
        %get3A_708 = tpu.vector_load %arg10[%get3A_706, %get3A_707] {strides = array<i32>} : memref<800x64xf32, #tpu.memory_space<vmem>>, vector<1x16xf32>,
        %get3A_709 = vector.shape_cast %get3A_708 : vector<1x16xf32> to vector<16xf32>
        %add3A_710 = arith.addf %add3A_703, %get3A_709 : vector<16xf32>
        %add3A_711 = arith.constant 31 : i32
        %add3A_712 = arith.addi %mul3A_497, %add3A_711 : i32
        %get3A_713 = arith.index_cast %add3A_712 : i32 to index
        %get3A_714 = arith.constant 0 : index
        %get3A_715 = tpu.vector_load %arg10[%get3A_713, %get3A_714] {strides = array<i32>} : memref<800x64xf32, #tpu.memory_space<vmem>>, vector<1x16xf32>,
        %get3A_716 = vector.shape_cast %get3A_715 : vector<1x16xf32> to vector<16xf32>
        %add3A_717 = arith.addf %add3A_710, %get3A_716 : vector<16xf32>
        %add3A_718 = arith.constant 32 : i32
        %add3A_719 = arith.addi %mul3A_497, %add3A_718 : i32
        %get3A_720 = arith.index_cast %add3A_719 : i32 to index
        %get3A_721 = arith.constant 0 : index
        %get3A_722 = tpu.vector_load %arg10[%get3A_720, %get3A_721] {strides = array<i32>} : memref<800x64xf32, #tpu.memory_space<vmem>>, vector<1x16xf32>,
        %get3A_723 = vector.shape_cast %get3A_722 : vector<1x16xf32> to vector<16xf32>
        %add3A_724 = arith.addf %add3A_717, %get3A_723 : vector<16xf32>
        %add3A_725 = arith.constant 33 : i32
        %add3A_726 = arith.addi %mul3A_497, %add3A_725 : i32
        %get3A_727 = arith.index_cast %add3A_726 : i32 to index
        %get3A_728 = arith.constant 0 : index
        %get3A_729 = tpu.vector_load %arg10[%get3A_727, %get3A_728] {strides = array<i32>} : memref<800x64xf32, #tpu.memory_space<vmem>>, vector<1x16xf32>,
        %get3A_730 = vector.shape_cast %get3A_729 : vector<1x16xf32> to vector<16xf32>
        %add3A_731 = arith.addf %add3A_724, %get3A_730 : vector<16xf32>
        %add3A_732 = arith.constant 34 : i32
        %add3A_733 = arith.addi %mul3A_497, %add3A_732 : i32
        %get3A_734 = arith.index_cast %add3A_733 : i32 to index
        %get3A_735 = arith.constant 0 : index
        %get3A_736 = tpu.vector_load %arg10[%get3A_734, %get3A_735] {strides = array<i32>} : memref<800x64xf32, #tpu.memory_space<vmem>>, vector<1x16xf32>,
        %get3A_737 = vector.shape_cast %get3A_736 : vector<1x16xf32> to vector<16xf32>
        %add3A_738 = arith.addf %add3A_731, %get3A_737 : vector<16xf32>
        %add3A_739 = arith.constant 35 : i32
        %add3A_740 = arith.addi %mul3A_497, %add3A_739 : i32
        %get3A_741 = arith.index_cast %add3A_740 : i32 to index
        %get3A_742 = arith.constant 0 : index
        %get3A_743 = tpu.vector_load %arg10[%get3A_741, %get3A_742] {strides = array<i32>} : memref<800x64xf32, #tpu.memory_space<vmem>>, vector<1x16xf32>,
        %get3A_744 = vector.shape_cast %get3A_743 : vector<1x16xf32> to vector<16xf32>
        %add3A_745 = arith.addf %add3A_738, %get3A_744 : vector<16xf32>
        %add3A_746 = arith.constant 36 : i32
        %add3A_747 = arith.addi %mul3A_497, %add3A_746 : i32
        %get3A_748 = arith.index_cast %add3A_747 : i32 to index
        %get3A_749 = arith.constant 0 : index
        %get3A_750 = tpu.vector_load %arg10[%get3A_748, %get3A_749] {strides = array<i32>} : memref<800x64xf32, #tpu.memory_space<vmem>>, vector<1x16xf32>,
        %get3A_751 = vector.shape_cast %get3A_750 : vector<1x16xf32> to vector<16xf32>
        %add3A_752 = arith.addf %add3A_745, %get3A_751 : vector<16xf32>
        %add3A_753 = arith.constant 37 : i32
        %add3A_754 = arith.addi %mul3A_497, %add3A_753 : i32
        %get3A_755 = arith.index_cast %add3A_754 : i32 to index
        %get3A_756 = arith.constant 0 : index
        %get3A_757 = tpu.vector_load %arg10[%get3A_755, %get3A_756] {strides = array<i32>} : memref<800x64xf32, #tpu.memory_space<vmem>>, vector<1x16xf32>,
        %get3A_758 = vector.shape_cast %get3A_757 : vector<1x16xf32> to vector<16xf32>
        %add3A_759 = arith.addf %add3A_752, %get3A_758 : vector<16xf32>
        %add3A_760 = arith.constant 38 : i32
        %add3A_761 = arith.addi %mul3A_497, %add3A_760 : i32
        %get3A_762 = arith.index_cast %add3A_761 : i32 to index
        %get3A_763 = arith.constant 0 : index
        %get3A_764 = tpu.vector_load %arg10[%get3A_762, %get3A_763] {strides = array<i32>} : memref<800x64xf32, #tpu.memory_space<vmem>>, vector<1x16xf32>,
        %get3A_765 = vector.shape_cast %get3A_764 : vector<1x16xf32> to vector<16xf32>
        %add3A_766 = arith.addf %add3A_759, %get3A_765 : vector<16xf32>
        %add3A_767 = arith.constant 39 : i32
        %add3A_768 = arith.addi %mul3A_497, %add3A_767 : i32
        %get3A_769 = arith.index_cast %add3A_768 : i32 to index
        %get3A_770 = arith.constant 0 : index
        %get3A_771 = tpu.vector_load %arg10[%get3A_769, %get3A_770] {strides = array<i32>} : memref<800x64xf32, #tpu.memory_space<vmem>>, vector<1x16xf32>,
        %get3A_772 = vector.shape_cast %get3A_771 : vector<1x16xf32> to vector<16xf32>
        %add3A_773 = arith.addf %add3A_766, %get3A_772 : vector<16xf32>
        %add3A_774 = arith.constant 40 : i32
        %add3A_775 = arith.addi %mul3A_497, %add3A_774 : i32
        %get3A_776 = arith.index_cast %add3A_775 : i32 to index
        %get3A_777 = arith.constant 0 : index
        %get3A_778 = tpu.vector_load %arg10[%get3A_776, %get3A_777] {strides = array<i32>} : memref<800x64xf32, #tpu.memory_space<vmem>>, vector<1x16xf32>,
        %get3A_779 = vector.shape_cast %get3A_778 : vector<1x16xf32> to vector<16xf32>
        %add3A_780 = arith.addf %add3A_773, %get3A_779 : vector<16xf32>
        %add3A_781 = arith.constant 41 : i32
        %add3A_782 = arith.addi %mul3A_497, %add3A_781 : i32
        %get3A_783 = arith.index_cast %add3A_782 : i32 to index
        %get3A_784 = arith.constant 0 : index
        %get3A_785 = tpu.vector_load %arg10[%get3A_783, %get3A_784] {strides = array<i32>} : memref<800x64xf32, #tpu.memory_space<vmem>>, vector<1x16xf32>,
        %get3A_786 = vector.shape_cast %get3A_785 : vector<1x16xf32> to vector<16xf32>
        %add3A_787 = arith.addf %add3A_780, %get3A_786 : vector<16xf32>
        %add3A_788 = arith.constant 42 : i32
        %add3A_789 = arith.addi %mul3A_497, %add3A_788 : i32
        %get3A_790 = arith.index_cast %add3A_789 : i32 to index
        %get3A_791 = arith.constant 0 : index
        %get3A_792 = tpu.vector_load %arg10[%get3A_790, %get3A_791] {strides = array<i32>} : memref<800x64xf32, #tpu.memory_space<vmem>>, vector<1x16xf32>,
        %get3A_793 = vector.shape_cast %get3A_792 : vector<1x16xf32> to vector<16xf32>
        %add3A_794 = arith.addf %add3A_787, %get3A_793 : vector<16xf32>
        %add3A_795 = arith.constant 43 : i32
        %add3A_796 = arith.addi %mul3A_497, %add3A_795 : i32
        %get3A_797 = arith.index_cast %add3A_796 : i32 to index
        %get3A_798 = arith.constant 0 : index
        %get3A_799 = tpu.vector_load %arg10[%get3A_797, %get3A_798] {strides = array<i32>} : memref<800x64xf32, #tpu.memory_space<vmem>>, vector<1x16xf32>,
        %get3A_800 = vector.shape_cast %get3A_799 : vector<1x16xf32> to vector<16xf32>
        %add3A_801 = arith.addf %add3A_794, %get3A_800 : vector<16xf32>
        %add3A_802 = arith.constant 44 : i32
        %add3A_803 = arith.addi %mul3A_497, %add3A_802 : i32
        %get3A_804 = arith.index_cast %add3A_803 : i32 to index
        %get3A_805 = arith.constant 0 : index
        %get3A_806 = tpu.vector_load %arg10[%get3A_804, %get3A_805] {strides = array<i32>} : memref<800x64xf32, #tpu.memory_space<vmem>>, vector<1x16xf32>,
        %get3A_807 = vector.shape_cast %get3A_806 : vector<1x16xf32> to vector<16xf32>
        %add3A_808 = arith.addf %add3A_801, %get3A_807 : vector<16xf32>
        %add3A_809 = arith.constant 45 : i32
        %add3A_810 = arith.addi %mul3A_497, %add3A_809 : i32
        %get3A_811 = arith.index_cast %add3A_810 : i32 to index
        %get3A_812 = arith.constant 0 : index
        %get3A_813 = tpu.vector_load %arg10[%get3A_811, %get3A_812] {strides = array<i32>} : memref<800x64xf32, #tpu.memory_space<vmem>>, vector<1x16xf32>,
        %get3A_814 = vector.shape_cast %get3A_813 : vector<1x16xf32> to vector<16xf32>
        %add3A_815 = arith.addf %add3A_808, %get3A_814 : vector<16xf32>
        %add3A_816 = arith.constant 46 : i32
        %add3A_817 = arith.addi %mul3A_497, %add3A_816 : i32
        %get3A_818 = arith.index_cast %add3A_817 : i32 to index
        %get3A_819 = arith.constant 0 : index
        %get3A_820 = tpu.vector_load %arg10[%get3A_818, %get3A_819] {strides = array<i32>} : memref<800x64xf32, #tpu.memory_space<vmem>>, vector<1x16xf32>,
        %get3A_821 = vector.shape_cast %get3A_820 : vector<1x16xf32> to vector<16xf32>
        %add3A_822 = arith.addf %add3A_815, %get3A_821 : vector<16xf32>
        %add3A_823 = arith.constant 47 : i32
        %add3A_824 = arith.addi %mul3A_497, %add3A_823 : i32
        %get3A_825 = arith.index_cast %add3A_824 : i32 to index
        %get3A_826 = arith.constant 0 : index
        %get3A_827 = tpu.vector_load %arg10[%get3A_825, %get3A_826] {strides = array<i32>} : memref<800x64xf32, #tpu.memory_space<vmem>>, vector<1x16xf32>,
        %get3A_828 = vector.shape_cast %get3A_827 : vector<1x16xf32> to vector<16xf32>
        %add3A_829 = arith.addf %add3A_822, %get3A_828 : vector<16xf32>
        %add3A_830 = arith.constant 48 : i32
        %add3A_831 = arith.addi %mul3A_497, %add3A_830 : i32
        %get3A_832 = arith.index_cast %add3A_831 : i32 to index
        %get3A_833 = arith.constant 0 : index
        %get3A_834 = tpu.vector_load %arg10[%get3A_832, %get3A_833] {strides = array<i32>} : memref<800x64xf32, #tpu.memory_space<vmem>>, vector<1x16xf32>,
        %get3A_835 = vector.shape_cast %get3A_834 : vector<1x16xf32> to vector<16xf32>
        %add3A_836 = arith.addf %add3A_829, %get3A_835 : vector<16xf32>
        %add3A_837 = arith.constant 49 : i32
        %add3A_838 = arith.addi %mul3A_497, %add3A_837 : i32
        %get3A_839 = arith.index_cast %add3A_838 : i32 to index
        %get3A_840 = arith.constant 0 : index
        %get3A_841 = tpu.vector_load %arg10[%get3A_839, %get3A_840] {strides = array<i32>} : memref<800x64xf32, #tpu.memory_space<vmem>>, vector<1x16xf32>,
        %get3A_842 = vector.shape_cast %get3A_841 : vector<1x16xf32> to vector<16xf32>
        %add3A_843 = arith.addf %add3A_836, %get3A_842 : vector<16xf32>
        %swap3A = arith.index_cast %scan3A_495 : i32 to index
        %swap3A_844 = arith.constant 0 : index
        %swap3A_845 = tpu.vector_load %arg12[%swap3A, %swap3A_844] {strides = array<i32>} : memref<16x64xf32, #tpu.memory_space<vmem>>, vector<1x16xf32>,
        %swap3A_846 = vector.shape_cast %swap3A_845 : vector<1x16xf32> to vector<16xf32>
        %swap3A_847 = vector.shape_cast %add3A_843 : vector<16xf32> to vector<1x16xf32>
        tpu.vector_store %arg12[%swap3A, %swap3A_844], %swap3A_847 {strides = array<i32>} : memref<16x64xf32, #tpu.memory_space<vmem>>, vector<1x16xf32>,
        %get3A_848 = arith.index_cast %mul3A_497 : i32 to index
        %get3A_849 = arith.constant 16 : index
        %get3A_850 = tpu.vector_load %arg10[%get3A_848, %get3A_849] {strides = array<i32>} : memref<800x64xf32, #tpu.memory_space<vmem>>, vector<1x16xf32>,
        %get3A_851 = vector.shape_cast %get3A_850 : vector<1x16xf32> to vector<16xf32>
        %add3A_852 = arith.constant 1 : i32
        %add3A_853 = arith.addi %mul3A_497, %add3A_852 : i32
        %get3A_854 = arith.index_cast %add3A_853 : i32 to index
        %get3A_855 = arith.constant 16 : index
        %get3A_856 = tpu.vector_load %arg10[%get3A_854, %get3A_855] {strides = array<i32>} : memref<800x64xf32, #tpu.memory_space<vmem>>, vector<1x16xf32>,
        %get3A_857 = vector.shape_cast %get3A_856 : vector<1x16xf32> to vector<16xf32>
        %add3A_858 = arith.addf %get3A_851, %get3A_857 : vector<16xf32>
        %add3A_859 = arith.constant 2 : i32
        %add3A_860 = arith.addi %mul3A_497, %add3A_859 : i32
        %get3A_861 = arith.index_cast %add3A_860 : i32 to index
        %get3A_862 = arith.constant 16 : index
        %get3A_863 = tpu.vector_load %arg10[%get3A_861, %get3A_862] {strides = array<i32>} : memref<800x64xf32, #tpu.memory_space<vmem>>, vector<1x16xf32>,
        %get3A_864 = vector.shape_cast %get3A_863 : vector<1x16xf32> to vector<16xf32>
        %add3A_865 = arith.addf %add3A_858, %get3A_864 : vector<16xf32>
        %add3A_866 = arith.constant 3 : i32
        %add3A_867 = arith.addi %mul3A_497, %add3A_866 : i32
        %get3A_868 = arith.index_cast %add3A_867 : i32 to index
        %get3A_869 = arith.constant 16 : index
        %get3A_870 = tpu.vector_load %arg10[%get3A_868, %get3A_869] {strides = array<i32>} : memref<800x64xf32, #tpu.memory_space<vmem>>, vector<1x16xf32>,
        %get3A_871 = vector.shape_cast %get3A_870 : vector<1x16xf32> to vector<16xf32>
        %add3A_872 = arith.addf %add3A_865, %get3A_871 : vector<16xf32>
        %add3A_873 = arith.constant 4 : i32
        %add3A_874 = arith.addi %mul3A_497, %add3A_873 : i32
        %get3A_875 = arith.index_cast %add3A_874 : i32 to index
        %get3A_876 = arith.constant 16 : index
        %get3A_877 = tpu.vector_load %arg10[%get3A_875, %get3A_876] {strides = array<i32>} : memref<800x64xf32, #tpu.memory_space<vmem>>, vector<1x16xf32>,
        %get3A_878 = vector.shape_cast %get3A_877 : vector<1x16xf32> to vector<16xf32>
        %add3A_879 = arith.addf %add3A_872, %get3A_878 : vector<16xf32>
        %add3A_880 = arith.constant 5 : i32
        %add3A_881 = arith.addi %mul3A_497, %add3A_880 : i32
        %get3A_882 = arith.index_cast %add3A_881 : i32 to index
        %get3A_883 = arith.constant 16 : index
        %get3A_884 = tpu.vector_load %arg10[%get3A_882, %get3A_883] {strides = array<i32>} : memref<800x64xf32, #tpu.memory_space<vmem>>, vector<1x16xf32>,
        %get3A_885 = vector.shape_cast %get3A_884 : vector<1x16xf32> to vector<16xf32>
        %add3A_886 = arith.addf %add3A_879, %get3A_885 : vector<16xf32>
        %add3A_887 = arith.constant 6 : i32
        %add3A_888 = arith.addi %mul3A_497, %add3A_887 : i32
        %get3A_889 = arith.index_cast %add3A_888 : i32 to index
        %get3A_890 = arith.constant 16 : index
        %get3A_891 = tpu.vector_load %arg10[%get3A_889, %get3A_890] {strides = array<i32>} : memref<800x64xf32, #tpu.memory_space<vmem>>, vector<1x16xf32>,
        %get3A_892 = vector.shape_cast %get3A_891 : vector<1x16xf32> to vector<16xf32>
        %add3A_893 = arith.addf %add3A_886, %get3A_892 : vector<16xf32>
        %add3A_894 = arith.constant 7 : i32
        %add3A_895 = arith.addi %mul3A_497, %add3A_894 : i32
        %get3A_896 = arith.index_cast %add3A_895 : i32 to index
        %get3A_897 = arith.constant 16 : index
        %get3A_898 = tpu.vector_load %arg10[%get3A_896, %get3A_897] {strides = array<i32>} : memref<800x64xf32, #tpu.memory_space<vmem>>, vector<1x16xf32>,
        %get3A_899 = vector.shape_cast %get3A_898 : vector<1x16xf32> to vector<16xf32>
        %add3A_900 = arith.addf %add3A_893, %get3A_899 : vector<16xf32>
        %add3A_901 = arith.constant 8 : i32
        %add3A_902 = arith.addi %mul3A_497, %add3A_901 : i32
        %get3A_903 = arith.index_cast %add3A_902 : i32 to index
        %get3A_904 = arith.constant 16 : index
        %get3A_905 = tpu.vector_load %arg10[%get3A_903, %get3A_904] {strides = array<i32>} : memref<800x64xf32, #tpu.memory_space<vmem>>, vector<1x16xf32>,
        %get3A_906 = vector.shape_cast %get3A_905 : vector<1x16xf32> to vector<16xf32>
        %add3A_907 = arith.addf %add3A_900, %get3A_906 : vector<16xf32>
        %add3A_908 = arith.constant 9 : i32
        %add3A_909 = arith.addi %mul3A_497, %add3A_908 : i32
        %get3A_910 = arith.index_cast %add3A_909 : i32 to index
        %get3A_911 = arith.constant 16 : index
        %get3A_912 = tpu.vector_load %arg10[%get3A_910, %get3A_911] {strides = array<i32>} : memref<800x64xf32, #tpu.memory_space<vmem>>, vector<1x16xf32>,
        %get3A_913 = vector.shape_cast %get3A_912 : vector<1x16xf32> to vector<16xf32>
        %add3A_914 = arith.addf %add3A_907, %get3A_913 : vector<16xf32>
        %add3A_915 = arith.constant 10 : i32
        %add3A_916 = arith.addi %mul3A_497, %add3A_915 : i32
        %get3A_917 = arith.index_cast %add3A_916 : i32 to index
        %get3A_918 = arith.constant 16 : index
        %get3A_919 = tpu.vector_load %arg10[%get3A_917, %get3A_918] {strides = array<i32>} : memref<800x64xf32, #tpu.memory_space<vmem>>, vector<1x16xf32>,
        %get3A_920 = vector.shape_cast %get3A_919 : vector<1x16xf32> to vector<16xf32>
        %add3A_921 = arith.addf %add3A_914, %get3A_920 : vector<16xf32>
        %add3A_922 = arith.constant 11 : i32
        %add3A_923 = arith.addi %mul3A_497, %add3A_922 : i32
        %get3A_924 = arith.index_cast %add3A_923 : i32 to index
        %get3A_925 = arith.constant 16 : index
        %get3A_926 = tpu.vector_load %arg10[%get3A_924, %get3A_925] {strides = array<i32>} : memref<800x64xf32, #tpu.memory_space<vmem>>, vector<1x16xf32>,
        %get3A_927 = vector.shape_cast %get3A_926 : vector<1x16xf32> to vector<16xf32>
        %add3A_928 = arith.addf %add3A_921, %get3A_927 : vector<16xf32>
        %add3A_929 = arith.constant 12 : i32
        %add3A_930 = arith.addi %mul3A_497, %add3A_929 : i32
        %get3A_931 = arith.index_cast %add3A_930 : i32 to index
        %get3A_932 = arith.constant 16 : index
        %get3A_933 = tpu.vector_load %arg10[%get3A_931, %get3A_932] {strides = array<i32>} : memref<800x64xf32, #tpu.memory_space<vmem>>, vector<1x16xf32>,
        %get3A_934 = vector.shape_cast %get3A_933 : vector<1x16xf32> to vector<16xf32>
        %add3A_935 = arith.addf %add3A_928, %get3A_934 : vector<16xf32>
        %add3A_936 = arith.constant 13 : i32
        %add3A_937 = arith.addi %mul3A_497, %add3A_936 : i32
        %get3A_938 = arith.index_cast %add3A_937 : i32 to index
        %get3A_939 = arith.constant 16 : index
        %get3A_940 = tpu.vector_load %arg10[%get3A_938, %get3A_939] {strides = array<i32>} : memref<800x64xf32, #tpu.memory_space<vmem>>, vector<1x16xf32>,
        %get3A_941 = vector.shape_cast %get3A_940 : vector<1x16xf32> to vector<16xf32>
        %add3A_942 = arith.addf %add3A_935, %get3A_941 : vector<16xf32>
        %add3A_943 = arith.constant 14 : i32
        %add3A_944 = arith.addi %mul3A_497, %add3A_943 : i32
        %get3A_945 = arith.index_cast %add3A_944 : i32 to index
        %get3A_946 = arith.constant 16 : index
        %get3A_947 = tpu.vector_load %arg10[%get3A_945, %get3A_946] {strides = array<i32>} : memref<800x64xf32, #tpu.memory_space<vmem>>, vector<1x16xf32>,
        %get3A_948 = vector.shape_cast %get3A_947 : vector<1x16xf32> to vector<16xf32>
        %add3A_949 = arith.addf %add3A_942, %get3A_948 : vector<16xf32>
        %add3A_950 = arith.constant 15 : i32
        %add3A_951 = arith.addi %mul3A_497, %add3A_950 : i32
        %get3A_952 = arith.index_cast %add3A_951 : i32 to index
        %get3A_953 = arith.constant 16 : index
        %get3A_954 = tpu.vector_load %arg10[%get3A_952, %get3A_953] {strides = array<i32>} : memref<800x64xf32, #tpu.memory_space<vmem>>, vector<1x16xf32>,
        %get3A_955 = vector.shape_cast %get3A_954 : vector<1x16xf32> to vector<16xf32>
        %add3A_956 = arith.addf %add3A_949, %get3A_955 : vector<16xf32>
        %add3A_957 = arith.constant 16 : i32
        %add3A_958 = arith.addi %mul3A_497, %add3A_957 : i32
        %get3A_959 = arith.index_cast %add3A_958 : i32 to index
        %get3A_960 = arith.constant 16 : index
        %get3A_961 = tpu.vector_load %arg10[%get3A_959, %get3A_960] {strides = array<i32>} : memref<800x64xf32, #tpu.memory_space<vmem>>, vector<1x16xf32>,
        %get3A_962 = vector.shape_cast %get3A_961 : vector<1x16xf32> to vector<16xf32>
        %add3A_963 = arith.addf %add3A_956, %get3A_962 : vector<16xf32>
        %add3A_964 = arith.constant 17 : i32
        %add3A_965 = arith.addi %mul3A_497, %add3A_964 : i32
        %get3A_966 = arith.index_cast %add3A_965 : i32 to index
        %get3A_967 = arith.constant 16 : index
        %get3A_968 = tpu.vector_load %arg10[%get3A_966, %get3A_967] {strides = array<i32>} : memref<800x64xf32, #tpu.memory_space<vmem>>, vector<1x16xf32>,
        %get3A_969 = vector.shape_cast %get3A_968 : vector<1x16xf32> to vector<16xf32>
        %add3A_970 = arith.addf %add3A_963, %get3A_969 : vector<16xf32>
        %add3A_971 = arith.constant 18 : i32
        %add3A_972 = arith.addi %mul3A_497, %add3A_971 : i32
        %get3A_973 = arith.index_cast %add3A_972 : i32 to index
        %get3A_974 = arith.constant 16 : index
        %get3A_975 = tpu.vector_load %arg10[%get3A_973, %get3A_974] {strides = array<i32>} : memref<800x64xf32, #tpu.memory_space<vmem>>, vector<1x16xf32>,
        %get3A_976 = vector.shape_cast %get3A_975 : vector<1x16xf32> to vector<16xf32>
        %add3A_977 = arith.addf %add3A_970, %get3A_976 : vector<16xf32>
        %add3A_978 = arith.constant 19 : i32
        %add3A_979 = arith.addi %mul3A_497, %add3A_978 : i32
        %get3A_980 = arith.index_cast %add3A_979 : i32 to index
        %get3A_981 = arith.constant 16 : index
        %get3A_982 = tpu.vector_load %arg10[%get3A_980, %get3A_981] {strides = array<i32>} : memref<800x64xf32, #tpu.memory_space<vmem>>, vector<1x16xf32>,
        %get3A_983 = vector.shape_cast %get3A_982 : vector<1x16xf32> to vector<16xf32>
        %add3A_984 = arith.addf %add3A_977, %get3A_983 : vector<16xf32>
        %add3A_985 = arith.constant 20 : i32
        %add3A_986 = arith.addi %mul3A_497, %add3A_985 : i32
        %get3A_987 = arith.index_cast %add3A_986 : i32 to index
        %get3A_988 = arith.constant 16 : index
        %get3A_989 = tpu.vector_load %arg10[%get3A_987, %get3A_988] {strides = array<i32>} : memref<800x64xf32, #tpu.memory_space<vmem>>, vector<1x16xf32>,
        %get3A_990 = vector.shape_cast %get3A_989 : vector<1x16xf32> to vector<16xf32>
        %add3A_991 = arith.addf %add3A_984, %get3A_990 : vector<16xf32>
        %add3A_992 = arith.constant 21 : i32
        %add3A_993 = arith.addi %mul3A_497, %add3A_992 : i32
        %get3A_994 = arith.index_cast %add3A_993 : i32 to index
        %get3A_995 = arith.constant 16 : index
        %get3A_996 = tpu.vector_load %arg10[%get3A_994, %get3A_995] {strides = array<i32>} : memref<800x64xf32, #tpu.memory_space<vmem>>, vector<1x16xf32>,
        %get3A_997 = vector.shape_cast %get3A_996 : vector<1x16xf32> to vector<16xf32>
        %add3A_998 = arith.addf %add3A_991, %get3A_997 : vector<16xf32>
        %add3A_999 = arith.constant 22 : i32
        %add3A_1000 = arith.addi %mul3A_497, %add3A_999 : i32
        %get3A_1001 = arith.index_cast %add3A_1000 : i32 to index
        %get3A_1002 = arith.constant 16 : index
        %get3A_1003 = tpu.vector_load %arg10[%get3A_1001, %get3A_1002] {strides = array<i32>} : memref<800x64xf32, #tpu.memory_space<vmem>>, vector<1x16xf32>,
        %get3A_1004 = vector.shape_cast %get3A_1003 : vector<1x16xf32> to vector<16xf32>
        %add3A_1005 = arith.addf %add3A_998, %get3A_1004 : vector<16xf32>
        %add3A_1006 = arith.constant 23 : i32
        %add3A_1007 = arith.addi %mul3A_497, %add3A_1006 : i32
        %get3A_1008 = arith.index_cast %add3A_1007 : i32 to index
        %get3A_1009 = arith.constant 16 : index
        %get3A_1010 = tpu.vector_load %arg10[%get3A_1008, %get3A_1009] {strides = array<i32>} : memref<800x64xf32, #tpu.memory_space<vmem>>, vector<1x16xf32>,
        %get3A_1011 = vector.shape_cast %get3A_1010 : vector<1x16xf32> to vector<16xf32>
        %add3A_1012 = arith.addf %add3A_1005, %get3A_1011 : vector<16xf32>
        %add3A_1013 = arith.constant 24 : i32
        %add3A_1014 = arith.addi %mul3A_497, %add3A_1013 : i32
        %get3A_1015 = arith.index_cast %add3A_1014 : i32 to index
        %get3A_1016 = arith.constant 16 : index
        %get3A_1017 = tpu.vector_load %arg10[%get3A_1015, %get3A_1016] {strides = array<i32>} : memref<800x64xf32, #tpu.memory_space<vmem>>, vector<1x16xf32>,
        %get3A_1018 = vector.shape_cast %get3A_1017 : vector<1x16xf32> to vector<16xf32>
        %add3A_1019 = arith.addf %add3A_1012, %get3A_1018 : vector<16xf32>
        %add3A_1020 = arith.constant 25 : i32
        %add3A_1021 = arith.addi %mul3A_497, %add3A_1020 : i32
        %get3A_1022 = arith.index_cast %add3A_1021 : i32 to index
        %get3A_1023 = arith.constant 16 : index
        %get3A_1024 = tpu.vector_load %arg10[%get3A_1022, %get3A_1023] {strides = array<i32>} : memref<800x64xf32, #tpu.memory_space<vmem>>, vector<1x16xf32>,
        %get3A_1025 = vector.shape_cast %get3A_1024 : vector<1x16xf32> to vector<16xf32>
        %add3A_1026 = arith.addf %add3A_1019, %get3A_1025 : vector<16xf32>
        %add3A_1027 = arith.constant 26 : i32
        %add3A_1028 = arith.addi %mul3A_497, %add3A_1027 : i32
        %get3A_1029 = arith.index_cast %add3A_1028 : i32 to index
        %get3A_1030 = arith.constant 16 : index
        %get3A_1031 = tpu.vector_load %arg10[%get3A_1029, %get3A_1030] {strides = array<i32>} : memref<800x64xf32, #tpu.memory_space<vmem>>, vector<1x16xf32>,
        %get3A_1032 = vector.shape_cast %get3A_1031 : vector<1x16xf32> to vector<16xf32>
        %add3A_1033 = arith.addf %add3A_1026, %get3A_1032 : vector<16xf32>
        %add3A_1034 = arith.constant 27 : i32
        %add3A_1035 = arith.addi %mul3A_497, %add3A_1034 : i32
        %get3A_1036 = arith.index_cast %add3A_1035 : i32 to index
        %get3A_1037 = arith.constant 16 : index
        %get3A_1038 = tpu.vector_load %arg10[%get3A_1036, %get3A_1037] {strides = array<i32>} : memref<800x64xf32, #tpu.memory_space<vmem>>, vector<1x16xf32>,
        %get3A_1039 = vector.shape_cast %get3A_1038 : vector<1x16xf32> to vector<16xf32>
        %add3A_1040 = arith.addf %add3A_1033, %get3A_1039 : vector<16xf32>
        %add3A_1041 = arith.constant 28 : i32
        %add3A_1042 = arith.addi %mul3A_497, %add3A_1041 : i32
        %get3A_1043 = arith.index_cast %add3A_1042 : i32 to index
        %get3A_1044 = arith.constant 16 : index
        %get3A_1045 = tpu.vector_load %arg10[%get3A_1043, %get3A_1044] {strides = array<i32>} : memref<800x64xf32, #tpu.memory_space<vmem>>, vector<1x16xf32>,
        %get3A_1046 = vector.shape_cast %get3A_1045 : vector<1x16xf32> to vector<16xf32>
        %add3A_1047 = arith.addf %add3A_1040, %get3A_1046 : vector<16xf32>
        %add3A_1048 = arith.constant 29 : i32
        %add3A_1049 = arith.addi %mul3A_497, %add3A_1048 : i32
        %get3A_1050 = arith.index_cast %add3A_1049 : i32 to index
        %get3A_1051 = arith.constant 16 : index
        %get3A_1052 = tpu.vector_load %arg10[%get3A_1050, %get3A_1051] {strides = array<i32>} : memref<800x64xf32, #tpu.memory_space<vmem>>, vector<1x16xf32>,
        %get3A_1053 = vector.shape_cast %get3A_1052 : vector<1x16xf32> to vector<16xf32>
        %add3A_1054 = arith.addf %add3A_1047, %get3A_1053 : vector<16xf32>
        %add3A_1055 = arith.constant 30 : i32
        %add3A_1056 = arith.addi %mul3A_497, %add3A_1055 : i32
        %get3A_1057 = arith.index_cast %add3A_1056 : i32 to index
        %get3A_1058 = arith.constant 16 : index
        %get3A_1059 = tpu.vector_load %arg10[%get3A_1057, %get3A_1058] {strides = array<i32>} : memref<800x64xf32, #tpu.memory_space<vmem>>, vector<1x16xf32>,
        %get3A_1060 = vector.shape_cast %get3A_1059 : vector<1x16xf32> to vector<16xf32>
        %add3A_1061 = arith.addf %add3A_1054, %get3A_1060 : vector<16xf32>
        %add3A_1062 = arith.constant 31 : i32
        %add3A_1063 = arith.addi %mul3A_497, %add3A_1062 : i32
        %get3A_1064 = arith.index_cast %add3A_1063 : i32 to index
        %get3A_1065 = arith.constant 16 : index
        %get3A_1066 = tpu.vector_load %arg10[%get3A_1064, %get3A_1065] {strides = array<i32>} : memref<800x64xf32, #tpu.memory_space<vmem>>, vector<1x16xf32>,
        %get3A_1067 = vector.shape_cast %get3A_1066 : vector<1x16xf32> to vector<16xf32>
        %add3A_1068 = arith.addf %add3A_1061, %get3A_1067 : vector<16xf32>
        %add3A_1069 = arith.constant 32 : i32
        %add3A_1070 = arith.addi %mul3A_497, %add3A_1069 : i32
        %get3A_1071 = arith.index_cast %add3A_1070 : i32 to index
        %get3A_1072 = arith.constant 16 : index
        %get3A_1073 = tpu.vector_load %arg10[%get3A_1071, %get3A_1072] {strides = array<i32>} : memref<800x64xf32, #tpu.memory_space<vmem>>, vector<1x16xf32>,
        %get3A_1074 = vector.shape_cast %get3A_1073 : vector<1x16xf32> to vector<16xf32>
        %add3A_1075 = arith.addf %add3A_1068, %get3A_1074 : vector<16xf32>
        %add3A_1076 = arith.constant 33 : i32
        %add3A_1077 = arith.addi %mul3A_497, %add3A_1076 : i32
        %get3A_1078 = arith.index_cast %add3A_1077 : i32 to index
        %get3A_1079 = arith.constant 16 : index
        %get3A_1080 = tpu.vector_load %arg10[%get3A_1078, %get3A_1079] {strides = array<i32>} : memref<800x64xf32, #tpu.memory_space<vmem>>, vector<1x16xf32>,
        %get3A_1081 = vector.shape_cast %get3A_1080 : vector<1x16xf32> to vector<16xf32>
        %add3A_1082 = arith.addf %add3A_1075, %get3A_1081 : vector<16xf32>
        %add3A_1083 = arith.constant 34 : i32
        %add3A_1084 = arith.addi %mul3A_497, %add3A_1083 : i32
        %get3A_1085 = arith.index_cast %add3A_1084 : i32 to index
        %get3A_1086 = arith.constant 16 : index
        %get3A_1087 = tpu.vector_load %arg10[%get3A_1085, %get3A_1086] {strides = array<i32>} : memref<800x64xf32, #tpu.memory_space<vmem>>, vector<1x16xf32>,
        %get3A_1088 = vector.shape_cast %get3A_1087 : vector<1x16xf32> to vector<16xf32>
        %add3A_1089 = arith.addf %add3A_1082, %get3A_1088 : vector<16xf32>
        %add3A_1090 = arith.constant 35 : i32
        %add3A_1091 = arith.addi %mul3A_497, %add3A_1090 : i32
        %get3A_1092 = arith.index_cast %add3A_1091 : i32 to index
        %get3A_1093 = arith.constant 16 : index
        %get3A_1094 = tpu.vector_load %arg10[%get3A_1092, %get3A_1093] {strides = array<i32>} : memref<800x64xf32, #tpu.memory_space<vmem>>, vector<1x16xf32>,
        %get3A_1095 = vector.shape_cast %get3A_1094 : vector<1x16xf32> to vector<16xf32>
        %add3A_1096 = arith.addf %add3A_1089, %get3A_1095 : vector<16xf32>
        %add3A_1097 = arith.constant 36 : i32
        %add3A_1098 = arith.addi %mul3A_497, %add3A_1097 : i32
        %get3A_1099 = arith.index_cast %add3A_1098 : i32 to index
        %get3A_1100 = arith.constant 16 : index
        %get3A_1101 = tpu.vector_load %arg10[%get3A_1099, %get3A_1100] {strides = array<i32>} : memref<800x64xf32, #tpu.memory_space<vmem>>, vector<1x16xf32>,
        %get3A_1102 = vector.shape_cast %get3A_1101 : vector<1x16xf32> to vector<16xf32>
        %add3A_1103 = arith.addf %add3A_1096, %get3A_1102 : vector<16xf32>
        %add3A_1104 = arith.constant 37 : i32
        %add3A_1105 = arith.addi %mul3A_497, %add3A_1104 : i32
        %get3A_1106 = arith.index_cast %add3A_1105 : i32 to index
        %get3A_1107 = arith.constant 16 : index
        %get3A_1108 = tpu.vector_load %arg10[%get3A_1106, %get3A_1107] {strides = array<i32>} : memref<800x64xf32, #tpu.memory_space<vmem>>, vector<1x16xf32>,
        %get3A_1109 = vector.shape_cast %get3A_1108 : vector<1x16xf32> to vector<16xf32>
        %add3A_1110 = arith.addf %add3A_1103, %get3A_1109 : vector<16xf32>
        %add3A_1111 = arith.constant 38 : i32
        %add3A_1112 = arith.addi %mul3A_497, %add3A_1111 : i32
        %get3A_1113 = arith.index_cast %add3A_1112 : i32 to index
        %get3A_1114 = arith.constant 16 : index
        %get3A_1115 = tpu.vector_load %arg10[%get3A_1113, %get3A_1114] {strides = array<i32>} : memref<800x64xf32, #tpu.memory_space<vmem>>, vector<1x16xf32>,
        %get3A_1116 = vector.shape_cast %get3A_1115 : vector<1x16xf32> to vector<16xf32>
        %add3A_1117 = arith.addf %add3A_1110, %get3A_1116 : vector<16xf32>
        %add3A_1118 = arith.constant 39 : i32
        %add3A_1119 = arith.addi %mul3A_497, %add3A_1118 : i32
        %get3A_1120 = arith.index_cast %add3A_1119 : i32 to index
        %get3A_1121 = arith.constant 16 : index
        %get3A_1122 = tpu.vector_load %arg10[%get3A_1120, %get3A_1121] {strides = array<i32>} : memref<800x64xf32, #tpu.memory_space<vmem>>, vector<1x16xf32>,
        %get3A_1123 = vector.shape_cast %get3A_1122 : vector<1x16xf32> to vector<16xf32>
        %add3A_1124 = arith.addf %add3A_1117, %get3A_1123 : vector<16xf32>
        %add3A_1125 = arith.constant 40 : i32
        %add3A_1126 = arith.addi %mul3A_497, %add3A_1125 : i32
        %get3A_1127 = arith.index_cast %add3A_1126 : i32 to index
        %get3A_1128 = arith.constant 16 : index
        %get3A_1129 = tpu.vector_load %arg10[%get3A_1127, %get3A_1128] {strides = array<i32>} : memref<800x64xf32, #tpu.memory_space<vmem>>, vector<1x16xf32>,
        %get3A_1130 = vector.shape_cast %get3A_1129 : vector<1x16xf32> to vector<16xf32>
        %add3A_1131 = arith.addf %add3A_1124, %get3A_1130 : vector<16xf32>
        %add3A_1132 = arith.constant 41 : i32
        %add3A_1133 = arith.addi %mul3A_497, %add3A_1132 : i32
        %get3A_1134 = arith.index_cast %add3A_1133 : i32 to index
        %get3A_1135 = arith.constant 16 : index
        %get3A_1136 = tpu.vector_load %arg10[%get3A_1134, %get3A_1135] {strides = array<i32>} : memref<800x64xf32, #tpu.memory_space<vmem>>, vector<1x16xf32>,
        %get3A_1137 = vector.shape_cast %get3A_1136 : vector<1x16xf32> to vector<16xf32>
        %add3A_1138 = arith.addf %add3A_1131, %get3A_1137 : vector<16xf32>
        %add3A_1139 = arith.constant 42 : i32
        %add3A_1140 = arith.addi %mul3A_497, %add3A_1139 : i32
        %get3A_1141 = arith.index_cast %add3A_1140 : i32 to index
        %get3A_1142 = arith.constant 16 : index
        %get3A_1143 = tpu.vector_load %arg10[%get3A_1141, %get3A_1142] {strides = array<i32>} : memref<800x64xf32, #tpu.memory_space<vmem>>, vector<1x16xf32>,
        %get3A_1144 = vector.shape_cast %get3A_1143 : vector<1x16xf32> to vector<16xf32>
        %add3A_1145 = arith.addf %add3A_1138, %get3A_1144 : vector<16xf32>
        %add3A_1146 = arith.constant 43 : i32
        %add3A_1147 = arith.addi %mul3A_497, %add3A_1146 : i32
        %get3A_1148 = arith.index_cast %add3A_1147 : i32 to index
        %get3A_1149 = arith.constant 16 : index
        %get3A_1150 = tpu.vector_load %arg10[%get3A_1148, %get3A_1149] {strides = array<i32>} : memref<800x64xf32, #tpu.memory_space<vmem>>, vector<1x16xf32>,
        %get3A_1151 = vector.shape_cast %get3A_1150 : vector<1x16xf32> to vector<16xf32>
        %add3A_1152 = arith.addf %add3A_1145, %get3A_1151 : vector<16xf32>
        %add3A_1153 = arith.constant 44 : i32
        %add3A_1154 = arith.addi %mul3A_497, %add3A_1153 : i32
        %get3A_1155 = arith.index_cast %add3A_1154 : i32 to index
        %get3A_1156 = arith.constant 16 : index
        %get3A_1157 = tpu.vector_load %arg10[%get3A_1155, %get3A_1156] {strides = array<i32>} : memref<800x64xf32, #tpu.memory_space<vmem>>, vector<1x16xf32>,
        %get3A_1158 = vector.shape_cast %get3A_1157 : vector<1x16xf32> to vector<16xf32>
        %add3A_1159 = arith.addf %add3A_1152, %get3A_1158 : vector<16xf32>
        %add3A_1160 = arith.constant 45 : i32
        %add3A_1161 = arith.addi %mul3A_497, %add3A_1160 : i32
        %get3A_1162 = arith.index_cast %add3A_1161 : i32 to index
        %get3A_1163 = arith.constant 16 : index
        %get3A_1164 = tpu.vector_load %arg10[%get3A_1162, %get3A_1163] {strides = array<i32>} : memref<800x64xf32, #tpu.memory_space<vmem>>, vector<1x16xf32>,
        %get3A_1165 = vector.shape_cast %get3A_1164 : vector<1x16xf32> to vector<16xf32>
        %add3A_1166 = arith.addf %add3A_1159, %get3A_1165 : vector<16xf32>
        %add3A_1167 = arith.constant 46 : i32
        %add3A_1168 = arith.addi %mul3A_497, %add3A_1167 : i32
        %get3A_1169 = arith.index_cast %add3A_1168 : i32 to index
        %get3A_1170 = arith.constant 16 : index
        %get3A_1171 = tpu.vector_load %arg10[%get3A_1169, %get3A_1170] {strides = array<i32>} : memref<800x64xf32, #tpu.memory_space<vmem>>, vector<1x16xf32>,
        %get3A_1172 = vector.shape_cast %get3A_1171 : vector<1x16xf32> to vector<16xf32>
        %add3A_1173 = arith.addf %add3A_1166, %get3A_1172 : vector<16xf32>
        %add3A_1174 = arith.constant 47 : i32
        %add3A_1175 = arith.addi %mul3A_497, %add3A_1174 : i32
        %get3A_1176 = arith.index_cast %add3A_1175 : i32 to index
        %get3A_1177 = arith.constant 16 : index
        %get3A_1178 = tpu.vector_load %arg10[%get3A_1176, %get3A_1177] {strides = array<i32>} : memref<800x64xf32, #tpu.memory_space<vmem>>, vector<1x16xf32>,
        %get3A_1179 = vector.shape_cast %get3A_1178 : vector<1x16xf32> to vector<16xf32>
        %add3A_1180 = arith.addf %add3A_1173, %get3A_1179 : vector<16xf32>
        %add3A_1181 = arith.constant 48 : i32
        %add3A_1182 = arith.addi %mul3A_497, %add3A_1181 : i32
        %get3A_1183 = arith.index_cast %add3A_1182 : i32 to index
        %get3A_1184 = arith.constant 16 : index
        %get3A_1185 = tpu.vector_load %arg10[%get3A_1183, %get3A_1184] {strides = array<i32>} : memref<800x64xf32, #tpu.memory_space<vmem>>, vector<1x16xf32>,
        %get3A_1186 = vector.shape_cast %get3A_1185 : vector<1x16xf32> to vector<16xf32>
        %add3A_1187 = arith.addf %add3A_1180, %get3A_1186 : vector<16xf32>
        %add3A_1188 = arith.constant 49 : i32
        %add3A_1189 = arith.addi %mul3A_497, %add3A_1188 : i32
        %get3A_1190 = arith.index_cast %add3A_1189 : i32 to index
        %get3A_1191 = arith.constant 16 : index
        %get3A_1192 = tpu.vector_load %arg10[%get3A_1190, %get3A_1191] {strides = array<i32>} : memref<800x64xf32, #tpu.memory_space<vmem>>, vector<1x16xf32>,
        %get3A_1193 = vector.shape_cast %get3A_1192 : vector<1x16xf32> to vector<16xf32>
        %add3A_1194 = arith.addf %add3A_1187, %get3A_1193 : vector<16xf32>
        %swap3A_1195 = arith.index_cast %scan3A_495 : i32 to index
        %swap3A_1196 = arith.constant 16 : index
        %swap3A_1197 = tpu.vector_load %arg12[%swap3A_1195, %swap3A_1196] {strides = array<i32>} : memref<16x64xf32, #tpu.memory_space<vmem>>, vector<1x16xf32>,
        %swap3A_1198 = vector.shape_cast %swap3A_1197 : vector<1x16xf32> to vector<16xf32>
        %swap3A_1199 = vector.shape_cast %add3A_1194 : vector<16xf32> to vector<1x16xf32>
        tpu.vector_store %arg12[%swap3A_1195, %swap3A_1196], %swap3A_1199 {strides = array<i32>} : memref<16x64xf32, #tpu.memory_space<vmem>>, vector<1x16xf32>,
        %get3A_1200 = arith.index_cast %mul3A_497 : i32 to index
        %get3A_1201 = arith.constant 32 : index
        %get3A_1202 = tpu.vector_load %arg10[%get3A_1200, %get3A_1201] {strides = array<i32>} : memref<800x64xf32, #tpu.memory_space<vmem>>, vector<1x16xf32>,
        %get3A_1203 = vector.shape_cast %get3A_1202 : vector<1x16xf32> to vector<16xf32>
        %add3A_1204 = arith.constant 1 : i32
        %add3A_1205 = arith.addi %mul3A_497, %add3A_1204 : i32
        %get3A_1206 = arith.index_cast %add3A_1205 : i32 to index
        %get3A_1207 = arith.constant 32 : index
        %get3A_1208 = tpu.vector_load %arg10[%get3A_1206, %get3A_1207] {strides = array<i32>} : memref<800x64xf32, #tpu.memory_space<vmem>>, vector<1x16xf32>,
        %get3A_1209 = vector.shape_cast %get3A_1208 : vector<1x16xf32> to vector<16xf32>
        %add3A_1210 = arith.addf %get3A_1203, %get3A_1209 : vector<16xf32>
        %add3A_1211 = arith.constant 2 : i32
        %add3A_1212 = arith.addi %mul3A_497, %add3A_1211 : i32
        %get3A_1213 = arith.index_cast %add3A_1212 : i32 to index
        %get3A_1214 = arith.constant 32 : index
        %get3A_1215 = tpu.vector_load %arg10[%get3A_1213, %get3A_1214] {strides = array<i32>} : memref<800x64xf32, #tpu.memory_space<vmem>>, vector<1x16xf32>,
        %get3A_1216 = vector.shape_cast %get3A_1215 : vector<1x16xf32> to vector<16xf32>
        %add3A_1217 = arith.addf %add3A_1210, %get3A_1216 : vector<16xf32>
        %add3A_1218 = arith.constant 3 : i32
        %add3A_1219 = arith.addi %mul3A_497, %add3A_1218 : i32
        %get3A_1220 = arith.index_cast %add3A_1219 : i32 to index
        %get3A_1221 = arith.constant 32 : index
        %get3A_1222 = tpu.vector_load %arg10[%get3A_1220, %get3A_1221] {strides = array<i32>} : memref<800x64xf32, #tpu.memory_space<vmem>>, vector<1x16xf32>,
        %get3A_1223 = vector.shape_cast %get3A_1222 : vector<1x16xf32> to vector<16xf32>
        %add3A_1224 = arith.addf %add3A_1217, %get3A_1223 : vector<16xf32>
        %add3A_1225 = arith.constant 4 : i32
        %add3A_1226 = arith.addi %mul3A_497, %add3A_1225 : i32
        %get3A_1227 = arith.index_cast %add3A_1226 : i32 to index
        %get3A_1228 = arith.constant 32 : index
        %get3A_1229 = tpu.vector_load %arg10[%get3A_1227, %get3A_1228] {strides = array<i32>} : memref<800x64xf32, #tpu.memory_space<vmem>>, vector<1x16xf32>,
        %get3A_1230 = vector.shape_cast %get3A_1229 : vector<1x16xf32> to vector<16xf32>
        %add3A_1231 = arith.addf %add3A_1224, %get3A_1230 : vector<16xf32>
        %add3A_1232 = arith.constant 5 : i32
        %add3A_1233 = arith.addi %mul3A_497, %add3A_1232 : i32
        %get3A_1234 = arith.index_cast %add3A_1233 : i32 to index
        %get3A_1235 = arith.constant 32 : index
        %get3A_1236 = tpu.vector_load %arg10[%get3A_1234, %get3A_1235] {strides = array<i32>} : memref<800x64xf32, #tpu.memory_space<vmem>>, vector<1x16xf32>,
        %get3A_1237 = vector.shape_cast %get3A_1236 : vector<1x16xf32> to vector<16xf32>
        %add3A_1238 = arith.addf %add3A_1231, %get3A_1237 : vector<16xf32>
        %add3A_1239 = arith.constant 6 : i32
        %add3A_1240 = arith.addi %mul3A_497, %add3A_1239 : i32
        %get3A_1241 = arith.index_cast %add3A_1240 : i32 to index
        %get3A_1242 = arith.constant 32 : index
        %get3A_1243 = tpu.vector_load %arg10[%get3A_1241, %get3A_1242] {strides = array<i32>} : memref<800x64xf32, #tpu.memory_space<vmem>>, vector<1x16xf32>,
        %get3A_1244 = vector.shape_cast %get3A_1243 : vector<1x16xf32> to vector<16xf32>
        %add3A_1245 = arith.addf %add3A_1238, %get3A_1244 : vector<16xf32>
        %add3A_1246 = arith.constant 7 : i32
        %add3A_1247 = arith.addi %mul3A_497, %add3A_1246 : i32
        %get3A_1248 = arith.index_cast %add3A_1247 : i32 to index
        %get3A_1249 = arith.constant 32 : index
        %get3A_1250 = tpu.vector_load %arg10[%get3A_1248, %get3A_1249] {strides = array<i32>} : memref<800x64xf32, #tpu.memory_space<vmem>>, vector<1x16xf32>,
        %get3A_1251 = vector.shape_cast %get3A_1250 : vector<1x16xf32> to vector<16xf32>
        %add3A_1252 = arith.addf %add3A_1245, %get3A_1251 : vector<16xf32>
        %add3A_1253 = arith.constant 8 : i32
        %add3A_1254 = arith.addi %mul3A_497, %add3A_1253 : i32
        %get3A_1255 = arith.index_cast %add3A_1254 : i32 to index
        %get3A_1256 = arith.constant 32 : index
        %get3A_1257 = tpu.vector_load %arg10[%get3A_1255, %get3A_1256] {strides = array<i32>} : memref<800x64xf32, #tpu.memory_space<vmem>>, vector<1x16xf32>,
        %get3A_1258 = vector.shape_cast %get3A_1257 : vector<1x16xf32> to vector<16xf32>
        %add3A_1259 = arith.addf %add3A_1252, %get3A_1258 : vector<16xf32>
        %add3A_1260 = arith.constant 9 : i32
        %add3A_1261 = arith.addi %mul3A_497, %add3A_1260 : i32
        %get3A_1262 = arith.index_cast %add3A_1261 : i32 to index
        %get3A_1263 = arith.constant 32 : index
        %get3A_1264 = tpu.vector_load %arg10[%get3A_1262, %get3A_1263] {strides = array<i32>} : memref<800x64xf32, #tpu.memory_space<vmem>>, vector<1x16xf32>,
        %get3A_1265 = vector.shape_cast %get3A_1264 : vector<1x16xf32> to vector<16xf32>
        %add3A_1266 = arith.addf %add3A_1259, %get3A_1265 : vector<16xf32>
        %add3A_1267 = arith.constant 10 : i32
        %add3A_1268 = arith.addi %mul3A_497, %add3A_1267 : i32
        %get3A_1269 = arith.index_cast %add3A_1268 : i32 to index
        %get3A_1270 = arith.constant 32 : index
        %get3A_1271 = tpu.vector_load %arg10[%get3A_1269, %get3A_1270] {strides = array<i32>} : memref<800x64xf32, #tpu.memory_space<vmem>>, vector<1x16xf32>,
        %get3A_1272 = vector.shape_cast %get3A_1271 : vector<1x16xf32> to vector<16xf32>
        %add3A_1273 = arith.addf %add3A_1266, %get3A_1272 : vector<16xf32>
        %add3A_1274 = arith.constant 11 : i32
        %add3A_1275 = arith.addi %mul3A_497, %add3A_1274 : i32
        %get3A_1276 = arith.index_cast %add3A_1275 : i32 to index
        %get3A_1277 = arith.constant 32 : index
        %get3A_1278 = tpu.vector_load %arg10[%get3A_1276, %get3A_1277] {strides = array<i32>} : memref<800x64xf32, #tpu.memory_space<vmem>>, vector<1x16xf32>,
        %get3A_1279 = vector.shape_cast %get3A_1278 : vector<1x16xf32> to vector<16xf32>
        %add3A_1280 = arith.addf %add3A_1273, %get3A_1279 : vector<16xf32>
        %add3A_1281 = arith.constant 12 : i32
        %add3A_1282 = arith.addi %mul3A_497, %add3A_1281 : i32
        %get3A_1283 = arith.index_cast %add3A_1282 : i32 to index
        %get3A_1284 = arith.constant 32 : index
        %get3A_1285 = tpu.vector_load %arg10[%get3A_1283, %get3A_1284] {strides = array<i32>} : memref<800x64xf32, #tpu.memory_space<vmem>>, vector<1x16xf32>,
        %get3A_1286 = vector.shape_cast %get3A_1285 : vector<1x16xf32> to vector<16xf32>
        %add3A_1287 = arith.addf %add3A_1280, %get3A_1286 : vector<16xf32>
        %add3A_1288 = arith.constant 13 : i32
        %add3A_1289 = arith.addi %mul3A_497, %add3A_1288 : i32
        %get3A_1290 = arith.index_cast %add3A_1289 : i32 to index
        %get3A_1291 = arith.constant 32 : index
        %get3A_1292 = tpu.vector_load %arg10[%get3A_1290, %get3A_1291] {strides = array<i32>} : memref<800x64xf32, #tpu.memory_space<vmem>>, vector<1x16xf32>,
        %get3A_1293 = vector.shape_cast %get3A_1292 : vector<1x16xf32> to vector<16xf32>
        %add3A_1294 = arith.addf %add3A_1287, %get3A_1293 : vector<16xf32>
        %add3A_1295 = arith.constant 14 : i32
        %add3A_1296 = arith.addi %mul3A_497, %add3A_1295 : i32
        %get3A_1297 = arith.index_cast %add3A_1296 : i32 to index
        %get3A_1298 = arith.constant 32 : index
        %get3A_1299 = tpu.vector_load %arg10[%get3A_1297, %get3A_1298] {strides = array<i32>} : memref<800x64xf32, #tpu.memory_space<vmem>>, vector<1x16xf32>,
        %get3A_1300 = vector.shape_cast %get3A_1299 : vector<1x16xf32> to vector<16xf32>
        %add3A_1301 = arith.addf %add3A_1294, %get3A_1300 : vector<16xf32>
        %add3A_1302 = arith.constant 15 : i32
        %add3A_1303 = arith.addi %mul3A_497, %add3A_1302 : i32
        %get3A_1304 = arith.index_cast %add3A_1303 : i32 to index
        %get3A_1305 = arith.constant 32 : index
        %get3A_1306 = tpu.vector_load %arg10[%get3A_1304, %get3A_1305] {strides = array<i32>} : memref<800x64xf32, #tpu.memory_space<vmem>>, vector<1x16xf32>,
        %get3A_1307 = vector.shape_cast %get3A_1306 : vector<1x16xf32> to vector<16xf32>
        %add3A_1308 = arith.addf %add3A_1301, %get3A_1307 : vector<16xf32>
        %add3A_1309 = arith.constant 16 : i32
        %add3A_1310 = arith.addi %mul3A_497, %add3A_1309 : i32
        %get3A_1311 = arith.index_cast %add3A_1310 : i32 to index
        %get3A_1312 = arith.constant 32 : index
        %get3A_1313 = tpu.vector_load %arg10[%get3A_1311, %get3A_1312] {strides = array<i32>} : memref<800x64xf32, #tpu.memory_space<vmem>>, vector<1x16xf32>,
        %get3A_1314 = vector.shape_cast %get3A_1313 : vector<1x16xf32> to vector<16xf32>
        %add3A_1315 = arith.addf %add3A_1308, %get3A_1314 : vector<16xf32>
        %add3A_1316 = arith.constant 17 : i32
        %add3A_1317 = arith.addi %mul3A_497, %add3A_1316 : i32
        %get3A_1318 = arith.index_cast %add3A_1317 : i32 to index
        %get3A_1319 = arith.constant 32 : index
        %get3A_1320 = tpu.vector_load %arg10[%get3A_1318, %get3A_1319] {strides = array<i32>} : memref<800x64xf32, #tpu.memory_space<vmem>>, vector<1x16xf32>,
        %get3A_1321 = vector.shape_cast %get3A_1320 : vector<1x16xf32> to vector<16xf32>
        %add3A_1322 = arith.addf %add3A_1315, %get3A_1321 : vector<16xf32>
        %add3A_1323 = arith.constant 18 : i32
        %add3A_1324 = arith.addi %mul3A_497, %add3A_1323 : i32
        %get3A_1325 = arith.index_cast %add3A_1324 : i32 to index
        %get3A_1326 = arith.constant 32 : index
        %get3A_1327 = tpu.vector_load %arg10[%get3A_1325, %get3A_1326] {strides = array<i32>} : memref<800x64xf32, #tpu.memory_space<vmem>>, vector<1x16xf32>,
        %get3A_1328 = vector.shape_cast %get3A_1327 : vector<1x16xf32> to vector<16xf32>
        %add3A_1329 = arith.addf %add3A_1322, %get3A_1328 : vector<16xf32>
        %add3A_1330 = arith.constant 19 : i32
        %add3A_1331 = arith.addi %mul3A_497, %add3A_1330 : i32
        %get3A_1332 = arith.index_cast %add3A_1331 : i32 to index
        %get3A_1333 = arith.constant 32 : index
        %get3A_1334 = tpu.vector_load %arg10[%get3A_1332, %get3A_1333] {strides = array<i32>} : memref<800x64xf32, #tpu.memory_space<vmem>>, vector<1x16xf32>,
        %get3A_1335 = vector.shape_cast %get3A_1334 : vector<1x16xf32> to vector<16xf32>
        %add3A_1336 = arith.addf %add3A_1329, %get3A_1335 : vector<16xf32>
        %add3A_1337 = arith.constant 20 : i32
        %add3A_1338 = arith.addi %mul3A_497, %add3A_1337 : i32
        %get3A_1339 = arith.index_cast %add3A_1338 : i32 to index
        %get3A_1340 = arith.constant 32 : index
        %get3A_1341 = tpu.vector_load %arg10[%get3A_1339, %get3A_1340] {strides = array<i32>} : memref<800x64xf32, #tpu.memory_space<vmem>>, vector<1x16xf32>,
        %get3A_1342 = vector.shape_cast %get3A_1341 : vector<1x16xf32> to vector<16xf32>
        %add3A_1343 = arith.addf %add3A_1336, %get3A_1342 : vector<16xf32>
        %add3A_1344 = arith.constant 21 : i32
        %add3A_1345 = arith.addi %mul3A_497, %add3A_1344 : i32
        %get3A_1346 = arith.index_cast %add3A_1345 : i32 to index
        %get3A_1347 = arith.constant 32 : index
        %get3A_1348 = tpu.vector_load %arg10[%get3A_1346, %get3A_1347] {strides = array<i32>} : memref<800x64xf32, #tpu.memory_space<vmem>>, vector<1x16xf32>,
        %get3A_1349 = vector.shape_cast %get3A_1348 : vector<1x16xf32> to vector<16xf32>
        %add3A_1350 = arith.addf %add3A_1343, %get3A_1349 : vector<16xf32>
        %add3A_1351 = arith.constant 22 : i32
        %add3A_1352 = arith.addi %mul3A_497, %add3A_1351 : i32
        %get3A_1353 = arith.index_cast %add3A_1352 : i32 to index
        %get3A_1354 = arith.constant 32 : index
        %get3A_1355 = tpu.vector_load %arg10[%get3A_1353, %get3A_1354] {strides = array<i32>} : memref<800x64xf32, #tpu.memory_space<vmem>>, vector<1x16xf32>,
        %get3A_1356 = vector.shape_cast %get3A_1355 : vector<1x16xf32> to vector<16xf32>
        %add3A_1357 = arith.addf %add3A_1350, %get3A_1356 : vector<16xf32>
        %add3A_1358 = arith.constant 23 : i32
        %add3A_1359 = arith.addi %mul3A_497, %add3A_1358 : i32
        %get3A_1360 = arith.index_cast %add3A_1359 : i32 to index
        %get3A_1361 = arith.constant 32 : index
        %get3A_1362 = tpu.vector_load %arg10[%get3A_1360, %get3A_1361] {strides = array<i32>} : memref<800x64xf32, #tpu.memory_space<vmem>>, vector<1x16xf32>,
        %get3A_1363 = vector.shape_cast %get3A_1362 : vector<1x16xf32> to vector<16xf32>
        %add3A_1364 = arith.addf %add3A_1357, %get3A_1363 : vector<16xf32>
        %add3A_1365 = arith.constant 24 : i32
        %add3A_1366 = arith.addi %mul3A_497, %add3A_1365 : i32
        %get3A_1367 = arith.index_cast %add3A_1366 : i32 to index
        %get3A_1368 = arith.constant 32 : index
        %get3A_1369 = tpu.vector_load %arg10[%get3A_1367, %get3A_1368] {strides = array<i32>} : memref<800x64xf32, #tpu.memory_space<vmem>>, vector<1x16xf32>,
        %get3A_1370 = vector.shape_cast %get3A_1369 : vector<1x16xf32> to vector<16xf32>
        %add3A_1371 = arith.addf %add3A_1364, %get3A_1370 : vector<16xf32>
        %add3A_1372 = arith.constant 25 : i32
        %add3A_1373 = arith.addi %mul3A_497, %add3A_1372 : i32
        %get3A_1374 = arith.index_cast %add3A_1373 : i32 to index
        %get3A_1375 = arith.constant 32 : index
        %get3A_1376 = tpu.vector_load %arg10[%get3A_1374, %get3A_1375] {strides = array<i32>} : memref<800x64xf32, #tpu.memory_space<vmem>>, vector<1x16xf32>,
        %get3A_1377 = vector.shape_cast %get3A_1376 : vector<1x16xf32> to vector<16xf32>
        %add3A_1378 = arith.addf %add3A_1371, %get3A_1377 : vector<16xf32>
        %add3A_1379 = arith.constant 26 : i32
        %add3A_1380 = arith.addi %mul3A_497, %add3A_1379 : i32
        %get3A_1381 = arith.index_cast %add3A_1380 : i32 to index
        %get3A_1382 = arith.constant 32 : index
        %get3A_1383 = tpu.vector_load %arg10[%get3A_1381, %get3A_1382] {strides = array<i32>} : memref<800x64xf32, #tpu.memory_space<vmem>>, vector<1x16xf32>,
        %get3A_1384 = vector.shape_cast %get3A_1383 : vector<1x16xf32> to vector<16xf32>
        %add3A_1385 = arith.addf %add3A_1378, %get3A_1384 : vector<16xf32>
        %add3A_1386 = arith.constant 27 : i32
        %add3A_1387 = arith.addi %mul3A_497, %add3A_1386 : i32
        %get3A_1388 = arith.index_cast %add3A_1387 : i32 to index
        %get3A_1389 = arith.constant 32 : index
        %get3A_1390 = tpu.vector_load %arg10[%get3A_1388, %get3A_1389] {strides = array<i32>} : memref<800x64xf32, #tpu.memory_space<vmem>>, vector<1x16xf32>,
        %get3A_1391 = vector.shape_cast %get3A_1390 : vector<1x16xf32> to vector<16xf32>
        %add3A_1392 = arith.addf %add3A_1385, %get3A_1391 : vector<16xf32>
        %add3A_1393 = arith.constant 28 : i32
        %add3A_1394 = arith.addi %mul3A_497, %add3A_1393 : i32
        %get3A_1395 = arith.index_cast %add3A_1394 : i32 to index
        %get3A_1396 = arith.constant 32 : index
        %get3A_1397 = tpu.vector_load %arg10[%get3A_1395, %get3A_1396] {strides = array<i32>} : memref<800x64xf32, #tpu.memory_space<vmem>>, vector<1x16xf32>,
        %get3A_1398 = vector.shape_cast %get3A_1397 : vector<1x16xf32> to vector<16xf32>
        %add3A_1399 = arith.addf %add3A_1392, %get3A_1398 : vector<16xf32>
        %add3A_1400 = arith.constant 29 : i32
        %add3A_1401 = arith.addi %mul3A_497, %add3A_1400 : i32
        %get3A_1402 = arith.index_cast %add3A_1401 : i32 to index
        %get3A_1403 = arith.constant 32 : index
        %get3A_1404 = tpu.vector_load %arg10[%get3A_1402, %get3A_1403] {strides = array<i32>} : memref<800x64xf32, #tpu.memory_space<vmem>>, vector<1x16xf32>,
        %get3A_1405 = vector.shape_cast %get3A_1404 : vector<1x16xf32> to vector<16xf32>
        %add3A_1406 = arith.addf %add3A_1399, %get3A_1405 : vector<16xf32>
        %add3A_1407 = arith.constant 30 : i32
        %add3A_1408 = arith.addi %mul3A_497, %add3A_1407 : i32
        %get3A_1409 = arith.index_cast %add3A_1408 : i32 to index
        %get3A_1410 = arith.constant 32 : index
        %get3A_1411 = tpu.vector_load %arg10[%get3A_1409, %get3A_1410] {strides = array<i32>} : memref<800x64xf32, #tpu.memory_space<vmem>>, vector<1x16xf32>,
        %get3A_1412 = vector.shape_cast %get3A_1411 : vector<1x16xf32> to vector<16xf32>
        %add3A_1413 = arith.addf %add3A_1406, %get3A_1412 : vector<16xf32>
        %add3A_1414 = arith.constant 31 : i32
        %add3A_1415 = arith.addi %mul3A_497, %add3A_1414 : i32
        %get3A_1416 = arith.index_cast %add3A_1415 : i32 to index
        %get3A_1417 = arith.constant 32 : index
        %get3A_1418 = tpu.vector_load %arg10[%get3A_1416, %get3A_1417] {strides = array<i32>} : memref<800x64xf32, #tpu.memory_space<vmem>>, vector<1x16xf32>,
        %get3A_1419 = vector.shape_cast %get3A_1418 : vector<1x16xf32> to vector<16xf32>
        %add3A_1420 = arith.addf %add3A_1413, %get3A_1419 : vector<16xf32>
        %add3A_1421 = arith.constant 32 : i32
        %add3A_1422 = arith.addi %mul3A_497, %add3A_1421 : i32
        %get3A_1423 = arith.index_cast %add3A_1422 : i32 to index
        %get3A_1424 = arith.constant 32 : index
        %get3A_1425 = tpu.vector_load %arg10[%get3A_1423, %get3A_1424] {strides = array<i32>} : memref<800x64xf32, #tpu.memory_space<vmem>>, vector<1x16xf32>,
        %get3A_1426 = vector.shape_cast %get3A_1425 : vector<1x16xf32> to vector<16xf32>
        %add3A_1427 = arith.addf %add3A_1420, %get3A_1426 : vector<16xf32>
        %add3A_1428 = arith.constant 33 : i32
        %add3A_1429 = arith.addi %mul3A_497, %add3A_1428 : i32
        %get3A_1430 = arith.index_cast %add3A_1429 : i32 to index
        %get3A_1431 = arith.constant 32 : index
        %get3A_1432 = tpu.vector_load %arg10[%get3A_1430, %get3A_1431] {strides = array<i32>} : memref<800x64xf32, #tpu.memory_space<vmem>>, vector<1x16xf32>,
        %get3A_1433 = vector.shape_cast %get3A_1432 : vector<1x16xf32> to vector<16xf32>
        %add3A_1434 = arith.addf %add3A_1427, %get3A_1433 : vector<16xf32>
        %add3A_1435 = arith.constant 34 : i32
        %add3A_1436 = arith.addi %mul3A_497, %add3A_1435 : i32
        %get3A_1437 = arith.index_cast %add3A_1436 : i32 to index
        %get3A_1438 = arith.constant 32 : index
        %get3A_1439 = tpu.vector_load %arg10[%get3A_1437, %get3A_1438] {strides = array<i32>} : memref<800x64xf32, #tpu.memory_space<vmem>>, vector<1x16xf32>,
        %get3A_1440 = vector.shape_cast %get3A_1439 : vector<1x16xf32> to vector<16xf32>
        %add3A_1441 = arith.addf %add3A_1434, %get3A_1440 : vector<16xf32>
        %add3A_1442 = arith.constant 35 : i32
        %add3A_1443 = arith.addi %mul3A_497, %add3A_1442 : i32
        %get3A_1444 = arith.index_cast %add3A_1443 : i32 to index
        %get3A_1445 = arith.constant 32 : index
        %get3A_1446 = tpu.vector_load %arg10[%get3A_1444, %get3A_1445] {strides = array<i32>} : memref<800x64xf32, #tpu.memory_space<vmem>>, vector<1x16xf32>,
        %get3A_1447 = vector.shape_cast %get3A_1446 : vector<1x16xf32> to vector<16xf32>
        %add3A_1448 = arith.addf %add3A_1441, %get3A_1447 : vector<16xf32>
        %add3A_1449 = arith.constant 36 : i32
        %add3A_1450 = arith.addi %mul3A_497, %add3A_1449 : i32
        %get3A_1451 = arith.index_cast %add3A_1450 : i32 to index
        %get3A_1452 = arith.constant 32 : index
        %get3A_1453 = tpu.vector_load %arg10[%get3A_1451, %get3A_1452] {strides = array<i32>} : memref<800x64xf32, #tpu.memory_space<vmem>>, vector<1x16xf32>,
        %get3A_1454 = vector.shape_cast %get3A_1453 : vector<1x16xf32> to vector<16xf32>
        %add3A_1455 = arith.addf %add3A_1448, %get3A_1454 : vector<16xf32>
        %add3A_1456 = arith.constant 37 : i32
        %add3A_1457 = arith.addi %mul3A_497, %add3A_1456 : i32
        %get3A_1458 = arith.index_cast %add3A_1457 : i32 to index
        %get3A_1459 = arith.constant 32 : index
        %get3A_1460 = tpu.vector_load %arg10[%get3A_1458, %get3A_1459] {strides = array<i32>} : memref<800x64xf32, #tpu.memory_space<vmem>>, vector<1x16xf32>,
        %get3A_1461 = vector.shape_cast %get3A_1460 : vector<1x16xf32> to vector<16xf32>
        %add3A_1462 = arith.addf %add3A_1455, %get3A_1461 : vector<16xf32>
        %add3A_1463 = arith.constant 38 : i32
        %add3A_1464 = arith.addi %mul3A_497, %add3A_1463 : i32
        %get3A_1465 = arith.index_cast %add3A_1464 : i32 to index
        %get3A_1466 = arith.constant 32 : index
        %get3A_1467 = tpu.vector_load %arg10[%get3A_1465, %get3A_1466] {strides = array<i32>} : memref<800x64xf32, #tpu.memory_space<vmem>>, vector<1x16xf32>,
        %get3A_1468 = vector.shape_cast %get3A_1467 : vector<1x16xf32> to vector<16xf32>
        %add3A_1469 = arith.addf %add3A_1462, %get3A_1468 : vector<16xf32>
        %add3A_1470 = arith.constant 39 : i32
        %add3A_1471 = arith.addi %mul3A_497, %add3A_1470 : i32
        %get3A_1472 = arith.index_cast %add3A_1471 : i32 to index
        %get3A_1473 = arith.constant 32 : index
        %get3A_1474 = tpu.vector_load %arg10[%get3A_1472, %get3A_1473] {strides = array<i32>} : memref<800x64xf32, #tpu.memory_space<vmem>>, vector<1x16xf32>,
        %get3A_1475 = vector.shape_cast %get3A_1474 : vector<1x16xf32> to vector<16xf32>
        %add3A_1476 = arith.addf %add3A_1469, %get3A_1475 : vector<16xf32>
        %add3A_1477 = arith.constant 40 : i32
        %add3A_1478 = arith.addi %mul3A_497, %add3A_1477 : i32
        %get3A_1479 = arith.index_cast %add3A_1478 : i32 to index
        %get3A_1480 = arith.constant 32 : index
        %get3A_1481 = tpu.vector_load %arg10[%get3A_1479, %get3A_1480] {strides = array<i32>} : memref<800x64xf32, #tpu.memory_space<vmem>>, vector<1x16xf32>,
        %get3A_1482 = vector.shape_cast %get3A_1481 : vector<1x16xf32> to vector<16xf32>
        %add3A_1483 = arith.addf %add3A_1476, %get3A_1482 : vector<16xf32>
        %add3A_1484 = arith.constant 41 : i32
        %add3A_1485 = arith.addi %mul3A_497, %add3A_1484 : i32
        %get3A_1486 = arith.index_cast %add3A_1485 : i32 to index
        %get3A_1487 = arith.constant 32 : index
        %get3A_1488 = tpu.vector_load %arg10[%get3A_1486, %get3A_1487] {strides = array<i32>} : memref<800x64xf32, #tpu.memory_space<vmem>>, vector<1x16xf32>,
        %get3A_1489 = vector.shape_cast %get3A_1488 : vector<1x16xf32> to vector<16xf32>
        %add3A_1490 = arith.addf %add3A_1483, %get3A_1489 : vector<16xf32>
        %add3A_1491 = arith.constant 42 : i32
        %add3A_1492 = arith.addi %mul3A_497, %add3A_1491 : i32
        %get3A_1493 = arith.index_cast %add3A_1492 : i32 to index
        %get3A_1494 = arith.constant 32 : index
        %get3A_1495 = tpu.vector_load %arg10[%get3A_1493, %get3A_1494] {strides = array<i32>} : memref<800x64xf32, #tpu.memory_space<vmem>>, vector<1x16xf32>,
        %get3A_1496 = vector.shape_cast %get3A_1495 : vector<1x16xf32> to vector<16xf32>
        %add3A_1497 = arith.addf %add3A_1490, %get3A_1496 : vector<16xf32>
        %add3A_1498 = arith.constant 43 : i32
        %add3A_1499 = arith.addi %mul3A_497, %add3A_1498 : i32
        %get3A_1500 = arith.index_cast %add3A_1499 : i32 to index
        %get3A_1501 = arith.constant 32 : index
        %get3A_1502 = tpu.vector_load %arg10[%get3A_1500, %get3A_1501] {strides = array<i32>} : memref<800x64xf32, #tpu.memory_space<vmem>>, vector<1x16xf32>,
        %get3A_1503 = vector.shape_cast %get3A_1502 : vector<1x16xf32> to vector<16xf32>
        %add3A_1504 = arith.addf %add3A_1497, %get3A_1503 : vector<16xf32>
        %add3A_1505 = arith.constant 44 : i32
        %add3A_1506 = arith.addi %mul3A_497, %add3A_1505 : i32
        %get3A_1507 = arith.index_cast %add3A_1506 : i32 to index
        %get3A_1508 = arith.constant 32 : index
        %get3A_1509 = tpu.vector_load %arg10[%get3A_1507, %get3A_1508] {strides = array<i32>} : memref<800x64xf32, #tpu.memory_space<vmem>>, vector<1x16xf32>,
        %get3A_1510 = vector.shape_cast %get3A_1509 : vector<1x16xf32> to vector<16xf32>
        %add3A_1511 = arith.addf %add3A_1504, %get3A_1510 : vector<16xf32>
        %add3A_1512 = arith.constant 45 : i32
        %add3A_1513 = arith.addi %mul3A_497, %add3A_1512 : i32
        %get3A_1514 = arith.index_cast %add3A_1513 : i32 to index
        %get3A_1515 = arith.constant 32 : index
        %get3A_1516 = tpu.vector_load %arg10[%get3A_1514, %get3A_1515] {strides = array<i32>} : memref<800x64xf32, #tpu.memory_space<vmem>>, vector<1x16xf32>,
        %get3A_1517 = vector.shape_cast %get3A_1516 : vector<1x16xf32> to vector<16xf32>
        %add3A_1518 = arith.addf %add3A_1511, %get3A_1517 : vector<16xf32>
        %add3A_1519 = arith.constant 46 : i32
        %add3A_1520 = arith.addi %mul3A_497, %add3A_1519 : i32
        %get3A_1521 = arith.index_cast %add3A_1520 : i32 to index
        %get3A_1522 = arith.constant 32 : index
        %get3A_1523 = tpu.vector_load %arg10[%get3A_1521, %get3A_1522] {strides = array<i32>} : memref<800x64xf32, #tpu.memory_space<vmem>>, vector<1x16xf32>,
        %get3A_1524 = vector.shape_cast %get3A_1523 : vector<1x16xf32> to vector<16xf32>
        %add3A_1525 = arith.addf %add3A_1518, %get3A_1524 : vector<16xf32>
        %add3A_1526 = arith.constant 47 : i32
        %add3A_1527 = arith.addi %mul3A_497, %add3A_1526 : i32
        %get3A_1528 = arith.index_cast %add3A_1527 : i32 to index
        %get3A_1529 = arith.constant 32 : index
        %get3A_1530 = tpu.vector_load %arg10[%get3A_1528, %get3A_1529] {strides = array<i32>} : memref<800x64xf32, #tpu.memory_space<vmem>>, vector<1x16xf32>,
        %get3A_1531 = vector.shape_cast %get3A_1530 : vector<1x16xf32> to vector<16xf32>
        %add3A_1532 = arith.addf %add3A_1525, %get3A_1531 : vector<16xf32>
        %add3A_1533 = arith.constant 48 : i32
        %add3A_1534 = arith.addi %mul3A_497, %add3A_1533 : i32
        %get3A_1535 = arith.index_cast %add3A_1534 : i32 to index
        %get3A_1536 = arith.constant 32 : index
        %get3A_1537 = tpu.vector_load %arg10[%get3A_1535, %get3A_1536] {strides = array<i32>} : memref<800x64xf32, #tpu.memory_space<vmem>>, vector<1x16xf32>,
        %get3A_1538 = vector.shape_cast %get3A_1537 : vector<1x16xf32> to vector<16xf32>
        %add3A_1539 = arith.addf %add3A_1532, %get3A_1538 : vector<16xf32>
        %add3A_1540 = arith.constant 49 : i32
        %add3A_1541 = arith.addi %mul3A_497, %add3A_1540 : i32
        %get3A_1542 = arith.index_cast %add3A_1541 : i32 to index
        %get3A_1543 = arith.constant 32 : index
        %get3A_1544 = tpu.vector_load %arg10[%get3A_1542, %get3A_1543] {strides = array<i32>} : memref<800x64xf32, #tpu.memory_space<vmem>>, vector<1x16xf32>,
        %get3A_1545 = vector.shape_cast %get3A_1544 : vector<1x16xf32> to vector<16xf32>
        %add3A_1546 = arith.addf %add3A_1539, %get3A_1545 : vector<16xf32>
        %swap3A_1547 = arith.index_cast %scan3A_495 : i32 to index
        %swap3A_1548 = arith.constant 32 : index
        %swap3A_1549 = tpu.vector_load %arg12[%swap3A_1547, %swap3A_1548] {strides = array<i32>} : memref<16x64xf32, #tpu.memory_space<vmem>>, vector<1x16xf32>,
        %swap3A_1550 = vector.shape_cast %swap3A_1549 : vector<1x16xf32> to vector<16xf32>
        %swap3A_1551 = vector.shape_cast %add3A_1546 : vector<16xf32> to vector<1x16xf32>
        tpu.vector_store %arg12[%swap3A_1547, %swap3A_1548], %swap3A_1551 {strides = array<i32>} : memref<16x64xf32, #tpu.memory_space<vmem>>, vector<1x16xf32>,
        %get3A_1552 = arith.index_cast %mul3A_497 : i32 to index
        %get3A_1553 = arith.constant 48 : index
        %get3A_1554 = tpu.vector_load %arg10[%get3A_1552, %get3A_1553] {strides = array<i32>} : memref<800x64xf32, #tpu.memory_space<vmem>>, vector<1x16xf32>,
        %get3A_1555 = vector.shape_cast %get3A_1554 : vector<1x16xf32> to vector<16xf32>
        %add3A_1556 = arith.constant 1 : i32
        %add3A_1557 = arith.addi %mul3A_497, %add3A_1556 : i32
        %get3A_1558 = arith.index_cast %add3A_1557 : i32 to index
        %get3A_1559 = arith.constant 48 : index
        %get3A_1560 = tpu.vector_load %arg10[%get3A_1558, %get3A_1559] {strides = array<i32>} : memref<800x64xf32, #tpu.memory_space<vmem>>, vector<1x16xf32>,
        %get3A_1561 = vector.shape_cast %get3A_1560 : vector<1x16xf32> to vector<16xf32>
        %add3A_1562 = arith.addf %get3A_1555, %get3A_1561 : vector<16xf32>
        %add3A_1563 = arith.constant 2 : i32
        %add3A_1564 = arith.addi %mul3A_497, %add3A_1563 : i32
        %get3A_1565 = arith.index_cast %add3A_1564 : i32 to index
        %get3A_1566 = arith.constant 48 : index
        %get3A_1567 = tpu.vector_load %arg10[%get3A_1565, %get3A_1566] {strides = array<i32>} : memref<800x64xf32, #tpu.memory_space<vmem>>, vector<1x16xf32>,
        %get3A_1568 = vector.shape_cast %get3A_1567 : vector<1x16xf32> to vector<16xf32>
        %add3A_1569 = arith.addf %add3A_1562, %get3A_1568 : vector<16xf32>
        %add3A_1570 = arith.constant 3 : i32
        %add3A_1571 = arith.addi %mul3A_497, %add3A_1570 : i32
        %get3A_1572 = arith.index_cast %add3A_1571 : i32 to index
        %get3A_1573 = arith.constant 48 : index
        %get3A_1574 = tpu.vector_load %arg10[%get3A_1572, %get3A_1573] {strides = array<i32>} : memref<800x64xf32, #tpu.memory_space<vmem>>, vector<1x16xf32>,
        %get3A_1575 = vector.shape_cast %get3A_1574 : vector<1x16xf32> to vector<16xf32>
        %add3A_1576 = arith.addf %add3A_1569, %get3A_1575 : vector<16xf32>
        %add3A_1577 = arith.constant 4 : i32
        %add3A_1578 = arith.addi %mul3A_497, %add3A_1577 : i32
        %get3A_1579 = arith.index_cast %add3A_1578 : i32 to index
        %get3A_1580 = arith.constant 48 : index
        %get3A_1581 = tpu.vector_load %arg10[%get3A_1579, %get3A_1580] {strides = array<i32>} : memref<800x64xf32, #tpu.memory_space<vmem>>, vector<1x16xf32>,
        %get3A_1582 = vector.shape_cast %get3A_1581 : vector<1x16xf32> to vector<16xf32>
        %add3A_1583 = arith.addf %add3A_1576, %get3A_1582 : vector<16xf32>
        %add3A_1584 = arith.constant 5 : i32
        %add3A_1585 = arith.addi %mul3A_497, %add3A_1584 : i32
        %get3A_1586 = arith.index_cast %add3A_1585 : i32 to index
        %get3A_1587 = arith.constant 48 : index
        %get3A_1588 = tpu.vector_load %arg10[%get3A_1586, %get3A_1587] {strides = array<i32>} : memref<800x64xf32, #tpu.memory_space<vmem>>, vector<1x16xf32>,
        %get3A_1589 = vector.shape_cast %get3A_1588 : vector<1x16xf32> to vector<16xf32>
        %add3A_1590 = arith.addf %add3A_1583, %get3A_1589 : vector<16xf32>
        %add3A_1591 = arith.constant 6 : i32
        %add3A_1592 = arith.addi %mul3A_497, %add3A_1591 : i32
        %get3A_1593 = arith.index_cast %add3A_1592 : i32 to index
        %get3A_1594 = arith.constant 48 : index
        %get3A_1595 = tpu.vector_load %arg10[%get3A_1593, %get3A_1594] {strides = array<i32>} : memref<800x64xf32, #tpu.memory_space<vmem>>, vector<1x16xf32>,
        %get3A_1596 = vector.shape_cast %get3A_1595 : vector<1x16xf32> to vector<16xf32>
        %add3A_1597 = arith.addf %add3A_1590, %get3A_1596 : vector<16xf32>
        %add3A_1598 = arith.constant 7 : i32
        %add3A_1599 = arith.addi %mul3A_497, %add3A_1598 : i32
        %get3A_1600 = arith.index_cast %add3A_1599 : i32 to index
        %get3A_1601 = arith.constant 48 : index
        %get3A_1602 = tpu.vector_load %arg10[%get3A_1600, %get3A_1601] {strides = array<i32>} : memref<800x64xf32, #tpu.memory_space<vmem>>, vector<1x16xf32>,
        %get3A_1603 = vector.shape_cast %get3A_1602 : vector<1x16xf32> to vector<16xf32>
        %add3A_1604 = arith.addf %add3A_1597, %get3A_1603 : vector<16xf32>
        %add3A_1605 = arith.constant 8 : i32
        %add3A_1606 = arith.addi %mul3A_497, %add3A_1605 : i32
        %get3A_1607 = arith.index_cast %add3A_1606 : i32 to index
        %get3A_1608 = arith.constant 48 : index
        %get3A_1609 = tpu.vector_load %arg10[%get3A_1607, %get3A_1608] {strides = array<i32>} : memref<800x64xf32, #tpu.memory_space<vmem>>, vector<1x16xf32>,
        %get3A_1610 = vector.shape_cast %get3A_1609 : vector<1x16xf32> to vector<16xf32>
        %add3A_1611 = arith.addf %add3A_1604, %get3A_1610 : vector<16xf32>
        %add3A_1612 = arith.constant 9 : i32
        %add3A_1613 = arith.addi %mul3A_497, %add3A_1612 : i32
        %get3A_1614 = arith.index_cast %add3A_1613 : i32 to index
        %get3A_1615 = arith.constant 48 : index
        %get3A_1616 = tpu.vector_load %arg10[%get3A_1614, %get3A_1615] {strides = array<i32>} : memref<800x64xf32, #tpu.memory_space<vmem>>, vector<1x16xf32>,
        %get3A_1617 = vector.shape_cast %get3A_1616 : vector<1x16xf32> to vector<16xf32>
        %add3A_1618 = arith.addf %add3A_1611, %get3A_1617 : vector<16xf32>
        %add3A_1619 = arith.constant 10 : i32
        %add3A_1620 = arith.addi %mul3A_497, %add3A_1619 : i32
        %get3A_1621 = arith.index_cast %add3A_1620 : i32 to index
        %get3A_1622 = arith.constant 48 : index
        %get3A_1623 = tpu.vector_load %arg10[%get3A_1621, %get3A_1622] {strides = array<i32>} : memref<800x64xf32, #tpu.memory_space<vmem>>, vector<1x16xf32>,
        %get3A_1624 = vector.shape_cast %get3A_1623 : vector<1x16xf32> to vector<16xf32>
        %add3A_1625 = arith.addf %add3A_1618, %get3A_1624 : vector<16xf32>
        %add3A_1626 = arith.constant 11 : i32
        %add3A_1627 = arith.addi %mul3A_497, %add3A_1626 : i32
        %get3A_1628 = arith.index_cast %add3A_1627 : i32 to index
        %get3A_1629 = arith.constant 48 : index
        %get3A_1630 = tpu.vector_load %arg10[%get3A_1628, %get3A_1629] {strides = array<i32>} : memref<800x64xf32, #tpu.memory_space<vmem>>, vector<1x16xf32>,
        %get3A_1631 = vector.shape_cast %get3A_1630 : vector<1x16xf32> to vector<16xf32>
        %add3A_1632 = arith.addf %add3A_1625, %get3A_1631 : vector<16xf32>
        %add3A_1633 = arith.constant 12 : i32
        %add3A_1634 = arith.addi %mul3A_497, %add3A_1633 : i32
        %get3A_1635 = arith.index_cast %add3A_1634 : i32 to index
        %get3A_1636 = arith.constant 48 : index
        %get3A_1637 = tpu.vector_load %arg10[%get3A_1635, %get3A_1636] {strides = array<i32>} : memref<800x64xf32, #tpu.memory_space<vmem>>, vector<1x16xf32>,
        %get3A_1638 = vector.shape_cast %get3A_1637 : vector<1x16xf32> to vector<16xf32>
        %add3A_1639 = arith.addf %add3A_1632, %get3A_1638 : vector<16xf32>
        %add3A_1640 = arith.constant 13 : i32
        %add3A_1641 = arith.addi %mul3A_497, %add3A_1640 : i32
        %get3A_1642 = arith.index_cast %add3A_1641 : i32 to index
        %get3A_1643 = arith.constant 48 : index
        %get3A_1644 = tpu.vector_load %arg10[%get3A_1642, %get3A_1643] {strides = array<i32>} : memref<800x64xf32, #tpu.memory_space<vmem>>, vector<1x16xf32>,
        %get3A_1645 = vector.shape_cast %get3A_1644 : vector<1x16xf32> to vector<16xf32>
        %add3A_1646 = arith.addf %add3A_1639, %get3A_1645 : vector<16xf32>
        %add3A_1647 = arith.constant 14 : i32
        %add3A_1648 = arith.addi %mul3A_497, %add3A_1647 : i32
        %get3A_1649 = arith.index_cast %add3A_1648 : i32 to index
        %get3A_1650 = arith.constant 48 : index
        %get3A_1651 = tpu.vector_load %arg10[%get3A_1649, %get3A_1650] {strides = array<i32>} : memref<800x64xf32, #tpu.memory_space<vmem>>, vector<1x16xf32>,
        %get3A_1652 = vector.shape_cast %get3A_1651 : vector<1x16xf32> to vector<16xf32>
        %add3A_1653 = arith.addf %add3A_1646, %get3A_1652 : vector<16xf32>
        %add3A_1654 = arith.constant 15 : i32
        %add3A_1655 = arith.addi %mul3A_497, %add3A_1654 : i32
        %get3A_1656 = arith.index_cast %add3A_1655 : i32 to index
        %get3A_1657 = arith.constant 48 : index
        %get3A_1658 = tpu.vector_load %arg10[%get3A_1656, %get3A_1657] {strides = array<i32>} : memref<800x64xf32, #tpu.memory_space<vmem>>, vector<1x16xf32>,
        %get3A_1659 = vector.shape_cast %get3A_1658 : vector<1x16xf32> to vector<16xf32>
        %add3A_1660 = arith.addf %add3A_1653, %get3A_1659 : vector<16xf32>
        %add3A_1661 = arith.constant 16 : i32
        %add3A_1662 = arith.addi %mul3A_497, %add3A_1661 : i32
        %get3A_1663 = arith.index_cast %add3A_1662 : i32 to index
        %get3A_1664 = arith.constant 48 : index
        %get3A_1665 = tpu.vector_load %arg10[%get3A_1663, %get3A_1664] {strides = array<i32>} : memref<800x64xf32, #tpu.memory_space<vmem>>, vector<1x16xf32>,
        %get3A_1666 = vector.shape_cast %get3A_1665 : vector<1x16xf32> to vector<16xf32>
        %add3A_1667 = arith.addf %add3A_1660, %get3A_1666 : vector<16xf32>
        %add3A_1668 = arith.constant 17 : i32
        %add3A_1669 = arith.addi %mul3A_497, %add3A_1668 : i32
        %get3A_1670 = arith.index_cast %add3A_1669 : i32 to index
        %get3A_1671 = arith.constant 48 : index
        %get3A_1672 = tpu.vector_load %arg10[%get3A_1670, %get3A_1671] {strides = array<i32>} : memref<800x64xf32, #tpu.memory_space<vmem>>, vector<1x16xf32>,
        %get3A_1673 = vector.shape_cast %get3A_1672 : vector<1x16xf32> to vector<16xf32>
        %add3A_1674 = arith.addf %add3A_1667, %get3A_1673 : vector<16xf32>
        %add3A_1675 = arith.constant 18 : i32
        %add3A_1676 = arith.addi %mul3A_497, %add3A_1675 : i32
        %get3A_1677 = arith.index_cast %add3A_1676 : i32 to index
        %get3A_1678 = arith.constant 48 : index
        %get3A_1679 = tpu.vector_load %arg10[%get3A_1677, %get3A_1678] {strides = array<i32>} : memref<800x64xf32, #tpu.memory_space<vmem>>, vector<1x16xf32>,
        %get3A_1680 = vector.shape_cast %get3A_1679 : vector<1x16xf32> to vector<16xf32>
        %add3A_1681 = arith.addf %add3A_1674, %get3A_1680 : vector<16xf32>
        %add3A_1682 = arith.constant 19 : i32
        %add3A_1683 = arith.addi %mul3A_497, %add3A_1682 : i32
        %get3A_1684 = arith.index_cast %add3A_1683 : i32 to index
        %get3A_1685 = arith.constant 48 : index
        %get3A_1686 = tpu.vector_load %arg10[%get3A_1684, %get3A_1685] {strides = array<i32>} : memref<800x64xf32, #tpu.memory_space<vmem>>, vector<1x16xf32>,
        %get3A_1687 = vector.shape_cast %get3A_1686 : vector<1x16xf32> to vector<16xf32>
        %add3A_1688 = arith.addf %add3A_1681, %get3A_1687 : vector<16xf32>
        %add3A_1689 = arith.constant 20 : i32
        %add3A_1690 = arith.addi %mul3A_497, %add3A_1689 : i32
        %get3A_1691 = arith.index_cast %add3A_1690 : i32 to index
        %get3A_1692 = arith.constant 48 : index
        %get3A_1693 = tpu.vector_load %arg10[%get3A_1691, %get3A_1692] {strides = array<i32>} : memref<800x64xf32, #tpu.memory_space<vmem>>, vector<1x16xf32>,
        %get3A_1694 = vector.shape_cast %get3A_1693 : vector<1x16xf32> to vector<16xf32>
        %add3A_1695 = arith.addf %add3A_1688, %get3A_1694 : vector<16xf32>
        %add3A_1696 = arith.constant 21 : i32
        %add3A_1697 = arith.addi %mul3A_497, %add3A_1696 : i32
        %get3A_1698 = arith.index_cast %add3A_1697 : i32 to index
        %get3A_1699 = arith.constant 48 : index
        %get3A_1700 = tpu.vector_load %arg10[%get3A_1698, %get3A_1699] {strides = array<i32>} : memref<800x64xf32, #tpu.memory_space<vmem>>, vector<1x16xf32>,
        %get3A_1701 = vector.shape_cast %get3A_1700 : vector<1x16xf32> to vector<16xf32>
        %add3A_1702 = arith.addf %add3A_1695, %get3A_1701 : vector<16xf32>
        %add3A_1703 = arith.constant 22 : i32
        %add3A_1704 = arith.addi %mul3A_497, %add3A_1703 : i32
        %get3A_1705 = arith.index_cast %add3A_1704 : i32 to index
        %get3A_1706 = arith.constant 48 : index
        %get3A_1707 = tpu.vector_load %arg10[%get3A_1705, %get3A_1706] {strides = array<i32>} : memref<800x64xf32, #tpu.memory_space<vmem>>, vector<1x16xf32>,
        %get3A_1708 = vector.shape_cast %get3A_1707 : vector<1x16xf32> to vector<16xf32>
        %add3A_1709 = arith.addf %add3A_1702, %get3A_1708 : vector<16xf32>
        %add3A_1710 = arith.constant 23 : i32
        %add3A_1711 = arith.addi %mul3A_497, %add3A_1710 : i32
        %get3A_1712 = arith.index_cast %add3A_1711 : i32 to index
        %get3A_1713 = arith.constant 48 : index
        %get3A_1714 = tpu.vector_load %arg10[%get3A_1712, %get3A_1713] {strides = array<i32>} : memref<800x64xf32, #tpu.memory_space<vmem>>, vector<1x16xf32>,
        %get3A_1715 = vector.shape_cast %get3A_1714 : vector<1x16xf32> to vector<16xf32>
        %add3A_1716 = arith.addf %add3A_1709, %get3A_1715 : vector<16xf32>
        %add3A_1717 = arith.constant 24 : i32
        %add3A_1718 = arith.addi %mul3A_497, %add3A_1717 : i32
        %get3A_1719 = arith.index_cast %add3A_1718 : i32 to index
        %get3A_1720 = arith.constant 48 : index
        %get3A_1721 = tpu.vector_load %arg10[%get3A_1719, %get3A_1720] {strides = array<i32>} : memref<800x64xf32, #tpu.memory_space<vmem>>, vector<1x16xf32>,
        %get3A_1722 = vector.shape_cast %get3A_1721 : vector<1x16xf32> to vector<16xf32>
        %add3A_1723 = arith.addf %add3A_1716, %get3A_1722 : vector<16xf32>
        %add3A_1724 = arith.constant 25 : i32
        %add3A_1725 = arith.addi %mul3A_497, %add3A_1724 : i32
        %get3A_1726 = arith.index_cast %add3A_1725 : i32 to index
        %get3A_1727 = arith.constant 48 : index
        %get3A_1728 = tpu.vector_load %arg10[%get3A_1726, %get3A_1727] {strides = array<i32>} : memref<800x64xf32, #tpu.memory_space<vmem>>, vector<1x16xf32>,
        %get3A_1729 = vector.shape_cast %get3A_1728 : vector<1x16xf32> to vector<16xf32>
        %add3A_1730 = arith.addf %add3A_1723, %get3A_1729 : vector<16xf32>
        %add3A_1731 = arith.constant 26 : i32
        %add3A_1732 = arith.addi %mul3A_497, %add3A_1731 : i32
        %get3A_1733 = arith.index_cast %add3A_1732 : i32 to index
        %get3A_1734 = arith.constant 48 : index
        %get3A_1735 = tpu.vector_load %arg10[%get3A_1733, %get3A_1734] {strides = array<i32>} : memref<800x64xf32, #tpu.memory_space<vmem>>, vector<1x16xf32>,
        %get3A_1736 = vector.shape_cast %get3A_1735 : vector<1x16xf32> to vector<16xf32>
        %add3A_1737 = arith.addf %add3A_1730, %get3A_1736 : vector<16xf32>
        %add3A_1738 = arith.constant 27 : i32
        %add3A_1739 = arith.addi %mul3A_497, %add3A_1738 : i32
        %get3A_1740 = arith.index_cast %add3A_1739 : i32 to index
        %get3A_1741 = arith.constant 48 : index
        %get3A_1742 = tpu.vector_load %arg10[%get3A_1740, %get3A_1741] {strides = array<i32>} : memref<800x64xf32, #tpu.memory_space<vmem>>, vector<1x16xf32>,
        %get3A_1743 = vector.shape_cast %get3A_1742 : vector<1x16xf32> to vector<16xf32>
        %add3A_1744 = arith.addf %add3A_1737, %get3A_1743 : vector<16xf32>
        %add3A_1745 = arith.constant 28 : i32
        %add3A_1746 = arith.addi %mul3A_497, %add3A_1745 : i32
        %get3A_1747 = arith.index_cast %add3A_1746 : i32 to index
        %get3A_1748 = arith.constant 48 : index
        %get3A_1749 = tpu.vector_load %arg10[%get3A_1747, %get3A_1748] {strides = array<i32>} : memref<800x64xf32, #tpu.memory_space<vmem>>, vector<1x16xf32>,
        %get3A_1750 = vector.shape_cast %get3A_1749 : vector<1x16xf32> to vector<16xf32>
        %add3A_1751 = arith.addf %add3A_1744, %get3A_1750 : vector<16xf32>
        %add3A_1752 = arith.constant 29 : i32
        %add3A_1753 = arith.addi %mul3A_497, %add3A_1752 : i32
        %get3A_1754 = arith.index_cast %add3A_1753 : i32 to index
        %get3A_1755 = arith.constant 48 : index
        %get3A_1756 = tpu.vector_load %arg10[%get3A_1754, %get3A_1755] {strides = array<i32>} : memref<800x64xf32, #tpu.memory_space<vmem>>, vector<1x16xf32>,
        %get3A_1757 = vector.shape_cast %get3A_1756 : vector<1x16xf32> to vector<16xf32>
        %add3A_1758 = arith.addf %add3A_1751, %get3A_1757 : vector<16xf32>
        %add3A_1759 = arith.constant 30 : i32
        %add3A_1760 = arith.addi %mul3A_497, %add3A_1759 : i32
        %get3A_1761 = arith.index_cast %add3A_1760 : i32 to index
        %get3A_1762 = arith.constant 48 : index
        %get3A_1763 = tpu.vector_load %arg10[%get3A_1761, %get3A_1762] {strides = array<i32>} : memref<800x64xf32, #tpu.memory_space<vmem>>, vector<1x16xf32>,
        %get3A_1764 = vector.shape_cast %get3A_1763 : vector<1x16xf32> to vector<16xf32>
        %add3A_1765 = arith.addf %add3A_1758, %get3A_1764 : vector<16xf32>
        %add3A_1766 = arith.constant 31 : i32
        %add3A_1767 = arith.addi %mul3A_497, %add3A_1766 : i32
        %get3A_1768 = arith.index_cast %add3A_1767 : i32 to index
        %get3A_1769 = arith.constant 48 : index
        %get3A_1770 = tpu.vector_load %arg10[%get3A_1768, %get3A_1769] {strides = array<i32>} : memref<800x64xf32, #tpu.memory_space<vmem>>, vector<1x16xf32>,
        %get3A_1771 = vector.shape_cast %get3A_1770 : vector<1x16xf32> to vector<16xf32>
        %add3A_1772 = arith.addf %add3A_1765, %get3A_1771 : vector<16xf32>
        %add3A_1773 = arith.constant 32 : i32
        %add3A_1774 = arith.addi %mul3A_497, %add3A_1773 : i32
        %get3A_1775 = arith.index_cast %add3A_1774 : i32 to index
        %get3A_1776 = arith.constant 48 : index
        %get3A_1777 = tpu.vector_load %arg10[%get3A_1775, %get3A_1776] {strides = array<i32>} : memref<800x64xf32, #tpu.memory_space<vmem>>, vector<1x16xf32>,
        %get3A_1778 = vector.shape_cast %get3A_1777 : vector<1x16xf32> to vector<16xf32>
        %add3A_1779 = arith.addf %add3A_1772, %get3A_1778 : vector<16xf32>
        %add3A_1780 = arith.constant 33 : i32
        %add3A_1781 = arith.addi %mul3A_497, %add3A_1780 : i32
        %get3A_1782 = arith.index_cast %add3A_1781 : i32 to index
        %get3A_1783 = arith.constant 48 : index
        %get3A_1784 = tpu.vector_load %arg10[%get3A_1782, %get3A_1783] {strides = array<i32>} : memref<800x64xf32, #tpu.memory_space<vmem>>, vector<1x16xf32>,
        %get3A_1785 = vector.shape_cast %get3A_1784 : vector<1x16xf32> to vector<16xf32>
        %add3A_1786 = arith.addf %add3A_1779, %get3A_1785 : vector<16xf32>
        %add3A_1787 = arith.constant 34 : i32
        %add3A_1788 = arith.addi %mul3A_497, %add3A_1787 : i32
        %get3A_1789 = arith.index_cast %add3A_1788 : i32 to index
        %get3A_1790 = arith.constant 48 : index
        %get3A_1791 = tpu.vector_load %arg10[%get3A_1789, %get3A_1790] {strides = array<i32>} : memref<800x64xf32, #tpu.memory_space<vmem>>, vector<1x16xf32>,
        %get3A_1792 = vector.shape_cast %get3A_1791 : vector<1x16xf32> to vector<16xf32>
        %add3A_1793 = arith.addf %add3A_1786, %get3A_1792 : vector<16xf32>
        %add3A_1794 = arith.constant 35 : i32
        %add3A_1795 = arith.addi %mul3A_497, %add3A_1794 : i32
        %get3A_1796 = arith.index_cast %add3A_1795 : i32 to index
        %get3A_1797 = arith.constant 48 : index
        %get3A_1798 = tpu.vector_load %arg10[%get3A_1796, %get3A_1797] {strides = array<i32>} : memref<800x64xf32, #tpu.memory_space<vmem>>, vector<1x16xf32>,
        %get3A_1799 = vector.shape_cast %get3A_1798 : vector<1x16xf32> to vector<16xf32>
        %add3A_1800 = arith.addf %add3A_1793, %get3A_1799 : vector<16xf32>
        %add3A_1801 = arith.constant 36 : i32
        %add3A_1802 = arith.addi %mul3A_497, %add3A_1801 : i32
        %get3A_1803 = arith.index_cast %add3A_1802 : i32 to index
        %get3A_1804 = arith.constant 48 : index
        %get3A_1805 = tpu.vector_load %arg10[%get3A_1803, %get3A_1804] {strides = array<i32>} : memref<800x64xf32, #tpu.memory_space<vmem>>, vector<1x16xf32>,
        %get3A_1806 = vector.shape_cast %get3A_1805 : vector<1x16xf32> to vector<16xf32>
        %add3A_1807 = arith.addf %add3A_1800, %get3A_1806 : vector<16xf32>
        %add3A_1808 = arith.constant 37 : i32
        %add3A_1809 = arith.addi %mul3A_497, %add3A_1808 : i32
        %get3A_1810 = arith.index_cast %add3A_1809 : i32 to index
        %get3A_1811 = arith.constant 48 : index
        %get3A_1812 = tpu.vector_load %arg10[%get3A_1810, %get3A_1811] {strides = array<i32>} : memref<800x64xf32, #tpu.memory_space<vmem>>, vector<1x16xf32>,
        %get3A_1813 = vector.shape_cast %get3A_1812 : vector<1x16xf32> to vector<16xf32>
        %add3A_1814 = arith.addf %add3A_1807, %get3A_1813 : vector<16xf32>
        %add3A_1815 = arith.constant 38 : i32
        %add3A_1816 = arith.addi %mul3A_497, %add3A_1815 : i32
        %get3A_1817 = arith.index_cast %add3A_1816 : i32 to index
        %get3A_1818 = arith.constant 48 : index
        %get3A_1819 = tpu.vector_load %arg10[%get3A_1817, %get3A_1818] {strides = array<i32>} : memref<800x64xf32, #tpu.memory_space<vmem>>, vector<1x16xf32>,
        %get3A_1820 = vector.shape_cast %get3A_1819 : vector<1x16xf32> to vector<16xf32>
        %add3A_1821 = arith.addf %add3A_1814, %get3A_1820 : vector<16xf32>
        %add3A_1822 = arith.constant 39 : i32
        %add3A_1823 = arith.addi %mul3A_497, %add3A_1822 : i32
        %get3A_1824 = arith.index_cast %add3A_1823 : i32 to index
        %get3A_1825 = arith.constant 48 : index
        %get3A_1826 = tpu.vector_load %arg10[%get3A_1824, %get3A_1825] {strides = array<i32>} : memref<800x64xf32, #tpu.memory_space<vmem>>, vector<1x16xf32>,
        %get3A_1827 = vector.shape_cast %get3A_1826 : vector<1x16xf32> to vector<16xf32>
        %add3A_1828 = arith.addf %add3A_1821, %get3A_1827 : vector<16xf32>
        %add3A_1829 = arith.constant 40 : i32
        %add3A_1830 = arith.addi %mul3A_497, %add3A_1829 : i32
        %get3A_1831 = arith.index_cast %add3A_1830 : i32 to index
        %get3A_1832 = arith.constant 48 : index
        %get3A_1833 = tpu.vector_load %arg10[%get3A_1831, %get3A_1832] {strides = array<i32>} : memref<800x64xf32, #tpu.memory_space<vmem>>, vector<1x16xf32>,
        %get3A_1834 = vector.shape_cast %get3A_1833 : vector<1x16xf32> to vector<16xf32>
        %add3A_1835 = arith.addf %add3A_1828, %get3A_1834 : vector<16xf32>
        %add3A_1836 = arith.constant 41 : i32
        %add3A_1837 = arith.addi %mul3A_497, %add3A_1836 : i32
        %get3A_1838 = arith.index_cast %add3A_1837 : i32 to index
        %get3A_1839 = arith.constant 48 : index
        %get3A_1840 = tpu.vector_load %arg10[%get3A_1838, %get3A_1839] {strides = array<i32>} : memref<800x64xf32, #tpu.memory_space<vmem>>, vector<1x16xf32>,
        %get3A_1841 = vector.shape_cast %get3A_1840 : vector<1x16xf32> to vector<16xf32>
        %add3A_1842 = arith.addf %add3A_1835, %get3A_1841 : vector<16xf32>
        %add3A_1843 = arith.constant 42 : i32
        %add3A_1844 = arith.addi %mul3A_497, %add3A_1843 : i32
        %get3A_1845 = arith.index_cast %add3A_1844 : i32 to index
        %get3A_1846 = arith.constant 48 : index
        %get3A_1847 = tpu.vector_load %arg10[%get3A_1845, %get3A_1846] {strides = array<i32>} : memref<800x64xf32, #tpu.memory_space<vmem>>, vector<1x16xf32>,
        %get3A_1848 = vector.shape_cast %get3A_1847 : vector<1x16xf32> to vector<16xf32>
        %add3A_1849 = arith.addf %add3A_1842, %get3A_1848 : vector<16xf32>
        %add3A_1850 = arith.constant 43 : i32
        %add3A_1851 = arith.addi %mul3A_497, %add3A_1850 : i32
        %get3A_1852 = arith.index_cast %add3A_1851 : i32 to index
        %get3A_1853 = arith.constant 48 : index
        %get3A_1854 = tpu.vector_load %arg10[%get3A_1852, %get3A_1853] {strides = array<i32>} : memref<800x64xf32, #tpu.memory_space<vmem>>, vector<1x16xf32>,
        %get3A_1855 = vector.shape_cast %get3A_1854 : vector<1x16xf32> to vector<16xf32>
        %add3A_1856 = arith.addf %add3A_1849, %get3A_1855 : vector<16xf32>
        %add3A_1857 = arith.constant 44 : i32
        %add3A_1858 = arith.addi %mul3A_497, %add3A_1857 : i32
        %get3A_1859 = arith.index_cast %add3A_1858 : i32 to index
        %get3A_1860 = arith.constant 48 : index
        %get3A_1861 = tpu.vector_load %arg10[%get3A_1859, %get3A_1860] {strides = array<i32>} : memref<800x64xf32, #tpu.memory_space<vmem>>, vector<1x16xf32>,
        %get3A_1862 = vector.shape_cast %get3A_1861 : vector<1x16xf32> to vector<16xf32>
        %add3A_1863 = arith.addf %add3A_1856, %get3A_1862 : vector<16xf32>
        %add3A_1864 = arith.constant 45 : i32
        %add3A_1865 = arith.addi %mul3A_497, %add3A_1864 : i32
        %get3A_1866 = arith.index_cast %add3A_1865 : i32 to index
        %get3A_1867 = arith.constant 48 : index
        %get3A_1868 = tpu.vector_load %arg10[%get3A_1866, %get3A_1867] {strides = array<i32>} : memref<800x64xf32, #tpu.memory_space<vmem>>, vector<1x16xf32>,
        %get3A_1869 = vector.shape_cast %get3A_1868 : vector<1x16xf32> to vector<16xf32>
        %add3A_1870 = arith.addf %add3A_1863, %get3A_1869 : vector<16xf32>
        %add3A_1871 = arith.constant 46 : i32
        %add3A_1872 = arith.addi %mul3A_497, %add3A_1871 : i32
        %get3A_1873 = arith.index_cast %add3A_1872 : i32 to index
        %get3A_1874 = arith.constant 48 : index
        %get3A_1875 = tpu.vector_load %arg10[%get3A_1873, %get3A_1874] {strides = array<i32>} : memref<800x64xf32, #tpu.memory_space<vmem>>, vector<1x16xf32>,
        %get3A_1876 = vector.shape_cast %get3A_1875 : vector<1x16xf32> to vector<16xf32>
        %add3A_1877 = arith.addf %add3A_1870, %get3A_1876 : vector<16xf32>
        %add3A_1878 = arith.constant 47 : i32
        %add3A_1879 = arith.addi %mul3A_497, %add3A_1878 : i32
        %get3A_1880 = arith.index_cast %add3A_1879 : i32 to index
        %get3A_1881 = arith.constant 48 : index
        %get3A_1882 = tpu.vector_load %arg10[%get3A_1880, %get3A_1881] {strides = array<i32>} : memref<800x64xf32, #tpu.memory_space<vmem>>, vector<1x16xf32>,
        %get3A_1883 = vector.shape_cast %get3A_1882 : vector<1x16xf32> to vector<16xf32>
        %add3A_1884 = arith.addf %add3A_1877, %get3A_1883 : vector<16xf32>
        %add3A_1885 = arith.constant 48 : i32
        %add3A_1886 = arith.addi %mul3A_497, %add3A_1885 : i32
        %get3A_1887 = arith.index_cast %add3A_1886 : i32 to index
        %get3A_1888 = arith.constant 48 : index
        %get3A_1889 = tpu.vector_load %arg10[%get3A_1887, %get3A_1888] {strides = array<i32>} : memref<800x64xf32, #tpu.memory_space<vmem>>, vector<1x16xf32>,
        %get3A_1890 = vector.shape_cast %get3A_1889 : vector<1x16xf32> to vector<16xf32>
        %add3A_1891 = arith.addf %add3A_1884, %get3A_1890 : vector<16xf32>
        %add3A_1892 = arith.constant 49 : i32
        %add3A_1893 = arith.addi %mul3A_497, %add3A_1892 : i32
        %get3A_1894 = arith.index_cast %add3A_1893 : i32 to index
        %get3A_1895 = arith.constant 48 : index
        %get3A_1896 = tpu.vector_load %arg10[%get3A_1894, %get3A_1895] {strides = array<i32>} : memref<800x64xf32, #tpu.memory_space<vmem>>, vector<1x16xf32>,
        %get3A_1897 = vector.shape_cast %get3A_1896 : vector<1x16xf32> to vector<16xf32>
        %add3A_1898 = arith.addf %add3A_1891, %get3A_1897 : vector<16xf32>
        %swap3A_1899 = arith.index_cast %scan3A_495 : i32 to index
        %swap3A_1900 = arith.constant 48 : index
        %swap3A_1901 = tpu.vector_load %arg12[%swap3A_1899, %swap3A_1900] {strides = array<i32>} : memref<16x64xf32, #tpu.memory_space<vmem>>, vector<1x16xf32>,
        %swap3A_1902 = vector.shape_cast %swap3A_1901 : vector<1x16xf32> to vector<16xf32>
        %swap3A_1903 = vector.shape_cast %add3A_1898 : vector<16xf32> to vector<1x16xf32>
        tpu.vector_store %arg12[%swap3A_1899, %swap3A_1900], %swap3A_1903 {strides = array<i32>} : memref<16x64xf32, #tpu.memory_space<vmem>>, vector<1x16xf32>,
      }
      %scan3A_450 = arith.constant 16 : i32
      %mul3A_451 = arith.constant 16 : i32
      %mul3A_452 = arith.muli %multiple_of3A_326, %mul3A_451 : i32
      %add3A_453 = arith.addi %multiple_of3A, %mul3A_452 : i32
      %multiple_of3A_454 = tpu.assume_multiple %add3A_453, 16 : i32
      %dma_start3A_455 = arith.constant 0 : i32
      %dma_start3A_456 = tpu.memref_slice %arg6[%multiple_of3A_454, %dma_start3A_455] : memref<16384x64xf32, #tpu.memory_space<hbm>> -> memref<16x64xf32, #tpu.memory_space<hbm>>
      %dma_start3A_457 = arith.constant 0 : i32
      %dma_start3A_458 = tpu.memref_slice %arg6[%multiple_of3A_454, %dma_start3A_457] : memref<16384x64xf32, #tpu.memory_space<hbm>> -> memref<16x64xf32, #tpu.memory_space<hbm>>
      tpu.enqueue_dma source(%arg12 : memref<16x64xf32, #tpu.memory_space<vmem>>) target(%dma_start3A_458 : memref<16x64xf32, #tpu.memory_space<hbm>>) target_semaphore(%arg18 : memref<!tpu.dma_semaphore, #tpu.memory_space<semaphore_mem>>)
      %lt3A = arith.constant 15 : i32
      %lt3A_459 = arith.cmpi slt, %scan3A_323, %lt3A : i32
      %convert_element_type3A = arith.extui %lt3A_459 : i1 to i32
      %cond3A = arith.constant 0 : i32
      %cond3A_460 = arith.cmpi ne, %convert_element_type3A, %cond3A : i32
      scf.if %cond3A_460 {
        %add3A_495 = arith.constant 2 : i32
        %add3A_496 = arith.addi %multiple_of3A_326, %add3A_495 : i32
        %mul3A_497 = arith.constant 16 : i32
        %mul3A_498 = arith.muli %add3A_496, %mul3A_497 : i32
        %add3A_499 = arith.addi %multiple_of3A, %mul3A_498 : i32
        %mul3A_500 = arith.constant 50 : i32
        %mul3A_501 = arith.muli %add3A_499, %mul3A_500 : i32
        %jit3A_502 = arith.constant 100 : i32
        %div3A_503 = arith.divsi %mul3A_501, %jit3A_502 : i32
        %sign3A_504 = arith.constant 0 : i32
        %sign3A_505 = arith.cmpi sgt, %mul3A_501, %sign3A_504 : i32
        %sign3A_506 = arith.extui %sign3A_505 : i1 to i32
        %sign3A_507 = arith.constant 0 : i32
        %sign3A_508 = arith.cmpi slt, %mul3A_501, %sign3A_507 : i32
        %sign3A_509 = arith.extui %sign3A_508 : i1 to i32
        %sign3A_510 = arith.subi %sign3A_506, %sign3A_509 : i32
        %sign3A_511 = arith.constant 0 : i32
        %sign3A_512 = arith.cmpi sgt, %jit3A_502, %sign3A_511 : i32
        %sign3A_513 = arith.extui %sign3A_512 : i1 to i32
        %sign3A_514 = arith.constant 0 : i32
        %sign3A_515 = arith.cmpi slt, %jit3A_502, %sign3A_514 : i32
        %sign3A_516 = arith.extui %sign3A_515 : i1 to i32
        %sign3A_517 = arith.subi %sign3A_513, %sign3A_516 : i32
        %ne3A_518 = arith.cmpi ne, %sign3A_510, %sign3A_517 : i32
        %rem3A_519 = arith.remsi %mul3A_501, %jit3A_502 : i32
        %ne3A_520 = arith.constant 0 : i32
        %ne3A_521 = arith.cmpi ne, %rem3A_519, %ne3A_520 : i32
        %and3A_522 = arith.andi %ne3A_518, %ne3A_521 : i1
        %sub3A_523 = arith.constant 1 : i32
        %sub3A_524 = arith.subi %div3A_503, %sub3A_523 : i32
        %select_n3A_525 = arith.select %and3A_522, %sub3A_524, %div3A_503 : i32
        %multiple_of3A_526 = tpu.assume_multiple %select_n3A_525, 8 : i32
        "tpu.region"() ({
          %run_scoped3A = tpu.sem_alloc : memref<!tpu.dma_semaphore, #tpu.memory_space<semaphore_mem>>
          %dma_start3A_607 = arith.constant 0 : i32
          %dma_start3A_608 = tpu.memref_slice %arg2[%multiple_of3A_526, %dma_start3A_607] : memref<8192x100xi32, #tpu.memory_space<hbm>> -> memref<8x100xi32, #tpu.memory_space<hbm>>
          %dma_start3A_609 = arith.constant 0 : i32
          %dma_start3A_610 = tpu.memref_slice %arg2[%multiple_of3A_526, %dma_start3A_609] : memref<8192x100xi32, #tpu.memory_space<hbm>> -> memref<8x100xi32, #tpu.memory_space<hbm>>
          tpu.enqueue_dma source(%dma_start3A_610 : memref<8x100xi32, #tpu.memory_space<hbm>>) target(%arg8 : memref<8x100xi32, #tpu.memory_space<vmem>>) target_semaphore(%run_scoped3A : memref<!tpu.dma_semaphore, #tpu.memory_space<semaphore_mem>>)
          %dma_wait3A_611 = arith.constant 0 : i32
          %dma_wait3A_612 = tpu.memref_slice %arg2[%multiple_of3A_526, %dma_wait3A_611] : memref<8192x100xi32, #tpu.memory_space<hbm>> -> memref<8x100xi32, #tpu.memory_space<hbm>>
          %dma_wait3A_613 = arith.constant 0 : i32
          %dma_wait3A_614 = tpu.memref_slice %arg2[%multiple_of3A_526, %dma_wait3A_613] : memref<8192x100xi32, #tpu.memory_space<hbm>> -> memref<8x100xi32, #tpu.memory_space<hbm>>
          tpu.wait_dma2 semaphore(%run_scoped3A : memref<!tpu.dma_semaphore, #tpu.memory_space<semaphore_mem>>) src(%dma_wait3A_614 : memref<8x100xi32, #tpu.memory_space<hbm>>) dst(%arg8 : memref<8x100xi32, #tpu.memory_space<vmem>>)
          tpu.yield
        }) : () -> ()
        %dma_start3A_527 = arith.constant 0 : i32
        %dma_start3A_528 = arith.constant 0 : i32
        %dma_start3A_529 = arith.constant 0 : i32
        %dma_start3A_530 = tpu.memref_slice %arg10[%dma_start3A_528, %dma_start3A_529] : memref<800x64xf32, #tpu.memory_space<vmem>> -> memref<100x64xf32, #tpu.memory_space<vmem>>
        %dma_start3A_531 = arith.constant 0 : i32
        %dma_start3A_532 = tpu.memref_slice %arg8[%dma_start3A_527, %dma_start3A_531] : memref<8x100xi32, #tpu.memory_space<vmem>> -> memref<1x100xi32, #tpu.memory_space<vmem>>
        %dma_start3A_533 = tpu.memref_squeeze %dma_start3A_532 : memref<1x100xi32, #tpu.memory_space<vmem>> -> memref<100xi32, #tpu.memory_space<vmem>>
        %dma_start3A_534 = arith.constant 0 : i32
        %dma_start3A_535 = arith.constant 0 : i32
        %dma_start3A_536 = tpu.memref_slice %arg4[%dma_start3A_534, %dma_start3A_535] : memref<1000000x64xf32, #tpu.memory_space<hbm>> -> memref<1000000x64xf32, #tpu.memory_space<hbm>>
        tpu.enqueue_indirect_dma source(%dma_start3A_536 : memref<1000000x64xf32, #tpu.memory_space<hbm>>) target(%dma_start3A_530 : memref<100x64xf32, #tpu.memory_space<vmem>>) offsets(%dma_start3A_533 : memref<100xi32, #tpu.memory_space<vmem>>) semaphore(%arg16 : memref<!tpu.dma_semaphore, #tpu.memory_space<semaphore_mem>>)
        %dma_start3A_537 = arith.constant 1 : i32
        %dma_start3A_538 = arith.constant 100 : i32
        %dma_start3A_539 = arith.constant 0 : i32
        %dma_start3A_540 = tpu.memref_slice %arg10[%dma_start3A_538, %dma_start3A_539] : memref<800x64xf32, #tpu.memory_space<vmem>> -> memref<100x64xf32, #tpu.memory_space<vmem>>
        %dma_start3A_541 = arith.constant 0 : i32
        %dma_start3A_542 = tpu.memref_slice %arg8[%dma_start3A_537, %dma_start3A_541] : memref<8x100xi32, #tpu.memory_space<vmem>> -> memref<1x100xi32, #tpu.memory_space<vmem>>
        %dma_start3A_543 = tpu.memref_squeeze %dma_start3A_542 : memref<1x100xi32, #tpu.memory_space<vmem>> -> memref<100xi32, #tpu.memory_space<vmem>>
        %dma_start3A_544 = arith.constant 0 : i32
        %dma_start3A_545 = arith.constant 0 : i32
        %dma_start3A_546 = tpu.memref_slice %arg4[%dma_start3A_544, %dma_start3A_545] : memref<1000000x64xf32, #tpu.memory_space<hbm>> -> memref<1000000x64xf32, #tpu.memory_space<hbm>>
        tpu.enqueue_indirect_dma source(%dma_start3A_546 : memref<1000000x64xf32, #tpu.memory_space<hbm>>) target(%dma_start3A_540 : memref<100x64xf32, #tpu.memory_space<vmem>>) offsets(%dma_start3A_543 : memref<100xi32, #tpu.memory_space<vmem>>) semaphore(%arg16 : memref<!tpu.dma_semaphore, #tpu.memory_space<semaphore_mem>>)
        %dma_start3A_547 = arith.constant 2 : i32
        %dma_start3A_548 = arith.constant 200 : i32
        %dma_start3A_549 = arith.constant 0 : i32
        %dma_start3A_550 = tpu.memref_slice %arg10[%dma_start3A_548, %dma_start3A_549] : memref<800x64xf32, #tpu.memory_space<vmem>> -> memref<100x64xf32, #tpu.memory_space<vmem>>
        %dma_start3A_551 = arith.constant 0 : i32
        %dma_start3A_552 = tpu.memref_slice %arg8[%dma_start3A_547, %dma_start3A_551] : memref<8x100xi32, #tpu.memory_space<vmem>> -> memref<1x100xi32, #tpu.memory_space<vmem>>
        %dma_start3A_553 = tpu.memref_squeeze %dma_start3A_552 : memref<1x100xi32, #tpu.memory_space<vmem>> -> memref<100xi32, #tpu.memory_space<vmem>>
        %dma_start3A_554 = arith.constant 0 : i32
        %dma_start3A_555 = arith.constant 0 : i32
        %dma_start3A_556 = tpu.memref_slice %arg4[%dma_start3A_554, %dma_start3A_555] : memref<1000000x64xf32, #tpu.memory_space<hbm>> -> memref<1000000x64xf32, #tpu.memory_space<hbm>>
        tpu.enqueue_indirect_dma source(%dma_start3A_556 : memref<1000000x64xf32, #tpu.memory_space<hbm>>) target(%dma_start3A_550 : memref<100x64xf32, #tpu.memory_space<vmem>>) offsets(%dma_start3A_553 : memref<100xi32, #tpu.memory_space<vmem>>) semaphore(%arg16 : memref<!tpu.dma_semaphore, #tpu.memory_space<semaphore_mem>>)
        %dma_start3A_557 = arith.constant 3 : i32
        %dma_start3A_558 = arith.constant 300 : i32
        %dma_start3A_559 = arith.constant 0 : i32
        %dma_start3A_560 = tpu.memref_slice %arg10[%dma_start3A_558, %dma_start3A_559] : memref<800x64xf32, #tpu.memory_space<vmem>> -> memref<100x64xf32, #tpu.memory_space<vmem>>
        %dma_start3A_561 = arith.constant 0 : i32
        %dma_start3A_562 = tpu.memref_slice %arg8[%dma_start3A_557, %dma_start3A_561] : memref<8x100xi32, #tpu.memory_space<vmem>> -> memref<1x100xi32, #tpu.memory_space<vmem>>
        %dma_start3A_563 = tpu.memref_squeeze %dma_start3A_562 : memref<1x100xi32, #tpu.memory_space<vmem>> -> memref<100xi32, #tpu.memory_space<vmem>>
        %dma_start3A_564 = arith.constant 0 : i32
        %dma_start3A_565 = arith.constant 0 : i32
        %dma_start3A_566 = tpu.memref_slice %arg4[%dma_start3A_564, %dma_start3A_565] : memref<1000000x64xf32, #tpu.memory_space<hbm>> -> memref<1000000x64xf32, #tpu.memory_space<hbm>>
        tpu.enqueue_indirect_dma source(%dma_start3A_566 : memref<1000000x64xf32, #tpu.memory_space<hbm>>) target(%dma_start3A_560 : memref<100x64xf32, #tpu.memory_space<vmem>>) offsets(%dma_start3A_563 : memref<100xi32, #tpu.memory_space<vmem>>) semaphore(%arg16 : memref<!tpu.dma_semaphore, #tpu.memory_space<semaphore_mem>>)
        %dma_start3A_567 = arith.constant 4 : i32
        %dma_start3A_568 = arith.constant 400 : i32
        %dma_start3A_569 = arith.constant 0 : i32
        %dma_start3A_570 = tpu.memref_slice %arg10[%dma_start3A_568, %dma_start3A_569] : memref<800x64xf32, #tpu.memory_space<vmem>> -> memref<100x64xf32, #tpu.memory_space<vmem>>
        %dma_start3A_571 = arith.constant 0 : i32
        %dma_start3A_572 = tpu.memref_slice %arg8[%dma_start3A_567, %dma_start3A_571] : memref<8x100xi32, #tpu.memory_space<vmem>> -> memref<1x100xi32, #tpu.memory_space<vmem>>
        %dma_start3A_573 = tpu.memref_squeeze %dma_start3A_572 : memref<1x100xi32, #tpu.memory_space<vmem>> -> memref<100xi32, #tpu.memory_space<vmem>>
        %dma_start3A_574 = arith.constant 0 : i32
        %dma_start3A_575 = arith.constant 0 : i32
        %dma_start3A_576 = tpu.memref_slice %arg4[%dma_start3A_574, %dma_start3A_575] : memref<1000000x64xf32, #tpu.memory_space<hbm>> -> memref<1000000x64xf32, #tpu.memory_space<hbm>>
        tpu.enqueue_indirect_dma source(%dma_start3A_576 : memref<1000000x64xf32, #tpu.memory_space<hbm>>) target(%dma_start3A_570 : memref<100x64xf32, #tpu.memory_space<vmem>>) offsets(%dma_start3A_573 : memref<100xi32, #tpu.memory_space<vmem>>) semaphore(%arg16 : memref<!tpu.dma_semaphore, #tpu.memory_space<semaphore_mem>>)
        %dma_start3A_577 = arith.constant 5 : i32
        %dma_start3A_578 = arith.constant 500 : i32
        %dma_start3A_579 = arith.constant 0 : i32
        %dma_start3A_580 = tpu.memref_slice %arg10[%dma_start3A_578, %dma_start3A_579] : memref<800x64xf32, #tpu.memory_space<vmem>> -> memref<100x64xf32, #tpu.memory_space<vmem>>
        %dma_start3A_581 = arith.constant 0 : i32
        %dma_start3A_582 = tpu.memref_slice %arg8[%dma_start3A_577, %dma_start3A_581] : memref<8x100xi32, #tpu.memory_space<vmem>> -> memref<1x100xi32, #tpu.memory_space<vmem>>
        %dma_start3A_583 = tpu.memref_squeeze %dma_start3A_582 : memref<1x100xi32, #tpu.memory_space<vmem>> -> memref<100xi32, #tpu.memory_space<vmem>>
        %dma_start3A_584 = arith.constant 0 : i32
        %dma_start3A_585 = arith.constant 0 : i32
        %dma_start3A_586 = tpu.memref_slice %arg4[%dma_start3A_584, %dma_start3A_585] : memref<1000000x64xf32, #tpu.memory_space<hbm>> -> memref<1000000x64xf32, #tpu.memory_space<hbm>>
        tpu.enqueue_indirect_dma source(%dma_start3A_586 : memref<1000000x64xf32, #tpu.memory_space<hbm>>) target(%dma_start3A_580 : memref<100x64xf32, #tpu.memory_space<vmem>>) offsets(%dma_start3A_583 : memref<100xi32, #tpu.memory_space<vmem>>) semaphore(%arg16 : memref<!tpu.dma_semaphore, #tpu.memory_space<semaphore_mem>>)
        %dma_start3A_587 = arith.constant 6 : i32
        %dma_start3A_588 = arith.constant 600 : i32
        %dma_start3A_589 = arith.constant 0 : i32
        %dma_start3A_590 = tpu.memref_slice %arg10[%dma_start3A_588, %dma_start3A_589] : memref<800x64xf32, #tpu.memory_space<vmem>> -> memref<100x64xf32, #tpu.memory_space<vmem>>
        %dma_start3A_591 = arith.constant 0 : i32
        %dma_start3A_592 = tpu.memref_slice %arg8[%dma_start3A_587, %dma_start3A_591] : memref<8x100xi32, #tpu.memory_space<vmem>> -> memref<1x100xi32, #tpu.memory_space<vmem>>
        %dma_start3A_593 = tpu.memref_squeeze %dma_start3A_592 : memref<1x100xi32, #tpu.memory_space<vmem>> -> memref<100xi32, #tpu.memory_space<vmem>>
        %dma_start3A_594 = arith.constant 0 : i32
        %dma_start3A_595 = arith.constant 0 : i32
        %dma_start3A_596 = tpu.memref_slice %arg4[%dma_start3A_594, %dma_start3A_595] : memref<1000000x64xf32, #tpu.memory_space<hbm>> -> memref<1000000x64xf32, #tpu.memory_space<hbm>>
        tpu.enqueue_indirect_dma source(%dma_start3A_596 : memref<1000000x64xf32, #tpu.memory_space<hbm>>) target(%dma_start3A_590 : memref<100x64xf32, #tpu.memory_space<vmem>>) offsets(%dma_start3A_593 : memref<100xi32, #tpu.memory_space<vmem>>) semaphore(%arg16 : memref<!tpu.dma_semaphore, #tpu.memory_space<semaphore_mem>>)
        %dma_start3A_597 = arith.constant 7 : i32
        %dma_start3A_598 = arith.constant 700 : i32
        %dma_start3A_599 = arith.constant 0 : i32
        %dma_start3A_600 = tpu.memref_slice %arg10[%dma_start3A_598, %dma_start3A_599] : memref<800x64xf32, #tpu.memory_space<vmem>> -> memref<100x64xf32, #tpu.memory_space<vmem>>
        %dma_start3A_601 = arith.constant 0 : i32
        %dma_start3A_602 = tpu.memref_slice %arg8[%dma_start3A_597, %dma_start3A_601] : memref<8x100xi32, #tpu.memory_space<vmem>> -> memref<1x100xi32, #tpu.memory_space<vmem>>
        %dma_start3A_603 = tpu.memref_squeeze %dma_start3A_602 : memref<1x100xi32, #tpu.memory_space<vmem>> -> memref<100xi32, #tpu.memory_space<vmem>>
        %dma_start3A_604 = arith.constant 0 : i32
        %dma_start3A_605 = arith.constant 0 : i32
        %dma_start3A_606 = tpu.memref_slice %arg4[%dma_start3A_604, %dma_start3A_605] : memref<1000000x64xf32, #tpu.memory_space<hbm>> -> memref<1000000x64xf32, #tpu.memory_space<hbm>>
        tpu.enqueue_indirect_dma source(%dma_start3A_606 : memref<1000000x64xf32, #tpu.memory_space<hbm>>) target(%dma_start3A_600 : memref<100x64xf32, #tpu.memory_space<vmem>>) offsets(%dma_start3A_603 : memref<100xi32, #tpu.memory_space<vmem>>) semaphore(%arg16 : memref<!tpu.dma_semaphore, #tpu.memory_space<semaphore_mem>>)
      } else {
      }
      %dma_wait3A_461 = arith.constant 0 : i32
      %dma_wait3A_462 = arith.constant 0 : i32
      %dma_wait3A_463 = tpu.memref_slice %arg6[%dma_wait3A_461, %dma_wait3A_462] : memref<16384x64xf32, #tpu.memory_space<hbm>> -> memref<800x64xf32, #tpu.memory_space<hbm>>
      %dma_wait3A_464 = arith.constant 0 : i32
      %dma_wait3A_465 = arith.constant 0 : i32
      %dma_wait3A_466 = tpu.memref_slice %arg6[%dma_wait3A_464, %dma_wait3A_465] : memref<16384x64xf32, #tpu.memory_space<hbm>> -> memref<800x64xf32, #tpu.memory_space<hbm>>
      tpu.wait_dma2 semaphore(%arg17 : memref<!tpu.dma_semaphore, #tpu.memory_space<semaphore_mem>>) src(%dma_wait3A_466 : memref<800x64xf32, #tpu.memory_space<hbm>>) dst(%arg11 : memref<800x64xf32, #tpu.memory_space<vmem>>)
      %add3A_467 = arith.constant 1 : i32
      %add3A_468 = arith.addi %multiple_of3A_326, %add3A_467 : i32
      %scan3A_469 = arith.constant 0 : i32
      %scan3A_470 = arith.constant 0 : i32
      %scan3A_471 = arith.constant 16 : i32
      %scan3A_472 = arith.addi %scan3A_470, %scan3A_471 : i32
      %scan3A_473 = arith.constant 1 : i32
      scf.for %scan3A_495 = %scan3A_470 to %scan3A_472 step %scan3A_473  : i32 {
        %mul3A_496 = arith.constant 50 : i32
        %mul3A_497 = arith.muli %scan3A_495, %mul3A_496 : i32
        %get3A = arith.index_cast %mul3A_497 : i32 to index
        %get3A_498 = arith.constant 0 : index
        %get3A_499 = tpu.vector_load %arg11[%get3A, %get3A_498] {strides = array<i32>} : memref<800x64xf32, #tpu.memory_space<vmem>>, vector<1x16xf32>,
        %get3A_500 = vector.shape_cast %get3A_499 : vector<1x16xf32> to vector<16xf32>
        %add3A_501 = arith.constant 1 : i32
        %add3A_502 = arith.addi %mul3A_497, %add3A_501 : i32
        %get3A_503 = arith.index_cast %add3A_502 : i32 to index
        %get3A_504 = arith.constant 0 : index
        %get3A_505 = tpu.vector_load %arg11[%get3A_503, %get3A_504] {strides = array<i32>} : memref<800x64xf32, #tpu.memory_space<vmem>>, vector<1x16xf32>,
        %get3A_506 = vector.shape_cast %get3A_505 : vector<1x16xf32> to vector<16xf32>
        %add3A_507 = arith.addf %get3A_500, %get3A_506 : vector<16xf32>
        %add3A_508 = arith.constant 2 : i32
        %add3A_509 = arith.addi %mul3A_497, %add3A_508 : i32
        %get3A_510 = arith.index_cast %add3A_509 : i32 to index
        %get3A_511 = arith.constant 0 : index
        %get3A_512 = tpu.vector_load %arg11[%get3A_510, %get3A_511] {strides = array<i32>} : memref<800x64xf32, #tpu.memory_space<vmem>>, vector<1x16xf32>,
        %get3A_513 = vector.shape_cast %get3A_512 : vector<1x16xf32> to vector<16xf32>
        %add3A_514 = arith.addf %add3A_507, %get3A_513 : vector<16xf32>
        %add3A_515 = arith.constant 3 : i32
        %add3A_516 = arith.addi %mul3A_497, %add3A_515 : i32
        %get3A_517 = arith.index_cast %add3A_516 : i32 to index
        %get3A_518 = arith.constant 0 : index
        %get3A_519 = tpu.vector_load %arg11[%get3A_517, %get3A_518] {strides = array<i32>} : memref<800x64xf32, #tpu.memory_space<vmem>>, vector<1x16xf32>,
        %get3A_520 = vector.shape_cast %get3A_519 : vector<1x16xf32> to vector<16xf32>
        %add3A_521 = arith.addf %add3A_514, %get3A_520 : vector<16xf32>
        %add3A_522 = arith.constant 4 : i32
        %add3A_523 = arith.addi %mul3A_497, %add3A_522 : i32
        %get3A_524 = arith.index_cast %add3A_523 : i32 to index
        %get3A_525 = arith.constant 0 : index
        %get3A_526 = tpu.vector_load %arg11[%get3A_524, %get3A_525] {strides = array<i32>} : memref<800x64xf32, #tpu.memory_space<vmem>>, vector<1x16xf32>,
        %get3A_527 = vector.shape_cast %get3A_526 : vector<1x16xf32> to vector<16xf32>
        %add3A_528 = arith.addf %add3A_521, %get3A_527 : vector<16xf32>
        %add3A_529 = arith.constant 5 : i32
        %add3A_530 = arith.addi %mul3A_497, %add3A_529 : i32
        %get3A_531 = arith.index_cast %add3A_530 : i32 to index
        %get3A_532 = arith.constant 0 : index
        %get3A_533 = tpu.vector_load %arg11[%get3A_531, %get3A_532] {strides = array<i32>} : memref<800x64xf32, #tpu.memory_space<vmem>>, vector<1x16xf32>,
        %get3A_534 = vector.shape_cast %get3A_533 : vector<1x16xf32> to vector<16xf32>
        %add3A_535 = arith.addf %add3A_528, %get3A_534 : vector<16xf32>
        %add3A_536 = arith.constant 6 : i32
        %add3A_537 = arith.addi %mul3A_497, %add3A_536 : i32
        %get3A_538 = arith.index_cast %add3A_537 : i32 to index
        %get3A_539 = arith.constant 0 : index
        %get3A_540 = tpu.vector_load %arg11[%get3A_538, %get3A_539] {strides = array<i32>} : memref<800x64xf32, #tpu.memory_space<vmem>>, vector<1x16xf32>,
        %get3A_541 = vector.shape_cast %get3A_540 : vector<1x16xf32> to vector<16xf32>
        %add3A_542 = arith.addf %add3A_535, %get3A_541 : vector<16xf32>
        %add3A_543 = arith.constant 7 : i32
        %add3A_544 = arith.addi %mul3A_497, %add3A_543 : i32
        %get3A_545 = arith.index_cast %add3A_544 : i32 to index
        %get3A_546 = arith.constant 0 : index
        %get3A_547 = tpu.vector_load %arg11[%get3A_545, %get3A_546] {strides = array<i32>} : memref<800x64xf32, #tpu.memory_space<vmem>>, vector<1x16xf32>,
        %get3A_548 = vector.shape_cast %get3A_547 : vector<1x16xf32> to vector<16xf32>
        %add3A_549 = arith.addf %add3A_542, %get3A_548 : vector<16xf32>
        %add3A_550 = arith.constant 8 : i32
        %add3A_551 = arith.addi %mul3A_497, %add3A_550 : i32
        %get3A_552 = arith.index_cast %add3A_551 : i32 to index
        %get3A_553 = arith.constant 0 : index
        %get3A_554 = tpu.vector_load %arg11[%get3A_552, %get3A_553] {strides = array<i32>} : memref<800x64xf32, #tpu.memory_space<vmem>>, vector<1x16xf32>,
        %get3A_555 = vector.shape_cast %get3A_554 : vector<1x16xf32> to vector<16xf32>
        %add3A_556 = arith.addf %add3A_549, %get3A_555 : vector<16xf32>
        %add3A_557 = arith.constant 9 : i32
        %add3A_558 = arith.addi %mul3A_497, %add3A_557 : i32
        %get3A_559 = arith.index_cast %add3A_558 : i32 to index
        %get3A_560 = arith.constant 0 : index
        %get3A_561 = tpu.vector_load %arg11[%get3A_559, %get3A_560] {strides = array<i32>} : memref<800x64xf32, #tpu.memory_space<vmem>>, vector<1x16xf32>,
        %get3A_562 = vector.shape_cast %get3A_561 : vector<1x16xf32> to vector<16xf32>
        %add3A_563 = arith.addf %add3A_556, %get3A_562 : vector<16xf32>
        %add3A_564 = arith.constant 10 : i32
        %add3A_565 = arith.addi %mul3A_497, %add3A_564 : i32
        %get3A_566 = arith.index_cast %add3A_565 : i32 to index
        %get3A_567 = arith.constant 0 : index
        %get3A_568 = tpu.vector_load %arg11[%get3A_566, %get3A_567] {strides = array<i32>} : memref<800x64xf32, #tpu.memory_space<vmem>>, vector<1x16xf32>,
        %get3A_569 = vector.shape_cast %get3A_568 : vector<1x16xf32> to vector<16xf32>
        %add3A_570 = arith.addf %add3A_563, %get3A_569 : vector<16xf32>
        %add3A_571 = arith.constant 11 : i32
        %add3A_572 = arith.addi %mul3A_497, %add3A_571 : i32
        %get3A_573 = arith.index_cast %add3A_572 : i32 to index
        %get3A_574 = arith.constant 0 : index
        %get3A_575 = tpu.vector_load %arg11[%get3A_573, %get3A_574] {strides = array<i32>} : memref<800x64xf32, #tpu.memory_space<vmem>>, vector<1x16xf32>,
        %get3A_576 = vector.shape_cast %get3A_575 : vector<1x16xf32> to vector<16xf32>
        %add3A_577 = arith.addf %add3A_570, %get3A_576 : vector<16xf32>
        %add3A_578 = arith.constant 12 : i32
        %add3A_579 = arith.addi %mul3A_497, %add3A_578 : i32
        %get3A_580 = arith.index_cast %add3A_579 : i32 to index
        %get3A_581 = arith.constant 0 : index
        %get3A_582 = tpu.vector_load %arg11[%get3A_580, %get3A_581] {strides = array<i32>} : memref<800x64xf32, #tpu.memory_space<vmem>>, vector<1x16xf32>,
        %get3A_583 = vector.shape_cast %get3A_582 : vector<1x16xf32> to vector<16xf32>
        %add3A_584 = arith.addf %add3A_577, %get3A_583 : vector<16xf32>
        %add3A_585 = arith.constant 13 : i32
        %add3A_586 = arith.addi %mul3A_497, %add3A_585 : i32
        %get3A_587 = arith.index_cast %add3A_586 : i32 to index
        %get3A_588 = arith.constant 0 : index
        %get3A_589 = tpu.vector_load %arg11[%get3A_587, %get3A_588] {strides = array<i32>} : memref<800x64xf32, #tpu.memory_space<vmem>>, vector<1x16xf32>,
        %get3A_590 = vector.shape_cast %get3A_589 : vector<1x16xf32> to vector<16xf32>
        %add3A_591 = arith.addf %add3A_584, %get3A_590 : vector<16xf32>
        %add3A_592 = arith.constant 14 : i32
        %add3A_593 = arith.addi %mul3A_497, %add3A_592 : i32
        %get3A_594 = arith.index_cast %add3A_593 : i32 to index
        %get3A_595 = arith.constant 0 : index
        %get3A_596 = tpu.vector_load %arg11[%get3A_594, %get3A_595] {strides = array<i32>} : memref<800x64xf32, #tpu.memory_space<vmem>>, vector<1x16xf32>,
        %get3A_597 = vector.shape_cast %get3A_596 : vector<1x16xf32> to vector<16xf32>
        %add3A_598 = arith.addf %add3A_591, %get3A_597 : vector<16xf32>
        %add3A_599 = arith.constant 15 : i32
        %add3A_600 = arith.addi %mul3A_497, %add3A_599 : i32
        %get3A_601 = arith.index_cast %add3A_600 : i32 to index
        %get3A_602 = arith.constant 0 : index
        %get3A_603 = tpu.vector_load %arg11[%get3A_601, %get3A_602] {strides = array<i32>} : memref<800x64xf32, #tpu.memory_space<vmem>>, vector<1x16xf32>,
        %get3A_604 = vector.shape_cast %get3A_603 : vector<1x16xf32> to vector<16xf32>
        %add3A_605 = arith.addf %add3A_598, %get3A_604 : vector<16xf32>
        %add3A_606 = arith.constant 16 : i32
        %add3A_607 = arith.addi %mul3A_497, %add3A_606 : i32
        %get3A_608 = arith.index_cast %add3A_607 : i32 to index
        %get3A_609 = arith.constant 0 : index
        %get3A_610 = tpu.vector_load %arg11[%get3A_608, %get3A_609] {strides = array<i32>} : memref<800x64xf32, #tpu.memory_space<vmem>>, vector<1x16xf32>,
        %get3A_611 = vector.shape_cast %get3A_610 : vector<1x16xf32> to vector<16xf32>
        %add3A_612 = arith.addf %add3A_605, %get3A_611 : vector<16xf32>
        %add3A_613 = arith.constant 17 : i32
        %add3A_614 = arith.addi %mul3A_497, %add3A_613 : i32
        %get3A_615 = arith.index_cast %add3A_614 : i32 to index
        %get3A_616 = arith.constant 0 : index
        %get3A_617 = tpu.vector_load %arg11[%get3A_615, %get3A_616] {strides = array<i32>} : memref<800x64xf32, #tpu.memory_space<vmem>>, vector<1x16xf32>,
        %get3A_618 = vector.shape_cast %get3A_617 : vector<1x16xf32> to vector<16xf32>
        %add3A_619 = arith.addf %add3A_612, %get3A_618 : vector<16xf32>
        %add3A_620 = arith.constant 18 : i32
        %add3A_621 = arith.addi %mul3A_497, %add3A_620 : i32
        %get3A_622 = arith.index_cast %add3A_621 : i32 to index
        %get3A_623 = arith.constant 0 : index
        %get3A_624 = tpu.vector_load %arg11[%get3A_622, %get3A_623] {strides = array<i32>} : memref<800x64xf32, #tpu.memory_space<vmem>>, vector<1x16xf32>,
        %get3A_625 = vector.shape_cast %get3A_624 : vector<1x16xf32> to vector<16xf32>
        %add3A_626 = arith.addf %add3A_619, %get3A_625 : vector<16xf32>
        %add3A_627 = arith.constant 19 : i32
        %add3A_628 = arith.addi %mul3A_497, %add3A_627 : i32
        %get3A_629 = arith.index_cast %add3A_628 : i32 to index
        %get3A_630 = arith.constant 0 : index
        %get3A_631 = tpu.vector_load %arg11[%get3A_629, %get3A_630] {strides = array<i32>} : memref<800x64xf32, #tpu.memory_space<vmem>>, vector<1x16xf32>,
        %get3A_632 = vector.shape_cast %get3A_631 : vector<1x16xf32> to vector<16xf32>
        %add3A_633 = arith.addf %add3A_626, %get3A_632 : vector<16xf32>
        %add3A_634 = arith.constant 20 : i32
        %add3A_635 = arith.addi %mul3A_497, %add3A_634 : i32
        %get3A_636 = arith.index_cast %add3A_635 : i32 to index
        %get3A_637 = arith.constant 0 : index
        %get3A_638 = tpu.vector_load %arg11[%get3A_636, %get3A_637] {strides = array<i32>} : memref<800x64xf32, #tpu.memory_space<vmem>>, vector<1x16xf32>,
        %get3A_639 = vector.shape_cast %get3A_638 : vector<1x16xf32> to vector<16xf32>
        %add3A_640 = arith.addf %add3A_633, %get3A_639 : vector<16xf32>
        %add3A_641 = arith.constant 21 : i32
        %add3A_642 = arith.addi %mul3A_497, %add3A_641 : i32
        %get3A_643 = arith.index_cast %add3A_642 : i32 to index
        %get3A_644 = arith.constant 0 : index
        %get3A_645 = tpu.vector_load %arg11[%get3A_643, %get3A_644] {strides = array<i32>} : memref<800x64xf32, #tpu.memory_space<vmem>>, vector<1x16xf32>,
        %get3A_646 = vector.shape_cast %get3A_645 : vector<1x16xf32> to vector<16xf32>
        %add3A_647 = arith.addf %add3A_640, %get3A_646 : vector<16xf32>
        %add3A_648 = arith.constant 22 : i32
        %add3A_649 = arith.addi %mul3A_497, %add3A_648 : i32
        %get3A_650 = arith.index_cast %add3A_649 : i32 to index
        %get3A_651 = arith.constant 0 : index
        %get3A_652 = tpu.vector_load %arg11[%get3A_650, %get3A_651] {strides = array<i32>} : memref<800x64xf32, #tpu.memory_space<vmem>>, vector<1x16xf32>,
        %get3A_653 = vector.shape_cast %get3A_652 : vector<1x16xf32> to vector<16xf32>
        %add3A_654 = arith.addf %add3A_647, %get3A_653 : vector<16xf32>
        %add3A_655 = arith.constant 23 : i32
        %add3A_656 = arith.addi %mul3A_497, %add3A_655 : i32
        %get3A_657 = arith.index_cast %add3A_656 : i32 to index
        %get3A_658 = arith.constant 0 : index
        %get3A_659 = tpu.vector_load %arg11[%get3A_657, %get3A_658] {strides = array<i32>} : memref<800x64xf32, #tpu.memory_space<vmem>>, vector<1x16xf32>,
        %get3A_660 = vector.shape_cast %get3A_659 : vector<1x16xf32> to vector<16xf32>
        %add3A_661 = arith.addf %add3A_654, %get3A_660 : vector<16xf32>
        %add3A_662 = arith.constant 24 : i32
        %add3A_663 = arith.addi %mul3A_497, %add3A_662 : i32
        %get3A_664 = arith.index_cast %add3A_663 : i32 to index
        %get3A_665 = arith.constant 0 : index
        %get3A_666 = tpu.vector_load %arg11[%get3A_664, %get3A_665] {strides = array<i32>} : memref<800x64xf32, #tpu.memory_space<vmem>>, vector<1x16xf32>,
        %get3A_667 = vector.shape_cast %get3A_666 : vector<1x16xf32> to vector<16xf32>
        %add3A_668 = arith.addf %add3A_661, %get3A_667 : vector<16xf32>
        %add3A_669 = arith.constant 25 : i32
        %add3A_670 = arith.addi %mul3A_497, %add3A_669 : i32
        %get3A_671 = arith.index_cast %add3A_670 : i32 to index
        %get3A_672 = arith.constant 0 : index
        %get3A_673 = tpu.vector_load %arg11[%get3A_671, %get3A_672] {strides = array<i32>} : memref<800x64xf32, #tpu.memory_space<vmem>>, vector<1x16xf32>,
        %get3A_674 = vector.shape_cast %get3A_673 : vector<1x16xf32> to vector<16xf32>
        %add3A_675 = arith.addf %add3A_668, %get3A_674 : vector<16xf32>
        %add3A_676 = arith.constant 26 : i32
        %add3A_677 = arith.addi %mul3A_497, %add3A_676 : i32
        %get3A_678 = arith.index_cast %add3A_677 : i32 to index
        %get3A_679 = arith.constant 0 : index
        %get3A_680 = tpu.vector_load %arg11[%get3A_678, %get3A_679] {strides = array<i32>} : memref<800x64xf32, #tpu.memory_space<vmem>>, vector<1x16xf32>,
        %get3A_681 = vector.shape_cast %get3A_680 : vector<1x16xf32> to vector<16xf32>
        %add3A_682 = arith.addf %add3A_675, %get3A_681 : vector<16xf32>
        %add3A_683 = arith.constant 27 : i32
        %add3A_684 = arith.addi %mul3A_497, %add3A_683 : i32
        %get3A_685 = arith.index_cast %add3A_684 : i32 to index
        %get3A_686 = arith.constant 0 : index
        %get3A_687 = tpu.vector_load %arg11[%get3A_685, %get3A_686] {strides = array<i32>} : memref<800x64xf32, #tpu.memory_space<vmem>>, vector<1x16xf32>,
        %get3A_688 = vector.shape_cast %get3A_687 : vector<1x16xf32> to vector<16xf32>
        %add3A_689 = arith.addf %add3A_682, %get3A_688 : vector<16xf32>
        %add3A_690 = arith.constant 28 : i32
        %add3A_691 = arith.addi %mul3A_497, %add3A_690 : i32
        %get3A_692 = arith.index_cast %add3A_691 : i32 to index
        %get3A_693 = arith.constant 0 : index
        %get3A_694 = tpu.vector_load %arg11[%get3A_692, %get3A_693] {strides = array<i32>} : memref<800x64xf32, #tpu.memory_space<vmem>>, vector<1x16xf32>,
        %get3A_695 = vector.shape_cast %get3A_694 : vector<1x16xf32> to vector<16xf32>
        %add3A_696 = arith.addf %add3A_689, %get3A_695 : vector<16xf32>
        %add3A_697 = arith.constant 29 : i32
        %add3A_698 = arith.addi %mul3A_497, %add3A_697 : i32
        %get3A_699 = arith.index_cast %add3A_698 : i32 to index
        %get3A_700 = arith.constant 0 : index
        %get3A_701 = tpu.vector_load %arg11[%get3A_699, %get3A_700] {strides = array<i32>} : memref<800x64xf32, #tpu.memory_space<vmem>>, vector<1x16xf32>,
        %get3A_702 = vector.shape_cast %get3A_701 : vector<1x16xf32> to vector<16xf32>
        %add3A_703 = arith.addf %add3A_696, %get3A_702 : vector<16xf32>
        %add3A_704 = arith.constant 30 : i32
        %add3A_705 = arith.addi %mul3A_497, %add3A_704 : i32
        %get3A_706 = arith.index_cast %add3A_705 : i32 to index
        %get3A_707 = arith.constant 0 : index
        %get3A_708 = tpu.vector_load %arg11[%get3A_706, %get3A_707] {strides = array<i32>} : memref<800x64xf32, #tpu.memory_space<vmem>>, vector<1x16xf32>,
        %get3A_709 = vector.shape_cast %get3A_708 : vector<1x16xf32> to vector<16xf32>
        %add3A_710 = arith.addf %add3A_703, %get3A_709 : vector<16xf32>
        %add3A_711 = arith.constant 31 : i32
        %add3A_712 = arith.addi %mul3A_497, %add3A_711 : i32
        %get3A_713 = arith.index_cast %add3A_712 : i32 to index
        %get3A_714 = arith.constant 0 : index
        %get3A_715 = tpu.vector_load %arg11[%get3A_713, %get3A_714] {strides = array<i32>} : memref<800x64xf32, #tpu.memory_space<vmem>>, vector<1x16xf32>,
        %get3A_716 = vector.shape_cast %get3A_715 : vector<1x16xf32> to vector<16xf32>
        %add3A_717 = arith.addf %add3A_710, %get3A_716 : vector<16xf32>
        %add3A_718 = arith.constant 32 : i32
        %add3A_719 = arith.addi %mul3A_497, %add3A_718 : i32
        %get3A_720 = arith.index_cast %add3A_719 : i32 to index
        %get3A_721 = arith.constant 0 : index
        %get3A_722 = tpu.vector_load %arg11[%get3A_720, %get3A_721] {strides = array<i32>} : memref<800x64xf32, #tpu.memory_space<vmem>>, vector<1x16xf32>,
        %get3A_723 = vector.shape_cast %get3A_722 : vector<1x16xf32> to vector<16xf32>
        %add3A_724 = arith.addf %add3A_717, %get3A_723 : vector<16xf32>
        %add3A_725 = arith.constant 33 : i32
        %add3A_726 = arith.addi %mul3A_497, %add3A_725 : i32
        %get3A_727 = arith.index_cast %add3A_726 : i32 to index
        %get3A_728 = arith.constant 0 : index
        %get3A_729 = tpu.vector_load %arg11[%get3A_727, %get3A_728] {strides = array<i32>} : memref<800x64xf32, #tpu.memory_space<vmem>>, vector<1x16xf32>,
        %get3A_730 = vector.shape_cast %get3A_729 : vector<1x16xf32> to vector<16xf32>
        %add3A_731 = arith.addf %add3A_724, %get3A_730 : vector<16xf32>
        %add3A_732 = arith.constant 34 : i32
        %add3A_733 = arith.addi %mul3A_497, %add3A_732 : i32
        %get3A_734 = arith.index_cast %add3A_733 : i32 to index
        %get3A_735 = arith.constant 0 : index
        %get3A_736 = tpu.vector_load %arg11[%get3A_734, %get3A_735] {strides = array<i32>} : memref<800x64xf32, #tpu.memory_space<vmem>>, vector<1x16xf32>,
        %get3A_737 = vector.shape_cast %get3A_736 : vector<1x16xf32> to vector<16xf32>
        %add3A_738 = arith.addf %add3A_731, %get3A_737 : vector<16xf32>
        %add3A_739 = arith.constant 35 : i32
        %add3A_740 = arith.addi %mul3A_497, %add3A_739 : i32
        %get3A_741 = arith.index_cast %add3A_740 : i32 to index
        %get3A_742 = arith.constant 0 : index
        %get3A_743 = tpu.vector_load %arg11[%get3A_741, %get3A_742] {strides = array<i32>} : memref<800x64xf32, #tpu.memory_space<vmem>>, vector<1x16xf32>,
        %get3A_744 = vector.shape_cast %get3A_743 : vector<1x16xf32> to vector<16xf32>
        %add3A_745 = arith.addf %add3A_738, %get3A_744 : vector<16xf32>
        %add3A_746 = arith.constant 36 : i32
        %add3A_747 = arith.addi %mul3A_497, %add3A_746 : i32
        %get3A_748 = arith.index_cast %add3A_747 : i32 to index
        %get3A_749 = arith.constant 0 : index
        %get3A_750 = tpu.vector_load %arg11[%get3A_748, %get3A_749] {strides = array<i32>} : memref<800x64xf32, #tpu.memory_space<vmem>>, vector<1x16xf32>,
        %get3A_751 = vector.shape_cast %get3A_750 : vector<1x16xf32> to vector<16xf32>
        %add3A_752 = arith.addf %add3A_745, %get3A_751 : vector<16xf32>
        %add3A_753 = arith.constant 37 : i32
        %add3A_754 = arith.addi %mul3A_497, %add3A_753 : i32
        %get3A_755 = arith.index_cast %add3A_754 : i32 to index
        %get3A_756 = arith.constant 0 : index
        %get3A_757 = tpu.vector_load %arg11[%get3A_755, %get3A_756] {strides = array<i32>} : memref<800x64xf32, #tpu.memory_space<vmem>>, vector<1x16xf32>,
        %get3A_758 = vector.shape_cast %get3A_757 : vector<1x16xf32> to vector<16xf32>
        %add3A_759 = arith.addf %add3A_752, %get3A_758 : vector<16xf32>
        %add3A_760 = arith.constant 38 : i32
        %add3A_761 = arith.addi %mul3A_497, %add3A_760 : i32
        %get3A_762 = arith.index_cast %add3A_761 : i32 to index
        %get3A_763 = arith.constant 0 : index
        %get3A_764 = tpu.vector_load %arg11[%get3A_762, %get3A_763] {strides = array<i32>} : memref<800x64xf32, #tpu.memory_space<vmem>>, vector<1x16xf32>,
        %get3A_765 = vector.shape_cast %get3A_764 : vector<1x16xf32> to vector<16xf32>
        %add3A_766 = arith.addf %add3A_759, %get3A_765 : vector<16xf32>
        %add3A_767 = arith.constant 39 : i32
        %add3A_768 = arith.addi %mul3A_497, %add3A_767 : i32
        %get3A_769 = arith.index_cast %add3A_768 : i32 to index
        %get3A_770 = arith.constant 0 : index
        %get3A_771 = tpu.vector_load %arg11[%get3A_769, %get3A_770] {strides = array<i32>} : memref<800x64xf32, #tpu.memory_space<vmem>>, vector<1x16xf32>,
        %get3A_772 = vector.shape_cast %get3A_771 : vector<1x16xf32> to vector<16xf32>
        %add3A_773 = arith.addf %add3A_766, %get3A_772 : vector<16xf32>
        %add3A_774 = arith.constant 40 : i32
        %add3A_775 = arith.addi %mul3A_497, %add3A_774 : i32
        %get3A_776 = arith.index_cast %add3A_775 : i32 to index
        %get3A_777 = arith.constant 0 : index
        %get3A_778 = tpu.vector_load %arg11[%get3A_776, %get3A_777] {strides = array<i32>} : memref<800x64xf32, #tpu.memory_space<vmem>>, vector<1x16xf32>,
        %get3A_779 = vector.shape_cast %get3A_778 : vector<1x16xf32> to vector<16xf32>
        %add3A_780 = arith.addf %add3A_773, %get3A_779 : vector<16xf32>
        %add3A_781 = arith.constant 41 : i32
        %add3A_782 = arith.addi %mul3A_497, %add3A_781 : i32
        %get3A_783 = arith.index_cast %add3A_782 : i32 to index
        %get3A_784 = arith.constant 0 : index
        %get3A_785 = tpu.vector_load %arg11[%get3A_783, %get3A_784] {strides = array<i32>} : memref<800x64xf32, #tpu.memory_space<vmem>>, vector<1x16xf32>,
        %get3A_786 = vector.shape_cast %get3A_785 : vector<1x16xf32> to vector<16xf32>
        %add3A_787 = arith.addf %add3A_780, %get3A_786 : vector<16xf32>
        %add3A_788 = arith.constant 42 : i32
        %add3A_789 = arith.addi %mul3A_497, %add3A_788 : i32
        %get3A_790 = arith.index_cast %add3A_789 : i32 to index
        %get3A_791 = arith.constant 0 : index
        %get3A_792 = tpu.vector_load %arg11[%get3A_790, %get3A_791] {strides = array<i32>} : memref<800x64xf32, #tpu.memory_space<vmem>>, vector<1x16xf32>,
        %get3A_793 = vector.shape_cast %get3A_792 : vector<1x16xf32> to vector<16xf32>
        %add3A_794 = arith.addf %add3A_787, %get3A_793 : vector<16xf32>
        %add3A_795 = arith.constant 43 : i32
        %add3A_796 = arith.addi %mul3A_497, %add3A_795 : i32
        %get3A_797 = arith.index_cast %add3A_796 : i32 to index
        %get3A_798 = arith.constant 0 : index
        %get3A_799 = tpu.vector_load %arg11[%get3A_797, %get3A_798] {strides = array<i32>} : memref<800x64xf32, #tpu.memory_space<vmem>>, vector<1x16xf32>,
        %get3A_800 = vector.shape_cast %get3A_799 : vector<1x16xf32> to vector<16xf32>
        %add3A_801 = arith.addf %add3A_794, %get3A_800 : vector<16xf32>
        %add3A_802 = arith.constant 44 : i32
        %add3A_803 = arith.addi %mul3A_497, %add3A_802 : i32
        %get3A_804 = arith.index_cast %add3A_803 : i32 to index
        %get3A_805 = arith.constant 0 : index
        %get3A_806 = tpu.vector_load %arg11[%get3A_804, %get3A_805] {strides = array<i32>} : memref<800x64xf32, #tpu.memory_space<vmem>>, vector<1x16xf32>,
        %get3A_807 = vector.shape_cast %get3A_806 : vector<1x16xf32> to vector<16xf32>
        %add3A_808 = arith.addf %add3A_801, %get3A_807 : vector<16xf32>
        %add3A_809 = arith.constant 45 : i32
        %add3A_810 = arith.addi %mul3A_497, %add3A_809 : i32
        %get3A_811 = arith.index_cast %add3A_810 : i32 to index
        %get3A_812 = arith.constant 0 : index
        %get3A_813 = tpu.vector_load %arg11[%get3A_811, %get3A_812] {strides = array<i32>} : memref<800x64xf32, #tpu.memory_space<vmem>>, vector<1x16xf32>,
        %get3A_814 = vector.shape_cast %get3A_813 : vector<1x16xf32> to vector<16xf32>
        %add3A_815 = arith.addf %add3A_808, %get3A_814 : vector<16xf32>
        %add3A_816 = arith.constant 46 : i32
        %add3A_817 = arith.addi %mul3A_497, %add3A_816 : i32
        %get3A_818 = arith.index_cast %add3A_817 : i32 to index
        %get3A_819 = arith.constant 0 : index
        %get3A_820 = tpu.vector_load %arg11[%get3A_818, %get3A_819] {strides = array<i32>} : memref<800x64xf32, #tpu.memory_space<vmem>>, vector<1x16xf32>,
        %get3A_821 = vector.shape_cast %get3A_820 : vector<1x16xf32> to vector<16xf32>
        %add3A_822 = arith.addf %add3A_815, %get3A_821 : vector<16xf32>
        %add3A_823 = arith.constant 47 : i32
        %add3A_824 = arith.addi %mul3A_497, %add3A_823 : i32
        %get3A_825 = arith.index_cast %add3A_824 : i32 to index
        %get3A_826 = arith.constant 0 : index
        %get3A_827 = tpu.vector_load %arg11[%get3A_825, %get3A_826] {strides = array<i32>} : memref<800x64xf32, #tpu.memory_space<vmem>>, vector<1x16xf32>,
        %get3A_828 = vector.shape_cast %get3A_827 : vector<1x16xf32> to vector<16xf32>
        %add3A_829 = arith.addf %add3A_822, %get3A_828 : vector<16xf32>
        %add3A_830 = arith.constant 48 : i32
        %add3A_831 = arith.addi %mul3A_497, %add3A_830 : i32
        %get3A_832 = arith.index_cast %add3A_831 : i32 to index
        %get3A_833 = arith.constant 0 : index
        %get3A_834 = tpu.vector_load %arg11[%get3A_832, %get3A_833] {strides = array<i32>} : memref<800x64xf32, #tpu.memory_space<vmem>>, vector<1x16xf32>,
        %get3A_835 = vector.shape_cast %get3A_834 : vector<1x16xf32> to vector<16xf32>
        %add3A_836 = arith.addf %add3A_829, %get3A_835 : vector<16xf32>
        %add3A_837 = arith.constant 49 : i32
        %add3A_838 = arith.addi %mul3A_497, %add3A_837 : i32
        %get3A_839 = arith.index_cast %add3A_838 : i32 to index
        %get3A_840 = arith.constant 0 : index
        %get3A_841 = tpu.vector_load %arg11[%get3A_839, %get3A_840] {strides = array<i32>} : memref<800x64xf32, #tpu.memory_space<vmem>>, vector<1x16xf32>,
        %get3A_842 = vector.shape_cast %get3A_841 : vector<1x16xf32> to vector<16xf32>
        %add3A_843 = arith.addf %add3A_836, %get3A_842 : vector<16xf32>
        %swap3A = arith.index_cast %scan3A_495 : i32 to index
        %swap3A_844 = arith.constant 0 : index
        %swap3A_845 = tpu.vector_load %arg13[%swap3A, %swap3A_844] {strides = array<i32>} : memref<16x64xf32, #tpu.memory_space<vmem>>, vector<1x16xf32>,
        %swap3A_846 = vector.shape_cast %swap3A_845 : vector<1x16xf32> to vector<16xf32>
        %swap3A_847 = vector.shape_cast %add3A_843 : vector<16xf32> to vector<1x16xf32>
        tpu.vector_store %arg13[%swap3A, %swap3A_844], %swap3A_847 {strides = array<i32>} : memref<16x64xf32, #tpu.memory_space<vmem>>, vector<1x16xf32>,
        %get3A_848 = arith.index_cast %mul3A_497 : i32 to index
        %get3A_849 = arith.constant 16 : index
        %get3A_850 = tpu.vector_load %arg11[%get3A_848, %get3A_849] {strides = array<i32>} : memref<800x64xf32, #tpu.memory_space<vmem>>, vector<1x16xf32>,
        %get3A_851 = vector.shape_cast %get3A_850 : vector<1x16xf32> to vector<16xf32>
        %add3A_852 = arith.constant 1 : i32
        %add3A_853 = arith.addi %mul3A_497, %add3A_852 : i32
        %get3A_854 = arith.index_cast %add3A_853 : i32 to index
        %get3A_855 = arith.constant 16 : index
        %get3A_856 = tpu.vector_load %arg11[%get3A_854, %get3A_855] {strides = array<i32>} : memref<800x64xf32, #tpu.memory_space<vmem>>, vector<1x16xf32>,
        %get3A_857 = vector.shape_cast %get3A_856 : vector<1x16xf32> to vector<16xf32>
        %add3A_858 = arith.addf %get3A_851, %get3A_857 : vector<16xf32>
        %add3A_859 = arith.constant 2 : i32
        %add3A_860 = arith.addi %mul3A_497, %add3A_859 : i32
        %get3A_861 = arith.index_cast %add3A_860 : i32 to index
        %get3A_862 = arith.constant 16 : index
        %get3A_863 = tpu.vector_load %arg11[%get3A_861, %get3A_862] {strides = array<i32>} : memref<800x64xf32, #tpu.memory_space<vmem>>, vector<1x16xf32>,
        %get3A_864 = vector.shape_cast %get3A_863 : vector<1x16xf32> to vector<16xf32>
        %add3A_865 = arith.addf %add3A_858, %get3A_864 : vector<16xf32>
        %add3A_866 = arith.constant 3 : i32
        %add3A_867 = arith.addi %mul3A_497, %add3A_866 : i32
        %get3A_868 = arith.index_cast %add3A_867 : i32 to index
        %get3A_869 = arith.constant 16 : index
        %get3A_870 = tpu.vector_load %arg11[%get3A_868, %get3A_869] {strides = array<i32>} : memref<800x64xf32, #tpu.memory_space<vmem>>, vector<1x16xf32>,
        %get3A_871 = vector.shape_cast %get3A_870 : vector<1x16xf32> to vector<16xf32>
        %add3A_872 = arith.addf %add3A_865, %get3A_871 : vector<16xf32>
        %add3A_873 = arith.constant 4 : i32
        %add3A_874 = arith.addi %mul3A_497, %add3A_873 : i32
        %get3A_875 = arith.index_cast %add3A_874 : i32 to index
        %get3A_876 = arith.constant 16 : index
        %get3A_877 = tpu.vector_load %arg11[%get3A_875, %get3A_876] {strides = array<i32>} : memref<800x64xf32, #tpu.memory_space<vmem>>, vector<1x16xf32>,
        %get3A_878 = vector.shape_cast %get3A_877 : vector<1x16xf32> to vector<16xf32>
        %add3A_879 = arith.addf %add3A_872, %get3A_878 : vector<16xf32>
        %add3A_880 = arith.constant 5 : i32
        %add3A_881 = arith.addi %mul3A_497, %add3A_880 : i32
        %get3A_882 = arith.index_cast %add3A_881 : i32 to index
        %get3A_883 = arith.constant 16 : index
        %get3A_884 = tpu.vector_load %arg11[%get3A_882, %get3A_883] {strides = array<i32>} : memref<800x64xf32, #tpu.memory_space<vmem>>, vector<1x16xf32>,
        %get3A_885 = vector.shape_cast %get3A_884 : vector<1x16xf32> to vector<16xf32>
        %add3A_886 = arith.addf %add3A_879, %get3A_885 : vector<16xf32>
        %add3A_887 = arith.constant 6 : i32
        %add3A_888 = arith.addi %mul3A_497, %add3A_887 : i32
        %get3A_889 = arith.index_cast %add3A_888 : i32 to index
        %get3A_890 = arith.constant 16 : index
        %get3A_891 = tpu.vector_load %arg11[%get3A_889, %get3A_890] {strides = array<i32>} : memref<800x64xf32, #tpu.memory_space<vmem>>, vector<1x16xf32>,
        %get3A_892 = vector.shape_cast %get3A_891 : vector<1x16xf32> to vector<16xf32>
        %add3A_893 = arith.addf %add3A_886, %get3A_892 : vector<16xf32>
        %add3A_894 = arith.constant 7 : i32
        %add3A_895 = arith.addi %mul3A_497, %add3A_894 : i32
        %get3A_896 = arith.index_cast %add3A_895 : i32 to index
        %get3A_897 = arith.constant 16 : index
        %get3A_898 = tpu.vector_load %arg11[%get3A_896, %get3A_897] {strides = array<i32>} : memref<800x64xf32, #tpu.memory_space<vmem>>, vector<1x16xf32>,
        %get3A_899 = vector.shape_cast %get3A_898 : vector<1x16xf32> to vector<16xf32>
        %add3A_900 = arith.addf %add3A_893, %get3A_899 : vector<16xf32>
        %add3A_901 = arith.constant 8 : i32
        %add3A_902 = arith.addi %mul3A_497, %add3A_901 : i32
        %get3A_903 = arith.index_cast %add3A_902 : i32 to index
        %get3A_904 = arith.constant 16 : index
        %get3A_905 = tpu.vector_load %arg11[%get3A_903, %get3A_904] {strides = array<i32>} : memref<800x64xf32, #tpu.memory_space<vmem>>, vector<1x16xf32>,
        %get3A_906 = vector.shape_cast %get3A_905 : vector<1x16xf32> to vector<16xf32>
        %add3A_907 = arith.addf %add3A_900, %get3A_906 : vector<16xf32>
        %add3A_908 = arith.constant 9 : i32
        %add3A_909 = arith.addi %mul3A_497, %add3A_908 : i32
        %get3A_910 = arith.index_cast %add3A_909 : i32 to index
        %get3A_911 = arith.constant 16 : index
        %get3A_912 = tpu.vector_load %arg11[%get3A_910, %get3A_911] {strides = array<i32>} : memref<800x64xf32, #tpu.memory_space<vmem>>, vector<1x16xf32>,
        %get3A_913 = vector.shape_cast %get3A_912 : vector<1x16xf32> to vector<16xf32>
        %add3A_914 = arith.addf %add3A_907, %get3A_913 : vector<16xf32>
        %add3A_915 = arith.constant 10 : i32
        %add3A_916 = arith.addi %mul3A_497, %add3A_915 : i32
        %get3A_917 = arith.index_cast %add3A_916 : i32 to index
        %get3A_918 = arith.constant 16 : index
        %get3A_919 = tpu.vector_load %arg11[%get3A_917, %get3A_918] {strides = array<i32>} : memref<800x64xf32, #tpu.memory_space<vmem>>, vector<1x16xf32>,
        %get3A_920 = vector.shape_cast %get3A_919 : vector<1x16xf32> to vector<16xf32>
        %add3A_921 = arith.addf %add3A_914, %get3A_920 : vector<16xf32>
        %add3A_922 = arith.constant 11 : i32
        %add3A_923 = arith.addi %mul3A_497, %add3A_922 : i32
        %get3A_924 = arith.index_cast %add3A_923 : i32 to index
        %get3A_925 = arith.constant 16 : index
        %get3A_926 = tpu.vector_load %arg11[%get3A_924, %get3A_925] {strides = array<i32>} : memref<800x64xf32, #tpu.memory_space<vmem>>, vector<1x16xf32>,
        %get3A_927 = vector.shape_cast %get3A_926 : vector<1x16xf32> to vector<16xf32>
        %add3A_928 = arith.addf %add3A_921, %get3A_927 : vector<16xf32>
        %add3A_929 = arith.constant 12 : i32
        %add3A_930 = arith.addi %mul3A_497, %add3A_929 : i32
        %get3A_931 = arith.index_cast %add3A_930 : i32 to index
        %get3A_932 = arith.constant 16 : index
        %get3A_933 = tpu.vector_load %arg11[%get3A_931, %get3A_932] {strides = array<i32>} : memref<800x64xf32, #tpu.memory_space<vmem>>, vector<1x16xf32>,
        %get3A_934 = vector.shape_cast %get3A_933 : vector<1x16xf32> to vector<16xf32>
        %add3A_935 = arith.addf %add3A_928, %get3A_934 : vector<16xf32>
        %add3A_936 = arith.constant 13 : i32
        %add3A_937 = arith.addi %mul3A_497, %add3A_936 : i32
        %get3A_938 = arith.index_cast %add3A_937 : i32 to index
        %get3A_939 = arith.constant 16 : index
        %get3A_940 = tpu.vector_load %arg11[%get3A_938, %get3A_939] {strides = array<i32>} : memref<800x64xf32, #tpu.memory_space<vmem>>, vector<1x16xf32>,
        %get3A_941 = vector.shape_cast %get3A_940 : vector<1x16xf32> to vector<16xf32>
        %add3A_942 = arith.addf %add3A_935, %get3A_941 : vector<16xf32>
        %add3A_943 = arith.constant 14 : i32
        %add3A_944 = arith.addi %mul3A_497, %add3A_943 : i32
        %get3A_945 = arith.index_cast %add3A_944 : i32 to index
        %get3A_946 = arith.constant 16 : index
        %get3A_947 = tpu.vector_load %arg11[%get3A_945, %get3A_946] {strides = array<i32>} : memref<800x64xf32, #tpu.memory_space<vmem>>, vector<1x16xf32>,
        %get3A_948 = vector.shape_cast %get3A_947 : vector<1x16xf32> to vector<16xf32>
        %add3A_949 = arith.addf %add3A_942, %get3A_948 : vector<16xf32>
        %add3A_950 = arith.constant 15 : i32
        %add3A_951 = arith.addi %mul3A_497, %add3A_950 : i32
        %get3A_952 = arith.index_cast %add3A_951 : i32 to index
        %get3A_953 = arith.constant 16 : index
        %get3A_954 = tpu.vector_load %arg11[%get3A_952, %get3A_953] {strides = array<i32>} : memref<800x64xf32, #tpu.memory_space<vmem>>, vector<1x16xf32>,
        %get3A_955 = vector.shape_cast %get3A_954 : vector<1x16xf32> to vector<16xf32>
        %add3A_956 = arith.addf %add3A_949, %get3A_955 : vector<16xf32>
        %add3A_957 = arith.constant 16 : i32
        %add3A_958 = arith.addi %mul3A_497, %add3A_957 : i32
        %get3A_959 = arith.index_cast %add3A_958 : i32 to index
        %get3A_960 = arith.constant 16 : index
        %get3A_961 = tpu.vector_load %arg11[%get3A_959, %get3A_960] {strides = array<i32>} : memref<800x64xf32, #tpu.memory_space<vmem>>, vector<1x16xf32>,
        %get3A_962 = vector.shape_cast %get3A_961 : vector<1x16xf32> to vector<16xf32>
        %add3A_963 = arith.addf %add3A_956, %get3A_962 : vector<16xf32>
        %add3A_964 = arith.constant 17 : i32
        %add3A_965 = arith.addi %mul3A_497, %add3A_964 : i32
        %get3A_966 = arith.index_cast %add3A_965 : i32 to index
        %get3A_967 = arith.constant 16 : index
        %get3A_968 = tpu.vector_load %arg11[%get3A_966, %get3A_967] {strides = array<i32>} : memref<800x64xf32, #tpu.memory_space<vmem>>, vector<1x16xf32>,
        %get3A_969 = vector.shape_cast %get3A_968 : vector<1x16xf32> to vector<16xf32>
        %add3A_970 = arith.addf %add3A_963, %get3A_969 : vector<16xf32>
        %add3A_971 = arith.constant 18 : i32
        %add3A_972 = arith.addi %mul3A_497, %add3A_971 : i32
        %get3A_973 = arith.index_cast %add3A_972 : i32 to index
        %get3A_974 = arith.constant 16 : index
        %get3A_975 = tpu.vector_load %arg11[%get3A_973, %get3A_974] {strides = array<i32>} : memref<800x64xf32, #tpu.memory_space<vmem>>, vector<1x16xf32>,
        %get3A_976 = vector.shape_cast %get3A_975 : vector<1x16xf32> to vector<16xf32>
        %add3A_977 = arith.addf %add3A_970, %get3A_976 : vector<16xf32>
        %add3A_978 = arith.constant 19 : i32
        %add3A_979 = arith.addi %mul3A_497, %add3A_978 : i32
        %get3A_980 = arith.index_cast %add3A_979 : i32 to index
        %get3A_981 = arith.constant 16 : index
        %get3A_982 = tpu.vector_load %arg11[%get3A_980, %get3A_981] {strides = array<i32>} : memref<800x64xf32, #tpu.memory_space<vmem>>, vector<1x16xf32>,
        %get3A_983 = vector.shape_cast %get3A_982 : vector<1x16xf32> to vector<16xf32>
        %add3A_984 = arith.addf %add3A_977, %get3A_983 : vector<16xf32>
        %add3A_985 = arith.constant 20 : i32
        %add3A_986 = arith.addi %mul3A_497, %add3A_985 : i32
        %get3A_987 = arith.index_cast %add3A_986 : i32 to index
        %get3A_988 = arith.constant 16 : index
        %get3A_989 = tpu.vector_load %arg11[%get3A_987, %get3A_988] {strides = array<i32>} : memref<800x64xf32, #tpu.memory_space<vmem>>, vector<1x16xf32>,
        %get3A_990 = vector.shape_cast %get3A_989 : vector<1x16xf32> to vector<16xf32>
        %add3A_991 = arith.addf %add3A_984, %get3A_990 : vector<16xf32>
        %add3A_992 = arith.constant 21 : i32
        %add3A_993 = arith.addi %mul3A_497, %add3A_992 : i32
        %get3A_994 = arith.index_cast %add3A_993 : i32 to index
        %get3A_995 = arith.constant 16 : index
        %get3A_996 = tpu.vector_load %arg11[%get3A_994, %get3A_995] {strides = array<i32>} : memref<800x64xf32, #tpu.memory_space<vmem>>, vector<1x16xf32>,
        %get3A_997 = vector.shape_cast %get3A_996 : vector<1x16xf32> to vector<16xf32>
        %add3A_998 = arith.addf %add3A_991, %get3A_997 : vector<16xf32>
        %add3A_999 = arith.constant 22 : i32
        %add3A_1000 = arith.addi %mul3A_497, %add3A_999 : i32
        %get3A_1001 = arith.index_cast %add3A_1000 : i32 to index
        %get3A_1002 = arith.constant 16 : index
        %get3A_1003 = tpu.vector_load %arg11[%get3A_1001, %get3A_1002] {strides = array<i32>} : memref<800x64xf32, #tpu.memory_space<vmem>>, vector<1x16xf32>,
        %get3A_1004 = vector.shape_cast %get3A_1003 : vector<1x16xf32> to vector<16xf32>
        %add3A_1005 = arith.addf %add3A_998, %get3A_1004 : vector<16xf32>
        %add3A_1006 = arith.constant 23 : i32
        %add3A_1007 = arith.addi %mul3A_497, %add3A_1006 : i32
        %get3A_1008 = arith.index_cast %add3A_1007 : i32 to index
        %get3A_1009 = arith.constant 16 : index
        %get3A_1010 = tpu.vector_load %arg11[%get3A_1008, %get3A_1009] {strides = array<i32>} : memref<800x64xf32, #tpu.memory_space<vmem>>, vector<1x16xf32>,
        %get3A_1011 = vector.shape_cast %get3A_1010 : vector<1x16xf32> to vector<16xf32>
        %add3A_1012 = arith.addf %add3A_1005, %get3A_1011 : vector<16xf32>
        %add3A_1013 = arith.constant 24 : i32
        %add3A_1014 = arith.addi %mul3A_497, %add3A_1013 : i32
        %get3A_1015 = arith.index_cast %add3A_1014 : i32 to index
        %get3A_1016 = arith.constant 16 : index
        %get3A_1017 = tpu.vector_load %arg11[%get3A_1015, %get3A_1016] {strides = array<i32>} : memref<800x64xf32, #tpu.memory_space<vmem>>, vector<1x16xf32>,
        %get3A_1018 = vector.shape_cast %get3A_1017 : vector<1x16xf32> to vector<16xf32>
        %add3A_1019 = arith.addf %add3A_1012, %get3A_1018 : vector<16xf32>
        %add3A_1020 = arith.constant 25 : i32
        %add3A_1021 = arith.addi %mul3A_497, %add3A_1020 : i32
        %get3A_1022 = arith.index_cast %add3A_1021 : i32 to index
        %get3A_1023 = arith.constant 16 : index
        %get3A_1024 = tpu.vector_load %arg11[%get3A_1022, %get3A_1023] {strides = array<i32>} : memref<800x64xf32, #tpu.memory_space<vmem>>, vector<1x16xf32>,
        %get3A_1025 = vector.shape_cast %get3A_1024 : vector<1x16xf32> to vector<16xf32>
        %add3A_1026 = arith.addf %add3A_1019, %get3A_1025 : vector<16xf32>
        %add3A_1027 = arith.constant 26 : i32
        %add3A_1028 = arith.addi %mul3A_497, %add3A_1027 : i32
        %get3A_1029 = arith.index_cast %add3A_1028 : i32 to index
        %get3A_1030 = arith.constant 16 : index
        %get3A_1031 = tpu.vector_load %arg11[%get3A_1029, %get3A_1030] {strides = array<i32>} : memref<800x64xf32, #tpu.memory_space<vmem>>, vector<1x16xf32>,
        %get3A_1032 = vector.shape_cast %get3A_1031 : vector<1x16xf32> to vector<16xf32>
        %add3A_1033 = arith.addf %add3A_1026, %get3A_1032 : vector<16xf32>
        %add3A_1034 = arith.constant 27 : i32
        %add3A_1035 = arith.addi %mul3A_497, %add3A_1034 : i32
        %get3A_1036 = arith.index_cast %add3A_1035 : i32 to index
        %get3A_1037 = arith.constant 16 : index
        %get3A_1038 = tpu.vector_load %arg11[%get3A_1036, %get3A_1037] {strides = array<i32>} : memref<800x64xf32, #tpu.memory_space<vmem>>, vector<1x16xf32>,
        %get3A_1039 = vector.shape_cast %get3A_1038 : vector<1x16xf32> to vector<16xf32>
        %add3A_1040 = arith.addf %add3A_1033, %get3A_1039 : vector<16xf32>
        %add3A_1041 = arith.constant 28 : i32
        %add3A_1042 = arith.addi %mul3A_497, %add3A_1041 : i32
        %get3A_1043 = arith.index_cast %add3A_1042 : i32 to index
        %get3A_1044 = arith.constant 16 : index
        %get3A_1045 = tpu.vector_load %arg11[%get3A_1043, %get3A_1044] {strides = array<i32>} : memref<800x64xf32, #tpu.memory_space<vmem>>, vector<1x16xf32>,
        %get3A_1046 = vector.shape_cast %get3A_1045 : vector<1x16xf32> to vector<16xf32>
        %add3A_1047 = arith.addf %add3A_1040, %get3A_1046 : vector<16xf32>
        %add3A_1048 = arith.constant 29 : i32
        %add3A_1049 = arith.addi %mul3A_497, %add3A_1048 : i32
        %get3A_1050 = arith.index_cast %add3A_1049 : i32 to index
        %get3A_1051 = arith.constant 16 : index
        %get3A_1052 = tpu.vector_load %arg11[%get3A_1050, %get3A_1051] {strides = array<i32>} : memref<800x64xf32, #tpu.memory_space<vmem>>, vector<1x16xf32>,
        %get3A_1053 = vector.shape_cast %get3A_1052 : vector<1x16xf32> to vector<16xf32>
        %add3A_1054 = arith.addf %add3A_1047, %get3A_1053 : vector<16xf32>
        %add3A_1055 = arith.constant 30 : i32
        %add3A_1056 = arith.addi %mul3A_497, %add3A_1055 : i32
        %get3A_1057 = arith.index_cast %add3A_1056 : i32 to index
        %get3A_1058 = arith.constant 16 : index
        %get3A_1059 = tpu.vector_load %arg11[%get3A_1057, %get3A_1058] {strides = array<i32>} : memref<800x64xf32, #tpu.memory_space<vmem>>, vector<1x16xf32>,
        %get3A_1060 = vector.shape_cast %get3A_1059 : vector<1x16xf32> to vector<16xf32>
        %add3A_1061 = arith.addf %add3A_1054, %get3A_1060 : vector<16xf32>
        %add3A_1062 = arith.constant 31 : i32
        %add3A_1063 = arith.addi %mul3A_497, %add3A_1062 : i32
        %get3A_1064 = arith.index_cast %add3A_1063 : i32 to index
        %get3A_1065 = arith.constant 16 : index
        %get3A_1066 = tpu.vector_load %arg11[%get3A_1064, %get3A_1065] {strides = array<i32>} : memref<800x64xf32, #tpu.memory_space<vmem>>, vector<1x16xf32>,
        %get3A_1067 = vector.shape_cast %get3A_1066 : vector<1x16xf32> to vector<16xf32>
        %add3A_1068 = arith.addf %add3A_1061, %get3A_1067 : vector<16xf32>
        %add3A_1069 = arith.constant 32 : i32
        %add3A_1070 = arith.addi %mul3A_497, %add3A_1069 : i32
        %get3A_1071 = arith.index_cast %add3A_1070 : i32 to index
        %get3A_1072 = arith.constant 16 : index
        %get3A_1073 = tpu.vector_load %arg11[%get3A_1071, %get3A_1072] {strides = array<i32>} : memref<800x64xf32, #tpu.memory_space<vmem>>, vector<1x16xf32>,
        %get3A_1074 = vector.shape_cast %get3A_1073 : vector<1x16xf32> to vector<16xf32>
        %add3A_1075 = arith.addf %add3A_1068, %get3A_1074 : vector<16xf32>
        %add3A_1076 = arith.constant 33 : i32
        %add3A_1077 = arith.addi %mul3A_497, %add3A_1076 : i32
        %get3A_1078 = arith.index_cast %add3A_1077 : i32 to index
        %get3A_1079 = arith.constant 16 : index
        %get3A_1080 = tpu.vector_load %arg11[%get3A_1078, %get3A_1079] {strides = array<i32>} : memref<800x64xf32, #tpu.memory_space<vmem>>, vector<1x16xf32>,
        %get3A_1081 = vector.shape_cast %get3A_1080 : vector<1x16xf32> to vector<16xf32>
        %add3A_1082 = arith.addf %add3A_1075, %get3A_1081 : vector<16xf32>
        %add3A_1083 = arith.constant 34 : i32
        %add3A_1084 = arith.addi %mul3A_497, %add3A_1083 : i32
        %get3A_1085 = arith.index_cast %add3A_1084 : i32 to index
        %get3A_1086 = arith.constant 16 : index
        %get3A_1087 = tpu.vector_load %arg11[%get3A_1085, %get3A_1086] {strides = array<i32>} : memref<800x64xf32, #tpu.memory_space<vmem>>, vector<1x16xf32>,
        %get3A_1088 = vector.shape_cast %get3A_1087 : vector<1x16xf32> to vector<16xf32>
        %add3A_1089 = arith.addf %add3A_1082, %get3A_1088 : vector<16xf32>
        %add3A_1090 = arith.constant 35 : i32
        %add3A_1091 = arith.addi %mul3A_497, %add3A_1090 : i32
        %get3A_1092 = arith.index_cast %add3A_1091 : i32 to index
        %get3A_1093 = arith.constant 16 : index
        %get3A_1094 = tpu.vector_load %arg11[%get3A_1092, %get3A_1093] {strides = array<i32>} : memref<800x64xf32, #tpu.memory_space<vmem>>, vector<1x16xf32>,
        %get3A_1095 = vector.shape_cast %get3A_1094 : vector<1x16xf32> to vector<16xf32>
        %add3A_1096 = arith.addf %add3A_1089, %get3A_1095 : vector<16xf32>
        %add3A_1097 = arith.constant 36 : i32
        %add3A_1098 = arith.addi %mul3A_497, %add3A_1097 : i32
        %get3A_1099 = arith.index_cast %add3A_1098 : i32 to index
        %get3A_1100 = arith.constant 16 : index
        %get3A_1101 = tpu.vector_load %arg11[%get3A_1099, %get3A_1100] {strides = array<i32>} : memref<800x64xf32, #tpu.memory_space<vmem>>, vector<1x16xf32>,
        %get3A_1102 = vector.shape_cast %get3A_1101 : vector<1x16xf32> to vector<16xf32>
        %add3A_1103 = arith.addf %add3A_1096, %get3A_1102 : vector<16xf32>
        %add3A_1104 = arith.constant 37 : i32
        %add3A_1105 = arith.addi %mul3A_497, %add3A_1104 : i32
        %get3A_1106 = arith.index_cast %add3A_1105 : i32 to index
        %get3A_1107 = arith.constant 16 : index
        %get3A_1108 = tpu.vector_load %arg11[%get3A_1106, %get3A_1107] {strides = array<i32>} : memref<800x64xf32, #tpu.memory_space<vmem>>, vector<1x16xf32>,
        %get3A_1109 = vector.shape_cast %get3A_1108 : vector<1x16xf32> to vector<16xf32>
        %add3A_1110 = arith.addf %add3A_1103, %get3A_1109 : vector<16xf32>
        %add3A_1111 = arith.constant 38 : i32
        %add3A_1112 = arith.addi %mul3A_497, %add3A_1111 : i32
        %get3A_1113 = arith.index_cast %add3A_1112 : i32 to index
        %get3A_1114 = arith.constant 16 : index
        %get3A_1115 = tpu.vector_load %arg11[%get3A_1113, %get3A_1114] {strides = array<i32>} : memref<800x64xf32, #tpu.memory_space<vmem>>, vector<1x16xf32>,
        %get3A_1116 = vector.shape_cast %get3A_1115 : vector<1x16xf32> to vector<16xf32>
        %add3A_1117 = arith.addf %add3A_1110, %get3A_1116 : vector<16xf32>
        %add3A_1118 = arith.constant 39 : i32
        %add3A_1119 = arith.addi %mul3A_497, %add3A_1118 : i32
        %get3A_1120 = arith.index_cast %add3A_1119 : i32 to index
        %get3A_1121 = arith.constant 16 : index
        %get3A_1122 = tpu.vector_load %arg11[%get3A_1120, %get3A_1121] {strides = array<i32>} : memref<800x64xf32, #tpu.memory_space<vmem>>, vector<1x16xf32>,
        %get3A_1123 = vector.shape_cast %get3A_1122 : vector<1x16xf32> to vector<16xf32>
        %add3A_1124 = arith.addf %add3A_1117, %get3A_1123 : vector<16xf32>
        %add3A_1125 = arith.constant 40 : i32
        %add3A_1126 = arith.addi %mul3A_497, %add3A_1125 : i32
        %get3A_1127 = arith.index_cast %add3A_1126 : i32 to index
        %get3A_1128 = arith.constant 16 : index
        %get3A_1129 = tpu.vector_load %arg11[%get3A_1127, %get3A_1128] {strides = array<i32>} : memref<800x64xf32, #tpu.memory_space<vmem>>, vector<1x16xf32>,
        %get3A_1130 = vector.shape_cast %get3A_1129 : vector<1x16xf32> to vector<16xf32>
        %add3A_1131 = arith.addf %add3A_1124, %get3A_1130 : vector<16xf32>
        %add3A_1132 = arith.constant 41 : i32
        %add3A_1133 = arith.addi %mul3A_497, %add3A_1132 : i32
        %get3A_1134 = arith.index_cast %add3A_1133 : i32 to index
        %get3A_1135 = arith.constant 16 : index
        %get3A_1136 = tpu.vector_load %arg11[%get3A_1134, %get3A_1135] {strides = array<i32>} : memref<800x64xf32, #tpu.memory_space<vmem>>, vector<1x16xf32>,
        %get3A_1137 = vector.shape_cast %get3A_1136 : vector<1x16xf32> to vector<16xf32>
        %add3A_1138 = arith.addf %add3A_1131, %get3A_1137 : vector<16xf32>
        %add3A_1139 = arith.constant 42 : i32
        %add3A_1140 = arith.addi %mul3A_497, %add3A_1139 : i32
        %get3A_1141 = arith.index_cast %add3A_1140 : i32 to index
        %get3A_1142 = arith.constant 16 : index
        %get3A_1143 = tpu.vector_load %arg11[%get3A_1141, %get3A_1142] {strides = array<i32>} : memref<800x64xf32, #tpu.memory_space<vmem>>, vector<1x16xf32>,
        %get3A_1144 = vector.shape_cast %get3A_1143 : vector<1x16xf32> to vector<16xf32>
        %add3A_1145 = arith.addf %add3A_1138, %get3A_1144 : vector<16xf32>
        %add3A_1146 = arith.constant 43 : i32
        %add3A_1147 = arith.addi %mul3A_497, %add3A_1146 : i32
        %get3A_1148 = arith.index_cast %add3A_1147 : i32 to index
        %get3A_1149 = arith.constant 16 : index
        %get3A_1150 = tpu.vector_load %arg11[%get3A_1148, %get3A_1149] {strides = array<i32>} : memref<800x64xf32, #tpu.memory_space<vmem>>, vector<1x16xf32>,
        %get3A_1151 = vector.shape_cast %get3A_1150 : vector<1x16xf32> to vector<16xf32>
        %add3A_1152 = arith.addf %add3A_1145, %get3A_1151 : vector<16xf32>
        %add3A_1153 = arith.constant 44 : i32
        %add3A_1154 = arith.addi %mul3A_497, %add3A_1153 : i32
        %get3A_1155 = arith.index_cast %add3A_1154 : i32 to index
        %get3A_1156 = arith.constant 16 : index
        %get3A_1157 = tpu.vector_load %arg11[%get3A_1155, %get3A_1156] {strides = array<i32>} : memref<800x64xf32, #tpu.memory_space<vmem>>, vector<1x16xf32>,
        %get3A_1158 = vector.shape_cast %get3A_1157 : vector<1x16xf32> to vector<16xf32>
        %add3A_1159 = arith.addf %add3A_1152, %get3A_1158 : vector<16xf32>
        %add3A_1160 = arith.constant 45 : i32
        %add3A_1161 = arith.addi %mul3A_497, %add3A_1160 : i32
        %get3A_1162 = arith.index_cast %add3A_1161 : i32 to index
        %get3A_1163 = arith.constant 16 : index
        %get3A_1164 = tpu.vector_load %arg11[%get3A_1162, %get3A_1163] {strides = array<i32>} : memref<800x64xf32, #tpu.memory_space<vmem>>, vector<1x16xf32>,
        %get3A_1165 = vector.shape_cast %get3A_1164 : vector<1x16xf32> to vector<16xf32>
        %add3A_1166 = arith.addf %add3A_1159, %get3A_1165 : vector<16xf32>
        %add3A_1167 = arith.constant 46 : i32
        %add3A_1168 = arith.addi %mul3A_497, %add3A_1167 : i32
        %get3A_1169 = arith.index_cast %add3A_1168 : i32 to index
        %get3A_1170 = arith.constant 16 : index
        %get3A_1171 = tpu.vector_load %arg11[%get3A_1169, %get3A_1170] {strides = array<i32>} : memref<800x64xf32, #tpu.memory_space<vmem>>, vector<1x16xf32>,
        %get3A_1172 = vector.shape_cast %get3A_1171 : vector<1x16xf32> to vector<16xf32>
        %add3A_1173 = arith.addf %add3A_1166, %get3A_1172 : vector<16xf32>
        %add3A_1174 = arith.constant 47 : i32
        %add3A_1175 = arith.addi %mul3A_497, %add3A_1174 : i32
        %get3A_1176 = arith.index_cast %add3A_1175 : i32 to index
        %get3A_1177 = arith.constant 16 : index
        %get3A_1178 = tpu.vector_load %arg11[%get3A_1176, %get3A_1177] {strides = array<i32>} : memref<800x64xf32, #tpu.memory_space<vmem>>, vector<1x16xf32>,
        %get3A_1179 = vector.shape_cast %get3A_1178 : vector<1x16xf32> to vector<16xf32>
        %add3A_1180 = arith.addf %add3A_1173, %get3A_1179 : vector<16xf32>
        %add3A_1181 = arith.constant 48 : i32
        %add3A_1182 = arith.addi %mul3A_497, %add3A_1181 : i32
        %get3A_1183 = arith.index_cast %add3A_1182 : i32 to index
        %get3A_1184 = arith.constant 16 : index
        %get3A_1185 = tpu.vector_load %arg11[%get3A_1183, %get3A_1184] {strides = array<i32>} : memref<800x64xf32, #tpu.memory_space<vmem>>, vector<1x16xf32>,
        %get3A_1186 = vector.shape_cast %get3A_1185 : vector<1x16xf32> to vector<16xf32>
        %add3A_1187 = arith.addf %add3A_1180, %get3A_1186 : vector<16xf32>
        %add3A_1188 = arith.constant 49 : i32
        %add3A_1189 = arith.addi %mul3A_497, %add3A_1188 : i32
        %get3A_1190 = arith.index_cast %add3A_1189 : i32 to index
        %get3A_1191 = arith.constant 16 : index
        %get3A_1192 = tpu.vector_load %arg11[%get3A_1190, %get3A_1191] {strides = array<i32>} : memref<800x64xf32, #tpu.memory_space<vmem>>, vector<1x16xf32>,
        %get3A_1193 = vector.shape_cast %get3A_1192 : vector<1x16xf32> to vector<16xf32>
        %add3A_1194 = arith.addf %add3A_1187, %get3A_1193 : vector<16xf32>
        %swap3A_1195 = arith.index_cast %scan3A_495 : i32 to index
        %swap3A_1196 = arith.constant 16 : index
        %swap3A_1197 = tpu.vector_load %arg13[%swap3A_1195, %swap3A_1196] {strides = array<i32>} : memref<16x64xf32, #tpu.memory_space<vmem>>, vector<1x16xf32>,
        %swap3A_1198 = vector.shape_cast %swap3A_1197 : vector<1x16xf32> to vector<16xf32>
        %swap3A_1199 = vector.shape_cast %add3A_1194 : vector<16xf32> to vector<1x16xf32>
        tpu.vector_store %arg13[%swap3A_1195, %swap3A_1196], %swap3A_1199 {strides = array<i32>} : memref<16x64xf32, #tpu.memory_space<vmem>>, vector<1x16xf32>,
        %get3A_1200 = arith.index_cast %mul3A_497 : i32 to index
        %get3A_1201 = arith.constant 32 : index
        %get3A_1202 = tpu.vector_load %arg11[%get3A_1200, %get3A_1201] {strides = array<i32>} : memref<800x64xf32, #tpu.memory_space<vmem>>, vector<1x16xf32>,
        %get3A_1203 = vector.shape_cast %get3A_1202 : vector<1x16xf32> to vector<16xf32>
        %add3A_1204 = arith.constant 1 : i32
        %add3A_1205 = arith.addi %mul3A_497, %add3A_1204 : i32
        %get3A_1206 = arith.index_cast %add3A_1205 : i32 to index
        %get3A_1207 = arith.constant 32 : index
        %get3A_1208 = tpu.vector_load %arg11[%get3A_1206, %get3A_1207] {strides = array<i32>} : memref<800x64xf32, #tpu.memory_space<vmem>>, vector<1x16xf32>,
        %get3A_1209 = vector.shape_cast %get3A_1208 : vector<1x16xf32> to vector<16xf32>
        %add3A_1210 = arith.addf %get3A_1203, %get3A_1209 : vector<16xf32>
        %add3A_1211 = arith.constant 2 : i32
        %add3A_1212 = arith.addi %mul3A_497, %add3A_1211 : i32
        %get3A_1213 = arith.index_cast %add3A_1212 : i32 to index
        %get3A_1214 = arith.constant 32 : index
        %get3A_1215 = tpu.vector_load %arg11[%get3A_1213, %get3A_1214] {strides = array<i32>} : memref<800x64xf32, #tpu.memory_space<vmem>>, vector<1x16xf32>,
        %get3A_1216 = vector.shape_cast %get3A_1215 : vector<1x16xf32> to vector<16xf32>
        %add3A_1217 = arith.addf %add3A_1210, %get3A_1216 : vector<16xf32>
        %add3A_1218 = arith.constant 3 : i32
        %add3A_1219 = arith.addi %mul3A_497, %add3A_1218 : i32
        %get3A_1220 = arith.index_cast %add3A_1219 : i32 to index
        %get3A_1221 = arith.constant 32 : index
        %get3A_1222 = tpu.vector_load %arg11[%get3A_1220, %get3A_1221] {strides = array<i32>} : memref<800x64xf32, #tpu.memory_space<vmem>>, vector<1x16xf32>,
        %get3A_1223 = vector.shape_cast %get3A_1222 : vector<1x16xf32> to vector<16xf32>
        %add3A_1224 = arith.addf %add3A_1217, %get3A_1223 : vector<16xf32>
        %add3A_1225 = arith.constant 4 : i32
        %add3A_1226 = arith.addi %mul3A_497, %add3A_1225 : i32
        %get3A_1227 = arith.index_cast %add3A_1226 : i32 to index
        %get3A_1228 = arith.constant 32 : index
        %get3A_1229 = tpu.vector_load %arg11[%get3A_1227, %get3A_1228] {strides = array<i32>} : memref<800x64xf32, #tpu.memory_space<vmem>>, vector<1x16xf32>,
        %get3A_1230 = vector.shape_cast %get3A_1229 : vector<1x16xf32> to vector<16xf32>
        %add3A_1231 = arith.addf %add3A_1224, %get3A_1230 : vector<16xf32>
        %add3A_1232 = arith.constant 5 : i32
        %add3A_1233 = arith.addi %mul3A_497, %add3A_1232 : i32
        %get3A_1234 = arith.index_cast %add3A_1233 : i32 to index
        %get3A_1235 = arith.constant 32 : index
        %get3A_1236 = tpu.vector_load %arg11[%get3A_1234, %get3A_1235] {strides = array<i32>} : memref<800x64xf32, #tpu.memory_space<vmem>>, vector<1x16xf32>,
        %get3A_1237 = vector.shape_cast %get3A_1236 : vector<1x16xf32> to vector<16xf32>
        %add3A_1238 = arith.addf %add3A_1231, %get3A_1237 : vector<16xf32>
        %add3A_1239 = arith.constant 6 : i32
        %add3A_1240 = arith.addi %mul3A_497, %add3A_1239 : i32
        %get3A_1241 = arith.index_cast %add3A_1240 : i32 to index
        %get3A_1242 = arith.constant 32 : index
        %get3A_1243 = tpu.vector_load %arg11[%get3A_1241, %get3A_1242] {strides = array<i32>} : memref<800x64xf32, #tpu.memory_space<vmem>>, vector<1x16xf32>,
        %get3A_1244 = vector.shape_cast %get3A_1243 : vector<1x16xf32> to vector<16xf32>
        %add3A_1245 = arith.addf %add3A_1238, %get3A_1244 : vector<16xf32>
        %add3A_1246 = arith.constant 7 : i32
        %add3A_1247 = arith.addi %mul3A_497, %add3A_1246 : i32
        %get3A_1248 = arith.index_cast %add3A_1247 : i32 to index
        %get3A_1249 = arith.constant 32 : index
        %get3A_1250 = tpu.vector_load %arg11[%get3A_1248, %get3A_1249] {strides = array<i32>} : memref<800x64xf32, #tpu.memory_space<vmem>>, vector<1x16xf32>,
        %get3A_1251 = vector.shape_cast %get3A_1250 : vector<1x16xf32> to vector<16xf32>
        %add3A_1252 = arith.addf %add3A_1245, %get3A_1251 : vector<16xf32>
        %add3A_1253 = arith.constant 8 : i32
        %add3A_1254 = arith.addi %mul3A_497, %add3A_1253 : i32
        %get3A_1255 = arith.index_cast %add3A_1254 : i32 to index
        %get3A_1256 = arith.constant 32 : index
        %get3A_1257 = tpu.vector_load %arg11[%get3A_1255, %get3A_1256] {strides = array<i32>} : memref<800x64xf32, #tpu.memory_space<vmem>>, vector<1x16xf32>,
        %get3A_1258 = vector.shape_cast %get3A_1257 : vector<1x16xf32> to vector<16xf32>
        %add3A_1259 = arith.addf %add3A_1252, %get3A_1258 : vector<16xf32>
        %add3A_1260 = arith.constant 9 : i32
        %add3A_1261 = arith.addi %mul3A_497, %add3A_1260 : i32
        %get3A_1262 = arith.index_cast %add3A_1261 : i32 to index
        %get3A_1263 = arith.constant 32 : index
        %get3A_1264 = tpu.vector_load %arg11[%get3A_1262, %get3A_1263] {strides = array<i32>} : memref<800x64xf32, #tpu.memory_space<vmem>>, vector<1x16xf32>,
        %get3A_1265 = vector.shape_cast %get3A_1264 : vector<1x16xf32> to vector<16xf32>
        %add3A_1266 = arith.addf %add3A_1259, %get3A_1265 : vector<16xf32>
        %add3A_1267 = arith.constant 10 : i32
        %add3A_1268 = arith.addi %mul3A_497, %add3A_1267 : i32
        %get3A_1269 = arith.index_cast %add3A_1268 : i32 to index
        %get3A_1270 = arith.constant 32 : index
        %get3A_1271 = tpu.vector_load %arg11[%get3A_1269, %get3A_1270] {strides = array<i32>} : memref<800x64xf32, #tpu.memory_space<vmem>>, vector<1x16xf32>,
        %get3A_1272 = vector.shape_cast %get3A_1271 : vector<1x16xf32> to vector<16xf32>
        %add3A_1273 = arith.addf %add3A_1266, %get3A_1272 : vector<16xf32>
        %add3A_1274 = arith.constant 11 : i32
        %add3A_1275 = arith.addi %mul3A_497, %add3A_1274 : i32
        %get3A_1276 = arith.index_cast %add3A_1275 : i32 to index
        %get3A_1277 = arith.constant 32 : index
        %get3A_1278 = tpu.vector_load %arg11[%get3A_1276, %get3A_1277] {strides = array<i32>} : memref<800x64xf32, #tpu.memory_space<vmem>>, vector<1x16xf32>,
        %get3A_1279 = vector.shape_cast %get3A_1278 : vector<1x16xf32> to vector<16xf32>
        %add3A_1280 = arith.addf %add3A_1273, %get3A_1279 : vector<16xf32>
        %add3A_1281 = arith.constant 12 : i32
        %add3A_1282 = arith.addi %mul3A_497, %add3A_1281 : i32
        %get3A_1283 = arith.index_cast %add3A_1282 : i32 to index
        %get3A_1284 = arith.constant 32 : index
        %get3A_1285 = tpu.vector_load %arg11[%get3A_1283, %get3A_1284] {strides = array<i32>} : memref<800x64xf32, #tpu.memory_space<vmem>>, vector<1x16xf32>,
        %get3A_1286 = vector.shape_cast %get3A_1285 : vector<1x16xf32> to vector<16xf32>
        %add3A_1287 = arith.addf %add3A_1280, %get3A_1286 : vector<16xf32>
        %add3A_1288 = arith.constant 13 : i32
        %add3A_1289 = arith.addi %mul3A_497, %add3A_1288 : i32
        %get3A_1290 = arith.index_cast %add3A_1289 : i32 to index
        %get3A_1291 = arith.constant 32 : index
        %get3A_1292 = tpu.vector_load %arg11[%get3A_1290, %get3A_1291] {strides = array<i32>} : memref<800x64xf32, #tpu.memory_space<vmem>>, vector<1x16xf32>,
        %get3A_1293 = vector.shape_cast %get3A_1292 : vector<1x16xf32> to vector<16xf32>
        %add3A_1294 = arith.addf %add3A_1287, %get3A_1293 : vector<16xf32>
        %add3A_1295 = arith.constant 14 : i32
        %add3A_1296 = arith.addi %mul3A_497, %add3A_1295 : i32
        %get3A_1297 = arith.index_cast %add3A_1296 : i32 to index
        %get3A_1298 = arith.constant 32 : index
        %get3A_1299 = tpu.vector_load %arg11[%get3A_1297, %get3A_1298] {strides = array<i32>} : memref<800x64xf32, #tpu.memory_space<vmem>>, vector<1x16xf32>,
        %get3A_1300 = vector.shape_cast %get3A_1299 : vector<1x16xf32> to vector<16xf32>
        %add3A_1301 = arith.addf %add3A_1294, %get3A_1300 : vector<16xf32>
        %add3A_1302 = arith.constant 15 : i32
        %add3A_1303 = arith.addi %mul3A_497, %add3A_1302 : i32
        %get3A_1304 = arith.index_cast %add3A_1303 : i32 to index
        %get3A_1305 = arith.constant 32 : index
        %get3A_1306 = tpu.vector_load %arg11[%get3A_1304, %get3A_1305] {strides = array<i32>} : memref<800x64xf32, #tpu.memory_space<vmem>>, vector<1x16xf32>,
        %get3A_1307 = vector.shape_cast %get3A_1306 : vector<1x16xf32> to vector<16xf32>
        %add3A_1308 = arith.addf %add3A_1301, %get3A_1307 : vector<16xf32>
        %add3A_1309 = arith.constant 16 : i32
        %add3A_1310 = arith.addi %mul3A_497, %add3A_1309 : i32
        %get3A_1311 = arith.index_cast %add3A_1310 : i32 to index
        %get3A_1312 = arith.constant 32 : index
        %get3A_1313 = tpu.vector_load %arg11[%get3A_1311, %get3A_1312] {strides = array<i32>} : memref<800x64xf32, #tpu.memory_space<vmem>>, vector<1x16xf32>,
        %get3A_1314 = vector.shape_cast %get3A_1313 : vector<1x16xf32> to vector<16xf32>
        %add3A_1315 = arith.addf %add3A_1308, %get3A_1314 : vector<16xf32>
        %add3A_1316 = arith.constant 17 : i32
        %add3A_1317 = arith.addi %mul3A_497, %add3A_1316 : i32
        %get3A_1318 = arith.index_cast %add3A_1317 : i32 to index
        %get3A_1319 = arith.constant 32 : index
        %get3A_1320 = tpu.vector_load %arg11[%get3A_1318, %get3A_1319] {strides = array<i32>} : memref<800x64xf32, #tpu.memory_space<vmem>>, vector<1x16xf32>,
        %get3A_1321 = vector.shape_cast %get3A_1320 : vector<1x16xf32> to vector<16xf32>
        %add3A_1322 = arith.addf %add3A_1315, %get3A_1321 : vector<16xf32>
        %add3A_1323 = arith.constant 18 : i32
        %add3A_1324 = arith.addi %mul3A_497, %add3A_1323 : i32
        %get3A_1325 = arith.index_cast %add3A_1324 : i32 to index
        %get3A_1326 = arith.constant 32 : index
        %get3A_1327 = tpu.vector_load %arg11[%get3A_1325, %get3A_1326] {strides = array<i32>} : memref<800x64xf32, #tpu.memory_space<vmem>>, vector<1x16xf32>,
        %get3A_1328 = vector.shape_cast %get3A_1327 : vector<1x16xf32> to vector<16xf32>
        %add3A_1329 = arith.addf %add3A_1322, %get3A_1328 : vector<16xf32>
        %add3A_1330 = arith.constant 19 : i32
        %add3A_1331 = arith.addi %mul3A_497, %add3A_1330 : i32
        %get3A_1332 = arith.index_cast %add3A_1331 : i32 to index
        %get3A_1333 = arith.constant 32 : index
        %get3A_1334 = tpu.vector_load %arg11[%get3A_1332, %get3A_1333] {strides = array<i32>} : memref<800x64xf32, #tpu.memory_space<vmem>>, vector<1x16xf32>,
        %get3A_1335 = vector.shape_cast %get3A_1334 : vector<1x16xf32> to vector<16xf32>
        %add3A_1336 = arith.addf %add3A_1329, %get3A_1335 : vector<16xf32>
        %add3A_1337 = arith.constant 20 : i32
        %add3A_1338 = arith.addi %mul3A_497, %add3A_1337 : i32
        %get3A_1339 = arith.index_cast %add3A_1338 : i32 to index
        %get3A_1340 = arith.constant 32 : index
        %get3A_1341 = tpu.vector_load %arg11[%get3A_1339, %get3A_1340] {strides = array<i32>} : memref<800x64xf32, #tpu.memory_space<vmem>>, vector<1x16xf32>,
        %get3A_1342 = vector.shape_cast %get3A_1341 : vector<1x16xf32> to vector<16xf32>
        %add3A_1343 = arith.addf %add3A_1336, %get3A_1342 : vector<16xf32>
        %add3A_1344 = arith.constant 21 : i32
        %add3A_1345 = arith.addi %mul3A_497, %add3A_1344 : i32
        %get3A_1346 = arith.index_cast %add3A_1345 : i32 to index
        %get3A_1347 = arith.constant 32 : index
        %get3A_1348 = tpu.vector_load %arg11[%get3A_1346, %get3A_1347] {strides = array<i32>} : memref<800x64xf32, #tpu.memory_space<vmem>>, vector<1x16xf32>,
        %get3A_1349 = vector.shape_cast %get3A_1348 : vector<1x16xf32> to vector<16xf32>
        %add3A_1350 = arith.addf %add3A_1343, %get3A_1349 : vector<16xf32>
        %add3A_1351 = arith.constant 22 : i32
        %add3A_1352 = arith.addi %mul3A_497, %add3A_1351 : i32
        %get3A_1353 = arith.index_cast %add3A_1352 : i32 to index
        %get3A_1354 = arith.constant 32 : index
        %get3A_1355 = tpu.vector_load %arg11[%get3A_1353, %get3A_1354] {strides = array<i32>} : memref<800x64xf32, #tpu.memory_space<vmem>>, vector<1x16xf32>,
        %get3A_1356 = vector.shape_cast %get3A_1355 : vector<1x16xf32> to vector<16xf32>
        %add3A_1357 = arith.addf %add3A_1350, %get3A_1356 : vector<16xf32>
        %add3A_1358 = arith.constant 23 : i32
        %add3A_1359 = arith.addi %mul3A_497, %add3A_1358 : i32
        %get3A_1360 = arith.index_cast %add3A_1359 : i32 to index
        %get3A_1361 = arith.constant 32 : index
        %get3A_1362 = tpu.vector_load %arg11[%get3A_1360, %get3A_1361] {strides = array<i32>} : memref<800x64xf32, #tpu.memory_space<vmem>>, vector<1x16xf32>,
        %get3A_1363 = vector.shape_cast %get3A_1362 : vector<1x16xf32> to vector<16xf32>
        %add3A_1364 = arith.addf %add3A_1357, %get3A_1363 : vector<16xf32>
        %add3A_1365 = arith.constant 24 : i32
        %add3A_1366 = arith.addi %mul3A_497, %add3A_1365 : i32
        %get3A_1367 = arith.index_cast %add3A_1366 : i32 to index
        %get3A_1368 = arith.constant 32 : index
        %get3A_1369 = tpu.vector_load %arg11[%get3A_1367, %get3A_1368] {strides = array<i32>} : memref<800x64xf32, #tpu.memory_space<vmem>>, vector<1x16xf32>,
        %get3A_1370 = vector.shape_cast %get3A_1369 : vector<1x16xf32> to vector<16xf32>
        %add3A_1371 = arith.addf %add3A_1364, %get3A_1370 : vector<16xf32>
        %add3A_1372 = arith.constant 25 : i32
        %add3A_1373 = arith.addi %mul3A_497, %add3A_1372 : i32
        %get3A_1374 = arith.index_cast %add3A_1373 : i32 to index
        %get3A_1375 = arith.constant 32 : index
        %get3A_1376 = tpu.vector_load %arg11[%get3A_1374, %get3A_1375] {strides = array<i32>} : memref<800x64xf32, #tpu.memory_space<vmem>>, vector<1x16xf32>,
        %get3A_1377 = vector.shape_cast %get3A_1376 : vector<1x16xf32> to vector<16xf32>
        %add3A_1378 = arith.addf %add3A_1371, %get3A_1377 : vector<16xf32>
        %add3A_1379 = arith.constant 26 : i32
        %add3A_1380 = arith.addi %mul3A_497, %add3A_1379 : i32
        %get3A_1381 = arith.index_cast %add3A_1380 : i32 to index
        %get3A_1382 = arith.constant 32 : index
        %get3A_1383 = tpu.vector_load %arg11[%get3A_1381, %get3A_1382] {strides = array<i32>} : memref<800x64xf32, #tpu.memory_space<vmem>>, vector<1x16xf32>,
        %get3A_1384 = vector.shape_cast %get3A_1383 : vector<1x16xf32> to vector<16xf32>
        %add3A_1385 = arith.addf %add3A_1378, %get3A_1384 : vector<16xf32>
        %add3A_1386 = arith.constant 27 : i32
        %add3A_1387 = arith.addi %mul3A_497, %add3A_1386 : i32
        %get3A_1388 = arith.index_cast %add3A_1387 : i32 to index
        %get3A_1389 = arith.constant 32 : index
        %get3A_1390 = tpu.vector_load %arg11[%get3A_1388, %get3A_1389] {strides = array<i32>} : memref<800x64xf32, #tpu.memory_space<vmem>>, vector<1x16xf32>,
        %get3A_1391 = vector.shape_cast %get3A_1390 : vector<1x16xf32> to vector<16xf32>
        %add3A_1392 = arith.addf %add3A_1385, %get3A_1391 : vector<16xf32>
        %add3A_1393 = arith.constant 28 : i32
        %add3A_1394 = arith.addi %mul3A_497, %add3A_1393 : i32
        %get3A_1395 = arith.index_cast %add3A_1394 : i32 to index
        %get3A_1396 = arith.constant 32 : index
        %get3A_1397 = tpu.vector_load %arg11[%get3A_1395, %get3A_1396] {strides = array<i32>} : memref<800x64xf32, #tpu.memory_space<vmem>>, vector<1x16xf32>,
        %get3A_1398 = vector.shape_cast %get3A_1397 : vector<1x16xf32> to vector<16xf32>
        %add3A_1399 = arith.addf %add3A_1392, %get3A_1398 : vector<16xf32>
        %add3A_1400 = arith.constant 29 : i32
        %add3A_1401 = arith.addi %mul3A_497, %add3A_1400 : i32
        %get3A_1402 = arith.index_cast %add3A_1401 : i32 to index
        %get3A_1403 = arith.constant 32 : index
        %get3A_1404 = tpu.vector_load %arg11[%get3A_1402, %get3A_1403] {strides = array<i32>} : memref<800x64xf32, #tpu.memory_space<vmem>>, vector<1x16xf32>,
        %get3A_1405 = vector.shape_cast %get3A_1404 : vector<1x16xf32> to vector<16xf32>
        %add3A_1406 = arith.addf %add3A_1399, %get3A_1405 : vector<16xf32>
        %add3A_1407 = arith.constant 30 : i32
        %add3A_1408 = arith.addi %mul3A_497, %add3A_1407 : i32
        %get3A_1409 = arith.index_cast %add3A_1408 : i32 to index
        %get3A_1410 = arith.constant 32 : index
        %get3A_1411 = tpu.vector_load %arg11[%get3A_1409, %get3A_1410] {strides = array<i32>} : memref<800x64xf32, #tpu.memory_space<vmem>>, vector<1x16xf32>,
        %get3A_1412 = vector.shape_cast %get3A_1411 : vector<1x16xf32> to vector<16xf32>
        %add3A_1413 = arith.addf %add3A_1406, %get3A_1412 : vector<16xf32>
        %add3A_1414 = arith.constant 31 : i32
        %add3A_1415 = arith.addi %mul3A_497, %add3A_1414 : i32
        %get3A_1416 = arith.index_cast %add3A_1415 : i32 to index
        %get3A_1417 = arith.constant 32 : index
        %get3A_1418 = tpu.vector_load %arg11[%get3A_1416, %get3A_1417] {strides = array<i32>} : memref<800x64xf32, #tpu.memory_space<vmem>>, vector<1x16xf32>,
        %get3A_1419 = vector.shape_cast %get3A_1418 : vector<1x16xf32> to vector<16xf32>
        %add3A_1420 = arith.addf %add3A_1413, %get3A_1419 : vector<16xf32>
        %add3A_1421 = arith.constant 32 : i32
        %add3A_1422 = arith.addi %mul3A_497, %add3A_1421 : i32
        %get3A_1423 = arith.index_cast %add3A_1422 : i32 to index
        %get3A_1424 = arith.constant 32 : index
        %get3A_1425 = tpu.vector_load %arg11[%get3A_1423, %get3A_1424] {strides = array<i32>} : memref<800x64xf32, #tpu.memory_space<vmem>>, vector<1x16xf32>,
        %get3A_1426 = vector.shape_cast %get3A_1425 : vector<1x16xf32> to vector<16xf32>
        %add3A_1427 = arith.addf %add3A_1420, %get3A_1426 : vector<16xf32>
        %add3A_1428 = arith.constant 33 : i32
        %add3A_1429 = arith.addi %mul3A_497, %add3A_1428 : i32
        %get3A_1430 = arith.index_cast %add3A_1429 : i32 to index
        %get3A_1431 = arith.constant 32 : index
        %get3A_1432 = tpu.vector_load %arg11[%get3A_1430, %get3A_1431] {strides = array<i32>} : memref<800x64xf32, #tpu.memory_space<vmem>>, vector<1x16xf32>,
        %get3A_1433 = vector.shape_cast %get3A_1432 : vector<1x16xf32> to vector<16xf32>
        %add3A_1434 = arith.addf %add3A_1427, %get3A_1433 : vector<16xf32>
        %add3A_1435 = arith.constant 34 : i32
        %add3A_1436 = arith.addi %mul3A_497, %add3A_1435 : i32
        %get3A_1437 = arith.index_cast %add3A_1436 : i32 to index
        %get3A_1438 = arith.constant 32 : index
        %get3A_1439 = tpu.vector_load %arg11[%get3A_1437, %get3A_1438] {strides = array<i32>} : memref<800x64xf32, #tpu.memory_space<vmem>>, vector<1x16xf32>,
        %get3A_1440 = vector.shape_cast %get3A_1439 : vector<1x16xf32> to vector<16xf32>
        %add3A_1441 = arith.addf %add3A_1434, %get3A_1440 : vector<16xf32>
        %add3A_1442 = arith.constant 35 : i32
        %add3A_1443 = arith.addi %mul3A_497, %add3A_1442 : i32
        %get3A_1444 = arith.index_cast %add3A_1443 : i32 to index
        %get3A_1445 = arith.constant 32 : index
        %get3A_1446 = tpu.vector_load %arg11[%get3A_1444, %get3A_1445] {strides = array<i32>} : memref<800x64xf32, #tpu.memory_space<vmem>>, vector<1x16xf32>,
        %get3A_1447 = vector.shape_cast %get3A_1446 : vector<1x16xf32> to vector<16xf32>
        %add3A_1448 = arith.addf %add3A_1441, %get3A_1447 : vector<16xf32>
        %add3A_1449 = arith.constant 36 : i32
        %add3A_1450 = arith.addi %mul3A_497, %add3A_1449 : i32
        %get3A_1451 = arith.index_cast %add3A_1450 : i32 to index
        %get3A_1452 = arith.constant 32 : index
        %get3A_1453 = tpu.vector_load %arg11[%get3A_1451, %get3A_1452] {strides = array<i32>} : memref<800x64xf32, #tpu.memory_space<vmem>>, vector<1x16xf32>,
        %get3A_1454 = vector.shape_cast %get3A_1453 : vector<1x16xf32> to vector<16xf32>
        %add3A_1455 = arith.addf %add3A_1448, %get3A_1454 : vector<16xf32>
        %add3A_1456 = arith.constant 37 : i32
        %add3A_1457 = arith.addi %mul3A_497, %add3A_1456 : i32
        %get3A_1458 = arith.index_cast %add3A_1457 : i32 to index
        %get3A_1459 = arith.constant 32 : index
        %get3A_1460 = tpu.vector_load %arg11[%get3A_1458, %get3A_1459] {strides = array<i32>} : memref<800x64xf32, #tpu.memory_space<vmem>>, vector<1x16xf32>,
        %get3A_1461 = vector.shape_cast %get3A_1460 : vector<1x16xf32> to vector<16xf32>
        %add3A_1462 = arith.addf %add3A_1455, %get3A_1461 : vector<16xf32>
        %add3A_1463 = arith.constant 38 : i32
        %add3A_1464 = arith.addi %mul3A_497, %add3A_1463 : i32
        %get3A_1465 = arith.index_cast %add3A_1464 : i32 to index
        %get3A_1466 = arith.constant 32 : index
        %get3A_1467 = tpu.vector_load %arg11[%get3A_1465, %get3A_1466] {strides = array<i32>} : memref<800x64xf32, #tpu.memory_space<vmem>>, vector<1x16xf32>,
        %get3A_1468 = vector.shape_cast %get3A_1467 : vector<1x16xf32> to vector<16xf32>
        %add3A_1469 = arith.addf %add3A_1462, %get3A_1468 : vector<16xf32>
        %add3A_1470 = arith.constant 39 : i32
        %add3A_1471 = arith.addi %mul3A_497, %add3A_1470 : i32
        %get3A_1472 = arith.index_cast %add3A_1471 : i32 to index
        %get3A_1473 = arith.constant 32 : index
        %get3A_1474 = tpu.vector_load %arg11[%get3A_1472, %get3A_1473] {strides = array<i32>} : memref<800x64xf32, #tpu.memory_space<vmem>>, vector<1x16xf32>,
        %get3A_1475 = vector.shape_cast %get3A_1474 : vector<1x16xf32> to vector<16xf32>
        %add3A_1476 = arith.addf %add3A_1469, %get3A_1475 : vector<16xf32>
        %add3A_1477 = arith.constant 40 : i32
        %add3A_1478 = arith.addi %mul3A_497, %add3A_1477 : i32
        %get3A_1479 = arith.index_cast %add3A_1478 : i32 to index
        %get3A_1480 = arith.constant 32 : index
        %get3A_1481 = tpu.vector_load %arg11[%get3A_1479, %get3A_1480] {strides = array<i32>} : memref<800x64xf32, #tpu.memory_space<vmem>>, vector<1x16xf32>,
        %get3A_1482 = vector.shape_cast %get3A_1481 : vector<1x16xf32> to vector<16xf32>
        %add3A_1483 = arith.addf %add3A_1476, %get3A_1482 : vector<16xf32>
        %add3A_1484 = arith.constant 41 : i32
        %add3A_1485 = arith.addi %mul3A_497, %add3A_1484 : i32
        %get3A_1486 = arith.index_cast %add3A_1485 : i32 to index
        %get3A_1487 = arith.constant 32 : index
        %get3A_1488 = tpu.vector_load %arg11[%get3A_1486, %get3A_1487] {strides = array<i32>} : memref<800x64xf32, #tpu.memory_space<vmem>>, vector<1x16xf32>,
        %get3A_1489 = vector.shape_cast %get3A_1488 : vector<1x16xf32> to vector<16xf32>
        %add3A_1490 = arith.addf %add3A_1483, %get3A_1489 : vector<16xf32>
        %add3A_1491 = arith.constant 42 : i32
        %add3A_1492 = arith.addi %mul3A_497, %add3A_1491 : i32
        %get3A_1493 = arith.index_cast %add3A_1492 : i32 to index
        %get3A_1494 = arith.constant 32 : index
        %get3A_1495 = tpu.vector_load %arg11[%get3A_1493, %get3A_1494] {strides = array<i32>} : memref<800x64xf32, #tpu.memory_space<vmem>>, vector<1x16xf32>,
        %get3A_1496 = vector.shape_cast %get3A_1495 : vector<1x16xf32> to vector<16xf32>
        %add3A_1497 = arith.addf %add3A_1490, %get3A_1496 : vector<16xf32>
        %add3A_1498 = arith.constant 43 : i32
        %add3A_1499 = arith.addi %mul3A_497, %add3A_1498 : i32
        %get3A_1500 = arith.index_cast %add3A_1499 : i32 to index
        %get3A_1501 = arith.constant 32 : index
        %get3A_1502 = tpu.vector_load %arg11[%get3A_1500, %get3A_1501] {strides = array<i32>} : memref<800x64xf32, #tpu.memory_space<vmem>>, vector<1x16xf32>,
        %get3A_1503 = vector.shape_cast %get3A_1502 : vector<1x16xf32> to vector<16xf32>
        %add3A_1504 = arith.addf %add3A_1497, %get3A_1503 : vector<16xf32>
        %add3A_1505 = arith.constant 44 : i32
        %add3A_1506 = arith.addi %mul3A_497, %add3A_1505 : i32
        %get3A_1507 = arith.index_cast %add3A_1506 : i32 to index
        %get3A_1508 = arith.constant 32 : index
        %get3A_1509 = tpu.vector_load %arg11[%get3A_1507, %get3A_1508] {strides = array<i32>} : memref<800x64xf32, #tpu.memory_space<vmem>>, vector<1x16xf32>,
        %get3A_1510 = vector.shape_cast %get3A_1509 : vector<1x16xf32> to vector<16xf32>
        %add3A_1511 = arith.addf %add3A_1504, %get3A_1510 : vector<16xf32>
        %add3A_1512 = arith.constant 45 : i32
        %add3A_1513 = arith.addi %mul3A_497, %add3A_1512 : i32
        %get3A_1514 = arith.index_cast %add3A_1513 : i32 to index
        %get3A_1515 = arith.constant 32 : index
        %get3A_1516 = tpu.vector_load %arg11[%get3A_1514, %get3A_1515] {strides = array<i32>} : memref<800x64xf32, #tpu.memory_space<vmem>>, vector<1x16xf32>,
        %get3A_1517 = vector.shape_cast %get3A_1516 : vector<1x16xf32> to vector<16xf32>
        %add3A_1518 = arith.addf %add3A_1511, %get3A_1517 : vector<16xf32>
        %add3A_1519 = arith.constant 46 : i32
        %add3A_1520 = arith.addi %mul3A_497, %add3A_1519 : i32
        %get3A_1521 = arith.index_cast %add3A_1520 : i32 to index
        %get3A_1522 = arith.constant 32 : index
        %get3A_1523 = tpu.vector_load %arg11[%get3A_1521, %get3A_1522] {strides = array<i32>} : memref<800x64xf32, #tpu.memory_space<vmem>>, vector<1x16xf32>,
        %get3A_1524 = vector.shape_cast %get3A_1523 : vector<1x16xf32> to vector<16xf32>
        %add3A_1525 = arith.addf %add3A_1518, %get3A_1524 : vector<16xf32>
        %add3A_1526 = arith.constant 47 : i32
        %add3A_1527 = arith.addi %mul3A_497, %add3A_1526 : i32
        %get3A_1528 = arith.index_cast %add3A_1527 : i32 to index
        %get3A_1529 = arith.constant 32 : index
        %get3A_1530 = tpu.vector_load %arg11[%get3A_1528, %get3A_1529] {strides = array<i32>} : memref<800x64xf32, #tpu.memory_space<vmem>>, vector<1x16xf32>,
        %get3A_1531 = vector.shape_cast %get3A_1530 : vector<1x16xf32> to vector<16xf32>
        %add3A_1532 = arith.addf %add3A_1525, %get3A_1531 : vector<16xf32>
        %add3A_1533 = arith.constant 48 : i32
        %add3A_1534 = arith.addi %mul3A_497, %add3A_1533 : i32
        %get3A_1535 = arith.index_cast %add3A_1534 : i32 to index
        %get3A_1536 = arith.constant 32 : index
        %get3A_1537 = tpu.vector_load %arg11[%get3A_1535, %get3A_1536] {strides = array<i32>} : memref<800x64xf32, #tpu.memory_space<vmem>>, vector<1x16xf32>,
        %get3A_1538 = vector.shape_cast %get3A_1537 : vector<1x16xf32> to vector<16xf32>
        %add3A_1539 = arith.addf %add3A_1532, %get3A_1538 : vector<16xf32>
        %add3A_1540 = arith.constant 49 : i32
        %add3A_1541 = arith.addi %mul3A_497, %add3A_1540 : i32
        %get3A_1542 = arith.index_cast %add3A_1541 : i32 to index
        %get3A_1543 = arith.constant 32 : index
        %get3A_1544 = tpu.vector_load %arg11[%get3A_1542, %get3A_1543] {strides = array<i32>} : memref<800x64xf32, #tpu.memory_space<vmem>>, vector<1x16xf32>,
        %get3A_1545 = vector.shape_cast %get3A_1544 : vector<1x16xf32> to vector<16xf32>
        %add3A_1546 = arith.addf %add3A_1539, %get3A_1545 : vector<16xf32>
        %swap3A_1547 = arith.index_cast %scan3A_495 : i32 to index
        %swap3A_1548 = arith.constant 32 : index
        %swap3A_1549 = tpu.vector_load %arg13[%swap3A_1547, %swap3A_1548] {strides = array<i32>} : memref<16x64xf32, #tpu.memory_space<vmem>>, vector<1x16xf32>,
        %swap3A_1550 = vector.shape_cast %swap3A_1549 : vector<1x16xf32> to vector<16xf32>
        %swap3A_1551 = vector.shape_cast %add3A_1546 : vector<16xf32> to vector<1x16xf32>
        tpu.vector_store %arg13[%swap3A_1547, %swap3A_1548], %swap3A_1551 {strides = array<i32>} : memref<16x64xf32, #tpu.memory_space<vmem>>, vector<1x16xf32>,
        %get3A_1552 = arith.index_cast %mul3A_497 : i32 to index
        %get3A_1553 = arith.constant 48 : index
        %get3A_1554 = tpu.vector_load %arg11[%get3A_1552, %get3A_1553] {strides = array<i32>} : memref<800x64xf32, #tpu.memory_space<vmem>>, vector<1x16xf32>,
        %get3A_1555 = vector.shape_cast %get3A_1554 : vector<1x16xf32> to vector<16xf32>
        %add3A_1556 = arith.constant 1 : i32
        %add3A_1557 = arith.addi %mul3A_497, %add3A_1556 : i32
        %get3A_1558 = arith.index_cast %add3A_1557 : i32 to index
        %get3A_1559 = arith.constant 48 : index
        %get3A_1560 = tpu.vector_load %arg11[%get3A_1558, %get3A_1559] {strides = array<i32>} : memref<800x64xf32, #tpu.memory_space<vmem>>, vector<1x16xf32>,
        %get3A_1561 = vector.shape_cast %get3A_1560 : vector<1x16xf32> to vector<16xf32>
        %add3A_1562 = arith.addf %get3A_1555, %get3A_1561 : vector<16xf32>
        %add3A_1563 = arith.constant 2 : i32
        %add3A_1564 = arith.addi %mul3A_497, %add3A_1563 : i32
        %get3A_1565 = arith.index_cast %add3A_1564 : i32 to index
        %get3A_1566 = arith.constant 48 : index
        %get3A_1567 = tpu.vector_load %arg11[%get3A_1565, %get3A_1566] {strides = array<i32>} : memref<800x64xf32, #tpu.memory_space<vmem>>, vector<1x16xf32>,
        %get3A_1568 = vector.shape_cast %get3A_1567 : vector<1x16xf32> to vector<16xf32>
        %add3A_1569 = arith.addf %add3A_1562, %get3A_1568 : vector<16xf32>
        %add3A_1570 = arith.constant 3 : i32
        %add3A_1571 = arith.addi %mul3A_497, %add3A_1570 : i32
        %get3A_1572 = arith.index_cast %add3A_1571 : i32 to index
        %get3A_1573 = arith.constant 48 : index
        %get3A_1574 = tpu.vector_load %arg11[%get3A_1572, %get3A_1573] {strides = array<i32>} : memref<800x64xf32, #tpu.memory_space<vmem>>, vector<1x16xf32>,
        %get3A_1575 = vector.shape_cast %get3A_1574 : vector<1x16xf32> to vector<16xf32>
        %add3A_1576 = arith.addf %add3A_1569, %get3A_1575 : vector<16xf32>
        %add3A_1577 = arith.constant 4 : i32
        %add3A_1578 = arith.addi %mul3A_497, %add3A_1577 : i32
        %get3A_1579 = arith.index_cast %add3A_1578 : i32 to index
        %get3A_1580 = arith.constant 48 : index
        %get3A_1581 = tpu.vector_load %arg11[%get3A_1579, %get3A_1580] {strides = array<i32>} : memref<800x64xf32, #tpu.memory_space<vmem>>, vector<1x16xf32>,
        %get3A_1582 = vector.shape_cast %get3A_1581 : vector<1x16xf32> to vector<16xf32>
        %add3A_1583 = arith.addf %add3A_1576, %get3A_1582 : vector<16xf32>
        %add3A_1584 = arith.constant 5 : i32
        %add3A_1585 = arith.addi %mul3A_497, %add3A_1584 : i32
        %get3A_1586 = arith.index_cast %add3A_1585 : i32 to index
        %get3A_1587 = arith.constant 48 : index
        %get3A_1588 = tpu.vector_load %arg11[%get3A_1586, %get3A_1587] {strides = array<i32>} : memref<800x64xf32, #tpu.memory_space<vmem>>, vector<1x16xf32>,
        %get3A_1589 = vector.shape_cast %get3A_1588 : vector<1x16xf32> to vector<16xf32>
        %add3A_1590 = arith.addf %add3A_1583, %get3A_1589 : vector<16xf32>
        %add3A_1591 = arith.constant 6 : i32
        %add3A_1592 = arith.addi %mul3A_497, %add3A_1591 : i32
        %get3A_1593 = arith.index_cast %add3A_1592 : i32 to index
        %get3A_1594 = arith.constant 48 : index
        %get3A_1595 = tpu.vector_load %arg11[%get3A_1593, %get3A_1594] {strides = array<i32>} : memref<800x64xf32, #tpu.memory_space<vmem>>, vector<1x16xf32>,
        %get3A_1596 = vector.shape_cast %get3A_1595 : vector<1x16xf32> to vector<16xf32>
        %add3A_1597 = arith.addf %add3A_1590, %get3A_1596 : vector<16xf32>
        %add3A_1598 = arith.constant 7 : i32
        %add3A_1599 = arith.addi %mul3A_497, %add3A_1598 : i32
        %get3A_1600 = arith.index_cast %add3A_1599 : i32 to index
        %get3A_1601 = arith.constant 48 : index
        %get3A_1602 = tpu.vector_load %arg11[%get3A_1600, %get3A_1601] {strides = array<i32>} : memref<800x64xf32, #tpu.memory_space<vmem>>, vector<1x16xf32>,
        %get3A_1603 = vector.shape_cast %get3A_1602 : vector<1x16xf32> to vector<16xf32>
        %add3A_1604 = arith.addf %add3A_1597, %get3A_1603 : vector<16xf32>
        %add3A_1605 = arith.constant 8 : i32
        %add3A_1606 = arith.addi %mul3A_497, %add3A_1605 : i32
        %get3A_1607 = arith.index_cast %add3A_1606 : i32 to index
        %get3A_1608 = arith.constant 48 : index
        %get3A_1609 = tpu.vector_load %arg11[%get3A_1607, %get3A_1608] {strides = array<i32>} : memref<800x64xf32, #tpu.memory_space<vmem>>, vector<1x16xf32>,
        %get3A_1610 = vector.shape_cast %get3A_1609 : vector<1x16xf32> to vector<16xf32>
        %add3A_1611 = arith.addf %add3A_1604, %get3A_1610 : vector<16xf32>
        %add3A_1612 = arith.constant 9 : i32
        %add3A_1613 = arith.addi %mul3A_497, %add3A_1612 : i32
        %get3A_1614 = arith.index_cast %add3A_1613 : i32 to index
        %get3A_1615 = arith.constant 48 : index
        %get3A_1616 = tpu.vector_load %arg11[%get3A_1614, %get3A_1615] {strides = array<i32>} : memref<800x64xf32, #tpu.memory_space<vmem>>, vector<1x16xf32>,
        %get3A_1617 = vector.shape_cast %get3A_1616 : vector<1x16xf32> to vector<16xf32>
        %add3A_1618 = arith.addf %add3A_1611, %get3A_1617 : vector<16xf32>
        %add3A_1619 = arith.constant 10 : i32
        %add3A_1620 = arith.addi %mul3A_497, %add3A_1619 : i32
        %get3A_1621 = arith.index_cast %add3A_1620 : i32 to index
        %get3A_1622 = arith.constant 48 : index
        %get3A_1623 = tpu.vector_load %arg11[%get3A_1621, %get3A_1622] {strides = array<i32>} : memref<800x64xf32, #tpu.memory_space<vmem>>, vector<1x16xf32>,
        %get3A_1624 = vector.shape_cast %get3A_1623 : vector<1x16xf32> to vector<16xf32>
        %add3A_1625 = arith.addf %add3A_1618, %get3A_1624 : vector<16xf32>
        %add3A_1626 = arith.constant 11 : i32
        %add3A_1627 = arith.addi %mul3A_497, %add3A_1626 : i32
        %get3A_1628 = arith.index_cast %add3A_1627 : i32 to index
        %get3A_1629 = arith.constant 48 : index
        %get3A_1630 = tpu.vector_load %arg11[%get3A_1628, %get3A_1629] {strides = array<i32>} : memref<800x64xf32, #tpu.memory_space<vmem>>, vector<1x16xf32>,
        %get3A_1631 = vector.shape_cast %get3A_1630 : vector<1x16xf32> to vector<16xf32>
        %add3A_1632 = arith.addf %add3A_1625, %get3A_1631 : vector<16xf32>
        %add3A_1633 = arith.constant 12 : i32
        %add3A_1634 = arith.addi %mul3A_497, %add3A_1633 : i32
        %get3A_1635 = arith.index_cast %add3A_1634 : i32 to index
        %get3A_1636 = arith.constant 48 : index
        %get3A_1637 = tpu.vector_load %arg11[%get3A_1635, %get3A_1636] {strides = array<i32>} : memref<800x64xf32, #tpu.memory_space<vmem>>, vector<1x16xf32>,
        %get3A_1638 = vector.shape_cast %get3A_1637 : vector<1x16xf32> to vector<16xf32>
        %add3A_1639 = arith.addf %add3A_1632, %get3A_1638 : vector<16xf32>
        %add3A_1640 = arith.constant 13 : i32
        %add3A_1641 = arith.addi %mul3A_497, %add3A_1640 : i32
        %get3A_1642 = arith.index_cast %add3A_1641 : i32 to index
        %get3A_1643 = arith.constant 48 : index
        %get3A_1644 = tpu.vector_load %arg11[%get3A_1642, %get3A_1643] {strides = array<i32>} : memref<800x64xf32, #tpu.memory_space<vmem>>, vector<1x16xf32>,
        %get3A_1645 = vector.shape_cast %get3A_1644 : vector<1x16xf32> to vector<16xf32>
        %add3A_1646 = arith.addf %add3A_1639, %get3A_1645 : vector<16xf32>
        %add3A_1647 = arith.constant 14 : i32
        %add3A_1648 = arith.addi %mul3A_497, %add3A_1647 : i32
        %get3A_1649 = arith.index_cast %add3A_1648 : i32 to index
        %get3A_1650 = arith.constant 48 : index
        %get3A_1651 = tpu.vector_load %arg11[%get3A_1649, %get3A_1650] {strides = array<i32>} : memref<800x64xf32, #tpu.memory_space<vmem>>, vector<1x16xf32>,
        %get3A_1652 = vector.shape_cast %get3A_1651 : vector<1x16xf32> to vector<16xf32>
        %add3A_1653 = arith.addf %add3A_1646, %get3A_1652 : vector<16xf32>
        %add3A_1654 = arith.constant 15 : i32
        %add3A_1655 = arith.addi %mul3A_497, %add3A_1654 : i32
        %get3A_1656 = arith.index_cast %add3A_1655 : i32 to index
        %get3A_1657 = arith.constant 48 : index
        %get3A_1658 = tpu.vector_load %arg11[%get3A_1656, %get3A_1657] {strides = array<i32>} : memref<800x64xf32, #tpu.memory_space<vmem>>, vector<1x16xf32>,
        %get3A_1659 = vector.shape_cast %get3A_1658 : vector<1x16xf32> to vector<16xf32>
        %add3A_1660 = arith.addf %add3A_1653, %get3A_1659 : vector<16xf32>
        %add3A_1661 = arith.constant 16 : i32
        %add3A_1662 = arith.addi %mul3A_497, %add3A_1661 : i32
        %get3A_1663 = arith.index_cast %add3A_1662 : i32 to index
        %get3A_1664 = arith.constant 48 : index
        %get3A_1665 = tpu.vector_load %arg11[%get3A_1663, %get3A_1664] {strides = array<i32>} : memref<800x64xf32, #tpu.memory_space<vmem>>, vector<1x16xf32>,
        %get3A_1666 = vector.shape_cast %get3A_1665 : vector<1x16xf32> to vector<16xf32>
        %add3A_1667 = arith.addf %add3A_1660, %get3A_1666 : vector<16xf32>
        %add3A_1668 = arith.constant 17 : i32
        %add3A_1669 = arith.addi %mul3A_497, %add3A_1668 : i32
        %get3A_1670 = arith.index_cast %add3A_1669 : i32 to index
        %get3A_1671 = arith.constant 48 : index
        %get3A_1672 = tpu.vector_load %arg11[%get3A_1670, %get3A_1671] {strides = array<i32>} : memref<800x64xf32, #tpu.memory_space<vmem>>, vector<1x16xf32>,
        %get3A_1673 = vector.shape_cast %get3A_1672 : vector<1x16xf32> to vector<16xf32>
        %add3A_1674 = arith.addf %add3A_1667, %get3A_1673 : vector<16xf32>
        %add3A_1675 = arith.constant 18 : i32
        %add3A_1676 = arith.addi %mul3A_497, %add3A_1675 : i32
        %get3A_1677 = arith.index_cast %add3A_1676 : i32 to index
        %get3A_1678 = arith.constant 48 : index
        %get3A_1679 = tpu.vector_load %arg11[%get3A_1677, %get3A_1678] {strides = array<i32>} : memref<800x64xf32, #tpu.memory_space<vmem>>, vector<1x16xf32>,
        %get3A_1680 = vector.shape_cast %get3A_1679 : vector<1x16xf32> to vector<16xf32>
        %add3A_1681 = arith.addf %add3A_1674, %get3A_1680 : vector<16xf32>
        %add3A_1682 = arith.constant 19 : i32
        %add3A_1683 = arith.addi %mul3A_497, %add3A_1682 : i32
        %get3A_1684 = arith.index_cast %add3A_1683 : i32 to index
        %get3A_1685 = arith.constant 48 : index
        %get3A_1686 = tpu.vector_load %arg11[%get3A_1684, %get3A_1685] {strides = array<i32>} : memref<800x64xf32, #tpu.memory_space<vmem>>, vector<1x16xf32>,
        %get3A_1687 = vector.shape_cast %get3A_1686 : vector<1x16xf32> to vector<16xf32>
        %add3A_1688 = arith.addf %add3A_1681, %get3A_1687 : vector<16xf32>
        %add3A_1689 = arith.constant 20 : i32
        %add3A_1690 = arith.addi %mul3A_497, %add3A_1689 : i32
        %get3A_1691 = arith.index_cast %add3A_1690 : i32 to index
        %get3A_1692 = arith.constant 48 : index
        %get3A_1693 = tpu.vector_load %arg11[%get3A_1691, %get3A_1692] {strides = array<i32>} : memref<800x64xf32, #tpu.memory_space<vmem>>, vector<1x16xf32>,
        %get3A_1694 = vector.shape_cast %get3A_1693 : vector<1x16xf32> to vector<16xf32>
        %add3A_1695 = arith.addf %add3A_1688, %get3A_1694 : vector<16xf32>
        %add3A_1696 = arith.constant 21 : i32
        %add3A_1697 = arith.addi %mul3A_497, %add3A_1696 : i32
        %get3A_1698 = arith.index_cast %add3A_1697 : i32 to index
        %get3A_1699 = arith.constant 48 : index
        %get3A_1700 = tpu.vector_load %arg11[%get3A_1698, %get3A_1699] {strides = array<i32>} : memref<800x64xf32, #tpu.memory_space<vmem>>, vector<1x16xf32>,
        %get3A_1701 = vector.shape_cast %get3A_1700 : vector<1x16xf32> to vector<16xf32>
        %add3A_1702 = arith.addf %add3A_1695, %get3A_1701 : vector<16xf32>
        %add3A_1703 = arith.constant 22 : i32
        %add3A_1704 = arith.addi %mul3A_497, %add3A_1703 : i32
        %get3A_1705 = arith.index_cast %add3A_1704 : i32 to index
        %get3A_1706 = arith.constant 48 : index
        %get3A_1707 = tpu.vector_load %arg11[%get3A_1705, %get3A_1706] {strides = array<i32>} : memref<800x64xf32, #tpu.memory_space<vmem>>, vector<1x16xf32>,
        %get3A_1708 = vector.shape_cast %get3A_1707 : vector<1x16xf32> to vector<16xf32>
        %add3A_1709 = arith.addf %add3A_1702, %get3A_1708 : vector<16xf32>
        %add3A_1710 = arith.constant 23 : i32
        %add3A_1711 = arith.addi %mul3A_497, %add3A_1710 : i32
        %get3A_1712 = arith.index_cast %add3A_1711 : i32 to index
        %get3A_1713 = arith.constant 48 : index
        %get3A_1714 = tpu.vector_load %arg11[%get3A_1712, %get3A_1713] {strides = array<i32>} : memref<800x64xf32, #tpu.memory_space<vmem>>, vector<1x16xf32>,
        %get3A_1715 = vector.shape_cast %get3A_1714 : vector<1x16xf32> to vector<16xf32>
        %add3A_1716 = arith.addf %add3A_1709, %get3A_1715 : vector<16xf32>
        %add3A_1717 = arith.constant 24 : i32
        %add3A_1718 = arith.addi %mul3A_497, %add3A_1717 : i32
        %get3A_1719 = arith.index_cast %add3A_1718 : i32 to index
        %get3A_1720 = arith.constant 48 : index
        %get3A_1721 = tpu.vector_load %arg11[%get3A_1719, %get3A_1720] {strides = array<i32>} : memref<800x64xf32, #tpu.memory_space<vmem>>, vector<1x16xf32>,
        %get3A_1722 = vector.shape_cast %get3A_1721 : vector<1x16xf32> to vector<16xf32>
        %add3A_1723 = arith.addf %add3A_1716, %get3A_1722 : vector<16xf32>
        %add3A_1724 = arith.constant 25 : i32
        %add3A_1725 = arith.addi %mul3A_497, %add3A_1724 : i32
        %get3A_1726 = arith.index_cast %add3A_1725 : i32 to index
        %get3A_1727 = arith.constant 48 : index
        %get3A_1728 = tpu.vector_load %arg11[%get3A_1726, %get3A_1727] {strides = array<i32>} : memref<800x64xf32, #tpu.memory_space<vmem>>, vector<1x16xf32>,
        %get3A_1729 = vector.shape_cast %get3A_1728 : vector<1x16xf32> to vector<16xf32>
        %add3A_1730 = arith.addf %add3A_1723, %get3A_1729 : vector<16xf32>
        %add3A_1731 = arith.constant 26 : i32
        %add3A_1732 = arith.addi %mul3A_497, %add3A_1731 : i32
        %get3A_1733 = arith.index_cast %add3A_1732 : i32 to index
        %get3A_1734 = arith.constant 48 : index
        %get3A_1735 = tpu.vector_load %arg11[%get3A_1733, %get3A_1734] {strides = array<i32>} : memref<800x64xf32, #tpu.memory_space<vmem>>, vector<1x16xf32>,
        %get3A_1736 = vector.shape_cast %get3A_1735 : vector<1x16xf32> to vector<16xf32>
        %add3A_1737 = arith.addf %add3A_1730, %get3A_1736 : vector<16xf32>
        %add3A_1738 = arith.constant 27 : i32
        %add3A_1739 = arith.addi %mul3A_497, %add3A_1738 : i32
        %get3A_1740 = arith.index_cast %add3A_1739 : i32 to index
        %get3A_1741 = arith.constant 48 : index
        %get3A_1742 = tpu.vector_load %arg11[%get3A_1740, %get3A_1741] {strides = array<i32>} : memref<800x64xf32, #tpu.memory_space<vmem>>, vector<1x16xf32>,
        %get3A_1743 = vector.shape_cast %get3A_1742 : vector<1x16xf32> to vector<16xf32>
        %add3A_1744 = arith.addf %add3A_1737, %get3A_1743 : vector<16xf32>
        %add3A_1745 = arith.constant 28 : i32
        %add3A_1746 = arith.addi %mul3A_497, %add3A_1745 : i32
        %get3A_1747 = arith.index_cast %add3A_1746 : i32 to index
        %get3A_1748 = arith.constant 48 : index
        %get3A_1749 = tpu.vector_load %arg11[%get3A_1747, %get3A_1748] {strides = array<i32>} : memref<800x64xf32, #tpu.memory_space<vmem>>, vector<1x16xf32>,
        %get3A_1750 = vector.shape_cast %get3A_1749 : vector<1x16xf32> to vector<16xf32>
        %add3A_1751 = arith.addf %add3A_1744, %get3A_1750 : vector<16xf32>
        %add3A_1752 = arith.constant 29 : i32
        %add3A_1753 = arith.addi %mul3A_497, %add3A_1752 : i32
        %get3A_1754 = arith.index_cast %add3A_1753 : i32 to index
        %get3A_1755 = arith.constant 48 : index
        %get3A_1756 = tpu.vector_load %arg11[%get3A_1754, %get3A_1755] {strides = array<i32>} : memref<800x64xf32, #tpu.memory_space<vmem>>, vector<1x16xf32>,
        %get3A_1757 = vector.shape_cast %get3A_1756 : vector<1x16xf32> to vector<16xf32>
        %add3A_1758 = arith.addf %add3A_1751, %get3A_1757 : vector<16xf32>
        %add3A_1759 = arith.constant 30 : i32
        %add3A_1760 = arith.addi %mul3A_497, %add3A_1759 : i32
        %get3A_1761 = arith.index_cast %add3A_1760 : i32 to index
        %get3A_1762 = arith.constant 48 : index
        %get3A_1763 = tpu.vector_load %arg11[%get3A_1761, %get3A_1762] {strides = array<i32>} : memref<800x64xf32, #tpu.memory_space<vmem>>, vector<1x16xf32>,
        %get3A_1764 = vector.shape_cast %get3A_1763 : vector<1x16xf32> to vector<16xf32>
        %add3A_1765 = arith.addf %add3A_1758, %get3A_1764 : vector<16xf32>
        %add3A_1766 = arith.constant 31 : i32
        %add3A_1767 = arith.addi %mul3A_497, %add3A_1766 : i32
        %get3A_1768 = arith.index_cast %add3A_1767 : i32 to index
        %get3A_1769 = arith.constant 48 : index
        %get3A_1770 = tpu.vector_load %arg11[%get3A_1768, %get3A_1769] {strides = array<i32>} : memref<800x64xf32, #tpu.memory_space<vmem>>, vector<1x16xf32>,
        %get3A_1771 = vector.shape_cast %get3A_1770 : vector<1x16xf32> to vector<16xf32>
        %add3A_1772 = arith.addf %add3A_1765, %get3A_1771 : vector<16xf32>
        %add3A_1773 = arith.constant 32 : i32
        %add3A_1774 = arith.addi %mul3A_497, %add3A_1773 : i32
        %get3A_1775 = arith.index_cast %add3A_1774 : i32 to index
        %get3A_1776 = arith.constant 48 : index
        %get3A_1777 = tpu.vector_load %arg11[%get3A_1775, %get3A_1776] {strides = array<i32>} : memref<800x64xf32, #tpu.memory_space<vmem>>, vector<1x16xf32>,
        %get3A_1778 = vector.shape_cast %get3A_1777 : vector<1x16xf32> to vector<16xf32>
        %add3A_1779 = arith.addf %add3A_1772, %get3A_1778 : vector<16xf32>
        %add3A_1780 = arith.constant 33 : i32
        %add3A_1781 = arith.addi %mul3A_497, %add3A_1780 : i32
        %get3A_1782 = arith.index_cast %add3A_1781 : i32 to index
        %get3A_1783 = arith.constant 48 : index
        %get3A_1784 = tpu.vector_load %arg11[%get3A_1782, %get3A_1783] {strides = array<i32>} : memref<800x64xf32, #tpu.memory_space<vmem>>, vector<1x16xf32>,
        %get3A_1785 = vector.shape_cast %get3A_1784 : vector<1x16xf32> to vector<16xf32>
        %add3A_1786 = arith.addf %add3A_1779, %get3A_1785 : vector<16xf32>
        %add3A_1787 = arith.constant 34 : i32
        %add3A_1788 = arith.addi %mul3A_497, %add3A_1787 : i32
        %get3A_1789 = arith.index_cast %add3A_1788 : i32 to index
        %get3A_1790 = arith.constant 48 : index
        %get3A_1791 = tpu.vector_load %arg11[%get3A_1789, %get3A_1790] {strides = array<i32>} : memref<800x64xf32, #tpu.memory_space<vmem>>, vector<1x16xf32>,
        %get3A_1792 = vector.shape_cast %get3A_1791 : vector<1x16xf32> to vector<16xf32>
        %add3A_1793 = arith.addf %add3A_1786, %get3A_1792 : vector<16xf32>
        %add3A_1794 = arith.constant 35 : i32
        %add3A_1795 = arith.addi %mul3A_497, %add3A_1794 : i32
        %get3A_1796 = arith.index_cast %add3A_1795 : i32 to index
        %get3A_1797 = arith.constant 48 : index
        %get3A_1798 = tpu.vector_load %arg11[%get3A_1796, %get3A_1797] {strides = array<i32>} : memref<800x64xf32, #tpu.memory_space<vmem>>, vector<1x16xf32>,
        %get3A_1799 = vector.shape_cast %get3A_1798 : vector<1x16xf32> to vector<16xf32>
        %add3A_1800 = arith.addf %add3A_1793, %get3A_1799 : vector<16xf32>
        %add3A_1801 = arith.constant 36 : i32
        %add3A_1802 = arith.addi %mul3A_497, %add3A_1801 : i32
        %get3A_1803 = arith.index_cast %add3A_1802 : i32 to index
        %get3A_1804 = arith.constant 48 : index
        %get3A_1805 = tpu.vector_load %arg11[%get3A_1803, %get3A_1804] {strides = array<i32>} : memref<800x64xf32, #tpu.memory_space<vmem>>, vector<1x16xf32>,
        %get3A_1806 = vector.shape_cast %get3A_1805 : vector<1x16xf32> to vector<16xf32>
        %add3A_1807 = arith.addf %add3A_1800, %get3A_1806 : vector<16xf32>
        %add3A_1808 = arith.constant 37 : i32
        %add3A_1809 = arith.addi %mul3A_497, %add3A_1808 : i32
        %get3A_1810 = arith.index_cast %add3A_1809 : i32 to index
        %get3A_1811 = arith.constant 48 : index
        %get3A_1812 = tpu.vector_load %arg11[%get3A_1810, %get3A_1811] {strides = array<i32>} : memref<800x64xf32, #tpu.memory_space<vmem>>, vector<1x16xf32>,
        %get3A_1813 = vector.shape_cast %get3A_1812 : vector<1x16xf32> to vector<16xf32>
        %add3A_1814 = arith.addf %add3A_1807, %get3A_1813 : vector<16xf32>
        %add3A_1815 = arith.constant 38 : i32
        %add3A_1816 = arith.addi %mul3A_497, %add3A_1815 : i32
        %get3A_1817 = arith.index_cast %add3A_1816 : i32 to index
        %get3A_1818 = arith.constant 48 : index
        %get3A_1819 = tpu.vector_load %arg11[%get3A_1817, %get3A_1818] {strides = array<i32>} : memref<800x64xf32, #tpu.memory_space<vmem>>, vector<1x16xf32>,
        %get3A_1820 = vector.shape_cast %get3A_1819 : vector<1x16xf32> to vector<16xf32>
        %add3A_1821 = arith.addf %add3A_1814, %get3A_1820 : vector<16xf32>
        %add3A_1822 = arith.constant 39 : i32
        %add3A_1823 = arith.addi %mul3A_497, %add3A_1822 : i32
        %get3A_1824 = arith.index_cast %add3A_1823 : i32 to index
        %get3A_1825 = arith.constant 48 : index
        %get3A_1826 = tpu.vector_load %arg11[%get3A_1824, %get3A_1825] {strides = array<i32>} : memref<800x64xf32, #tpu.memory_space<vmem>>, vector<1x16xf32>,
        %get3A_1827 = vector.shape_cast %get3A_1826 : vector<1x16xf32> to vector<16xf32>
        %add3A_1828 = arith.addf %add3A_1821, %get3A_1827 : vector<16xf32>
        %add3A_1829 = arith.constant 40 : i32
        %add3A_1830 = arith.addi %mul3A_497, %add3A_1829 : i32
        %get3A_1831 = arith.index_cast %add3A_1830 : i32 to index
        %get3A_1832 = arith.constant 48 : index
        %get3A_1833 = tpu.vector_load %arg11[%get3A_1831, %get3A_1832] {strides = array<i32>} : memref<800x64xf32, #tpu.memory_space<vmem>>, vector<1x16xf32>,
        %get3A_1834 = vector.shape_cast %get3A_1833 : vector<1x16xf32> to vector<16xf32>
        %add3A_1835 = arith.addf %add3A_1828, %get3A_1834 : vector<16xf32>
        %add3A_1836 = arith.constant 41 : i32
        %add3A_1837 = arith.addi %mul3A_497, %add3A_1836 : i32
        %get3A_1838 = arith.index_cast %add3A_1837 : i32 to index
        %get3A_1839 = arith.constant 48 : index
        %get3A_1840 = tpu.vector_load %arg11[%get3A_1838, %get3A_1839] {strides = array<i32>} : memref<800x64xf32, #tpu.memory_space<vmem>>, vector<1x16xf32>,
        %get3A_1841 = vector.shape_cast %get3A_1840 : vector<1x16xf32> to vector<16xf32>
        %add3A_1842 = arith.addf %add3A_1835, %get3A_1841 : vector<16xf32>
        %add3A_1843 = arith.constant 42 : i32
        %add3A_1844 = arith.addi %mul3A_497, %add3A_1843 : i32
        %get3A_1845 = arith.index_cast %add3A_1844 : i32 to index
        %get3A_1846 = arith.constant 48 : index
        %get3A_1847 = tpu.vector_load %arg11[%get3A_1845, %get3A_1846] {strides = array<i32>} : memref<800x64xf32, #tpu.memory_space<vmem>>, vector<1x16xf32>,
        %get3A_1848 = vector.shape_cast %get3A_1847 : vector<1x16xf32> to vector<16xf32>
        %add3A_1849 = arith.addf %add3A_1842, %get3A_1848 : vector<16xf32>
        %add3A_1850 = arith.constant 43 : i32
        %add3A_1851 = arith.addi %mul3A_497, %add3A_1850 : i32
        %get3A_1852 = arith.index_cast %add3A_1851 : i32 to index
        %get3A_1853 = arith.constant 48 : index
        %get3A_1854 = tpu.vector_load %arg11[%get3A_1852, %get3A_1853] {strides = array<i32>} : memref<800x64xf32, #tpu.memory_space<vmem>>, vector<1x16xf32>,
        %get3A_1855 = vector.shape_cast %get3A_1854 : vector<1x16xf32> to vector<16xf32>
        %add3A_1856 = arith.addf %add3A_1849, %get3A_1855 : vector<16xf32>
        %add3A_1857 = arith.constant 44 : i32
        %add3A_1858 = arith.addi %mul3A_497, %add3A_1857 : i32
        %get3A_1859 = arith.index_cast %add3A_1858 : i32 to index
        %get3A_1860 = arith.constant 48 : index
        %get3A_1861 = tpu.vector_load %arg11[%get3A_1859, %get3A_1860] {strides = array<i32>} : memref<800x64xf32, #tpu.memory_space<vmem>>, vector<1x16xf32>,
        %get3A_1862 = vector.shape_cast %get3A_1861 : vector<1x16xf32> to vector<16xf32>
        %add3A_1863 = arith.addf %add3A_1856, %get3A_1862 : vector<16xf32>
        %add3A_1864 = arith.constant 45 : i32
        %add3A_1865 = arith.addi %mul3A_497, %add3A_1864 : i32
        %get3A_1866 = arith.index_cast %add3A_1865 : i32 to index
        %get3A_1867 = arith.constant 48 : index
        %get3A_1868 = tpu.vector_load %arg11[%get3A_1866, %get3A_1867] {strides = array<i32>} : memref<800x64xf32, #tpu.memory_space<vmem>>, vector<1x16xf32>,
        %get3A_1869 = vector.shape_cast %get3A_1868 : vector<1x16xf32> to vector<16xf32>
        %add3A_1870 = arith.addf %add3A_1863, %get3A_1869 : vector<16xf32>
        %add3A_1871 = arith.constant 46 : i32
        %add3A_1872 = arith.addi %mul3A_497, %add3A_1871 : i32
        %get3A_1873 = arith.index_cast %add3A_1872 : i32 to index
        %get3A_1874 = arith.constant 48 : index
        %get3A_1875 = tpu.vector_load %arg11[%get3A_1873, %get3A_1874] {strides = array<i32>} : memref<800x64xf32, #tpu.memory_space<vmem>>, vector<1x16xf32>,
        %get3A_1876 = vector.shape_cast %get3A_1875 : vector<1x16xf32> to vector<16xf32>
        %add3A_1877 = arith.addf %add3A_1870, %get3A_1876 : vector<16xf32>
        %add3A_1878 = arith.constant 47 : i32
        %add3A_1879 = arith.addi %mul3A_497, %add3A_1878 : i32
        %get3A_1880 = arith.index_cast %add3A_1879 : i32 to index
        %get3A_1881 = arith.constant 48 : index
        %get3A_1882 = tpu.vector_load %arg11[%get3A_1880, %get3A_1881] {strides = array<i32>} : memref<800x64xf32, #tpu.memory_space<vmem>>, vector<1x16xf32>,
        %get3A_1883 = vector.shape_cast %get3A_1882 : vector<1x16xf32> to vector<16xf32>
        %add3A_1884 = arith.addf %add3A_1877, %get3A_1883 : vector<16xf32>
        %add3A_1885 = arith.constant 48 : i32
        %add3A_1886 = arith.addi %mul3A_497, %add3A_1885 : i32
        %get3A_1887 = arith.index_cast %add3A_1886 : i32 to index
        %get3A_1888 = arith.constant 48 : index
        %get3A_1889 = tpu.vector_load %arg11[%get3A_1887, %get3A_1888] {strides = array<i32>} : memref<800x64xf32, #tpu.memory_space<vmem>>, vector<1x16xf32>,
        %get3A_1890 = vector.shape_cast %get3A_1889 : vector<1x16xf32> to vector<16xf32>
        %add3A_1891 = arith.addf %add3A_1884, %get3A_1890 : vector<16xf32>
        %add3A_1892 = arith.constant 49 : i32
        %add3A_1893 = arith.addi %mul3A_497, %add3A_1892 : i32
        %get3A_1894 = arith.index_cast %add3A_1893 : i32 to index
        %get3A_1895 = arith.constant 48 : index
        %get3A_1896 = tpu.vector_load %arg11[%get3A_1894, %get3A_1895] {strides = array<i32>} : memref<800x64xf32, #tpu.memory_space<vmem>>, vector<1x16xf32>,
        %get3A_1897 = vector.shape_cast %get3A_1896 : vector<1x16xf32> to vector<16xf32>
        %add3A_1898 = arith.addf %add3A_1891, %get3A_1897 : vector<16xf32>
        %swap3A_1899 = arith.index_cast %scan3A_495 : i32 to index
        %swap3A_1900 = arith.constant 48 : index
        %swap3A_1901 = tpu.vector_load %arg13[%swap3A_1899, %swap3A_1900] {strides = array<i32>} : memref<16x64xf32, #tpu.memory_space<vmem>>, vector<1x16xf32>,
        %swap3A_1902 = vector.shape_cast %swap3A_1901 : vector<1x16xf32> to vector<16xf32>
        %swap3A_1903 = vector.shape_cast %add3A_1898 : vector<16xf32> to vector<1x16xf32>
        tpu.vector_store %arg13[%swap3A_1899, %swap3A_1900], %swap3A_1903 {strides = array<i32>} : memref<16x64xf32, #tpu.memory_space<vmem>>, vector<1x16xf32>,
      }
      %scan3A_474 = arith.constant 16 : i32
      %mul3A_475 = arith.constant 16 : i32
      %mul3A_476 = arith.muli %add3A_468, %mul3A_475 : i32
      %add3A_477 = arith.addi %multiple_of3A, %mul3A_476 : i32
      %multiple_of3A_478 = tpu.assume_multiple %add3A_477, 16 : i32
      %dma_start3A_479 = arith.constant 0 : i32
      %dma_start3A_480 = tpu.memref_slice %arg6[%multiple_of3A_478, %dma_start3A_479] : memref<16384x64xf32, #tpu.memory_space<hbm>> -> memref<16x64xf32, #tpu.memory_space<hbm>>
      %dma_start3A_481 = arith.constant 0 : i32
      %dma_start3A_482 = tpu.memref_slice %arg6[%multiple_of3A_478, %dma_start3A_481] : memref<16384x64xf32, #tpu.memory_space<hbm>> -> memref<16x64xf32, #tpu.memory_space<hbm>>
      tpu.enqueue_dma source(%arg13 : memref<16x64xf32, #tpu.memory_space<vmem>>) target(%dma_start3A_482 : memref<16x64xf32, #tpu.memory_space<hbm>>) target_semaphore(%arg18 : memref<!tpu.dma_semaphore, #tpu.memory_space<semaphore_mem>>)
      %dma_wait3A_483 = arith.constant 0 : i32
      %dma_wait3A_484 = arith.constant 0 : i32
      %dma_wait3A_485 = tpu.memref_slice %arg6[%dma_wait3A_483, %dma_wait3A_484] : memref<16384x64xf32, #tpu.memory_space<hbm>> -> memref<16x64xf32, #tpu.memory_space<hbm>>
      %dma_wait3A_486 = arith.constant 0 : i32
      %dma_wait3A_487 = arith.constant 0 : i32
      %dma_wait3A_488 = tpu.memref_slice %arg6[%dma_wait3A_486, %dma_wait3A_487] : memref<16384x64xf32, #tpu.memory_space<hbm>> -> memref<16x64xf32, #tpu.memory_space<hbm>>
      tpu.wait_dma2 semaphore(%arg18 : memref<!tpu.dma_semaphore, #tpu.memory_space<semaphore_mem>>) src(%arg12 : memref<16x64xf32, #tpu.memory_space<vmem>>) dst(%dma_wait3A_488 : memref<16x64xf32, #tpu.memory_space<hbm>>)
      %dma_wait3A_489 = arith.constant 0 : i32
      %dma_wait3A_490 = arith.constant 0 : i32
      %dma_wait3A_491 = tpu.memref_slice %arg6[%dma_wait3A_489, %dma_wait3A_490] : memref<16384x64xf32, #tpu.memory_space<hbm>> -> memref<16x64xf32, #tpu.memory_space<hbm>>
      %dma_wait3A_492 = arith.constant 0 : i32
      %dma_wait3A_493 = arith.constant 0 : i32
      %dma_wait3A_494 = tpu.memref_slice %arg6[%dma_wait3A_492, %dma_wait3A_493] : memref<16384x64xf32, #tpu.memory_space<hbm>> -> memref<16x64xf32, #tpu.memory_space<hbm>>
      tpu.wait_dma2 semaphore(%arg18 : memref<!tpu.dma_semaphore, #tpu.memory_space<semaphore_mem>>) src(%arg13 : memref<16x64xf32, #tpu.memory_space<vmem>>) dst(%dma_wait3A_494 : memref<16x64xf32, #tpu.memory_space<hbm>>)
    }
    %scan3A_322 = arith.constant 16 : i32
    return
  }
}

module attributes {stable_mosaic.version = 14 : i64} {
  func.func @_mlp_body(%arg0: i32, %arg1: memref<4096x64xf32, #tpu.memory_space<vmem>>, %arg2: memref<4096x32xf32, #tpu.memory_space<vmem>>, %arg3: memref<4096x50xi32, #tpu.memory_space<vmem>>, %arg4: memref<64x256xf32, #tpu.memory_space<vmem>>, %arg5: memref<32x256xf32, #tpu.memory_space<vmem>>, %arg6: memref<256x128xf32, #tpu.memory_space<vmem>>, %arg7: memref<128x64xf32, #tpu.memory_space<vmem>>, %arg8: memref<1x256xf32, #tpu.memory_space<vmem>>, %arg9: memref<1x128xf32, #tpu.memory_space<vmem>>, %arg10: memref<1x64xf32, #tpu.memory_space<vmem>>, %arg11: memref<4096x64xf32, #tpu.memory_space<vmem>>) attributes {dimension_semantics = [#tpu.dimension_semantics<arbitrary>], iteration_bounds = array<i64: 4>, scalar_prefetch = 0 : i64, scratch_operands = 0 : i64, tpu.core_type = #tpu.core_type<tc>, window_params = [{transform_indices = @transform_0, window_bounds = array<i64: 4096, 64>}, {transform_indices = @transform_1, window_bounds = array<i64: 4096, 32>}, {transform_indices = @transform_2, window_bounds = array<i64: 4096, 50>}, {pipeline_mode = #tpu.pipeline_mode<synchronous>, transform_indices = @transform_3, window_bounds = array<i64: 64, 256>}, {pipeline_mode = #tpu.pipeline_mode<synchronous>, transform_indices = @transform_4, window_bounds = array<i64: 32, 256>}, {pipeline_mode = #tpu.pipeline_mode<synchronous>, transform_indices = @transform_5, window_bounds = array<i64: 256, 128>}, {pipeline_mode = #tpu.pipeline_mode<synchronous>, transform_indices = @transform_6, window_bounds = array<i64: 128, 64>}, {pipeline_mode = #tpu.pipeline_mode<synchronous>, transform_indices = @transform_7, window_bounds = array<i64: 1, 256>}, {pipeline_mode = #tpu.pipeline_mode<synchronous>, transform_indices = @transform_8, window_bounds = array<i64: 1, 128>}, {pipeline_mode = #tpu.pipeline_mode<synchronous>, transform_indices = @transform_9, window_bounds = array<i64: 1, 64>}, {transform_indices = @transform_10, window_bounds = array<i64: 4096, 64>}]} {
    %get3A = arith.constant 0 : index
    %get3A_0 = arith.constant 0 : index
    %get3A_1 = vector.load %arg3[%get3A, %get3A_0] : memref<4096x50xi32, #tpu.memory_space<vmem>>, vector<4096x50xi32>
    %ne3A = arith.constant 0 : i32
    %ne3A_2 = vector.broadcast %ne3A : i32 to vector<4096x50xi32>
    %ne3A_3 = arith.cmpi ne, %get3A_1, %ne3A_2 : vector<4096x50xi32>
    %convert_element_type3A = arith.extui %ne3A_3 : vector<4096x50xi1> to vector<4096x50xi32>
    %convert_element_type3A_4 = arith.sitofp %convert_element_type3A : vector<4096x50xi32> to vector<4096x50xf32>
    %reduce_sum3A = arith.constant dense<0.000000e+00> : vector<4096xf32>
    %reduce_sum3A_5 = vector.multi_reduction <add>, %convert_element_type3A_4, %reduce_sum3A [1] : vector<4096x50xf32> to vector<4096xf32>
    %broadcast_in_dim3A = vector.shape_cast %reduce_sum3A_5 : vector<4096xf32> to vector<4096x1xf32>
    %get3A_6 = arith.constant 0 : index
    %get3A_7 = arith.constant 0 : index
    %get3A_8 = vector.load %arg1[%get3A_6, %get3A_7] : memref<4096x64xf32, #tpu.memory_space<vmem>>, vector<4096x64xf32>
    %max3A = arith.constant 1.000000e+00 : f32
    %max3A_9 = vector.broadcast %max3A : f32 to vector<4096x1xf32>
    %max3A_10 = arith.maximumf %broadcast_in_dim3A, %max3A_9 : vector<4096x1xf32>
    %div3A = vector.broadcast %max3A_10 : vector<4096x1xf32> to vector<4096x64xf32>
    %div3A_11 = arith.divf %get3A_8, %div3A : vector<4096x64xf32>
    %get3A_12 = arith.constant 0 : index
    %get3A_13 = arith.constant 0 : index
    %get3A_14 = vector.load %arg4[%get3A_12, %get3A_13] : memref<64x256xf32, #tpu.memory_space<vmem>>, vector<64x256xf32>
    %dot_general3A = arith.constant dense<0.000000e+00> : vector<4096x256xf32>
    %dot_general3A_15 = tpu.matmul %div3A_11, %get3A_14, %dot_general3A {dimension_numbers = #tpu.dot_dimension_numbers<[1], [0], [0], [1], [0, 0, 1, 1], [], []>, transpose_lhs_hint = false} : vector<4096x64xf32>, vector<64x256xf32>, vector<4096x256xf32> -> vector<4096x256xf32>
    %get3A_16 = arith.constant 0 : index
    %get3A_17 = arith.constant 0 : index
    %get3A_18 = vector.load %arg2[%get3A_16, %get3A_17] : memref<4096x32xf32, #tpu.memory_space<vmem>>, vector<4096x32xf32>
    %get3A_19 = arith.constant 0 : index
    %get3A_20 = arith.constant 0 : index
    %get3A_21 = vector.load %arg5[%get3A_19, %get3A_20] : memref<32x256xf32, #tpu.memory_space<vmem>>, vector<32x256xf32>
    %dot_general3A_22 = arith.constant dense<0.000000e+00> : vector<4096x256xf32>
    %dot_general3A_23 = tpu.matmul %get3A_18, %get3A_21, %dot_general3A_22 {dimension_numbers = #tpu.dot_dimension_numbers<[1], [0], [0], [1], [0, 0, 1, 1], [], []>, transpose_lhs_hint = false} : vector<4096x32xf32>, vector<32x256xf32>, vector<4096x256xf32> -> vector<4096x256xf32>
    %add3A = arith.addf %dot_general3A_15, %dot_general3A_23 : vector<4096x256xf32>
    %get3A_24 = arith.constant 0 : index
    %get3A_25 = arith.constant 0 : index
    %get3A_26 = vector.load %arg8[%get3A_24, %get3A_25] : memref<1x256xf32, #tpu.memory_space<vmem>>, vector<1x256xf32>
    %add3A_27 = vector.broadcast %get3A_26 : vector<1x256xf32> to vector<4096x256xf32>
    %add3A_28 = arith.addf %add3A, %add3A_27 : vector<4096x256xf32>
    %max3A_29 = arith.constant 0.000000e+00 : f32
    %max3A_30 = vector.broadcast %max3A_29 : f32 to vector<4096x256xf32>
    %max3A_31 = arith.maximumf %add3A_28, %max3A_30 : vector<4096x256xf32>
    %get3A_32 = arith.constant 0 : index
    %get3A_33 = arith.constant 0 : index
    %get3A_34 = vector.load %arg6[%get3A_32, %get3A_33] : memref<256x128xf32, #tpu.memory_space<vmem>>, vector<256x128xf32>
    %dot_general3A_35 = arith.constant dense<0.000000e+00> : vector<4096x128xf32>
    %dot_general3A_36 = tpu.matmul %max3A_31, %get3A_34, %dot_general3A_35 {dimension_numbers = #tpu.dot_dimension_numbers<[1], [0], [0], [1], [0, 0, 1, 1], [], []>, transpose_lhs_hint = false} : vector<4096x256xf32>, vector<256x128xf32>, vector<4096x128xf32> -> vector<4096x128xf32>
    %get3A_37 = arith.constant 0 : index
    %get3A_38 = arith.constant 0 : index
    %get3A_39 = vector.load %arg9[%get3A_37, %get3A_38] : memref<1x128xf32, #tpu.memory_space<vmem>>, vector<1x128xf32>
    %add3A_40 = vector.broadcast %get3A_39 : vector<1x128xf32> to vector<4096x128xf32>
    %add3A_41 = arith.addf %dot_general3A_36, %add3A_40 : vector<4096x128xf32>
    %max3A_42 = arith.constant 0.000000e+00 : f32
    %max3A_43 = vector.broadcast %max3A_42 : f32 to vector<4096x128xf32>
    %max3A_44 = arith.maximumf %add3A_41, %max3A_43 : vector<4096x128xf32>
    %get3A_45 = arith.constant 0 : index
    %get3A_46 = arith.constant 0 : index
    %get3A_47 = vector.load %arg7[%get3A_45, %get3A_46] : memref<128x64xf32, #tpu.memory_space<vmem>>, vector<128x64xf32>
    %dot_general3A_48 = arith.constant dense<0.000000e+00> : vector<4096x64xf32>
    %dot_general3A_49 = tpu.matmul %max3A_44, %get3A_47, %dot_general3A_48 {dimension_numbers = #tpu.dot_dimension_numbers<[1], [0], [0], [1], [0, 0, 1, 1], [], []>, transpose_lhs_hint = false} : vector<4096x128xf32>, vector<128x64xf32>, vector<4096x64xf32> -> vector<4096x64xf32>
    %get3A_50 = arith.constant 0 : index
    %get3A_51 = arith.constant 0 : index
    %get3A_52 = vector.load %arg10[%get3A_50, %get3A_51] : memref<1x64xf32, #tpu.memory_space<vmem>>, vector<1x64xf32>
    %add3A_53 = vector.broadcast %get3A_52 : vector<1x64xf32> to vector<4096x64xf32>
    %add3A_54 = arith.addf %dot_general3A_49, %add3A_53 : vector<4096x64xf32>
    %swap3A = arith.constant 0 : index
    %swap3A_55 = arith.constant 0 : index
    %swap3A_56 = vector.load %arg11[%swap3A, %swap3A_55] : memref<4096x64xf32, #tpu.memory_space<vmem>>, vector<4096x64xf32>
    tpu.vector_store %arg11[%swap3A, %swap3A_55], %add3A_54 {strides = array<i32>} : memref<4096x64xf32, #tpu.memory_space<vmem>>, vector<4096x64xf32>,
    return
  }
  func.func @transform_0(%arg0: i32) -> (i32, i32) {
    %c0_i32 = arith.constant 0 : i32
    %c0_i32_0 = arith.constant 0 : i32
    return %arg0, %c0_i32 : i32, i32
  }
  func.func @transform_1(%arg0: i32) -> (i32, i32) {
    %c0_i32 = arith.constant 0 : i32
    %c0_i32_0 = arith.constant 0 : i32
    return %arg0, %c0_i32 : i32, i32
  }
  func.func @transform_2(%arg0: i32) -> (i32, i32) {
    %c0_i32 = arith.constant 0 : i32
    %c0_i32_0 = arith.constant 0 : i32
    return %arg0, %c0_i32 : i32, i32
  }
  func.func @transform_3(%arg0: i32) -> (i32, i32) {
    %c0_i32 = arith.constant 0 : i32
    %c0_i32_0 = arith.constant 0 : i32
    %c0_i32_1 = arith.constant 0 : i32
    return %c0_i32, %c0_i32_0 : i32, i32
  }
  func.func @transform_4(%arg0: i32) -> (i32, i32) {
    %c0_i32 = arith.constant 0 : i32
    %c0_i32_0 = arith.constant 0 : i32
    %c0_i32_1 = arith.constant 0 : i32
    return %c0_i32, %c0_i32_0 : i32, i32
  }
  func.func @transform_5(%arg0: i32) -> (i32, i32) {
    %c0_i32 = arith.constant 0 : i32
    %c0_i32_0 = arith.constant 0 : i32
    %c0_i32_1 = arith.constant 0 : i32
    return %c0_i32, %c0_i32_0 : i32, i32
  }
  func.func @transform_6(%arg0: i32) -> (i32, i32) {
    %c0_i32 = arith.constant 0 : i32
    %c0_i32_0 = arith.constant 0 : i32
    %c0_i32_1 = arith.constant 0 : i32
    return %c0_i32, %c0_i32_0 : i32, i32
  }
  func.func @transform_7(%arg0: i32) -> (i32, i32) {
    %c0_i32 = arith.constant 0 : i32
    %c0_i32_0 = arith.constant 0 : i32
    %c0_i32_1 = arith.constant 0 : i32
    return %c0_i32, %c0_i32_0 : i32, i32
  }
  func.func @transform_8(%arg0: i32) -> (i32, i32) {
    %c0_i32 = arith.constant 0 : i32
    %c0_i32_0 = arith.constant 0 : i32
    %c0_i32_1 = arith.constant 0 : i32
    return %c0_i32, %c0_i32_0 : i32, i32
  }
  func.func @transform_9(%arg0: i32) -> (i32, i32) {
    %c0_i32 = arith.constant 0 : i32
    %c0_i32_0 = arith.constant 0 : i32
    %c0_i32_1 = arith.constant 0 : i32
    return %c0_i32, %c0_i32_0 : i32, i32
  }
  func.func @transform_10(%arg0: i32) -> (i32, i32) {
    %c0_i32 = arith.constant 0 : i32
    %c0_i32_0 = arith.constant 0 : i32
    return %arg0, %c0_i32 : i32, i32
  }
}

</mosaic_0001>

<sc_bundles>
// kernel: kernel.4.cloned.1.call-start
scs
__scs_entry_jumppad:
0x0: {  	(pc) =	sbr.rel $0x88, $3  }
0x1: {  	(tag) =	ssettag $0x0;
	lr =	simm.s32 $0x1  }
0x2: {  	[smem:$0x3F97] =	sst lr;
	_ =	strace $0xD0000000  }
0x3: {  	_ = 	snop  }
0x4: {  	_ = 	snop  }
0x5: {  	_ = 	snop  }
0x6: {  	_ = 	snop  }
0x7: {  	_ = 	snop  }
__scs_overlays_trampoline_lowered:
0x8: {  	[smem:$0x3FA6] =	sst s0  }
0x9: {  	[smem:$0x3FA7] =	sst s1  }
0xa: {  	[smem:$0x3FA8] =	sst s2  }
0xb: {  	[smem:$0x3FA9] =	sst s3  }
0xc: {  	[smem:$0x3FAA] =	sst s4  }
0xd: {  	[smem:$0x3FAB] =	sst s5  }
0xe: {  	[smem:$0x3FAC] =	sst s6  }
0xf: {  	[smem:$0x3FAD] =	sst s7  }
0x10: {  	[smem:$0x3FAE] =	sst s8  }
0x11: {  	[smem:$0x3FAF] =	sst s9;
	s0 =	simm.s32 @!p0 $0x0  }
0x12: {  	s1 =	sld [smem:$0x3F95];
	s0 =	simm.s32 @p0 $0x1  }
0x13: {  	[smem:$0x3FB0] =	sst s0;
	s0 =	simm.s32 @!p1 $0x0  }
0x14: {  	s2 =	sld [smem:$0x3F94];
	s0 =	simm.s32 @p1 $0x1  }
0x15: {  	[smem:$0x3FB1] =	sst s0;
	s0 =	simm.s32 @!p2 $0x0  }
0x16: {  	s3 =	sld [smem:$0x3FDB];
	s0 =	simm.s32 @p2 $0x1  }
0x17: {  	s4 =	simm.s32 $0x1BF5;
	[smem:$0x3FB3] =	sst s0  }
0x18: {  	s0 =	sld [smem:$0x3F96];
	_ =	swait.ge [sflag:s4], $0x0  }
0x19: {  	s7 =	sld [smem:$0x3F97]  }
0x1a: {  	s8 =	sadd.s32 $0xFFFFE003, lr  }
0x1b: {  	s9 =	sadd.s32 $0xFFFFFEF7, lr;
	s5 =	simm.s32 $0xFFFFFFFF;
	p2 =	slt.u32 s8, $0xFFFFF086  }
0x1c: {  	p1 =	slt.u32 s9, $0xF7A;
	s5 =	simm.s32 @!p2 $0x0  }
0x1d: {  	s5 =	simm.s32 @p1 $0x1;
	p0 =	seq.s32 s7, s2  }
0x1e: {  	s7 =	smul.u32 @!p0 $0xF7A, s2;
	p2 =	seq.s32 @!p0 s5, $0x0  }
0x1f: {  	s9 =	smul.u32 $0xF7A, s1;
	s8 =	simm.s32 @!p0 $0x1BF5;
	p2 =	por !p2, p0  }
0x20: {  	[sflag:s8] =	ssyncset.s32 @!p0 $0xFFFFF086;
	s6 =	sadd.s32 @!p0 s3, s7;
	s7 =	simm.s32 @!p0 $0x108  }
0x21: {  	s3 =	sadd.s32 s3, s9;
	s6 =	sadd.s32 @!p0 $0x88, s6;
	s7 =	simm.s32 @p2 $0x1082  }
0x22: {  	[simem:s7], [sflag:s8] =	dma.local @!p0 [hbm:s6], $0xF7A  }
0x23: {  	s9 =	sor.u32 $0xD0000000, s2;
	s6 =	simm.s32 $0x108;
	_ =	swait.ge @!p0 [sflag:s8], $0x0  }
0x24: {  	s3 =	sadd.s32 $0x88, s3;
	s6 =	simm.s32 @!p1 $0x1082;
	[sflag:s4] =	ssyncset.s32 $0xFFFFF086  }
0x25: {  	[simem:s6], [sflag:s4] =	dma.local [hbm:s3], $0xF7A  }
0x26: {  	[smem:$0x3F97] =	sst s1;
	(tag) =	ssettag s2;
	_ =	strace s9  }
0x27: {  	s1 =	sld [smem:$0x3FA7]  }
0x28: {  	s2 =	sld [smem:$0x3FA8]  }
0x29: {  	s4 =	sld [smem:$0x3FAA]  }
0x2a: {  	p0 =	seq.s32 s5, $0x0;
	s5 =	sld [smem:$0x3FAB]  }
0x2b: {  	s6 =	sld [smem:$0x3FAC]  }
0x2c: {  	s7 =	sld [smem:$0x3FAD]  }
0x2d: {  	s3 =	simm.s32 $0x108;
	s8 =	sld [smem:$0x3FAE]  }
0x2e: {  	s3 =	simm.s32 @!p0 $0x1082;
	s9 =	sld [smem:$0x3FAF]  }
0x2f: {  	lr =	sadd.s32 s0, s3;
	s0 =	sld [smem:$0x3FA6]  }
0x30: {  	s3 =	sld [smem:$0x3FA9]  }
0x31: {  	[smem:$0x3FB2] =	sst s10  }
0x32: {  	s10 =	sld [smem:$0x3FB0];
	_ =	sdelay $0x3  }
0x33: {  	p0 =	seq.s32 s10, $0x1;
	s10 =	sld [smem:$0x3FB2];
	_ =	sdelay $0x3  }
0x34: {  	[smem:$0x3FB2] =	sst s10  }
0x35: {  	s10 =	sld [smem:$0x3FB1];
	_ =	sdelay $0x3  }
0x36: {  	p1 =	seq.s32 s10, $0x1;
	s10 =	sld [smem:$0x3FB2];
	_ =	sdelay $0x3  }
0x37: {  	[smem:$0x3FB2] =	sst s10  }
0x38: {  	s10 =	sld [smem:$0x3FB3]  }
0x39: {  	_ = 	snop;
	(pc) =	sbr.ind lr, $3  }
0x3a: {  	_ = 	snop  }
0x3b: {  	_ = 	snop  }
0x3c: {  	p2 =	seq.s32 s10, $0x1;
	s10 =	sld [smem:$0x3FB2]  }
0x3d: {  	_ =	shalt  }
0x3e: {  	_ =	shalt  }
0x3f: {  	_ =	shalt  }
0x40: {  	_ =	shalt  }
0x41: {  	_ =	shalt  }
0x42: {  	_ =	shalt  }
0x43: {  	_ =	shalt  }
0x44: {  	_ =	shalt  }
0x45: {  	_ =	shalt  }
0x46: {  	_ =	shalt  }
0x47: {  	_ =	shalt  }
0x48: {  	_ =	shalt  }
0x49: {  	_ =	shalt  }
0x4a: {  	_ =	shalt  }
0x4b: {  	_ =	shalt  }
0x4c: {  	_ =	shalt  }
0x4d: {  	_ =	shalt  }
0x4e: {  	_ =	shalt  }
0x4f: {  	_ =	shalt  }
0x50: {  	_ =	shalt  }
0x51: {  	_ =	shalt  }
0x52: {  	_ =	shalt  }
0x53: {  	_ =	shalt  }
0x54: {  	_ =	shalt  }
0x55: {  	_ =	shalt  }
0x56: {  	_ =	shalt  }
0x57: {  	_ =	shalt  }
0x58: {  	_ =	shalt  }
0x59: {  	_ =	shalt  }
0x5a: {  	_ =	shalt  }
0x5b: {  	_ =	shalt  }
0x5c: {  	_ =	shalt  }
0x5d: {  	_ =	shalt  }
0x5e: {  	_ =	shalt  }
0x5f: {  	_ =	shalt  }
0x60: {  	_ =	shalt  }
0x61: {  	_ =	shalt  }
0x62: {  	_ =	shalt  }
0x63: {  	_ =	shalt  }
0x64: {  	_ =	shalt  }
0x65: {  	_ =	shalt  }
0x66: {  	_ =	shalt  }
0x67: {  	_ =	shalt  }
0x68: {  	_ =	shalt  }
0x69: {  	_ =	shalt  }
0x6a: {  	_ =	shalt  }
0x6b: {  	_ =	shalt  }
0x6c: {  	_ =	shalt  }
0x6d: {  	_ =	shalt  }
0x6e: {  	_ =	shalt  }
0x6f: {  	_ =	shalt  }
0x70: {  	_ =	shalt  }
0x71: {  	_ =	shalt  }
0x72: {  	_ =	shalt  }
0x73: {  	_ =	shalt  }
0x74: {  	_ =	shalt  }
0x75: {  	_ =	shalt  }
0x76: {  	_ =	shalt  }
0x77: {  	_ =	shalt  }
0x78: {  	_ =	shalt  }
0x79: {  	_ =	shalt  }
0x7a: {  	_ =	shalt  }
0x7b: {  	_ =	shalt  }
0x7c: {  	_ =	shalt  }
0x7d: {  	_ =	shalt  }
0x7e: {  	_ =	shalt  }
0x7f: {  	_ =	shalt  }
0x80: {  	_ =	shalt  }
0x81: {  	_ =	shalt  }
0x82: {  	_ =	shalt  }
0x83: {  	_ =	shalt  }
0x84: {  	_ =	shalt  }
0x85: {  	_ =	shalt  }
0x86: {  	_ =	shalt  }
0x87: {  	_ =	shalt  }
.Lfunc_end0:
.L_simem_size_0:
called_computation_lowered:
.L_overlay_start_0:
0x88: {  	s2 =	sld [smem:$0x3FD9]  }
0x89: {  	s3 =	sld [smem:$0x3FFE];
	_ =	sdelay $0x1  }
0x8a: {  	s1 =	srdreg.scid  }
0x8b: {  	s0 =	sand.u32 $0x1, s1  }
0x8c: {  	s17 =	sshll.u32 s0, $0xA;
	s2 =	sadd.s32 s3, s2  }
0x8d: {  	s2 =	sadd.s32 s2, s17  }
0x8e: {  	[smem:$0x3FBE] =	sst s2  }
0x8f: {  	_ = 	snop  }
0x90: {  	s2 =	sld [smem:$0x3FC8]  }
0x91: {  	s18 =	sld [smem:$0x3FD0];
	(tm) =	ssettm $0x1  }
0x92: {  	s4 =	sld [smem:$0x3FFB];
	_ =	sdelay $0x3  }
0x93: {  	_ =	strace s4  }
0x94: {  	s4 =	sld [smem:$0x3FFC];
	_ =	sdelay $0x3  }
0x95: {  	_ =	strace s4  }
0x96: {  	s4 =	sld [smem:$0x3FFD];
	_ =	sdelay $0x3  }
0x97: {  	_ =	strace s4  }
0x98: {  	_ =	strace $0x8FFFFFFF  }
0x99: {  	s19 =	sld [smem:$0x3FDB];
	_ =	sdelay $0x1  }
0x9a: {  	s5 =	simm.s32 $_scs_section_size  }
0x9b: {  	s6 =	simm.s32 $_size__tile_overlayer_lowered;
	s7 =	simm.s32 $_tile_overlayer_lowered  }
0x9c: {  	s22 =	simm.s32 $0x1BFF;
	s21 =	sshll.u32 s7, $0x1;
	s4 =	sadd.s32 s5, s19  }
0x9d: {  	s8 =	simm.s32 $0x0;
	s20 =	sshll.u32 s6, $0x1;
	s6 =	sadd.s32 s21, s4  }
0x9e: {  	[timem:s8], [sflag:s22] =	dma.local [hbm:s6], s20  }
0x9f: {  	_ =	swait.ge [sflag:s22], s20  }
0xa0: {  	s5 =	ssub.s32 $0x0, s20;
	[sflag:s22] =	ssyncset.done $0x0  }
0xa1: {  	[sflag:s22] =	ssyncadd.s32 s5;
	_ =	sdelay $0x1  }
0xa2: {  	s23 =	simm.s32 $0x1B8B  }
0xa3: {  	_ =	swait.ge [sflag:s23], $0x1  }
0xa4: {  	[sflag:s23] =	ssyncset.done $0x0  }
0xa5: {  	s25 =	simm.s32 $0x1B8E;
	s24 =	sld [smem:$0x3FFE];
	[sflag:s23] =	ssyncadd.s32 $0xFFFFFFFF  }
0xa6: {  	s26 =	simm.s32 $execute0_lowered;
	[smem:$0x3FD2] =	sst s25  }
0xa7: {  	s6 =	sshll.u32 s26, $0x1;
	_ =	strace $0x80000046;
	[dreg:$0x1] =	wrdreg $0xFFFFFFFF  }
0xa8: {  	s28 =	simm.s32 $_size_execute0_lowered;
	s4 =	sadd.s32 s4, s6;
	[dreg:$0x0] =	wrdreg $0x0  }
0xa9: {  	s6 =	sshll.u32 s28, $0x1;
	[dreg:$0x2] =	wrdreg s4  }
0xaa: {  	[dreg:$0x3] =	wrdreg s6  }
0xab: {  	[dreg:$0x4] =	wrdreg $0xC0  }
0xac: {  	_ =	task [dreg:s8], $0x5FFFF  }
0xad: {  	[dreg:$0x1] =	wrdreg $0xFFFFFFFF  }
0xae: {  	[dreg:$0x0] =	wrdreg $0x60  }
0xaf: {  	[dreg:$0x2] =	wrdreg s24  }
0xb0: {  	[dreg:$0x3] =	wrdreg s2  }
0xb1: {  	[dreg:$0x4] =	wrdreg s18  }
0xb2: {  	[dreg:$0x5] =	wrdreg $0x9  }
0xb3: {  	_ =	task.clear_ibuf [dreg:s8], $0x6FFFF;
	_ =	strace $0x90000046  }
0xb4: {  	s29 =	simm.s32 $0x9;
	_ =	strace $0x80000048  }
0xb5: {  	_ =	swait.ge [sflag:s29], $0x1  }
0xb6: {  	[sflag:s29] =	ssyncadd.s32 $0xFFFFFFFF  }
0xb7: {  	_ =	strace $0x90000048  }
0xb8: {  	_ =	sfence  }
0xb9: {  	s30 =	sld [smem:$0x0];
	_ =	sdelay $0x2  }
0xba: {  	s31 =	sshll.u32 s1, $0xD;
	s1 =	sshrl.u32 s1, $0x2  }
0xbb: {  	s3 =	sand.u32 $0x4000, s31;
	s1 =	sadd.s32 s1, s30  }
0xbc: {  	s0 =	sor.u32 s3, s0;
	s1 =	sshll.u32 s1, $0x11  }
0xbd: {  	s0 =	sor.u32 s1, s0  }
0xbe: {  	s0 =	sadd.s32 $0x8F2B, s0  }
0xbf: {  	[sflag:s0] =	ssyncadd.remote.s32 $0x1  }
0xc0: {  	_ =	sfence.sel $0xFFFF  }
0xc1: {  	[dreg:$0x0] =	wrdreg $0xFFFFFFFF;
	(pc) =	sbr.abs _section_cstart, $3  }
0xc2: {  	[dreg:$0x1] =	wrdreg $0xFFFFFFFF  }
0xc3: {  	_ =	task.clear_ibuf [dreg:s8], $0x2FFFF;
	_ =	strace $0x9FFFFFFF  }
0xc4: {  	(tm) =	ssettm $0x7FFFFFFF  }
0xc5: {  	_ =	shalt  }
tec
execute0_lowered:
.L_overlay_start_1:
0x0: {  	(tag) =	ssettag $0x1  }
0x1: {  	s0 =	rddreg [dreg:$0x0]  }
0x2: {  	s1 =	rddreg [dreg:$0x1]  }
0x3: {  	s10 =	rddreg [dreg:$0x2];
	s2 =	srdreg.scid  }
0x4: {  	s3 =	simm.s32 $0x0;
	s5 =	stileid.u32;
	s16 =	simm.s32 $0x4  }
0x5: {  	s17 =	simm.s32 $0x64;
	s28 =	simm.s32 $0x3;
	s29 =	simm.s32 $0x340  }
0x6: {  	s11 =	simm.s32 $0x17D80;
	s14 =	simm.s32 $0x1;
	s18 =	simm.s32 $0x19680  }
0x7: {  	s20 =	simm.s32 $0x2;
	s19 =	simm.s32 $0x19A80;
	s2 =	sand.u32 $0x1, s2  }
0x8: {  	[smem:$0x7FF] =	sst s3;
	s5 =	sshll.u32 s5, $0x9;
	s9 =	sadd.s32 $0x1E2200, s0  }
0x9: {  	s4 =	sshll.u32 s2, $0xD;
	_ =	strace $0x80000047;
	s2 =	ssub.s32 $0x2, s2  }
0xa: {  	[dreg:$0x4] =	wrdreg s9;
	s9 =	simm.s32 $0x16480;
	s6 =	sor.u32 s5, s4  }
0xb: {  	s4 =	sadd.s32 $0x41800, s0;
	s5 =	sadd.s32 $0xF9DC00, s0;
	s8 =	sshrl.u32 s2, $0x1  }
0xc: {  	s0 =	sadd.s32 $0x5B800, s0;
	s7 =	sshrl.u32 s6, $0x1;
	s2 =	ssub.s32 s2, s8  }
0xd: {  	s22 =	sshrl.u32 s6, $0x3;
	s23 =	sshll.u32 s6, $0x2;
	s25 =	sor.u32 $0x100, s6  }
0xe: {  	s30 =	sshll.u32 s6, $0x3;
	s13 =	sor.u32 $0x20, s6;
	s15 =	sor.u32 $0x10, s6  }
0xf: {  	s8 =	simm.s32 $0x5B0;
	s7 =	smul.u32 $0xD, s7;
	s24 =	sadd.s32 s0, s23  }
0x10: {  	s26 =	sshrl.u32 s25, $0x3;
	s31 =	smax.u32 s2, $0x1;
	[dreg:$0x7] =	wrdreg s24  }
0x11: {  	s12 =	sadd.s32 s10, s30;
	[dreg:$0xa] =	wrdreg s31;
	s7 =	sadd.s32 s4, s7  }
0x12: {  	s10 =	simm.s32 $0x618;
	[dreg:$0x5] =	wrdreg s7;
	s7 =	sadd.s32 s1, s22  }
0x13: {  	s1 =	sadd.s32 s1, s26;
	[dreg:$0x6] =	wrdreg s7;
	s7 =	sshll.u32 s25, $0x2  }
0x14: {  	s26 =	simm.s32 $0x548;
	[dreg:$0x8] =	wrdreg s1;
	s0 =	sadd.s32 s0, s7  }
0x15: {  	s1 =	simm.s32 $0x0;
	s7 =	simm.s32 $0x14B80;
	[dreg:$0x9] =	wrdreg s0  }
.LBB2_1:
0x16: {  	[dreg:$0xb] =	wrdreg s1  }
0x17: {  	s0 =	rddreg [dreg:$0x5]  }
0x18: {  	[tilespmem:s3], [sflag:$0x4] =	stream.linear.gather [hbm4b:s0+s3], $0x340, $0x38;
	[tilespmem:$0x1BF80] =	vst v63  }
0x19: {  	_ =	swait.ge [sflag:s16], $0x340  }
0x1a: {  	[sflag:s16] =	ssyncset.done $0x0  }
0x1b: {  	s21 =	simm.s32 $0x680;
	[sflag:s16] =	ssyncadd.s32 $0xFFFFFCC0  }
0x1c: {  	[tilespmem:s21], [sflag:$0x1] =	stream.indirect.gather [hbm4b:s5+s17], $0x40, s3, s17, $0xb8;
	[tilespmem:$0x1BF80] =	vst v63  }
0x1d: {  	s22 =	simm.s32 $0x68;
	s23 =	simm.s32 $0x1F80  }
0x1e: {  	[tilespmem:s23], [sflag:$0x1] =	stream.indirect.gather [hbm4b:s5+s17], $0x40, s22, s17, $0xb8;
	[tilespmem:$0x1BF80] =	vst v63  }
0x1f: {  	s24 =	simm.s32 $0xD0;
	s25 =	simm.s32 $0x3880  }
0x20: {  	[tilespmem:s25], [sflag:$0x1] =	stream.indirect.gather [hbm4b:s5+s17], $0x40, s24, s17, $0xb8;
	[tilespmem:$0x1BF80] =	vst v63  }
0x21: {  	s30 =	simm.s32 $0x138;
	s31 =	simm.s32 $0x5180  }
0x22: {  	[tilespmem:s31], [sflag:$0x1] =	stream.indirect.gather [hbm4b:s5+s17], $0x40, s30, s17, $0xb8;
	[tilespmem:$0x1BF80] =	vst v63  }
0x23: {  	s1 =	simm.s32 $0x1A0;
	s2 =	simm.s32 $0x6A80  }
0x24: {  	[tilespmem:s2], [sflag:$0x1] =	stream.indirect.gather [hbm4b:s5+s17], $0x40, s1, s17, $0xb8;
	[tilespmem:$0x1BF80] =	vst v63  }
0x25: {  	s6 =	simm.s32 $0x208;
	s21 =	simm.s32 $0x8380  }
0x26: {  	[tilespmem:s21], [sflag:$0x1] =	stream.indirect.gather [hbm4b:s5+s17], $0x40, s6, s17, $0xb8;
	[tilespmem:$0x1BF80] =	vst v63  }
0x27: {  	s22 =	simm.s32 $0x270;
	s23 =	simm.s32 $0x9C80  }
0x28: {  	[tilespmem:s23], [sflag:$0x1] =	stream.indirect.gather [hbm4b:s5+s17], $0x40, s22, s17, $0xb8;
	[tilespmem:$0x1BF80] =	vst v63  }
0x29: {  	s24 =	simm.s32 $0x2D8;
	s25 =	simm.s32 $0xB580  }
0x2a: {  	[tilespmem:s25], [sflag:$0x1] =	stream.indirect.gather [hbm4b:s5+s17], $0x40, s24, s17, $0xb8;
	[tilespmem:$0x1BF80] =	vst v63  }
0x2b: {  	s30 =	rddreg [dreg:$0x6];
	s2 =	simm.s32 $0x19E80  }
0x2c: {  	[tilespmem:s2], [sflag:$0x4] =	stream.linear.gather [hbm4b:s30+s3], $0x100, $0x38;
	[tilespmem:$0x1BF80] =	vst v63  }
0x2d: {  	_ =	swait.ge [sflag:s16], $0x100  }
0x2e: {  	s6 =	simm.s32 $0x40;
	[sflag:s16] =	ssyncset.done $0x0  }
0x2f: {  	s21 =	simm.s32 $0x19F80;
	s0 =	rddreg [dreg:$0x4];
	[sflag:s16] =	ssyncadd.s32 $0xFFFFFF00  }
0x30: {  	[tilespmem:s21], [sflag:$0x3] =	stream.indirect.gather [hbm4b:s0+s6], $0x20, s2, s6, $0xb8;
	[tilespmem:$0x1BF80] =	vst v63  }
0x31: {  	s31 =	simm.s32 $0x1A780;
	s30 =	simm.s32 $0x19EC0  }
0x32: {  	[tilespmem:s31], [sflag:$0x3] =	stream.indirect.gather [hbm4b:s0+s6], $0x20, s30, s6, $0xb8;
	[tilespmem:$0x1BF80] =	vst v63  }
0x33: {  	s22 =	simm.s32 $0x19F00;
	s23 =	simm.s32 $0x1AF80  }
0x34: {  	[tilespmem:s23], [sflag:$0x3] =	stream.indirect.gather [hbm4b:s0+s6], $0x20, s22, s6, $0xb8;
	[tilespmem:$0x1BF80] =	vst v63  }
0x35: {  	s24 =	simm.s32 $0x19F40;
	s25 =	simm.s32 $0x1B780  }
0x36: {  	[tilespmem:s25], [sflag:$0x3] =	stream.indirect.gather [hbm4b:s0+s6], $0x20, s24, s6, $0xb8;
	[tilespmem:$0x1BF80] =	vst v63  }
0x37: {  	_ =	swait.ge [sflag:s28], $0x800  }
0x38: {  	[sflag:s28] =	ssyncset.done $0x0  }
0x39: {  	[sflag:s28] =	ssyncadd.s32 $0xFFFFF800  }
0x3a: {  	_ =	swait.ge [sflag:s28], $0x800  }
0x3b: {  	[sflag:s28] =	ssyncset.done $0x0  }
0x3c: {  	[sflag:s28] =	ssyncadd.s32 $0xFFFFF800  }
0x3d: {  	_ =	swait.ge [sflag:s28], $0x800  }
0x3e: {  	[sflag:s28] =	ssyncset.done $0x0  }
0x3f: {  	[sflag:s28] =	ssyncadd.s32 $0xFFFFF800  }
0x40: {  	_ =	swait.ge [sflag:s28], $0x800  }
0x41: {  	[sflag:s28] =	ssyncset.done $0x0  }
0x42: {  	s1 =	rddreg [dreg:$0x7];
	[sflag:s28] =	ssyncadd.s32 $0xFFFFF800  }
0x43: {  	[hbm4b:s1+s3] =	stream.linear.scatter [tilespmem:s21], [sflag:$0x4], $0x2000, $0x38;
	[tilespmem:$0x1BF80] =	vst v63  }
0x44: {  	_ =	swait.ge [sflag:s16], $0x2000  }
0x45: {  	[sflag:s16] =	ssyncset.done $0x0  }
0x46: {  	s1 =	rddreg [dreg:$0x8];
	[sflag:s16] =	ssyncadd.s32 $0xFFFFE000  }
0x47: {  	[tilespmem:s2], [sflag:$0x4] =	stream.linear.gather [hbm4b:s1+s3], $0x100, $0x38;
	[tilespmem:$0x1BF80] =	vst v63  }
0x48: {  	_ =	swait.ge [sflag:s16], $0x100  }
0x49: {  	[sflag:s16] =	ssyncset.done $0x0  }
0x4a: {  	[sflag:s16] =	ssyncadd.s32 $0xFFFFFF00  }
0x4b: {  	[tilespmem:s21], [sflag:$0x3] =	stream.indirect.gather [hbm4b:s0+s6], $0x20, s2, s6, $0xb8;
	[tilespmem:$0x1BF80] =	vst v63  }
0x4c: {  	_ = 	snop  }
0x4d: {  	[tilespmem:s31], [sflag:$0x3] =	stream.indirect.gather [hbm4b:s0+s6], $0x20, s30, s6, $0xb8;
	[tilespmem:$0x1BF80] =	vst v63  }
0x4e: {  	_ = 	snop  }
0x4f: {  	[tilespmem:s23], [sflag:$0x3] =	stream.indirect.gather [hbm4b:s0+s6], $0x20, s22, s6, $0xb8;
	[tilespmem:$0x1BF80] =	vst v63  }
0x50: {  	_ = 	snop  }
0x51: {  	[tilespmem:s25], [sflag:$0x3] =	stream.indirect.gather [hbm4b:s0+s6], $0x20, s24, s6, $0xb8;
	[tilespmem:$0x1BF80] =	vst v63  }
0x52: {  	_ =	swait.ge [sflag:s28], $0x800  }
0x53: {  	[sflag:s28] =	ssyncset.done $0x0  }
0x54: {  	[sflag:s28] =	ssyncadd.s32 $0xFFFFF800  }
0x55: {  	_ =	swait.ge [sflag:s28], $0x800  }
0x56: {  	[sflag:s28] =	ssyncset.done $0x0  }
0x57: {  	[sflag:s28] =	ssyncadd.s32 $0xFFFFF800  }
0x58: {  	_ =	swait.ge [sflag:s28], $0x800  }
0x59: {  	[sflag:s28] =	ssyncset.done $0x0  }
0x5a: {  	[sflag:s28] =	ssyncadd.s32 $0xFFFFF800  }
0x5b: {  	_ =	swait.ge [sflag:s28], $0x800  }
0x5c: {  	[sflag:s28] =	ssyncset.done $0x0  }
0x5d: {  	s31 =	rddreg [dreg:$0x9];
	[sflag:s28] =	ssyncadd.s32 $0xFFFFF800  }
0x5e: {  	[hbm4b:s31+s3] =	stream.linear.scatter [tilespmem:s21], [sflag:$0x4], $0x2000, $0x38;
	[tilespmem:$0x1BF80] =	vst v63  }
0x5f: {  	s23 =	simm.s32 $0x3A8;
	_ =	swait.ge [sflag:s16], $0x2000  }
0x60: {  	s22 =	simm.s32 $0xCE80;
	s25 =	simm.s32 $0x410;
	[sflag:s16] =	ssyncset.done $0x0  }
0x61: {  	s24 =	simm.s32 $0xE780;
	s6 =	simm.s32 $0x0;
	[sflag:s16] =	ssyncadd.s32 $0xFFFFE000  }
.LBB2_2:
0x62: {  	s30 =	sshll.u32 s6, $0x5  }
0x63: {  	s2 =	sor.u32 s15, s30  }
0x64: {  	s0 =	sshrl.u32 s2, $0x1  }
0x65: {  	s0 =	smul.u32 $0xD, s0;
	_ =	sdelay $0x1  }
0x66: {  	s1 =	simm.s32 $0x0;
	s0 =	sadd.s32 s4, s0  }
0x67: {  	[tilespmem:s29], [sflag:$0x4] =	stream.linear.gather [hbm4b:s0+s1], $0x340, $0x38;
	[tilespmem:$0x1BF80] =	vst v63  }
0x68: {  	_ =	swait.ge [sflag:s16], $0x340  }
0x69: {  	[sflag:s16] =	ssyncset.done $0x0  }
0x6a: {  	[sflag:s16] =	ssyncadd.s32 $0xFFFFFCC0  }
0x6b: {  	[tilespmem:s22], [sflag:$0x2] =	stream.indirect.gather [hbm4b:s5+s17], $0x40, s29, s17, $0xb8;
	[tilespmem:$0x1BF80] =	vst v63  }
0x6c: {  	_ = 	snop  }
0x6d: {  	[tilespmem:s24], [sflag:$0x2] =	stream.indirect.gather [hbm4b:s5+s17], $0x40, s23, s17, $0xb8;
	[tilespmem:$0x1BF80] =	vst v63  }
0x6e: {  	s21 =	simm.s32 $0x10080  }
0x6f: {  	[tilespmem:s21], [sflag:$0x2] =	stream.indirect.gather [hbm4b:s5+s17], $0x40, s25, s17, $0xb8;
	[tilespmem:$0x1BF80] =	vst v63  }
0x70: {  	s0 =	simm.s32 $0x478;
	s21 =	simm.s32 $0x11980  }
0x71: {  	[tilespmem:s21], [sflag:$0x2] =	stream.indirect.gather [hbm4b:s5+s17], $0x40, s0, s17, $0xb8;
	[tilespmem:$0x1BF80] =	vst v63  }
0x72: {  	s0 =	simm.s32 $0x4E0;
	s21 =	simm.s32 $0x13280  }
0x73: {  	[tilespmem:s21], [sflag:$0x2] =	stream.indirect.gather [hbm4b:s5+s17], $0x40, s0, s17, $0xb8;
	[tilespmem:$0x1BF80] =	vst v63  }
0x74: {  	_ = 	snop  }
0x75: {  	[tilespmem:s7], [sflag:$0x2] =	stream.indirect.gather [hbm4b:s5+s17], $0x40, s26, s17, $0xb8;
	[tilespmem:$0x1BF80] =	vst v63  }
0x76: {  	_ = 	snop  }
0x77: {  	[tilespmem:s9], [sflag:$0x2] =	stream.indirect.gather [hbm4b:s5+s17], $0x40, s8, s17, $0xb8;
	[tilespmem:$0x1BF80] =	vst v63  }
0x78: {  	_ = 	snop  }
0x79: {  	[tilespmem:s11], [sflag:$0x2] =	stream.indirect.gather [hbm4b:s5+s17], $0x40, s10, s17, $0xb8;
	[tilespmem:$0x1BF80] =	vst v63  }
0x7a: {  	s1 =	smul.u32 $0x3200, s1;
	_ =	swait.ge [sflag:s14], $0xC800  }
0x7b: {  	[sflag:s14] =	ssyncset.done $0x0  }
0x7c: {  	s0 =	sshra.s32 s1, $0x2;
	[sflag:s14] =	ssyncadd.s32 $0xFFFF3800  }
0x7d: {  	v0 =	vld [tilespmem:s0+$0x680]  }
0x7e: {  	v1 =	vld [tilespmem:s0+$0x6C0];
	_ =	sdelay $0x1  }
0x7f: {  	v2 =	vld [tilespmem:s0+$0x700];
	_ =	sdelay $0x1  }
0x80: {  	v3 =	vld [tilespmem:s0+$0x740]  }
0x81: {  	v0 =	vadd.f32 v1, v0  }
0x82: {  	v1 =	vld [tilespmem:s0+$0x780]  }
0x83: {  	v0 =	vadd.f32 v2, v0  }
0x84: {  	v2 =	vld [tilespmem:s0+$0x7C0]  }
0x85: {  	v0 =	vadd.f32 v3, v0  }
0x86: {  	v3 =	vld [tilespmem:s0+$0x800]  }
0x87: {  	v0 =	vadd.f32 v1, v0  }
0x88: {  	v1 =	vld [tilespmem:s0+$0x840]  }
0x89: {  	v0 =	vadd.f32 v2, v0  }
0x8a: {  	v2 =	vld [tilespmem:s0+$0x880]  }
0x8b: {  	v0 =	vadd.f32 v3, v0  }
0x8c: {  	v3 =	vld [tilespmem:s0+$0x8C0]  }
0x8d: {  	v0 =	vadd.f32 v1, v0  }
0x8e: {  	v1 =	vld [tilespmem:s0+$0x900]  }
0x8f: {  	v0 =	vadd.f32 v2, v0  }
0x90: {  	v2 =	vld [tilespmem:s0+$0x940]  }
0x91: {  	v0 =	vadd.f32 v3, v0  }
0x92: {  	v3 =	vld [tilespmem:s0+$0x980]  }
0x93: {  	v0 =	vadd.f32 v1, v0  }
0x94: {  	v1 =	vld [tilespmem:s0+$0x9C0]  }
0x95: {  	v0 =	vadd.f32 v2, v0  }
0x96: {  	v2 =	vld [tilespmem:s0+$0xA00]  }
0x97: {  	v0 =	vadd.f32 v3, v0  }
0x98: {  	v3 =	vld [tilespmem:s0+$0xA40]  }
0x99: {  	v0 =	vadd.f32 v1, v0  }
0x9a: {  	v1 =	vld [tilespmem:s0+$0xA80]  }
0x9b: {  	v0 =	vadd.f32 v2, v0  }
0x9c: {  	v2 =	vld [tilespmem:s0+$0xAC0]  }
0x9d: {  	v0 =	vadd.f32 v3, v0  }
0x9e: {  	v3 =	vld [tilespmem:s0+$0xB00]  }
0x9f: {  	v0 =	vadd.f32 v1, v0  }
0xa0: {  	v1 =	vld [tilespmem:s0+$0xB40]  }
0xa1: {  	v0 =	vadd.f32 v2, v0  }
0xa2: {  	v2 =	vld [tilespmem:s0+$0xB80]  }
0xa3: {  	v0 =	vadd.f32 v3, v0  }
0xa4: {  	v3 =	vld [tilespmem:s0+$0xBC0]  }
0xa5: {  	v0 =	vadd.f32 v1, v0  }
0xa6: {  	v1 =	vld [tilespmem:s0+$0xC00]  }
0xa7: {  	v0 =	vadd.f32 v2, v0  }
0xa8: {  	v2 =	vld [tilespmem:s0+$0xC40]  }
0xa9: {  	v0 =	vadd.f32 v3, v0  }
0xaa: {  	v3 =	vld [tilespmem:s0+$0xC80]  }
0xab: {  	v0 =	vadd.f32 v1, v0  }
0xac: {  	v1 =	vld [tilespmem:s0+$0xCC0]  }
0xad: {  	v0 =	vadd.f32 v2, v0  }
0xae: {  	v2 =	vld [tilespmem:s0+$0xD00]  }
0xaf: {  	v0 =	vadd.f32 v3, v0  }
0xb0: {  	v3 =	vld [tilespmem:s0+$0xD40]  }
0xb1: {  	v0 =	vadd.f32 v1, v0  }
0xb2: {  	v1 =	vld [tilespmem:s0+$0xD80]  }
0xb3: {  	v0 =	vadd.f32 v2, v0  }
0xb4: {  	v2 =	vld [tilespmem:s0+$0xDC0]  }
0xb5: {  	v0 =	vadd.f32 v3, v0  }
0xb6: {  	v3 =	vld [tilespmem:s0+$0xE00]  }
0xb7: {  	v0 =	vadd.f32 v1, v0  }
0xb8: {  	v1 =	vld [tilespmem:s0+$0xE40]  }
0xb9: {  	v0 =	vadd.f32 v2, v0  }
0xba: {  	v2 =	vld [tilespmem:s0+$0xE80]  }
0xbb: {  	v0 =	vadd.f32 v3, v0  }
0xbc: {  	v3 =	vld [tilespmem:s0+$0xEC0]  }
0xbd: {  	v0 =	vadd.f32 v1, v0  }
0xbe: {  	v1 =	vld [tilespmem:s0+$0xF00]  }
0xbf: {  	v0 =	vadd.f32 v2, v0  }
0xc0: {  	v2 =	vld [tilespmem:s0+$0xF40]  }
0xc1: {  	v0 =	vadd.f32 v3, v0  }
0xc2: {  	v3 =	vld [tilespmem:s0+$0xF80]  }
0xc3: {  	v0 =	vadd.f32 v1, v0  }
0xc4: {  	v1 =	vld [tilespmem:s0+$0xFC0]  }
0xc5: {  	v0 =	vadd.f32 v2, v0  }
0xc6: {  	v2 =	vld [tilespmem:s0+$0x1000]  }
0xc7: {  	v0 =	vadd.f32 v3, v0  }
0xc8: {  	v3 =	vld [tilespmem:s0+$0x1040]  }
0xc9: {  	v0 =	vadd.f32 v1, v0  }
0xca: {  	v1 =	vld [tilespmem:s0+$0x1080]  }
0xcb: {  	v0 =	vadd.f32 v2, v0  }
0xcc: {  	v2 =	vld [tilespmem:s0+$0x10C0]  }
0xcd: {  	v0 =	vadd.f32 v3, v0  }
0xce: {  	v3 =	vld [tilespmem:s0+$0x1100]  }
0xcf: {  	v0 =	vadd.f32 v1, v0  }
0xd0: {  	v1 =	vld [tilespmem:s0+$0x1140]  }
0xd1: {  	v0 =	vadd.f32 v2, v0  }
0xd2: {  	v2 =	vld [tilespmem:s0+$0x1180]  }
0xd3: {  	v0 =	vadd.f32 v3, v0  }
0xd4: {  	v3 =	vld [tilespmem:s0+$0x11C0]  }
0xd5: {  	v0 =	vadd.f32 v1, v0  }
0xd6: {  	v1 =	vld [tilespmem:s0+$0x1200]  }
0xd7: {  	v0 =	vadd.f32 v2, v0  }
0xd8: {  	v2 =	vld [tilespmem:s0+$0x1240]  }
0xd9: {  	v0 =	vadd.f32 v3, v0  }
0xda: {  	v3 =	vld [tilespmem:s0+$0x1280]  }
0xdb: {  	v0 =	vadd.f32 v1, v0  }
0xdc: {  	v1 =	vld [tilespmem:s0+$0x12C0]  }
0xdd: {  	v0 =	vadd.f32 v2, v0;
	_ =	sdelay $0x1  }
0xde: {  	v0 =	vadd.f32 v3, v0;
	_ =	sdelay $0x1  }
0xdf: {  	s21 =	simm.s32 $0x0;
	v0 =	vadd.f32 v1, v0  }
0xe0: {  	s31 =	sand.u32 $0x3FFFFFC0, s21  }
0xe1: {  	[tilespmem:s31+$0x19680] =	vst v0  }
0xe2: {  	v0 =	vld [tilespmem:s0+$0x690]  }
0xe3: {  	v1 =	vld [tilespmem:s0+$0x6D0];
	_ =	sdelay $0x1  }
0xe4: {  	v2 =	vld [tilespmem:s0+$0x710];
	_ =	sdelay $0x1  }
0xe5: {  	v3 =	vld [tilespmem:s0+$0x750]  }
0xe6: {  	v0 =	vadd.f32 v1, v0  }
0xe7: {  	v1 =	vld [tilespmem:s0+$0x790]  }
0xe8: {  	v0 =	vadd.f32 v2, v0  }
0xe9: {  	v2 =	vld [tilespmem:s0+$0x7D0]  }
0xea: {  	v0 =	vadd.f32 v3, v0  }
0xeb: {  	v3 =	vld [tilespmem:s0+$0x810]  }
0xec: {  	v0 =	vadd.f32 v1, v0  }
0xed: {  	v1 =	vld [tilespmem:s0+$0x850]  }
0xee: {  	v0 =	vadd.f32 v2, v0  }
0xef: {  	v2 =	vld [tilespmem:s0+$0x890]  }
0xf0: {  	v0 =	vadd.f32 v3, v0  }
0xf1: {  	v3 =	vld [tilespmem:s0+$0x8D0]  }
0xf2: {  	v0 =	vadd.f32 v1, v0  }
0xf3: {  	v1 =	vld [tilespmem:s0+$0x910]  }
0xf4: {  	v0 =	vadd.f32 v2, v0  }
0xf5: {  	v2 =	vld [tilespmem:s0+$0x950]  }
0xf6: {  	v0 =	vadd.f32 v3, v0  }
0xf7: {  	v3 =	vld [tilespmem:s0+$0x990]  }
0xf8: {  	v0 =	vadd.f32 v1, v0  }
0xf9: {  	v1 =	vld [tilespmem:s0+$0x9D0]  }
0xfa: {  	v0 =	vadd.f32 v2, v0  }
0xfb: {  	v2 =	vld [tilespmem:s0+$0xA10]  }
0xfc: {  	v0 =	vadd.f32 v3, v0  }
0xfd: {  	v3 =	vld [tilespmem:s0+$0xA50]  }
0xfe: {  	v0 =	vadd.f32 v1, v0  }
0xff: {  	v1 =	vld [tilespmem:s0+$0xA90]  }
0x100: {  	v0 =	vadd.f32 v2, v0  }
0x101: {  	v2 =	vld [tilespmem:s0+$0xAD0]  }
0x102: {  	v0 =	vadd.f32 v3, v0  }
0x103: {  	v3 =	vld [tilespmem:s0+$0xB10]  }
0x104: {  	v0 =	vadd.f32 v1, v0  }
0x105: {  	v1 =	vld [tilespmem:s0+$0xB50]  }
0x106: {  	v0 =	vadd.f32 v2, v0  }
0x107: {  	v2 =	vld [tilespmem:s0+$0xB90]  }
0x108: {  	v0 =	vadd.f32 v3, v0  }
0x109: {  	v3 =	vld [tilespmem:s0+$0xBD0]  }
0x10a: {  	v0 =	vadd.f32 v1, v0  }
0x10b: {  	v1 =	vld [tilespmem:s0+$0xC10]  }
0x10c: {  	v0 =	vadd.f32 v2, v0  }
0x10d: {  	v2 =	vld [tilespmem:s0+$0xC50]  }
0x10e: {  	v0 =	vadd.f32 v3, v0  }
0x10f: {  	v3 =	vld [tilespmem:s0+$0xC90]  }
0x110: {  	v0 =	vadd.f32 v1, v0  }
0x111: {  	v1 =	vld [tilespmem:s0+$0xCD0]  }
0x112: {  	v0 =	vadd.f32 v2, v0  }
0x113: {  	v2 =	vld [tilespmem:s0+$0xD10]  }
0x114: {  	v0 =	vadd.f32 v3, v0  }
0x115: {  	v3 =	vld [tilespmem:s0+$0xD50]  }
0x116: {  	v0 =	vadd.f32 v1, v0  }
0x117: {  	v1 =	vld [tilespmem:s0+$0xD90]  }
0x118: {  	v0 =	vadd.f32 v2, v0  }
0x119: {  	v2 =	vld [tilespmem:s0+$0xDD0]  }
0x11a: {  	v0 =	vadd.f32 v3, v0  }
0x11b: {  	v3 =	vld [tilespmem:s0+$0xE10]  }
0x11c: {  	v0 =	vadd.f32 v1, v0  }
0x11d: {  	v1 =	vld [tilespmem:s0+$0xE50]  }
0x11e: {  	v0 =	vadd.f32 v2, v0  }
0x11f: {  	v2 =	vld [tilespmem:s0+$0xE90]  }
0x120: {  	v0 =	vadd.f32 v3, v0  }
0x121: {  	v3 =	vld [tilespmem:s0+$0xED0]  }
0x122: {  	v0 =	vadd.f32 v1, v0  }
0x123: {  	v1 =	vld [tilespmem:s0+$0xF10]  }
0x124: {  	v0 =	vadd.f32 v2, v0  }
0x125: {  	v2 =	vld [tilespmem:s0+$0xF50]  }
0x126: {  	v0 =	vadd.f32 v3, v0  }
0x127: {  	v3 =	vld [tilespmem:s0+$0xF90]  }
0x128: {  	v0 =	vadd.f32 v1, v0  }
0x129: {  	v1 =	vld [tilespmem:s0+$0xFD0]  }
0x12a: {  	v0 =	vadd.f32 v2, v0  }
0x12b: {  	v2 =	vld [tilespmem:s0+$0x1010]  }
0x12c: {  	v0 =	vadd.f32 v3, v0  }
0x12d: {  	v3 =	vld [tilespmem:s0+$0x1050]  }
0x12e: {  	v0 =	vadd.f32 v1, v0  }
0x12f: {  	v1 =	vld [tilespmem:s0+$0x1090]  }
0x130: {  	v0 =	vadd.f32 v2, v0  }
0x131: {  	v2 =	vld [tilespmem:s0+$0x10D0]  }
0x132: {  	v0 =	vadd.f32 v3, v0  }
0x133: {  	v3 =	vld [tilespmem:s0+$0x1110]  }
0x134: {  	v0 =	vadd.f32 v1, v0  }
0x135: {  	v1 =	vld [tilespmem:s0+$0x1150]  }
0x136: {  	v0 =	vadd.f32 v2, v0  }
0x137: {  	v2 =	vld [tilespmem:s0+$0x1190]  }
0x138: {  	v0 =	vadd.f32 v3, v0  }
0x139: {  	v3 =	vld [tilespmem:s0+$0x11D0]  }
0x13a: {  	v0 =	vadd.f32 v1, v0  }
0x13b: {  	v1 =	vld [tilespmem:s0+$0x1210]  }
0x13c: {  	v0 =	vadd.f32 v2, v0  }
0x13d: {  	v2 =	vld [tilespmem:s0+$0x1250]  }
0x13e: {  	v0 =	vadd.f32 v3, v0  }
0x13f: {  	v3 =	vld [tilespmem:s0+$0x1290]  }
0x140: {  	v0 =	vadd.f32 v1, v0  }
0x141: {  	v1 =	vld [tilespmem:s0+$0x12D0]  }
0x142: {  	v0 =	vadd.f32 v2, v0;
	_ =	sdelay $0x1  }
0x143: {  	v0 =	vadd.f32 v3, v0;
	_ =	sdelay $0x1  }
0x144: {  	v0 =	vadd.f32 v1, v0;
	_ =	sdelay $0x1  }
0x145: {  	[tilespmem:s31+$0x19690] =	vst v0  }
0x146: {  	v0 =	vld [tilespmem:s0+$0x6A0]  }
0x147: {  	v1 =	vld [tilespmem:s0+$0x6E0];
	_ =	sdelay $0x1  }
0x148: {  	v2 =	vld [tilespmem:s0+$0x720];
	_ =	sdelay $0x1  }
0x149: {  	v3 =	vld [tilespmem:s0+$0x760]  }
0x14a: {  	v0 =	vadd.f32 v1, v0  }
0x14b: {  	v1 =	vld [tilespmem:s0+$0x7A0]  }
0x14c: {  	v0 =	vadd.f32 v2, v0  }
0x14d: {  	v2 =	vld [tilespmem:s0+$0x7E0]  }
0x14e: {  	v0 =	vadd.f32 v3, v0  }
0x14f: {  	v3 =	vld [tilespmem:s0+$0x820]  }
0x150: {  	v0 =	vadd.f32 v1, v0  }
0x151: {  	v1 =	vld [tilespmem:s0+$0x860]  }
0x152: {  	v0 =	vadd.f32 v2, v0  }
0x153: {  	v2 =	vld [tilespmem:s0+$0x8A0]  }
0x154: {  	v0 =	vadd.f32 v3, v0  }
0x155: {  	v3 =	vld [tilespmem:s0+$0x8E0]  }
0x156: {  	v0 =	vadd.f32 v1, v0  }
0x157: {  	v1 =	vld [tilespmem:s0+$0x920]  }
0x158: {  	v0 =	vadd.f32 v2, v0  }
0x159: {  	v2 =	vld [tilespmem:s0+$0x960]  }
0x15a: {  	v0 =	vadd.f32 v3, v0  }
0x15b: {  	v3 =	vld [tilespmem:s0+$0x9A0]  }
0x15c: {  	v0 =	vadd.f32 v1, v0  }
0x15d: {  	v1 =	vld [tilespmem:s0+$0x9E0]  }
0x15e: {  	v0 =	vadd.f32 v2, v0  }
0x15f: {  	v2 =	vld [tilespmem:s0+$0xA20]  }
0x160: {  	v0 =	vadd.f32 v3, v0  }
0x161: {  	v3 =	vld [tilespmem:s0+$0xA60]  }
0x162: {  	v0 =	vadd.f32 v1, v0  }
0x163: {  	v1 =	vld [tilespmem:s0+$0xAA0]  }
0x164: {  	v0 =	vadd.f32 v2, v0  }
0x165: {  	v2 =	vld [tilespmem:s0+$0xAE0]  }
0x166: {  	v0 =	vadd.f32 v3, v0  }
0x167: {  	v3 =	vld [tilespmem:s0+$0xB20]  }
0x168: {  	v0 =	vadd.f32 v1, v0  }
0x169: {  	v1 =	vld [tilespmem:s0+$0xB60]  }
0x16a: {  	v0 =	vadd.f32 v2, v0  }
0x16b: {  	v2 =	vld [tilespmem:s0+$0xBA0]  }
0x16c: {  	v0 =	vadd.f32 v3, v0  }
0x16d: {  	v3 =	vld [tilespmem:s0+$0xBE0]  }
0x16e: {  	v0 =	vadd.f32 v1, v0  }
0x16f: {  	v1 =	vld [tilespmem:s0+$0xC20]  }
0x170: {  	v0 =	vadd.f32 v2, v0  }
0x171: {  	v2 =	vld [tilespmem:s0+$0xC60]  }
0x172: {  	v0 =	vadd.f32 v3, v0  }
0x173: {  	v3 =	vld [tilespmem:s0+$0xCA0]  }
0x174: {  	v0 =	vadd.f32 v1, v0  }
0x175: {  	v1 =	vld [tilespmem:s0+$0xCE0]  }
0x176: {  	v0 =	vadd.f32 v2, v0  }
0x177: {  	v2 =	vld [tilespmem:s0+$0xD20]  }
0x178: {  	v0 =	vadd.f32 v3, v0  }
0x179: {  	v3 =	vld [tilespmem:s0+$0xD60]  }
0x17a: {  	v0 =	vadd.f32 v1, v0  }
0x17b: {  	v1 =	vld [tilespmem:s0+$0xDA0]  }
0x17c: {  	v0 =	vadd.f32 v2, v0  }
0x17d: {  	v2 =	vld [tilespmem:s0+$0xDE0]  }
0x17e: {  	v0 =	vadd.f32 v3, v0  }
0x17f: {  	v3 =	vld [tilespmem:s0+$0xE20]  }
0x180: {  	v0 =	vadd.f32 v1, v0  }
0x181: {  	v1 =	vld [tilespmem:s0+$0xE60]  }
0x182: {  	v0 =	vadd.f32 v2, v0  }
0x183: {  	v2 =	vld [tilespmem:s0+$0xEA0]  }
0x184: {  	v0 =	vadd.f32 v3, v0  }
0x185: {  	v3 =	vld [tilespmem:s0+$0xEE0]  }
0x186: {  	v0 =	vadd.f32 v1, v0  }
0x187: {  	v1 =	vld [tilespmem:s0+$0xF20]  }
0x188: {  	v0 =	vadd.f32 v2, v0  }
0x189: {  	v2 =	vld [tilespmem:s0+$0xF60]  }
0x18a: {  	v0 =	vadd.f32 v3, v0  }
0x18b: {  	v3 =	vld [tilespmem:s0+$0xFA0]  }
0x18c: {  	v0 =	vadd.f32 v1, v0  }
0x18d: {  	v1 =	vld [tilespmem:s0+$0xFE0]  }
0x18e: {  	v0 =	vadd.f32 v2, v0  }
0x18f: {  	v2 =	vld [tilespmem:s0+$0x1020]  }
0x190: {  	v0 =	vadd.f32 v3, v0  }
0x191: {  	v3 =	vld [tilespmem:s0+$0x1060]  }
0x192: {  	v0 =	vadd.f32 v1, v0  }
0x193: {  	v1 =	vld [tilespmem:s0+$0x10A0]  }
0x194: {  	v0 =	vadd.f32 v2, v0  }
0x195: {  	v2 =	vld [tilespmem:s0+$0x10E0]  }
0x196: {  	v0 =	vadd.f32 v3, v0  }
0x197: {  	v3 =	vld [tilespmem:s0+$0x1120]  }
0x198: {  	v0 =	vadd.f32 v1, v0  }
0x199: {  	v1 =	vld [tilespmem:s0+$0x1160]  }
0x19a: {  	v0 =	vadd.f32 v2, v0  }
0x19b: {  	v2 =	vld [tilespmem:s0+$0x11A0]  }
0x19c: {  	v0 =	vadd.f32 v3, v0  }
0x19d: {  	v3 =	vld [tilespmem:s0+$0x11E0]  }
0x19e: {  	v0 =	vadd.f32 v1, v0  }
0x19f: {  	v1 =	vld [tilespmem:s0+$0x1220]  }
0x1a0: {  	v0 =	vadd.f32 v2, v0  }
0x1a1: {  	v2 =	vld [tilespmem:s0+$0x1260]  }
0x1a2: {  	v0 =	vadd.f32 v3, v0  }
0x1a3: {  	v3 =	vld [tilespmem:s0+$0x12A0]  }
0x1a4: {  	v0 =	vadd.f32 v1, v0  }
0x1a5: {  	v1 =	vld [tilespmem:s0+$0x12E0]  }
0x1a6: {  	v0 =	vadd.f32 v2, v0;
	_ =	sdelay $0x1  }
0x1a7: {  	v0 =	vadd.f32 v3, v0;
	_ =	sdelay $0x1  }
0x1a8: {  	v0 =	vadd.f32 v1, v0;
	_ =	sdelay $0x1  }
0x1a9: {  	[tilespmem:s31+$0x196A0] =	vst v0  }
0x1aa: {  	v0 =	vld [tilespmem:s0+$0x6B0]  }
0x1ab: {  	v1 =	vld [tilespmem:s0+$0x6F0];
	_ =	sdelay $0x1  }
0x1ac: {  	v2 =	vld [tilespmem:s0+$0x730];
	_ =	sdelay $0x1  }
0x1ad: {  	v3 =	vld [tilespmem:s0+$0x770]  }
0x1ae: {  	v0 =	vadd.f32 v1, v0  }
0x1af: {  	v1 =	vld [tilespmem:s0+$0x7B0]  }
0x1b0: {  	v0 =	vadd.f32 v2, v0  }
0x1b1: {  	v2 =	vld [tilespmem:s0+$0x7F0]  }
0x1b2: {  	v0 =	vadd.f32 v3, v0  }
0x1b3: {  	v3 =	vld [tilespmem:s0+$0x830]  }
0x1b4: {  	v0 =	vadd.f32 v1, v0  }
0x1b5: {  	v1 =	vld [tilespmem:s0+$0x870]  }
0x1b6: {  	v0 =	vadd.f32 v2, v0  }
0x1b7: {  	v2 =	vld [tilespmem:s0+$0x8B0]  }
0x1b8: {  	v0 =	vadd.f32 v3, v0  }
0x1b9: {  	v3 =	vld [tilespmem:s0+$0x8F0]  }
0x1ba: {  	v0 =	vadd.f32 v1, v0  }
0x1bb: {  	v1 =	vld [tilespmem:s0+$0x930]  }
0x1bc: {  	v0 =	vadd.f32 v2, v0  }
0x1bd: {  	v2 =	vld [tilespmem:s0+$0x970]  }
0x1be: {  	v0 =	vadd.f32 v3, v0  }
0x1bf: {  	v3 =	vld [tilespmem:s0+$0x9B0]  }
0x1c0: {  	v0 =	vadd.f32 v1, v0  }
0x1c1: {  	v1 =	vld [tilespmem:s0+$0x9F0]  }
0x1c2: {  	v0 =	vadd.f32 v2, v0  }
0x1c3: {  	v2 =	vld [tilespmem:s0+$0xA30]  }
0x1c4: {  	v0 =	vadd.f32 v3, v0  }
0x1c5: {  	v3 =	vld [tilespmem:s0+$0xA70]  }
0x1c6: {  	v0 =	vadd.f32 v1, v0  }
0x1c7: {  	v1 =	vld [tilespmem:s0+$0xAB0]  }
0x1c8: {  	v0 =	vadd.f32 v2, v0  }
0x1c9: {  	v2 =	vld [tilespmem:s0+$0xAF0]  }
0x1ca: {  	v0 =	vadd.f32 v3, v0  }
0x1cb: {  	v3 =	vld [tilespmem:s0+$0xB30]  }
0x1cc: {  	v0 =	vadd.f32 v1, v0  }
0x1cd: {  	v1 =	vld [tilespmem:s0+$0xB70]  }
0x1ce: {  	v0 =	vadd.f32 v2, v0  }
0x1cf: {  	v2 =	vld [tilespmem:s0+$0xBB0]  }
0x1d0: {  	v0 =	vadd.f32 v3, v0  }
0x1d1: {  	v3 =	vld [tilespmem:s0+$0xBF0]  }
0x1d2: {  	v0 =	vadd.f32 v1, v0  }
0x1d3: {  	v1 =	vld [tilespmem:s0+$0xC30]  }
0x1d4: {  	v0 =	vadd.f32 v2, v0  }
0x1d5: {  	v2 =	vld [tilespmem:s0+$0xC70]  }
0x1d6: {  	v0 =	vadd.f32 v3, v0  }
0x1d7: {  	v3 =	vld [tilespmem:s0+$0xCB0]  }
0x1d8: {  	v0 =	vadd.f32 v1, v0  }
0x1d9: {  	v1 =	vld [tilespmem:s0+$0xCF0]  }
0x1da: {  	v0 =	vadd.f32 v2, v0  }
0x1db: {  	v2 =	vld [tilespmem:s0+$0xD30]  }
0x1dc: {  	v0 =	vadd.f32 v3, v0  }
0x1dd: {  	v3 =	vld [tilespmem:s0+$0xD70]  }
0x1de: {  	v0 =	vadd.f32 v1, v0  }
0x1df: {  	v1 =	vld [tilespmem:s0+$0xDB0]  }
0x1e0: {  	v0 =	vadd.f32 v2, v0  }
0x1e1: {  	v2 =	vld [tilespmem:s0+$0xDF0]  }
0x1e2: {  	v0 =	vadd.f32 v3, v0  }
0x1e3: {  	v3 =	vld [tilespmem:s0+$0xE30]  }
0x1e4: {  	v0 =	vadd.f32 v1, v0  }
0x1e5: {  	v1 =	vld [tilespmem:s0+$0xE70]  }
0x1e6: {  	v0 =	vadd.f32 v2, v0  }
0x1e7: {  	v2 =	vld [tilespmem:s0+$0xEB0]  }
0x1e8: {  	v0 =	vadd.f32 v3, v0  }
0x1e9: {  	v3 =	vld [tilespmem:s0+$0xEF0]  }
0x1ea: {  	v0 =	vadd.f32 v1, v0  }
0x1eb: {  	v1 =	vld [tilespmem:s0+$0xF30]  }
0x1ec: {  	v0 =	vadd.f32 v2, v0  }
0x1ed: {  	v2 =	vld [tilespmem:s0+$0xF70]  }
0x1ee: {  	v0 =	vadd.f32 v3, v0  }
0x1ef: {  	v3 =	vld [tilespmem:s0+$0xFB0]  }
0x1f0: {  	v0 =	vadd.f32 v1, v0  }
0x1f1: {  	v1 =	vld [tilespmem:s0+$0xFF0]  }
0x1f2: {  	v0 =	vadd.f32 v2, v0  }
0x1f3: {  	v2 =	vld [tilespmem:s0+$0x1030]  }
0x1f4: {  	v0 =	vadd.f32 v3, v0  }
0x1f5: {  	v3 =	vld [tilespmem:s0+$0x1070]  }
0x1f6: {  	v0 =	vadd.f32 v1, v0  }
0x1f7: {  	v1 =	vld [tilespmem:s0+$0x10B0]  }
0x1f8: {  	v0 =	vadd.f32 v2, v0  }
0x1f9: {  	v2 =	vld [tilespmem:s0+$0x10F0]  }
0x1fa: {  	v0 =	vadd.f32 v3, v0  }
0x1fb: {  	v3 =	vld [tilespmem:s0+$0x1130]  }
0x1fc: {  	v0 =	vadd.f32 v1, v0  }
0x1fd: {  	v1 =	vld [tilespmem:s0+$0x1170]  }
0x1fe: {  	v0 =	vadd.f32 v2, v0  }
0x1ff: {  	v2 =	vld [tilespmem:s0+$0x11B0]  }
0x200: {  	v0 =	vadd.f32 v3, v0  }
0x201: {  	v3 =	vld [tilespmem:s0+$0x11F0]  }
0x202: {  	v0 =	vadd.f32 v1, v0  }
0x203: {  	v1 =	vld [tilespmem:s0+$0x1230]  }
0x204: {  	v0 =	vadd.f32 v2, v0;
	_ =	sdelay $0x1  }
0x205: {  	v2 =	vld [tilespmem:s0+$0x1270];
	v0 =	vadd.f32 v3, v0;
	_ =	sdelay $0x1  }
0x206: {  	v3 =	vadd.f32 v1, v0;
	v1 =	vld [tilespmem:s0+$0x12B0];
	_ =	sdelay $0x1  }
0x207: {  	v0 =	vld [tilespmem:s0+$0x12F0]  }
0x208: {  	s0 =	simm.s32 $0x1;
	v2 =	vadd.f32 v2, v3  }
.LBB2_3:
0x209: {  	p0 =	sne.s32 s0, $0xF;
	s21 =	smov.u32 s0;
	s0 =	sadd.s32 $0x1, s0  }
0x20a: {  	v1 =	vadd.f32 v1, v2  }
0x20b: {  	s1 =	smul.u32 $0x3200, s21  }
0x20c: {  	v0 =	vadd.f32 v0, v1  }
0x20d: {  	s1 =	sshra.s32 s1, $0x2  }
0x20e: {  	[tilespmem:s31+$0x196B0] =	vst v0  }
0x20f: {  	v0 =	vld [tilespmem:s1+$0x680]  }
0x210: {  	v1 =	vld [tilespmem:s1+$0x6C0];
	_ =	sdelay $0x1  }
0x211: {  	v2 =	vld [tilespmem:s1+$0x700];
	_ =	sdelay $0x1  }
0x212: {  	v3 =	vld [tilespmem:s1+$0x740]  }
0x213: {  	v0 =	vadd.f32 v1, v0  }
0x214: {  	v1 =	vld [tilespmem:s1+$0x780]  }
0x215: {  	v0 =	vadd.f32 v2, v0  }
0x216: {  	v2 =	vld [tilespmem:s1+$0x7C0]  }
0x217: {  	v0 =	vadd.f32 v3, v0  }
0x218: {  	v3 =	vld [tilespmem:s1+$0x800]  }
0x219: {  	v0 =	vadd.f32 v1, v0  }
0x21a: {  	v1 =	vld [tilespmem:s1+$0x840]  }
0x21b: {  	v0 =	vadd.f32 v2, v0  }
0x21c: {  	v2 =	vld [tilespmem:s1+$0x880]  }
0x21d: {  	v0 =	vadd.f32 v3, v0  }
0x21e: {  	v3 =	vld [tilespmem:s1+$0x8C0]  }
0x21f: {  	v0 =	vadd.f32 v1, v0  }
0x220: {  	v1 =	vld [tilespmem:s1+$0x900]  }
0x221: {  	v0 =	vadd.f32 v2, v0  }
0x222: {  	v2 =	vld [tilespmem:s1+$0x940]  }
0x223: {  	v0 =	vadd.f32 v3, v0  }
0x224: {  	v3 =	vld [tilespmem:s1+$0x980]  }
0x225: {  	v0 =	vadd.f32 v1, v0  }
0x226: {  	v1 =	vld [tilespmem:s1+$0x9C0]  }
0x227: {  	v0 =	vadd.f32 v2, v0  }
0x228: {  	v2 =	vld [tilespmem:s1+$0xA00]  }
0x229: {  	v0 =	vadd.f32 v3, v0  }
0x22a: {  	v3 =	vld [tilespmem:s1+$0xA40]  }
0x22b: {  	v0 =	vadd.f32 v1, v0  }
0x22c: {  	v1 =	vld [tilespmem:s1+$0xA80]  }
0x22d: {  	v0 =	vadd.f32 v2, v0  }
0x22e: {  	v2 =	vld [tilespmem:s1+$0xAC0]  }
0x22f: {  	v0 =	vadd.f32 v3, v0  }
0x230: {  	v3 =	vld [tilespmem:s1+$0xB00]  }
0x231: {  	v0 =	vadd.f32 v1, v0  }
0x232: {  	v1 =	vld [tilespmem:s1+$0xB40]  }
0x233: {  	v0 =	vadd.f32 v2, v0  }
0x234: {  	v2 =	vld [tilespmem:s1+$0xB80]  }
0x235: {  	v0 =	vadd.f32 v3, v0  }
0x236: {  	v3 =	vld [tilespmem:s1+$0xBC0]  }
0x237: {  	v0 =	vadd.f32 v1, v0  }
0x238: {  	v1 =	vld [tilespmem:s1+$0xC00]  }
0x239: {  	v0 =	vadd.f32 v2, v0  }
0x23a: {  	v2 =	vld [tilespmem:s1+$0xC40]  }
0x23b: {  	v0 =	vadd.f32 v3, v0  }
0x23c: {  	v3 =	vld [tilespmem:s1+$0xC80]  }
0x23d: {  	v0 =	vadd.f32 v1, v0  }
0x23e: {  	v1 =	vld [tilespmem:s1+$0xCC0]  }
0x23f: {  	v0 =	vadd.f32 v2, v0  }
0x240: {  	v2 =	vld [tilespmem:s1+$0xD00]  }
0x241: {  	v0 =	vadd.f32 v3, v0  }
0x242: {  	v3 =	vld [tilespmem:s1+$0xD40]  }
0x243: {  	v0 =	vadd.f32 v1, v0  }
0x244: {  	v1 =	vld [tilespmem:s1+$0xD80]  }
0x245: {  	v0 =	vadd.f32 v2, v0  }
0x246: {  	v2 =	vld [tilespmem:s1+$0xDC0]  }
0x247: {  	v0 =	vadd.f32 v3, v0  }
0x248: {  	v3 =	vld [tilespmem:s1+$0xE00]  }
0x249: {  	v0 =	vadd.f32 v1, v0  }
0x24a: {  	v1 =	vld [tilespmem:s1+$0xE40]  }
0x24b: {  	v0 =	vadd.f32 v2, v0  }
0x24c: {  	v2 =	vld [tilespmem:s1+$0xE80]  }
0x24d: {  	v0 =	vadd.f32 v3, v0  }
0x24e: {  	v3 =	vld [tilespmem:s1+$0xEC0]  }
0x24f: {  	v0 =	vadd.f32 v1, v0  }
0x250: {  	v1 =	vld [tilespmem:s1+$0xF00]  }
0x251: {  	v0 =	vadd.f32 v2, v0  }
0x252: {  	v2 =	vld [tilespmem:s1+$0xF40]  }
0x253: {  	v0 =	vadd.f32 v3, v0  }
0x254: {  	v3 =	vld [tilespmem:s1+$0xF80]  }
0x255: {  	v0 =	vadd.f32 v1, v0  }
0x256: {  	v1 =	vld [tilespmem:s1+$0xFC0]  }
0x257: {  	v0 =	vadd.f32 v2, v0  }
0x258: {  	v2 =	vld [tilespmem:s1+$0x1000]  }
0x259: {  	v0 =	vadd.f32 v3, v0  }
0x25a: {  	v3 =	vld [tilespmem:s1+$0x1040]  }
0x25b: {  	v0 =	vadd.f32 v1, v0  }
0x25c: {  	v1 =	vld [tilespmem:s1+$0x1080]  }
0x25d: {  	v0 =	vadd.f32 v2, v0  }
0x25e: {  	v2 =	vld [tilespmem:s1+$0x10C0]  }
0x25f: {  	v0 =	vadd.f32 v3, v0  }
0x260: {  	v3 =	vld [tilespmem:s1+$0x1100]  }
0x261: {  	v0 =	vadd.f32 v1, v0  }
0x262: {  	v1 =	vld [tilespmem:s1+$0x1140]  }
0x263: {  	v0 =	vadd.f32 v2, v0  }
0x264: {  	v2 =	vld [tilespmem:s1+$0x1180]  }
0x265: {  	v0 =	vadd.f32 v3, v0  }
0x266: {  	v3 =	vld [tilespmem:s1+$0x11C0]  }
0x267: {  	v0 =	vadd.f32 v1, v0  }
0x268: {  	v1 =	vld [tilespmem:s1+$0x1200]  }
0x269: {  	v0 =	vadd.f32 v2, v0  }
0x26a: {  	v2 =	vld [tilespmem:s1+$0x1240]  }
0x26b: {  	v0 =	vadd.f32 v3, v0  }
0x26c: {  	v3 =	vld [tilespmem:s1+$0x1280]  }
0x26d: {  	v0 =	vadd.f32 v1, v0  }
0x26e: {  	v1 =	vld [tilespmem:s1+$0x12C0]  }
0x26f: {  	v0 =	vadd.f32 v2, v0;
	_ =	sdelay $0x1  }
0x270: {  	v0 =	vadd.f32 v3, v0;
	_ =	sdelay $0x1  }
0x271: {  	s21 =	sshll.u32 s21, $0x6;
	v0 =	vadd.f32 v1, v0  }
0x272: {  	s31 =	sand.u32 $0x3FFFFFC0, s21  }
0x273: {  	[tilespmem:s31+$0x19680] =	vst v0  }
0x274: {  	v0 =	vld [tilespmem:s1+$0x690]  }
0x275: {  	v1 =	vld [tilespmem:s1+$0x6D0];
	_ =	sdelay $0x1  }
0x276: {  	v2 =	vld [tilespmem:s1+$0x710];
	_ =	sdelay $0x1  }
0x277: {  	v3 =	vld [tilespmem:s1+$0x750]  }
0x278: {  	v0 =	vadd.f32 v1, v0  }
0x279: {  	v1 =	vld [tilespmem:s1+$0x790]  }
0x27a: {  	v0 =	vadd.f32 v2, v0  }
0x27b: {  	v2 =	vld [tilespmem:s1+$0x7D0]  }
0x27c: {  	v0 =	vadd.f32 v3, v0  }
0x27d: {  	v3 =	vld [tilespmem:s1+$0x810]  }
0x27e: {  	v0 =	vadd.f32 v1, v0  }
0x27f: {  	v1 =	vld [tilespmem:s1+$0x850]  }
0x280: {  	v0 =	vadd.f32 v2, v0  }
0x281: {  	v2 =	vld [tilespmem:s1+$0x890]  }
0x282: {  	v0 =	vadd.f32 v3, v0  }
0x283: {  	v3 =	vld [tilespmem:s1+$0x8D0]  }
0x284: {  	v0 =	vadd.f32 v1, v0  }
0x285: {  	v1 =	vld [tilespmem:s1+$0x910]  }
0x286: {  	v0 =	vadd.f32 v2, v0  }
0x287: {  	v2 =	vld [tilespmem:s1+$0x950]  }
0x288: {  	v0 =	vadd.f32 v3, v0  }
0x289: {  	v3 =	vld [tilespmem:s1+$0x990]  }
0x28a: {  	v0 =	vadd.f32 v1, v0  }
0x28b: {  	v1 =	vld [tilespmem:s1+$0x9D0]  }
0x28c: {  	v0 =	vadd.f32 v2, v0  }
0x28d: {  	v2 =	vld [tilespmem:s1+$0xA10]  }
0x28e: {  	v0 =	vadd.f32 v3, v0  }
0x28f: {  	v3 =	vld [tilespmem:s1+$0xA50]  }
0x290: {  	v0 =	vadd.f32 v1, v0  }
0x291: {  	v1 =	vld [tilespmem:s1+$0xA90]  }
0x292: {  	v0 =	vadd.f32 v2, v0  }
0x293: {  	v2 =	vld [tilespmem:s1+$0xAD0]  }
0x294: {  	v0 =	vadd.f32 v3, v0  }
0x295: {  	v3 =	vld [tilespmem:s1+$0xB10]  }
0x296: {  	v0 =	vadd.f32 v1, v0  }
0x297: {  	v1 =	vld [tilespmem:s1+$0xB50]  }
0x298: {  	v0 =	vadd.f32 v2, v0  }
0x299: {  	v2 =	vld [tilespmem:s1+$0xB90]  }
0x29a: {  	v0 =	vadd.f32 v3, v0  }
0x29b: {  	v3 =	vld [tilespmem:s1+$0xBD0]  }
0x29c: {  	v0 =	vadd.f32 v1, v0  }
0x29d: {  	v1 =	vld [tilespmem:s1+$0xC10]  }
0x29e: {  	v0 =	vadd.f32 v2, v0  }
0x29f: {  	v2 =	vld [tilespmem:s1+$0xC50]  }
0x2a0: {  	v0 =	vadd.f32 v3, v0  }
0x2a1: {  	v3 =	vld [tilespmem:s1+$0xC90]  }
0x2a2: {  	v0 =	vadd.f32 v1, v0  }
0x2a3: {  	v1 =	vld [tilespmem:s1+$0xCD0]  }
0x2a4: {  	v0 =	vadd.f32 v2, v0  }
0x2a5: {  	v2 =	vld [tilespmem:s1+$0xD10]  }
0x2a6: {  	v0 =	vadd.f32 v3, v0  }
0x2a7: {  	v3 =	vld [tilespmem:s1+$0xD50]  }
0x2a8: {  	v0 =	vadd.f32 v1, v0  }
0x2a9: {  	v1 =	vld [tilespmem:s1+$0xD90]  }
0x2aa: {  	v0 =	vadd.f32 v2, v0  }
0x2ab: {  	v2 =	vld [tilespmem:s1+$0xDD0]  }
0x2ac: {  	v0 =	vadd.f32 v3, v0  }
0x2ad: {  	v3 =	vld [tilespmem:s1+$0xE10]  }
0x2ae: {  	v0 =	vadd.f32 v1, v0  }
0x2af: {  	v1 =	vld [tilespmem:s1+$0xE50]  }
0x2b0: {  	v0 =	vadd.f32 v2, v0  }
0x2b1: {  	v2 =	vld [tilespmem:s1+$0xE90]  }
0x2b2: {  	v0 =	vadd.f32 v3, v0  }
0x2b3: {  	v3 =	vld [tilespmem:s1+$0xED0]  }
0x2b4: {  	v0 =	vadd.f32 v1, v0  }
0x2b5: {  	v1 =	vld [tilespmem:s1+$0xF10]  }
0x2b6: {  	v0 =	vadd.f32 v2, v0  }
0x2b7: {  	v2 =	vld [tilespmem:s1+$0xF50]  }
0x2b8: {  	v0 =	vadd.f32 v3, v0  }
0x2b9: {  	v3 =	vld [tilespmem:s1+$0xF90]  }
0x2ba: {  	v0 =	vadd.f32 v1, v0  }
0x2bb: {  	v1 =	vld [tilespmem:s1+$0xFD0]  }
0x2bc: {  	v0 =	vadd.f32 v2, v0  }
0x2bd: {  	v2 =	vld [tilespmem:s1+$0x1010]  }
0x2be: {  	v0 =	vadd.f32 v3, v0  }
0x2bf: {  	v3 =	vld [tilespmem:s1+$0x1050]  }
0x2c0: {  	v0 =	vadd.f32 v1, v0  }
0x2c1: {  	v1 =	vld [tilespmem:s1+$0x1090]  }
0x2c2: {  	v0 =	vadd.f32 v2, v0  }
0x2c3: {  	v2 =	vld [tilespmem:s1+$0x10D0]  }
0x2c4: {  	v0 =	vadd.f32 v3, v0  }
0x2c5: {  	v3 =	vld [tilespmem:s1+$0x1110]  }
0x2c6: {  	v0 =	vadd.f32 v1, v0  }
0x2c7: {  	v1 =	vld [tilespmem:s1+$0x1150]  }
0x2c8: {  	v0 =	vadd.f32 v2, v0  }
0x2c9: {  	v2 =	vld [tilespmem:s1+$0x1190]  }
0x2ca: {  	v0 =	vadd.f32 v3, v0  }
0x2cb: {  	v3 =	vld [tilespmem:s1+$0x11D0]  }
0x2cc: {  	v0 =	vadd.f32 v1, v0  }
0x2cd: {  	v1 =	vld [tilespmem:s1+$0x1210]  }
0x2ce: {  	v0 =	vadd.f32 v2, v0  }
0x2cf: {  	v2 =	vld [tilespmem:s1+$0x1250]  }
0x2d0: {  	v0 =	vadd.f32 v3, v0  }
0x2d1: {  	v3 =	vld [tilespmem:s1+$0x1290]  }
0x2d2: {  	v0 =	vadd.f32 v1, v0  }
0x2d3: {  	v1 =	vld [tilespmem:s1+$0x12D0]  }
0x2d4: {  	v0 =	vadd.f32 v2, v0;
	_ =	sdelay $0x1  }
0x2d5: {  	v0 =	vadd.f32 v3, v0;
	_ =	sdelay $0x1  }
0x2d6: {  	v0 =	vadd.f32 v1, v0;
	_ =	sdelay $0x1  }
0x2d7: {  	[tilespmem:s31+$0x19690] =	vst v0  }
0x2d8: {  	v0 =	vld [tilespmem:s1+$0x6A0]  }
0x2d9: {  	v1 =	vld [tilespmem:s1+$0x6E0];
	_ =	sdelay $0x1  }
0x2da: {  	v2 =	vld [tilespmem:s1+$0x720];
	_ =	sdelay $0x1  }
0x2db: {  	v3 =	vld [tilespmem:s1+$0x760]  }
0x2dc: {  	v0 =	vadd.f32 v1, v0  }
0x2dd: {  	v1 =	vld [tilespmem:s1+$0x7A0]  }
0x2de: {  	v0 =	vadd.f32 v2, v0  }
0x2df: {  	v2 =	vld [tilespmem:s1+$0x7E0]  }
0x2e0: {  	v0 =	vadd.f32 v3, v0  }
0x2e1: {  	v3 =	vld [tilespmem:s1+$0x820]  }
0x2e2: {  	v0 =	vadd.f32 v1, v0  }
0x2e3: {  	v1 =	vld [tilespmem:s1+$0x860]  }
0x2e4: {  	v0 =	vadd.f32 v2, v0  }
0x2e5: {  	v2 =	vld [tilespmem:s1+$0x8A0]  }
0x2e6: {  	v0 =	vadd.f32 v3, v0  }
0x2e7: {  	v3 =	vld [tilespmem:s1+$0x8E0]  }
0x2e8: {  	v0 =	vadd.f32 v1, v0  }
0x2e9: {  	v1 =	vld [tilespmem:s1+$0x920]  }
0x2ea: {  	v0 =	vadd.f32 v2, v0  }
0x2eb: {  	v2 =	vld [tilespmem:s1+$0x960]  }
0x2ec: {  	v0 =	vadd.f32 v3, v0  }
0x2ed: {  	v3 =	vld [tilespmem:s1+$0x9A0]  }
0x2ee: {  	v0 =	vadd.f32 v1, v0  }
0x2ef: {  	v1 =	vld [tilespmem:s1+$0x9E0]  }
0x2f0: {  	v0 =	vadd.f32 v2, v0  }
0x2f1: {  	v2 =	vld [tilespmem:s1+$0xA20]  }
0x2f2: {  	v0 =	vadd.f32 v3, v0  }
0x2f3: {  	v3 =	vld [tilespmem:s1+$0xA60]  }
0x2f4: {  	v0 =	vadd.f32 v1, v0  }
0x2f5: {  	v1 =	vld [tilespmem:s1+$0xAA0]  }
0x2f6: {  	v0 =	vadd.f32 v2, v0  }
0x2f7: {  	v2 =	vld [tilespmem:s1+$0xAE0]  }
0x2f8: {  	v0 =	vadd.f32 v3, v0  }
0x2f9: {  	v3 =	vld [tilespmem:s1+$0xB20]  }
0x2fa: {  	v0 =	vadd.f32 v1, v0  }
0x2fb: {  	v1 =	vld [tilespmem:s1+$0xB60]  }
0x2fc: {  	v0 =	vadd.f32 v2, v0  }
0x2fd: {  	v2 =	vld [tilespmem:s1+$0xBA0]  }
0x2fe: {  	v0 =	vadd.f32 v3, v0  }
0x2ff: {  	v3 =	vld [tilespmem:s1+$0xBE0]  }
0x300: {  	v0 =	vadd.f32 v1, v0  }
0x301: {  	v1 =	vld [tilespmem:s1+$0xC20]  }
0x302: {  	v0 =	vadd.f32 v2, v0  }
0x303: {  	v2 =	vld [tilespmem:s1+$0xC60]  }
0x304: {  	v0 =	vadd.f32 v3, v0  }
0x305: {  	v3 =	vld [tilespmem:s1+$0xCA0]  }
0x306: {  	v0 =	vadd.f32 v1, v0  }
0x307: {  	v1 =	vld [tilespmem:s1+$0xCE0]  }
0x308: {  	v0 =	vadd.f32 v2, v0  }
0x309: {  	v2 =	vld [tilespmem:s1+$0xD20]  }
0x30a: {  	v0 =	vadd.f32 v3, v0  }
0x30b: {  	v3 =	vld [tilespmem:s1+$0xD60]  }
0x30c: {  	v0 =	vadd.f32 v1, v0  }
0x30d: {  	v1 =	vld [tilespmem:s1+$0xDA0]  }
0x30e: {  	v0 =	vadd.f32 v2, v0  }
0x30f: {  	v2 =	vld [tilespmem:s1+$0xDE0]  }
0x310: {  	v0 =	vadd.f32 v3, v0  }
0x311: {  	v3 =	vld [tilespmem:s1+$0xE20]  }
0x312: {  	v0 =	vadd.f32 v1, v0  }
0x313: {  	v1 =	vld [tilespmem:s1+$0xE60]  }
0x314: {  	v0 =	vadd.f32 v2, v0  }
0x315: {  	v2 =	vld [tilespmem:s1+$0xEA0]  }
0x316: {  	v0 =	vadd.f32 v3, v0  }
0x317: {  	v3 =	vld [tilespmem:s1+$0xEE0]  }
0x318: {  	v0 =	vadd.f32 v1, v0  }
0x319: {  	v1 =	vld [tilespmem:s1+$0xF20]  }
0x31a: {  	v0 =	vadd.f32 v2, v0  }
0x31b: {  	v2 =	vld [tilespmem:s1+$0xF60]  }
0x31c: {  	v0 =	vadd.f32 v3, v0  }
0x31d: {  	v3 =	vld [tilespmem:s1+$0xFA0]  }
0x31e: {  	v0 =	vadd.f32 v1, v0  }
0x31f: {  	v1 =	vld [tilespmem:s1+$0xFE0]  }
0x320: {  	v0 =	vadd.f32 v2, v0  }
0x321: {  	v2 =	vld [tilespmem:s1+$0x1020]  }
0x322: {  	v0 =	vadd.f32 v3, v0  }
0x323: {  	v3 =	vld [tilespmem:s1+$0x1060]  }
0x324: {  	v0 =	vadd.f32 v1, v0  }
0x325: {  	v1 =	vld [tilespmem:s1+$0x10A0]  }
0x326: {  	v0 =	vadd.f32 v2, v0  }
0x327: {  	v2 =	vld [tilespmem:s1+$0x10E0]  }
0x328: {  	v0 =	vadd.f32 v3, v0  }
0x329: {  	v3 =	vld [tilespmem:s1+$0x1120]  }
0x32a: {  	v0 =	vadd.f32 v1, v0  }
0x32b: {  	v1 =	vld [tilespmem:s1+$0x1160]  }
0x32c: {  	v0 =	vadd.f32 v2, v0  }
0x32d: {  	v2 =	vld [tilespmem:s1+$0x11A0]  }
0x32e: {  	v0 =	vadd.f32 v3, v0  }
0x32f: {  	v3 =	vld [tilespmem:s1+$0x11E0]  }
0x330: {  	v0 =	vadd.f32 v1, v0  }
0x331: {  	v1 =	vld [tilespmem:s1+$0x1220]  }
0x332: {  	v0 =	vadd.f32 v2, v0  }
0x333: {  	v2 =	vld [tilespmem:s1+$0x1260]  }
0x334: {  	v0 =	vadd.f32 v3, v0  }
0x335: {  	v3 =	vld [tilespmem:s1+$0x12A0]  }
0x336: {  	v0 =	vadd.f32 v1, v0  }
0x337: {  	v1 =	vld [tilespmem:s1+$0x12E0]  }
0x338: {  	v0 =	vadd.f32 v2, v0;
	_ =	sdelay $0x1  }
0x339: {  	v0 =	vadd.f32 v3, v0;
	_ =	sdelay $0x1  }
0x33a: {  	v0 =	vadd.f32 v1, v0;
	_ =	sdelay $0x1  }
0x33b: {  	[tilespmem:s31+$0x196A0] =	vst v0  }
0x33c: {  	v0 =	vld [tilespmem:s1+$0x6B0]  }
0x33d: {  	v1 =	vld [tilespmem:s1+$0x6F0]  }
0x33e: {  	v2 =	vld [tilespmem:s1+$0x730]  }
0x33f: {  	v3 =	vld [tilespmem:s1+$0x770]  }
0x340: {  	v4 =	vld [tilespmem:s1+$0x7B0]  }
0x341: {  	v5 =	vld [tilespmem:s1+$0x7F0]  }
0x342: {  	v0 =	vadd.f32 v1, v0;
	v1 =	vld [tilespmem:s1+$0x830]  }
0x343: {  	v6 =	vld [tilespmem:s1+$0x870]  }
0x344: {  	v0 =	vadd.f32 v2, v0;
	v2 =	vld [tilespmem:s1+$0x8B0]  }
0x345: {  	v7 =	vld [tilespmem:s1+$0x8F0]  }
0x346: {  	v0 =	vadd.f32 v3, v0;
	v3 =	vld [tilespmem:s1+$0x930]  }
0x347: {  	v8 =	vld [tilespmem:s1+$0x970]  }
0x348: {  	v0 =	vadd.f32 v4, v0;
	v4 =	vld [tilespmem:s1+$0x9B0]  }
0x349: {  	v9 =	vld [tilespmem:s1+$0x9F0]  }
0x34a: {  	v0 =	vadd.f32 v5, v0;
	v5 =	vld [tilespmem:s1+$0xA30]  }
0x34b: {  	v10 =	vld [tilespmem:s1+$0xA70]  }
0x34c: {  	v0 =	vadd.f32 v1, v0;
	v1 =	vld [tilespmem:s1+$0xAB0]  }
0x34d: {  	v11 =	vld [tilespmem:s1+$0xAF0]  }
0x34e: {  	v0 =	vadd.f32 v6, v0;
	v6 =	vld [tilespmem:s1+$0xB30]  }
0x34f: {  	v12 =	vld [tilespmem:s1+$0xB70]  }
0x350: {  	v0 =	vadd.f32 v2, v0;
	v2 =	vld [tilespmem:s1+$0xBB0]  }
0x351: {  	v13 =	vld [tilespmem:s1+$0xBF0]  }
0x352: {  	v0 =	vadd.f32 v7, v0;
	v7 =	vld [tilespmem:s1+$0xC30]  }
0x353: {  	v14 =	vld [tilespmem:s1+$0xC70]  }
0x354: {  	v0 =	vadd.f32 v3, v0;
	v3 =	vld [tilespmem:s1+$0xCB0]  }
0x355: {  	v15 =	vld [tilespmem:s1+$0xCF0]  }
0x356: {  	v0 =	vadd.f32 v8, v0;
	v8 =	vld [tilespmem:s1+$0xD30]  }
0x357: {  	v16 =	vld [tilespmem:s1+$0xD70]  }
0x358: {  	v0 =	vadd.f32 v4, v0;
	v4 =	vld [tilespmem:s1+$0xDB0]  }
0x359: {  	v17 =	vld [tilespmem:s1+$0xDF0]  }
0x35a: {  	v0 =	vadd.f32 v9, v0;
	v9 =	vld [tilespmem:s1+$0xE30]  }
0x35b: {  	v18 =	vld [tilespmem:s1+$0xE70]  }
0x35c: {  	v0 =	vadd.f32 v5, v0;
	v5 =	vld [tilespmem:s1+$0xEB0]  }
0x35d: {  	v19 =	vld [tilespmem:s1+$0xEF0]  }
0x35e: {  	v0 =	vadd.f32 v10, v0;
	v10 =	vld [tilespmem:s1+$0xF30]  }
0x35f: {  	v20 =	vld [tilespmem:s1+$0xF70]  }
0x360: {  	v0 =	vadd.f32 v1, v0;
	v21 =	vld [tilespmem:s1+$0xFB0]  }
0x361: {  	v22 =	vld [tilespmem:s1+$0xFF0]  }
0x362: {  	v0 =	vadd.f32 v11, v0;
	v11 =	vld [tilespmem:s1+$0x1030]  }
0x363: {  	v23 =	vld [tilespmem:s1+$0x1070]  }
0x364: {  	v0 =	vadd.f32 v6, v0;
	v6 =	vld [tilespmem:s1+$0x10B0]  }
0x365: {  	v24 =	vld [tilespmem:s1+$0x10F0]  }
0x366: {  	v0 =	vadd.f32 v12, v0;
	v12 =	vld [tilespmem:s1+$0x1130]  }
0x367: {  	v25 =	vld [tilespmem:s1+$0x1170]  }
0x368: {  	v0 =	vadd.f32 v2, v0;
	v2 =	vld [tilespmem:s1+$0x11B0]  }
0x369: {  	v26 =	vld [tilespmem:s1+$0x11F0]  }
0x36a: {  	v0 =	vadd.f32 v13, v0;
	v13 =	vld [tilespmem:s1+$0x1230]  }
0x36b: {  	v27 =	vld [tilespmem:s1+$0x1270]  }
0x36c: {  	v7 =	vadd.f32 v7, v0;
	v1 =	vld [tilespmem:s1+$0x12B0]  }
0x36d: {  	v0 =	vld [tilespmem:s1+$0x12F0]  }
0x36e: {  	v7 =	vadd.f32 v14, v7;
	_ =	sdelay $0x1  }
0x36f: {  	v3 =	vadd.f32 v3, v7;
	_ =	sdelay $0x1  }
0x370: {  	v3 =	vadd.f32 v15, v3;
	_ =	sdelay $0x1  }
0x371: {  	v3 =	vadd.f32 v8, v3;
	_ =	sdelay $0x1  }
0x372: {  	v3 =	vadd.f32 v16, v3;
	_ =	sdelay $0x1  }
0x373: {  	v3 =	vadd.f32 v4, v3;
	_ =	sdelay $0x1  }
0x374: {  	v3 =	vadd.f32 v17, v3;
	_ =	sdelay $0x1  }
0x375: {  	v3 =	vadd.f32 v9, v3;
	_ =	sdelay $0x1  }
0x376: {  	v3 =	vadd.f32 v18, v3;
	_ =	sdelay $0x1  }
0x377: {  	v3 =	vadd.f32 v5, v3;
	_ =	sdelay $0x1  }
0x378: {  	v3 =	vadd.f32 v19, v3;
	_ =	sdelay $0x1  }
0x379: {  	v3 =	vadd.f32 v10, v3;
	_ =	sdelay $0x1  }
0x37a: {  	v3 =	vadd.f32 v20, v3;
	_ =	sdelay $0x1  }
0x37b: {  	v3 =	vadd.f32 v21, v3;
	_ =	sdelay $0x1  }
0x37c: {  	v3 =	vadd.f32 v22, v3;
	_ =	sdelay $0x1  }
0x37d: {  	v3 =	vadd.f32 v11, v3;
	_ =	sdelay $0x1  }
0x37e: {  	v3 =	vadd.f32 v23, v3;
	_ =	sdelay $0x1  }
0x37f: {  	v3 =	vadd.f32 v6, v3;
	_ =	sdelay $0x1  }
0x380: {  	v3 =	vadd.f32 v24, v3;
	_ =	sdelay $0x1  }
0x381: {  	v3 =	vadd.f32 v12, v3;
	_ =	sdelay $0x1  }
0x382: {  	v3 =	vadd.f32 v25, v3;
	_ =	sdelay $0x1  }
0x383: {  	v2 =	vadd.f32 v2, v3;
	_ =	sdelay $0x1  }
.Ltmp0:
0x384: {  	v2 =	vadd.f32 v26, v2;
	(pc) =	sbr.rel @p0 .LBB2_3-.Ltmp0, $3  }
0x385: {  	_ = 	snop  }
0x386: {  	v2 =	vadd.f32 v13, v2;
	_ =	sdelay $0x1  }
0x387: {  	v2 =	vadd.f32 v27, v2  }
0x388: {  	_ = 	snop  }
0x389: {  	v1 =	vadd.f32 v1, v2  }
0x38a: {  	p0 =	seq.s32 s6, $0xF  }
0x38b: {  	s0 =	sadd.s32 @!p0 s30, s13;
	v0 =	vadd.f32 v0, v1  }
0x38c: {  	s1 =	sshll.u32 s6, $0x8;
	s0 =	sshrl.u32 @!p0 s0, $0x1  }
0x38d: {  	s1 =	sadd.s32 s1, s12;
	s0 =	smul.u32 @!p0 $0xD, s0;
	[tilespmem:s31+$0x196B0] =	vst v0  }
0x38e: {  	[hbm4b:s1+s3] =	stream.linear.scatter [tilespmem:s18], [sflag:$0x3], $0x400, $0x38;
	[tilespmem:$0x1BF80] =	vst v63  }
0x38f: {  	s0 =	sadd.s32 @!p0 s4, s0;
	s1 =	simm.s32 @!p0 $0x0  }
0x390: {  	[tilespmem:s1], [sflag:$0x4] =	stream.linear.gather @!p0 [hbm4b:s0+s1], $0x340, $0x38;
	[tilespmem:$0x1BF80] =	vst v63  }
0x391: {  	s0 =	simm.s32 @!p0 $0x4  }
0x392: {  	_ =	swait.ge @!p0 [sflag:s0], $0x340  }
0x393: {  	[sflag:s0] =	ssyncset.done @!p0 $0x0  }
0x394: {  	s21 =	simm.s32 @!p0 $0x680;
	[sflag:s0] =	ssyncadd.s32 @!p0 $0xFFFFFCC0;
	s0 =	simm.s32 @!p0 $0x64  }
0x395: {  	[tilespmem:s21], [sflag:$0x1] =	stream.indirect.gather @!p0 [hbm4b:s5+s0], $0x40, s1, s0, $0xb8;
	[tilespmem:$0x1BF80] =	vst v63  }
0x396: {  	s1 =	simm.s32 @!p0 $0x68;
	s21 =	simm.s32 @!p0 $0x1F80  }
0x397: {  	[tilespmem:s21], [sflag:$0x1] =	stream.indirect.gather @!p0 [hbm4b:s5+s0], $0x40, s1, s0, $0xb8;
	[tilespmem:$0x1BF80] =	vst v63  }
0x398: {  	s1 =	simm.s32 @!p0 $0xD0;
	s21 =	simm.s32 @!p0 $0x3880  }
0x399: {  	[tilespmem:s21], [sflag:$0x1] =	stream.indirect.gather @!p0 [hbm4b:s5+s0], $0x40, s1, s0, $0xb8;
	[tilespmem:$0x1BF80] =	vst v63  }
0x39a: {  	s1 =	simm.s32 @!p0 $0x138;
	s21 =	simm.s32 @!p0 $0x5180  }
0x39b: {  	[tilespmem:s21], [sflag:$0x1] =	stream.indirect.gather @!p0 [hbm4b:s5+s0], $0x40, s1, s0, $0xb8;
	[tilespmem:$0x1BF80] =	vst v63  }
0x39c: {  	s1 =	simm.s32 @!p0 $0x1A0;
	s21 =	simm.s32 @!p0 $0x6A80  }
0x39d: {  	[tilespmem:s21], [sflag:$0x1] =	stream.indirect.gather @!p0 [hbm4b:s5+s0], $0x40, s1, s0, $0xb8;
	[tilespmem:$0x1BF80] =	vst v63  }
0x39e: {  	s1 =	simm.s32 @!p0 $0x208;
	s21 =	simm.s32 @!p0 $0x8380  }
0x39f: {  	[tilespmem:s21], [sflag:$0x1] =	stream.indirect.gather @!p0 [hbm4b:s5+s0], $0x40, s1, s0, $0xb8;
	[tilespmem:$0x1BF80] =	vst v63  }
0x3a0: {  	s1 =	simm.s32 @!p0 $0x270;
	s21 =	simm.s32 @!p0 $0x9C80  }
0x3a1: {  	[tilespmem:s21], [sflag:$0x1] =	stream.indirect.gather @!p0 [hbm4b:s5+s0], $0x40, s1, s0, $0xb8;
	[tilespmem:$0x1BF80] =	vst v63  }
0x3a2: {  	s1 =	simm.s32 @!p0 $0x2D8;
	s21 =	simm.s32 @!p0 $0xB580  }
0x3a3: {  	[tilespmem:s21], [sflag:$0x1] =	stream.indirect.gather @!p0 [hbm4b:s5+s0], $0x40, s1, s0, $0xb8;
	[tilespmem:$0x1BF80] =	vst v63  }
0x3a4: {  	s1 =	simm.s32 $0x0  }
0x3a5: {  	_ =	swait.ge [sflag:s20], $0xC800;
	s0 =	smul.u32 $0x3200, s1  }
0x3a6: {  	[sflag:s20] =	ssyncset.done $0x0  }
0x3a7: {  	[sflag:s20] =	ssyncadd.s32 $0xFFFF3800;
	s0 =	sshra.s32 s0, $0x2  }
0x3a8: {  	v0 =	vld [tilespmem:s0+$0xCE80]  }
0x3a9: {  	v1 =	vld [tilespmem:s0+$0xCEC0];
	_ =	sdelay $0x1  }
0x3aa: {  	v2 =	vld [tilespmem:s0+$0xCF00];
	_ =	sdelay $0x1  }
0x3ab: {  	v3 =	vld [tilespmem:s0+$0xCF40]  }
0x3ac: {  	v0 =	vadd.f32 v1, v0  }
0x3ad: {  	v1 =	vld [tilespmem:s0+$0xCF80]  }
0x3ae: {  	v0 =	vadd.f32 v2, v0  }
0x3af: {  	v2 =	vld [tilespmem:s0+$0xCFC0]  }
0x3b0: {  	v0 =	vadd.f32 v3, v0  }
0x3b1: {  	v3 =	vld [tilespmem:s0+$0xD000]  }
0x3b2: {  	v0 =	vadd.f32 v1, v0  }
0x3b3: {  	v1 =	vld [tilespmem:s0+$0xD040]  }
0x3b4: {  	v0 =	vadd.f32 v2, v0  }
0x3b5: {  	v2 =	vld [tilespmem:s0+$0xD080]  }
0x3b6: {  	v0 =	vadd.f32 v3, v0  }
0x3b7: {  	v3 =	vld [tilespmem:s0+$0xD0C0]  }
0x3b8: {  	v0 =	vadd.f32 v1, v0  }
0x3b9: {  	v1 =	vld [tilespmem:s0+$0xD100]  }
0x3ba: {  	v0 =	vadd.f32 v2, v0  }
0x3bb: {  	v2 =	vld [tilespmem:s0+$0xD140]  }
0x3bc: {  	v0 =	vadd.f32 v3, v0  }
0x3bd: {  	v3 =	vld [tilespmem:s0+$0xD180]  }
0x3be: {  	v0 =	vadd.f32 v1, v0  }
0x3bf: {  	v1 =	vld [tilespmem:s0+$0xD1C0]  }
0x3c0: {  	v0 =	vadd.f32 v2, v0  }
0x3c1: {  	v2 =	vld [tilespmem:s0+$0xD200]  }
0x3c2: {  	v0 =	vadd.f32 v3, v0  }
0x3c3: {  	v3 =	vld [tilespmem:s0+$0xD240]  }
0x3c4: {  	v0 =	vadd.f32 v1, v0  }
0x3c5: {  	v1 =	vld [tilespmem:s0+$0xD280]  }
0x3c6: {  	v0 =	vadd.f32 v2, v0  }
0x3c7: {  	v2 =	vld [tilespmem:s0+$0xD2C0]  }
0x3c8: {  	v0 =	vadd.f32 v3, v0  }
0x3c9: {  	v3 =	vld [tilespmem:s0+$0xD300]  }
0x3ca: {  	v0 =	vadd.f32 v1, v0  }
0x3cb: {  	v1 =	vld [tilespmem:s0+$0xD340]  }
0x3cc: {  	v0 =	vadd.f32 v2, v0  }
0x3cd: {  	v2 =	vld [tilespmem:s0+$0xD380]  }
0x3ce: {  	v0 =	vadd.f32 v3, v0  }
0x3cf: {  	v3 =	vld [tilespmem:s0+$0xD3C0]  }
0x3d0: {  	v0 =	vadd.f32 v1, v0  }
0x3d1: {  	v1 =	vld [tilespmem:s0+$0xD400]  }
0x3d2: {  	v0 =	vadd.f32 v2, v0  }
0x3d3: {  	v2 =	vld [tilespmem:s0+$0xD440]  }
0x3d4: {  	v0 =	vadd.f32 v3, v0  }
0x3d5: {  	v3 =	vld [tilespmem:s0+$0xD480]  }
0x3d6: {  	v0 =	vadd.f32 v1, v0  }
0x3d7: {  	v1 =	vld [tilespmem:s0+$0xD4C0]  }
0x3d8: {  	v0 =	vadd.f32 v2, v0  }
0x3d9: {  	v2 =	vld [tilespmem:s0+$0xD500]  }
0x3da: {  	v0 =	vadd.f32 v3, v0  }
0x3db: {  	v3 =	vld [tilespmem:s0+$0xD540]  }
0x3dc: {  	v0 =	vadd.f32 v1, v0  }
0x3dd: {  	v1 =	vld [tilespmem:s0+$0xD580]  }
0x3de: {  	v0 =	vadd.f32 v2, v0  }
0x3df: {  	v2 =	vld [tilespmem:s0+$0xD5C0]  }
0x3e0: {  	v0 =	vadd.f32 v3, v0  }
0x3e1: {  	v3 =	vld [tilespmem:s0+$0xD600]  }
0x3e2: {  	v0 =	vadd.f32 v1, v0  }
0x3e3: {  	v1 =	vld [tilespmem:s0+$0xD640]  }
0x3e4: {  	v0 =	vadd.f32 v2, v0  }
0x3e5: {  	v2 =	vld [tilespmem:s0+$0xD680]  }
0x3e6: {  	v0 =	vadd.f32 v3, v0  }
0x3e7: {  	v3 =	vld [tilespmem:s0+$0xD6C0]  }
0x3e8: {  	v0 =	vadd.f32 v1, v0  }
0x3e9: {  	v1 =	vld [tilespmem:s0+$0xD700]  }
0x3ea: {  	v0 =	vadd.f32 v2, v0  }
0x3eb: {  	v2 =	vld [tilespmem:s0+$0xD740]  }
0x3ec: {  	v0 =	vadd.f32 v3, v0  }
0x3ed: {  	v3 =	vld [tilespmem:s0+$0xD780]  }
0x3ee: {  	v0 =	vadd.f32 v1, v0  }
0x3ef: {  	v1 =	vld [tilespmem:s0+$0xD7C0]  }
0x3f0: {  	v0 =	vadd.f32 v2, v0  }
0x3f1: {  	v2 =	vld [tilespmem:s0+$0xD800]  }
0x3f2: {  	v0 =	vadd.f32 v3, v0  }
0x3f3: {  	v3 =	vld [tilespmem:s0+$0xD840]  }
0x3f4: {  	v0 =	vadd.f32 v1, v0  }
0x3f5: {  	v1 =	vld [tilespmem:s0+$0xD880]  }
0x3f6: {  	v0 =	vadd.f32 v2, v0  }
0x3f7: {  	v2 =	vld [tilespmem:s0+$0xD8C0]  }
0x3f8: {  	v0 =	vadd.f32 v3, v0  }
0x3f9: {  	v3 =	vld [tilespmem:s0+$0xD900]  }
0x3fa: {  	v0 =	vadd.f32 v1, v0  }
0x3fb: {  	v1 =	vld [tilespmem:s0+$0xD940]  }
0x3fc: {  	v0 =	vadd.f32 v2, v0  }
0x3fd: {  	v2 =	vld [tilespmem:s0+$0xD980]  }
0x3fe: {  	v0 =	vadd.f32 v3, v0  }
0x3ff: {  	v3 =	vld [tilespmem:s0+$0xD9C0]  }
0x400: {  	v0 =	vadd.f32 v1, v0  }
0x401: {  	v1 =	vld [tilespmem:s0+$0xDA00]  }
0x402: {  	v0 =	vadd.f32 v2, v0  }
0x403: {  	v2 =	vld [tilespmem:s0+$0xDA40]  }
0x404: {  	v0 =	vadd.f32 v3, v0  }
0x405: {  	v3 =	vld [tilespmem:s0+$0xDA80]  }
0x406: {  	v0 =	vadd.f32 v1, v0  }
0x407: {  	v1 =	vld [tilespmem:s0+$0xDAC0]  }
0x408: {  	v0 =	vadd.f32 v2, v0;
	_ =	sdelay $0x1  }
0x409: {  	v0 =	vadd.f32 v3, v0;
	_ =	sdelay $0x1  }
0x40a: {  	s21 =	simm.s32 $0x0;
	v0 =	vadd.f32 v1, v0  }
0x40b: {  	s30 =	sand.u32 $0x3FFFFFC0, s21  }
0x40c: {  	[tilespmem:s30+$0x19A80] =	vst v0  }
0x40d: {  	v0 =	vld [tilespmem:s0+$0xCE90]  }
0x40e: {  	v1 =	vld [tilespmem:s0+$0xCED0];
	_ =	sdelay $0x1  }
0x40f: {  	v2 =	vld [tilespmem:s0+$0xCF10];
	_ =	sdelay $0x1  }
0x410: {  	v3 =	vld [tilespmem:s0+$0xCF50]  }
0x411: {  	v0 =	vadd.f32 v1, v0  }
0x412: {  	v1 =	vld [tilespmem:s0+$0xCF90]  }
0x413: {  	v0 =	vadd.f32 v2, v0  }
0x414: {  	v2 =	vld [tilespmem:s0+$0xCFD0]  }
0x415: {  	v0 =	vadd.f32 v3, v0  }
0x416: {  	v3 =	vld [tilespmem:s0+$0xD010]  }
0x417: {  	v0 =	vadd.f32 v1, v0  }
0x418: {  	v1 =	vld [tilespmem:s0+$0xD050]  }
0x419: {  	v0 =	vadd.f32 v2, v0  }
0x41a: {  	v2 =	vld [tilespmem:s0+$0xD090]  }
0x41b: {  	v0 =	vadd.f32 v3, v0  }
0x41c: {  	v3 =	vld [tilespmem:s0+$0xD0D0]  }
0x41d: {  	v0 =	vadd.f32 v1, v0  }
0x41e: {  	v1 =	vld [tilespmem:s0+$0xD110]  }
0x41f: {  	v0 =	vadd.f32 v2, v0  }
0x420: {  	v2 =	vld [tilespmem:s0+$0xD150]  }
0x421: {  	v0 =	vadd.f32 v3, v0  }
0x422: {  	v3 =	vld [tilespmem:s0+$0xD190]  }
0x423: {  	v0 =	vadd.f32 v1, v0  }
0x424: {  	v1 =	vld [tilespmem:s0+$0xD1D0]  }
0x425: {  	v0 =	vadd.f32 v2, v0  }
0x426: {  	v2 =	vld [tilespmem:s0+$0xD210]  }
0x427: {  	v0 =	vadd.f32 v3, v0  }
0x428: {  	v3 =	vld [tilespmem:s0+$0xD250]  }
0x429: {  	v0 =	vadd.f32 v1, v0  }
0x42a: {  	v1 =	vld [tilespmem:s0+$0xD290]  }
0x42b: {  	v0 =	vadd.f32 v2, v0  }
0x42c: {  	v2 =	vld [tilespmem:s0+$0xD2D0]  }
0x42d: {  	v0 =	vadd.f32 v3, v0  }
0x42e: {  	v3 =	vld [tilespmem:s0+$0xD310]  }
0x42f: {  	v0 =	vadd.f32 v1, v0  }
0x430: {  	v1 =	vld [tilespmem:s0+$0xD350]  }
0x431: {  	v0 =	vadd.f32 v2, v0  }
0x432: {  	v2 =	vld [tilespmem:s0+$0xD390]  }
0x433: {  	v0 =	vadd.f32 v3, v0  }
0x434: {  	v3 =	vld [tilespmem:s0+$0xD3D0]  }
0x435: {  	v0 =	vadd.f32 v1, v0  }
0x436: {  	v1 =	vld [tilespmem:s0+$0xD410]  }
0x437: {  	v0 =	vadd.f32 v2, v0  }
0x438: {  	v2 =	vld [tilespmem:s0+$0xD450]  }
0x439: {  	v0 =	vadd.f32 v3, v0  }
0x43a: {  	v3 =	vld [tilespmem:s0+$0xD490]  }
0x43b: {  	v0 =	vadd.f32 v1, v0  }
0x43c: {  	v1 =	vld [tilespmem:s0+$0xD4D0]  }
0x43d: {  	v0 =	vadd.f32 v2, v0  }
0x43e: {  	v2 =	vld [tilespmem:s0+$0xD510]  }
0x43f: {  	v0 =	vadd.f32 v3, v0  }
0x440: {  	v3 =	vld [tilespmem:s0+$0xD550]  }
0x441: {  	v0 =	vadd.f32 v1, v0  }
0x442: {  	v1 =	vld [tilespmem:s0+$0xD590]  }
0x443: {  	v0 =	vadd.f32 v2, v0  }
0x444: {  	v2 =	vld [tilespmem:s0+$0xD5D0]  }
0x445: {  	v0 =	vadd.f32 v3, v0  }
0x446: {  	v3 =	vld [tilespmem:s0+$0xD610]  }
0x447: {  	v0 =	vadd.f32 v1, v0  }
0x448: {  	v1 =	vld [tilespmem:s0+$0xD650]  }
0x449: {  	v0 =	vadd.f32 v2, v0  }
0x44a: {  	v2 =	vld [tilespmem:s0+$0xD690]  }
0x44b: {  	v0 =	vadd.f32 v3, v0  }
0x44c: {  	v3 =	vld [tilespmem:s0+$0xD6D0]  }
0x44d: {  	v0 =	vadd.f32 v1, v0  }
0x44e: {  	v1 =	vld [tilespmem:s0+$0xD710]  }
0x44f: {  	v0 =	vadd.f32 v2, v0  }
0x450: {  	v2 =	vld [tilespmem:s0+$0xD750]  }
0x451: {  	v0 =	vadd.f32 v3, v0  }
0x452: {  	v3 =	vld [tilespmem:s0+$0xD790]  }
0x453: {  	v0 =	vadd.f32 v1, v0  }
0x454: {  	v1 =	vld [tilespmem:s0+$0xD7D0]  }
0x455: {  	v0 =	vadd.f32 v2, v0  }
0x456: {  	v2 =	vld [tilespmem:s0+$0xD810]  }
0x457: {  	v0 =	vadd.f32 v3, v0  }
0x458: {  	v3 =	vld [tilespmem:s0+$0xD850]  }
0x459: {  	v0 =	vadd.f32 v1, v0  }
0x45a: {  	v1 =	vld [tilespmem:s0+$0xD890]  }
0x45b: {  	v0 =	vadd.f32 v2, v0  }
0x45c: {  	v2 =	vld [tilespmem:s0+$0xD8D0]  }
0x45d: {  	v0 =	vadd.f32 v3, v0  }
0x45e: {  	v3 =	vld [tilespmem:s0+$0xD910]  }
0x45f: {  	v0 =	vadd.f32 v1, v0  }
0x460: {  	v1 =	vld [tilespmem:s0+$0xD950]  }
0x461: {  	v0 =	vadd.f32 v2, v0  }
0x462: {  	v2 =	vld [tilespmem:s0+$0xD990]  }
0x463: {  	v0 =	vadd.f32 v3, v0  }
0x464: {  	v3 =	vld [tilespmem:s0+$0xD9D0]  }
0x465: {  	v0 =	vadd.f32 v1, v0  }
0x466: {  	v1 =	vld [tilespmem:s0+$0xDA10]  }
0x467: {  	v0 =	vadd.f32 v2, v0  }
0x468: {  	v2 =	vld [tilespmem:s0+$0xDA50]  }
0x469: {  	v0 =	vadd.f32 v3, v0  }
0x46a: {  	v3 =	vld [tilespmem:s0+$0xDA90]  }
0x46b: {  	v0 =	vadd.f32 v1, v0  }
0x46c: {  	v1 =	vld [tilespmem:s0+$0xDAD0]  }
0x46d: {  	v0 =	vadd.f32 v2, v0;
	_ =	sdelay $0x1  }
0x46e: {  	v0 =	vadd.f32 v3, v0;
	_ =	sdelay $0x1  }
0x46f: {  	v0 =	vadd.f32 v1, v0;
	_ =	sdelay $0x1  }
0x470: {  	[tilespmem:s30+$0x19A90] =	vst v0  }
0x471: {  	v0 =	vld [tilespmem:s0+$0xCEA0]  }
0x472: {  	v1 =	vld [tilespmem:s0+$0xCEE0];
	_ =	sdelay $0x1  }
0x473: {  	v2 =	vld [tilespmem:s0+$0xCF20];
	_ =	sdelay $0x1  }
0x474: {  	v3 =	vld [tilespmem:s0+$0xCF60]  }
0x475: {  	v0 =	vadd.f32 v1, v0  }
0x476: {  	v1 =	vld [tilespmem:s0+$0xCFA0]  }
0x477: {  	v0 =	vadd.f32 v2, v0  }
0x478: {  	v2 =	vld [tilespmem:s0+$0xCFE0]  }
0x479: {  	v0 =	vadd.f32 v3, v0  }
0x47a: {  	v3 =	vld [tilespmem:s0+$0xD020]  }
0x47b: {  	v0 =	vadd.f32 v1, v0  }
0x47c: {  	v1 =	vld [tilespmem:s0+$0xD060]  }
0x47d: {  	v0 =	vadd.f32 v2, v0  }
0x47e: {  	v2 =	vld [tilespmem:s0+$0xD0A0]  }
0x47f: {  	v0 =	vadd.f32 v3, v0  }
0x480: {  	v3 =	vld [tilespmem:s0+$0xD0E0]  }
0x481: {  	v0 =	vadd.f32 v1, v0  }
0x482: {  	v1 =	vld [tilespmem:s0+$0xD120]  }
0x483: {  	v0 =	vadd.f32 v2, v0  }
0x484: {  	v2 =	vld [tilespmem:s0+$0xD160]  }
0x485: {  	v0 =	vadd.f32 v3, v0  }
0x486: {  	v3 =	vld [tilespmem:s0+$0xD1A0]  }
0x487: {  	v0 =	vadd.f32 v1, v0  }
0x488: {  	v1 =	vld [tilespmem:s0+$0xD1E0]  }
0x489: {  	v0 =	vadd.f32 v2, v0  }
0x48a: {  	v2 =	vld [tilespmem:s0+$0xD220]  }
0x48b: {  	v0 =	vadd.f32 v3, v0  }
0x48c: {  	v3 =	vld [tilespmem:s0+$0xD260]  }
0x48d: {  	v0 =	vadd.f32 v1, v0  }
0x48e: {  	v1 =	vld [tilespmem:s0+$0xD2A0]  }
0x48f: {  	v0 =	vadd.f32 v2, v0  }
0x490: {  	v2 =	vld [tilespmem:s0+$0xD2E0]  }
0x491: {  	v0 =	vadd.f32 v3, v0  }
0x492: {  	v3 =	vld [tilespmem:s0+$0xD320]  }
0x493: {  	v0 =	vadd.f32 v1, v0  }
0x494: {  	v1 =	vld [tilespmem:s0+$0xD360]  }
0x495: {  	v0 =	vadd.f32 v2, v0  }
0x496: {  	v2 =	vld [tilespmem:s0+$0xD3A0]  }
0x497: {  	v0 =	vadd.f32 v3, v0  }
0x498: {  	v3 =	vld [tilespmem:s0+$0xD3E0]  }
0x499: {  	v0 =	vadd.f32 v1, v0  }
0x49a: {  	v1 =	vld [tilespmem:s0+$0xD420]  }
0x49b: {  	v0 =	vadd.f32 v2, v0  }
0x49c: {  	v2 =	vld [tilespmem:s0+$0xD460]  }
0x49d: {  	v0 =	vadd.f32 v3, v0  }
0x49e: {  	v3 =	vld [tilespmem:s0+$0xD4A0]  }
0x49f: {  	v0 =	vadd.f32 v1, v0  }
0x4a0: {  	v1 =	vld [tilespmem:s0+$0xD4E0]  }
0x4a1: {  	v0 =	vadd.f32 v2, v0  }
0x4a2: {  	v2 =	vld [tilespmem:s0+$0xD520]  }
0x4a3: {  	v0 =	vadd.f32 v3, v0  }
0x4a4: {  	v3 =	vld [tilespmem:s0+$0xD560]  }
0x4a5: {  	v0 =	vadd.f32 v1, v0  }
0x4a6: {  	v1 =	vld [tilespmem:s0+$0xD5A0]  }
0x4a7: {  	v0 =	vadd.f32 v2, v0  }
0x4a8: {  	v2 =	vld [tilespmem:s0+$0xD5E0]  }
0x4a9: {  	v0 =	vadd.f32 v3, v0  }
0x4aa: {  	v3 =	vld [tilespmem:s0+$0xD620]  }
0x4ab: {  	v0 =	vadd.f32 v1, v0  }
0x4ac: {  	v1 =	vld [tilespmem:s0+$0xD660]  }
0x4ad: {  	v0 =	vadd.f32 v2, v0  }
0x4ae: {  	v2 =	vld [tilespmem:s0+$0xD6A0]  }
0x4af: {  	v0 =	vadd.f32 v3, v0  }
0x4b0: {  	v3 =	vld [tilespmem:s0+$0xD6E0]  }
0x4b1: {  	v0 =	vadd.f32 v1, v0  }
0x4b2: {  	v1 =	vld [tilespmem:s0+$0xD720]  }
0x4b3: {  	v0 =	vadd.f32 v2, v0  }
0x4b4: {  	v2 =	vld [tilespmem:s0+$0xD760]  }
0x4b5: {  	v0 =	vadd.f32 v3, v0  }
0x4b6: {  	v3 =	vld [tilespmem:s0+$0xD7A0]  }
0x4b7: {  	v0 =	vadd.f32 v1, v0  }
0x4b8: {  	v1 =	vld [tilespmem:s0+$0xD7E0]  }
0x4b9: {  	v0 =	vadd.f32 v2, v0  }
0x4ba: {  	v2 =	vld [tilespmem:s0+$0xD820]  }
0x4bb: {  	v0 =	vadd.f32 v3, v0  }
0x4bc: {  	v3 =	vld [tilespmem:s0+$0xD860]  }
0x4bd: {  	v0 =	vadd.f32 v1, v0  }
0x4be: {  	v1 =	vld [tilespmem:s0+$0xD8A0]  }
0x4bf: {  	v0 =	vadd.f32 v2, v0  }
0x4c0: {  	v2 =	vld [tilespmem:s0+$0xD8E0]  }
0x4c1: {  	v0 =	vadd.f32 v3, v0  }
0x4c2: {  	v3 =	vld [tilespmem:s0+$0xD920]  }
0x4c3: {  	v0 =	vadd.f32 v1, v0  }
0x4c4: {  	v1 =	vld [tilespmem:s0+$0xD960]  }
0x4c5: {  	v0 =	vadd.f32 v2, v0  }
0x4c6: {  	v2 =	vld [tilespmem:s0+$0xD9A0]  }
0x4c7: {  	v0 =	vadd.f32 v3, v0  }
0x4c8: {  	v3 =	vld [tilespmem:s0+$0xD9E0]  }
0x4c9: {  	v0 =	vadd.f32 v1, v0  }
0x4ca: {  	v1 =	vld [tilespmem:s0+$0xDA20]  }
0x4cb: {  	v0 =	vadd.f32 v2, v0  }
0x4cc: {  	v2 =	vld [tilespmem:s0+$0xDA60]  }
0x4cd: {  	v0 =	vadd.f32 v3, v0  }
0x4ce: {  	v3 =	vld [tilespmem:s0+$0xDAA0]  }
0x4cf: {  	v0 =	vadd.f32 v1, v0  }
0x4d0: {  	v1 =	vld [tilespmem:s0+$0xDAE0]  }
0x4d1: {  	v0 =	vadd.f32 v2, v0;
	_ =	sdelay $0x1  }
0x4d2: {  	v0 =	vadd.f32 v3, v0;
	_ =	sdelay $0x1  }
0x4d3: {  	v0 =	vadd.f32 v1, v0;
	_ =	sdelay $0x1  }
0x4d4: {  	[tilespmem:s30+$0x19AA0] =	vst v0  }
0x4d5: {  	v0 =	vld [tilespmem:s0+$0xCEB0]  }
0x4d6: {  	v1 =	vld [tilespmem:s0+$0xCEF0];
	_ =	sdelay $0x1  }
0x4d7: {  	v2 =	vld [tilespmem:s0+$0xCF30];
	_ =	sdelay $0x1  }
0x4d8: {  	v3 =	vld [tilespmem:s0+$0xCF70]  }
0x4d9: {  	v0 =	vadd.f32 v1, v0  }
0x4da: {  	v1 =	vld [tilespmem:s0+$0xCFB0]  }
0x4db: {  	v0 =	vadd.f32 v2, v0  }
0x4dc: {  	v2 =	vld [tilespmem:s0+$0xCFF0]  }
0x4dd: {  	v0 =	vadd.f32 v3, v0  }
0x4de: {  	v3 =	vld [tilespmem:s0+$0xD030]  }
0x4df: {  	v0 =	vadd.f32 v1, v0  }
0x4e0: {  	v1 =	vld [tilespmem:s0+$0xD070]  }
0x4e1: {  	v0 =	vadd.f32 v2, v0  }
0x4e2: {  	v2 =	vld [tilespmem:s0+$0xD0B0]  }
0x4e3: {  	v0 =	vadd.f32 v3, v0  }
0x4e4: {  	v3 =	vld [tilespmem:s0+$0xD0F0]  }
0x4e5: {  	v0 =	vadd.f32 v1, v0  }
0x4e6: {  	v1 =	vld [tilespmem:s0+$0xD130]  }
0x4e7: {  	v0 =	vadd.f32 v2, v0  }
0x4e8: {  	v2 =	vld [tilespmem:s0+$0xD170]  }
0x4e9: {  	v0 =	vadd.f32 v3, v0  }
0x4ea: {  	v3 =	vld [tilespmem:s0+$0xD1B0]  }
0x4eb: {  	v0 =	vadd.f32 v1, v0  }
0x4ec: {  	v1 =	vld [tilespmem:s0+$0xD1F0]  }
0x4ed: {  	v0 =	vadd.f32 v2, v0  }
0x4ee: {  	v2 =	vld [tilespmem:s0+$0xD230]  }
0x4ef: {  	v0 =	vadd.f32 v3, v0  }
0x4f0: {  	v3 =	vld [tilespmem:s0+$0xD270]  }
0x4f1: {  	v0 =	vadd.f32 v1, v0  }
0x4f2: {  	v1 =	vld [tilespmem:s0+$0xD2B0]  }
0x4f3: {  	v0 =	vadd.f32 v2, v0  }
0x4f4: {  	v2 =	vld [tilespmem:s0+$0xD2F0]  }
0x4f5: {  	v0 =	vadd.f32 v3, v0  }
0x4f6: {  	v3 =	vld [tilespmem:s0+$0xD330]  }
0x4f7: {  	v0 =	vadd.f32 v1, v0  }
0x4f8: {  	v1 =	vld [tilespmem:s0+$0xD370]  }
0x4f9: {  	v0 =	vadd.f32 v2, v0  }
0x4fa: {  	v2 =	vld [tilespmem:s0+$0xD3B0]  }
0x4fb: {  	v0 =	vadd.f32 v3, v0  }
0x4fc: {  	v3 =	vld [tilespmem:s0+$0xD3F0]  }
0x4fd: {  	v0 =	vadd.f32 v1, v0  }
0x4fe: {  	v1 =	vld [tilespmem:s0+$0xD430]  }
0x4ff: {  	v0 =	vadd.f32 v2, v0  }
0x500: {  	v2 =	vld [tilespmem:s0+$0xD470]  }
0x501: {  	v0 =	vadd.f32 v3, v0  }
0x502: {  	v3 =	vld [tilespmem:s0+$0xD4B0]  }
0x503: {  	v0 =	vadd.f32 v1, v0  }
0x504: {  	v1 =	vld [tilespmem:s0+$0xD4F0]  }
0x505: {  	v0 =	vadd.f32 v2, v0  }
0x506: {  	v2 =	vld [tilespmem:s0+$0xD530]  }
0x507: {  	v0 =	vadd.f32 v3, v0  }
0x508: {  	v3 =	vld [tilespmem:s0+$0xD570]  }
0x509: {  	v0 =	vadd.f32 v1, v0  }
0x50a: {  	v1 =	vld [tilespmem:s0+$0xD5B0]  }
0x50b: {  	v0 =	vadd.f32 v2, v0  }
0x50c: {  	v2 =	vld [tilespmem:s0+$0xD5F0]  }
0x50d: {  	v0 =	vadd.f32 v3, v0  }
0x50e: {  	v3 =	vld [tilespmem:s0+$0xD630]  }
0x50f: {  	v0 =	vadd.f32 v1, v0  }
0x510: {  	v1 =	vld [tilespmem:s0+$0xD670]  }
0x511: {  	v0 =	vadd.f32 v2, v0  }
0x512: {  	v2 =	vld [tilespmem:s0+$0xD6B0]  }
0x513: {  	v0 =	vadd.f32 v3, v0  }
0x514: {  	v3 =	vld [tilespmem:s0+$0xD6F0]  }
0x515: {  	v0 =	vadd.f32 v1, v0  }
0x516: {  	v1 =	vld [tilespmem:s0+$0xD730]  }
0x517: {  	v0 =	vadd.f32 v2, v0  }
0x518: {  	v2 =	vld [tilespmem:s0+$0xD770]  }
0x519: {  	v0 =	vadd.f32 v3, v0  }
0x51a: {  	v3 =	vld [tilespmem:s0+$0xD7B0]  }
0x51b: {  	v0 =	vadd.f32 v1, v0  }
0x51c: {  	v1 =	vld [tilespmem:s0+$0xD7F0]  }
0x51d: {  	v0 =	vadd.f32 v2, v0  }
0x51e: {  	v2 =	vld [tilespmem:s0+$0xD830]  }
0x51f: {  	v0 =	vadd.f32 v3, v0  }
0x520: {  	v3 =	vld [tilespmem:s0+$0xD870]  }
0x521: {  	v0 =	vadd.f32 v1, v0  }
0x522: {  	v1 =	vld [tilespmem:s0+$0xD8B0]  }
0x523: {  	v0 =	vadd.f32 v2, v0  }
0x524: {  	v2 =	vld [tilespmem:s0+$0xD8F0]  }
0x525: {  	v0 =	vadd.f32 v3, v0  }
0x526: {  	v3 =	vld [tilespmem:s0+$0xD930]  }
0x527: {  	v0 =	vadd.f32 v1, v0  }
0x528: {  	v1 =	vld [tilespmem:s0+$0xD970]  }
0x529: {  	v0 =	vadd.f32 v2, v0  }
0x52a: {  	v2 =	vld [tilespmem:s0+$0xD9B0]  }
0x52b: {  	v0 =	vadd.f32 v3, v0  }
0x52c: {  	v3 =	vld [tilespmem:s0+$0xD9F0]  }
0x52d: {  	v0 =	vadd.f32 v1, v0  }
0x52e: {  	v1 =	vld [tilespmem:s0+$0xDA30]  }
0x52f: {  	v0 =	vadd.f32 v2, v0;
	_ =	sdelay $0x1  }
0x530: {  	v2 =	vld [tilespmem:s0+$0xDA70];
	v0 =	vadd.f32 v3, v0;
	_ =	sdelay $0x1  }
0x531: {  	v3 =	vadd.f32 v1, v0;
	v1 =	vld [tilespmem:s0+$0xDAB0];
	_ =	sdelay $0x1  }
0x532: {  	v0 =	vld [tilespmem:s0+$0xDAF0]  }
0x533: {  	s31 =	simm.s32 $0x1;
	v2 =	vadd.f32 v2, v3  }
.LBB2_5:
0x534: {  	p0 =	sne.s32 s31, $0xF;
	s1 =	smov.u32 s31;
	s31 =	sadd.s32 $0x1, s31  }
0x535: {  	v1 =	vadd.f32 v1, v2  }
0x536: {  	s0 =	smul.u32 $0x3200, s1  }
0x537: {  	v0 =	vadd.f32 v0, v1  }
0x538: {  	s0 =	sshra.s32 s0, $0x2  }
0x539: {  	[tilespmem:s30+$0x19AB0] =	vst v0  }
0x53a: {  	v0 =	vld [tilespmem:s0+$0xCE80]  }
0x53b: {  	v1 =	vld [tilespmem:s0+$0xCEC0];
	_ =	sdelay $0x1  }
0x53c: {  	v2 =	vld [tilespmem:s0+$0xCF00];
	_ =	sdelay $0x1  }
0x53d: {  	v3 =	vld [tilespmem:s0+$0xCF40]  }
0x53e: {  	v0 =	vadd.f32 v1, v0  }
0x53f: {  	v1 =	vld [tilespmem:s0+$0xCF80]  }
0x540: {  	v0 =	vadd.f32 v2, v0  }
0x541: {  	v2 =	vld [tilespmem:s0+$0xCFC0]  }
0x542: {  	v0 =	vadd.f32 v3, v0  }
0x543: {  	v3 =	vld [tilespmem:s0+$0xD000]  }
0x544: {  	v0 =	vadd.f32 v1, v0  }
0x545: {  	v1 =	vld [tilespmem:s0+$0xD040]  }
0x546: {  	v0 =	vadd.f32 v2, v0  }
0x547: {  	v2 =	vld [tilespmem:s0+$0xD080]  }
0x548: {  	v0 =	vadd.f32 v3, v0  }
0x549: {  	v3 =	vld [tilespmem:s0+$0xD0C0]  }
0x54a: {  	v0 =	vadd.f32 v1, v0  }
0x54b: {  	v1 =	vld [tilespmem:s0+$0xD100]  }
0x54c: {  	v0 =	vadd.f32 v2, v0  }
0x54d: {  	v2 =	vld [tilespmem:s0+$0xD140]  }
0x54e: {  	v0 =	vadd.f32 v3, v0  }
0x54f: {  	v3 =	vld [tilespmem:s0+$0xD180]  }
0x550: {  	v0 =	vadd.f32 v1, v0  }
0x551: {  	v1 =	vld [tilespmem:s0+$0xD1C0]  }
0x552: {  	v0 =	vadd.f32 v2, v0  }
0x553: {  	v2 =	vld [tilespmem:s0+$0xD200]  }
0x554: {  	v0 =	vadd.f32 v3, v0  }
0x555: {  	v3 =	vld [tilespmem:s0+$0xD240]  }
0x556: {  	v0 =	vadd.f32 v1, v0  }
0x557: {  	v1 =	vld [tilespmem:s0+$0xD280]  }
0x558: {  	v0 =	vadd.f32 v2, v0  }
0x559: {  	v2 =	vld [tilespmem:s0+$0xD2C0]  }
0x55a: {  	v0 =	vadd.f32 v3, v0  }
0x55b: {  	v3 =	vld [tilespmem:s0+$0xD300]  }
0x55c: {  	v0 =	vadd.f32 v1, v0  }
0x55d: {  	v1 =	vld [tilespmem:s0+$0xD340]  }
0x55e: {  	v0 =	vadd.f32 v2, v0  }
0x55f: {  	v2 =	vld [tilespmem:s0+$0xD380]  }
0x560: {  	v0 =	vadd.f32 v3, v0  }
0x561: {  	v3 =	vld [tilespmem:s0+$0xD3C0]  }
0x562: {  	v0 =	vadd.f32 v1, v0  }
0x563: {  	v1 =	vld [tilespmem:s0+$0xD400]  }
0x564: {  	v0 =	vadd.f32 v2, v0  }
0x565: {  	v2 =	vld [tilespmem:s0+$0xD440]  }
0x566: {  	v0 =	vadd.f32 v3, v0  }
0x567: {  	v3 =	vld [tilespmem:s0+$0xD480]  }
0x568: {  	v0 =	vadd.f32 v1, v0  }
0x569: {  	v1 =	vld [tilespmem:s0+$0xD4C0]  }
0x56a: {  	v0 =	vadd.f32 v2, v0  }
0x56b: {  	v2 =	vld [tilespmem:s0+$0xD500]  }
0x56c: {  	v0 =	vadd.f32 v3, v0  }
0x56d: {  	v3 =	vld [tilespmem:s0+$0xD540]  }
0x56e: {  	v0 =	vadd.f32 v1, v0  }
0x56f: {  	v1 =	vld [tilespmem:s0+$0xD580]  }
0x570: {  	v0 =	vadd.f32 v2, v0  }
0x571: {  	v2 =	vld [tilespmem:s0+$0xD5C0]  }
0x572: {  	v0 =	vadd.f32 v3, v0  }
0x573: {  	v3 =	vld [tilespmem:s0+$0xD600]  }
0x574: {  	v0 =	vadd.f32 v1, v0  }
0x575: {  	v1 =	vld [tilespmem:s0+$0xD640]  }
0x576: {  	v0 =	vadd.f32 v2, v0  }
0x577: {  	v2 =	vld [tilespmem:s0+$0xD680]  }
0x578: {  	v0 =	vadd.f32 v3, v0  }
0x579: {  	v3 =	vld [tilespmem:s0+$0xD6C0]  }
0x57a: {  	v0 =	vadd.f32 v1, v0  }
0x57b: {  	v1 =	vld [tilespmem:s0+$0xD700]  }
0x57c: {  	v0 =	vadd.f32 v2, v0  }
0x57d: {  	v2 =	vld [tilespmem:s0+$0xD740]  }
0x57e: {  	v0 =	vadd.f32 v3, v0  }
0x57f: {  	v3 =	vld [tilespmem:s0+$0xD780]  }
0x580: {  	v0 =	vadd.f32 v1, v0  }
0x581: {  	v1 =	vld [tilespmem:s0+$0xD7C0]  }
0x582: {  	v0 =	vadd.f32 v2, v0  }
0x583: {  	v2 =	vld [tilespmem:s0+$0xD800]  }
0x584: {  	v0 =	vadd.f32 v3, v0  }
0x585: {  	v3 =	vld [tilespmem:s0+$0xD840]  }
0x586: {  	v0 =	vadd.f32 v1, v0  }
0x587: {  	v1 =	vld [tilespmem:s0+$0xD880]  }
0x588: {  	v0 =	vadd.f32 v2, v0  }
0x589: {  	v2 =	vld [tilespmem:s0+$0xD8C0]  }
0x58a: {  	v0 =	vadd.f32 v3, v0  }
0x58b: {  	v3 =	vld [tilespmem:s0+$0xD900]  }
0x58c: {  	v0 =	vadd.f32 v1, v0  }
0x58d: {  	v1 =	vld [tilespmem:s0+$0xD940]  }
0x58e: {  	v0 =	vadd.f32 v2, v0  }
0x58f: {  	v2 =	vld [tilespmem:s0+$0xD980]  }
0x590: {  	v0 =	vadd.f32 v3, v0  }
0x591: {  	v3 =	vld [tilespmem:s0+$0xD9C0]  }
0x592: {  	v0 =	vadd.f32 v1, v0  }
0x593: {  	v1 =	vld [tilespmem:s0+$0xDA00]  }
0x594: {  	v0 =	vadd.f32 v2, v0  }
0x595: {  	v2 =	vld [tilespmem:s0+$0xDA40]  }
0x596: {  	v0 =	vadd.f32 v3, v0  }
0x597: {  	v3 =	vld [tilespmem:s0+$0xDA80]  }
0x598: {  	v0 =	vadd.f32 v1, v0  }
0x599: {  	v1 =	vld [tilespmem:s0+$0xDAC0]  }
0x59a: {  	v0 =	vadd.f32 v2, v0;
	_ =	sdelay $0x1  }
0x59b: {  	v0 =	vadd.f32 v3, v0;
	_ =	sdelay $0x1  }
0x59c: {  	s1 =	sshll.u32 s1, $0x6;
	v0 =	vadd.f32 v1, v0  }
0x59d: {  	s30 =	sand.u32 $0x3FFFFFC0, s1  }
0x59e: {  	[tilespmem:s30+$0x19A80] =	vst v0  }
0x59f: {  	v0 =	vld [tilespmem:s0+$0xCE90]  }
0x5a0: {  	v1 =	vld [tilespmem:s0+$0xCED0];
	_ =	sdelay $0x1  }
0x5a1: {  	v2 =	vld [tilespmem:s0+$0xCF10];
	_ =	sdelay $0x1  }
0x5a2: {  	v3 =	vld [tilespmem:s0+$0xCF50]  }
0x5a3: {  	v0 =	vadd.f32 v1, v0  }
0x5a4: {  	v1 =	vld [tilespmem:s0+$0xCF90]  }
0x5a5: {  	v0 =	vadd.f32 v2, v0  }
0x5a6: {  	v2 =	vld [tilespmem:s0+$0xCFD0]  }
0x5a7: {  	v0 =	vadd.f32 v3, v0  }
0x5a8: {  	v3 =	vld [tilespmem:s0+$0xD010]  }
0x5a9: {  	v0 =	vadd.f32 v1, v0  }
0x5aa: {  	v1 =	vld [tilespmem:s0+$0xD050]  }
0x5ab: {  	v0 =	vadd.f32 v2, v0  }
0x5ac: {  	v2 =	vld [tilespmem:s0+$0xD090]  }
0x5ad: {  	v0 =	vadd.f32 v3, v0  }
0x5ae: {  	v3 =	vld [tilespmem:s0+$0xD0D0]  }
0x5af: {  	v0 =	vadd.f32 v1, v0  }
0x5b0: {  	v1 =	vld [tilespmem:s0+$0xD110]  }
0x5b1: {  	v0 =	vadd.f32 v2, v0  }
0x5b2: {  	v2 =	vld [tilespmem:s0+$0xD150]  }
0x5b3: {  	v0 =	vadd.f32 v3, v0  }
0x5b4: {  	v3 =	vld [tilespmem:s0+$0xD190]  }
0x5b5: {  	v0 =	vadd.f32 v1, v0  }
0x5b6: {  	v1 =	vld [tilespmem:s0+$0xD1D0]  }
0x5b7: {  	v0 =	vadd.f32 v2, v0  }
0x5b8: {  	v2 =	vld [tilespmem:s0+$0xD210]  }
0x5b9: {  	v0 =	vadd.f32 v3, v0  }
0x5ba: {  	v3 =	vld [tilespmem:s0+$0xD250]  }
0x5bb: {  	v0 =	vadd.f32 v1, v0  }
0x5bc: {  	v1 =	vld [tilespmem:s0+$0xD290]  }
0x5bd: {  	v0 =	vadd.f32 v2, v0  }
0x5be: {  	v2 =	vld [tilespmem:s0+$0xD2D0]  }
0x5bf: {  	v0 =	vadd.f32 v3, v0  }
0x5c0: {  	v3 =	vld [tilespmem:s0+$0xD310]  }
0x5c1: {  	v0 =	vadd.f32 v1, v0  }
0x5c2: {  	v1 =	vld [tilespmem:s0+$0xD350]  }
0x5c3: {  	v0 =	vadd.f32 v2, v0  }
0x5c4: {  	v2 =	vld [tilespmem:s0+$0xD390]  }
0x5c5: {  	v0 =	vadd.f32 v3, v0  }
0x5c6: {  	v3 =	vld [tilespmem:s0+$0xD3D0]  }
0x5c7: {  	v0 =	vadd.f32 v1, v0  }
0x5c8: {  	v1 =	vld [tilespmem:s0+$0xD410]  }
0x5c9: {  	v0 =	vadd.f32 v2, v0  }
0x5ca: {  	v2 =	vld [tilespmem:s0+$0xD450]  }
0x5cb: {  	v0 =	vadd.f32 v3, v0  }
0x5cc: {  	v3 =	vld [tilespmem:s0+$0xD490]  }
0x5cd: {  	v0 =	vadd.f32 v1, v0  }
0x5ce: {  	v1 =	vld [tilespmem:s0+$0xD4D0]  }
0x5cf: {  	v0 =	vadd.f32 v2, v0  }
0x5d0: {  	v2 =	vld [tilespmem:s0+$0xD510]  }
0x5d1: {  	v0 =	vadd.f32 v3, v0  }
0x5d2: {  	v3 =	vld [tilespmem:s0+$0xD550]  }
0x5d3: {  	v0 =	vadd.f32 v1, v0  }
0x5d4: {  	v1 =	vld [tilespmem:s0+$0xD590]  }
0x5d5: {  	v0 =	vadd.f32 v2, v0  }
0x5d6: {  	v2 =	vld [tilespmem:s0+$0xD5D0]  }
0x5d7: {  	v0 =	vadd.f32 v3, v0  }
0x5d8: {  	v3 =	vld [tilespmem:s0+$0xD610]  }
0x5d9: {  	v0 =	vadd.f32 v1, v0  }
0x5da: {  	v1 =	vld [tilespmem:s0+$0xD650]  }
0x5db: {  	v0 =	vadd.f32 v2, v0  }
0x5dc: {  	v2 =	vld [tilespmem:s0+$0xD690]  }
0x5dd: {  	v0 =	vadd.f32 v3, v0  }
0x5de: {  	v3 =	vld [tilespmem:s0+$0xD6D0]  }
0x5df: {  	v0 =	vadd.f32 v1, v0  }
0x5e0: {  	v1 =	vld [tilespmem:s0+$0xD710]  }
0x5e1: {  	v0 =	vadd.f32 v2, v0  }
0x5e2: {  	v2 =	vld [tilespmem:s0+$0xD750]  }
0x5e3: {  	v0 =	vadd.f32 v3, v0  }
0x5e4: {  	v3 =	vld [tilespmem:s0+$0xD790]  }
0x5e5: {  	v0 =	vadd.f32 v1, v0  }
0x5e6: {  	v1 =	vld [tilespmem:s0+$0xD7D0]  }
0x5e7: {  	v0 =	vadd.f32 v2, v0  }
0x5e8: {  	v2 =	vld [tilespmem:s0+$0xD810]  }
0x5e9: {  	v0 =	vadd.f32 v3, v0  }
0x5ea: {  	v3 =	vld [tilespmem:s0+$0xD850]  }
0x5eb: {  	v0 =	vadd.f32 v1, v0  }
0x5ec: {  	v1 =	vld [tilespmem:s0+$0xD890]  }
0x5ed: {  	v0 =	vadd.f32 v2, v0  }
0x5ee: {  	v2 =	vld [tilespmem:s0+$0xD8D0]  }
0x5ef: {  	v0 =	vadd.f32 v3, v0  }
0x5f0: {  	v3 =	vld [tilespmem:s0+$0xD910]  }
0x5f1: {  	v0 =	vadd.f32 v1, v0  }
0x5f2: {  	v1 =	vld [tilespmem:s0+$0xD950]  }
0x5f3: {  	v0 =	vadd.f32 v2, v0  }
0x5f4: {  	v2 =	vld [tilespmem:s0+$0xD990]  }
0x5f5: {  	v0 =	vadd.f32 v3, v0  }
0x5f6: {  	v3 =	vld [tilespmem:s0+$0xD9D0]  }
0x5f7: {  	v0 =	vadd.f32 v1, v0  }
0x5f8: {  	v1 =	vld [tilespmem:s0+$0xDA10]  }
0x5f9: {  	v0 =	vadd.f32 v2, v0  }
0x5fa: {  	v2 =	vld [tilespmem:s0+$0xDA50]  }
0x5fb: {  	v0 =	vadd.f32 v3, v0  }
0x5fc: {  	v3 =	vld [tilespmem:s0+$0xDA90]  }
0x5fd: {  	v0 =	vadd.f32 v1, v0  }
0x5fe: {  	v1 =	vld [tilespmem:s0+$0xDAD0]  }
0x5ff: {  	v0 =	vadd.f32 v2, v0;
	_ =	sdelay $0x1  }
0x600: {  	v0 =	vadd.f32 v3, v0;
	_ =	sdelay $0x1  }
0x601: {  	v0 =	vadd.f32 v1, v0;
	_ =	sdelay $0x1  }
0x602: {  	[tilespmem:s30+$0x19A90] =	vst v0  }
0x603: {  	v0 =	vld [tilespmem:s0+$0xCEA0]  }
0x604: {  	v1 =	vld [tilespmem:s0+$0xCEE0];
	_ =	sdelay $0x1  }
0x605: {  	v2 =	vld [tilespmem:s0+$0xCF20];
	_ =	sdelay $0x1  }
0x606: {  	v3 =	vld [tilespmem:s0+$0xCF60]  }
0x607: {  	v0 =	vadd.f32 v1, v0  }
0x608: {  	v1 =	vld [tilespmem:s0+$0xCFA0]  }
0x609: {  	v0 =	vadd.f32 v2, v0  }
0x60a: {  	v2 =	vld [tilespmem:s0+$0xCFE0]  }
0x60b: {  	v0 =	vadd.f32 v3, v0  }
0x60c: {  	v3 =	vld [tilespmem:s0+$0xD020]  }
0x60d: {  	v0 =	vadd.f32 v1, v0  }
0x60e: {  	v1 =	vld [tilespmem:s0+$0xD060]  }
0x60f: {  	v0 =	vadd.f32 v2, v0  }
0x610: {  	v2 =	vld [tilespmem:s0+$0xD0A0]  }
0x611: {  	v0 =	vadd.f32 v3, v0  }
0x612: {  	v3 =	vld [tilespmem:s0+$0xD0E0]  }
0x613: {  	v0 =	vadd.f32 v1, v0  }
0x614: {  	v1 =	vld [tilespmem:s0+$0xD120]  }
0x615: {  	v0 =	vadd.f32 v2, v0  }
0x616: {  	v2 =	vld [tilespmem:s0+$0xD160]  }
0x617: {  	v0 =	vadd.f32 v3, v0  }
0x618: {  	v3 =	vld [tilespmem:s0+$0xD1A0]  }
0x619: {  	v0 =	vadd.f32 v1, v0  }
0x61a: {  	v1 =	vld [tilespmem:s0+$0xD1E0]  }
0x61b: {  	v0 =	vadd.f32 v2, v0  }
0x61c: {  	v2 =	vld [tilespmem:s0+$0xD220]  }
0x61d: {  	v0 =	vadd.f32 v3, v0  }
0x61e: {  	v3 =	vld [tilespmem:s0+$0xD260]  }
0x61f: {  	v0 =	vadd.f32 v1, v0  }
0x620: {  	v1 =	vld [tilespmem:s0+$0xD2A0]  }
0x621: {  	v0 =	vadd.f32 v2, v0  }
0x622: {  	v2 =	vld [tilespmem:s0+$0xD2E0]  }
0x623: {  	v0 =	vadd.f32 v3, v0  }
0x624: {  	v3 =	vld [tilespmem:s0+$0xD320]  }
0x625: {  	v0 =	vadd.f32 v1, v0  }
0x626: {  	v1 =	vld [tilespmem:s0+$0xD360]  }
0x627: {  	v0 =	vadd.f32 v2, v0  }
0x628: {  	v2 =	vld [tilespmem:s0+$0xD3A0]  }
0x629: {  	v0 =	vadd.f32 v3, v0  }
0x62a: {  	v3 =	vld [tilespmem:s0+$0xD3E0]  }
0x62b: {  	v0 =	vadd.f32 v1, v0  }
0x62c: {  	v1 =	vld [tilespmem:s0+$0xD420]  }
0x62d: {  	v0 =	vadd.f32 v2, v0  }
0x62e: {  	v2 =	vld [tilespmem:s0+$0xD460]  }
0x62f: {  	v0 =	vadd.f32 v3, v0  }
0x630: {  	v3 =	vld [tilespmem:s0+$0xD4A0]  }
0x631: {  	v0 =	vadd.f32 v1, v0  }
0x632: {  	v1 =	vld [tilespmem:s0+$0xD4E0]  }
0x633: {  	v0 =	vadd.f32 v2, v0  }
0x634: {  	v2 =	vld [tilespmem:s0+$0xD520]  }
0x635: {  	v0 =	vadd.f32 v3, v0  }
0x636: {  	v3 =	vld [tilespmem:s0+$0xD560]  }
0x637: {  	v0 =	vadd.f32 v1, v0  }
0x638: {  	v1 =	vld [tilespmem:s0+$0xD5A0]  }
0x639: {  	v0 =	vadd.f32 v2, v0  }
0x63a: {  	v2 =	vld [tilespmem:s0+$0xD5E0]  }
0x63b: {  	v0 =	vadd.f32 v3, v0  }
0x63c: {  	v3 =	vld [tilespmem:s0+$0xD620]  }
0x63d: {  	v0 =	vadd.f32 v1, v0  }
0x63e: {  	v1 =	vld [tilespmem:s0+$0xD660]  }
0x63f: {  	v0 =	vadd.f32 v2, v0  }
0x640: {  	v2 =	vld [tilespmem:s0+$0xD6A0]  }
0x641: {  	v0 =	vadd.f32 v3, v0  }
0x642: {  	v3 =	vld [tilespmem:s0+$0xD6E0]  }
0x643: {  	v0 =	vadd.f32 v1, v0  }
0x644: {  	v1 =	vld [tilespmem:s0+$0xD720]  }
0x645: {  	v0 =	vadd.f32 v2, v0  }
0x646: {  	v2 =	vld [tilespmem:s0+$0xD760]  }
0x647: {  	v0 =	vadd.f32 v3, v0  }
0x648: {  	v3 =	vld [tilespmem:s0+$0xD7A0]  }
0x649: {  	v0 =	vadd.f32 v1, v0  }
0x64a: {  	v1 =	vld [tilespmem:s0+$0xD7E0]  }
0x64b: {  	v0 =	vadd.f32 v2, v0  }
0x64c: {  	v2 =	vld [tilespmem:s0+$0xD820]  }
0x64d: {  	v0 =	vadd.f32 v3, v0  }
0x64e: {  	v3 =	vld [tilespmem:s0+$0xD860]  }
0x64f: {  	v0 =	vadd.f32 v1, v0  }
0x650: {  	v1 =	vld [tilespmem:s0+$0xD8A0]  }
0x651: {  	v0 =	vadd.f32 v2, v0  }
0x652: {  	v2 =	vld [tilespmem:s0+$0xD8E0]  }
0x653: {  	v0 =	vadd.f32 v3, v0  }
0x654: {  	v3 =	vld [tilespmem:s0+$0xD920]  }
0x655: {  	v0 =	vadd.f32 v1, v0  }
0x656: {  	v1 =	vld [tilespmem:s0+$0xD960]  }
0x657: {  	v0 =	vadd.f32 v2, v0  }
0x658: {  	v2 =	vld [tilespmem:s0+$0xD9A0]  }
0x659: {  	v0 =	vadd.f32 v3, v0  }
0x65a: {  	v3 =	vld [tilespmem:s0+$0xD9E0]  }
0x65b: {  	v0 =	vadd.f32 v1, v0  }
0x65c: {  	v1 =	vld [tilespmem:s0+$0xDA20]  }
0x65d: {  	v0 =	vadd.f32 v2, v0  }
0x65e: {  	v2 =	vld [tilespmem:s0+$0xDA60]  }
0x65f: {  	v0 =	vadd.f32 v3, v0  }
0x660: {  	v3 =	vld [tilespmem:s0+$0xDAA0]  }
0x661: {  	v0 =	vadd.f32 v1, v0  }
0x662: {  	v1 =	vld [tilespmem:s0+$0xDAE0]  }
0x663: {  	v0 =	vadd.f32 v2, v0;
	_ =	sdelay $0x1  }
0x664: {  	v0 =	vadd.f32 v3, v0;
	_ =	sdelay $0x1  }
0x665: {  	v0 =	vadd.f32 v1, v0;
	_ =	sdelay $0x1  }
0x666: {  	[tilespmem:s30+$0x19AA0] =	vst v0  }
0x667: {  	v0 =	vld [tilespmem:s0+$0xCEB0]  }
0x668: {  	v1 =	vld [tilespmem:s0+$0xCEF0]  }
0x669: {  	v2 =	vld [tilespmem:s0+$0xCF30]  }
0x66a: {  	v3 =	vld [tilespmem:s0+$0xCF70]  }
0x66b: {  	v4 =	vld [tilespmem:s0+$0xCFB0]  }
0x66c: {  	v5 =	vld [tilespmem:s0+$0xCFF0]  }
0x66d: {  	v0 =	vadd.f32 v1, v0;
	v1 =	vld [tilespmem:s0+$0xD030]  }
0x66e: {  	v6 =	vld [tilespmem:s0+$0xD070]  }
0x66f: {  	v0 =	vadd.f32 v2, v0;
	v2 =	vld [tilespmem:s0+$0xD0B0]  }
0x670: {  	v7 =	vld [tilespmem:s0+$0xD0F0]  }
0x671: {  	v0 =	vadd.f32 v3, v0;
	v3 =	vld [tilespmem:s0+$0xD130]  }
0x672: {  	v8 =	vld [tilespmem:s0+$0xD170]  }
0x673: {  	v0 =	vadd.f32 v4, v0;
	v4 =	vld [tilespmem:s0+$0xD1B0]  }
0x674: {  	v9 =	vld [tilespmem:s0+$0xD1F0]  }
0x675: {  	v0 =	vadd.f32 v5, v0;
	v5 =	vld [tilespmem:s0+$0xD230]  }
0x676: {  	v10 =	vld [tilespmem:s0+$0xD270]  }
0x677: {  	v0 =	vadd.f32 v1, v0;
	v1 =	vld [tilespmem:s0+$0xD2B0]  }
0x678: {  	v11 =	vld [tilespmem:s0+$0xD2F0]  }
0x679: {  	v0 =	vadd.f32 v6, v0;
	v6 =	vld [tilespmem:s0+$0xD330]  }
0x67a: {  	v12 =	vld [tilespmem:s0+$0xD370]  }
0x67b: {  	v0 =	vadd.f32 v2, v0;
	v2 =	vld [tilespmem:s0+$0xD3B0]  }
0x67c: {  	v13 =	vld [tilespmem:s0+$0xD3F0]  }
0x67d: {  	v0 =	vadd.f32 v7, v0;
	v7 =	vld [tilespmem:s0+$0xD430]  }
0x67e: {  	v14 =	vld [tilespmem:s0+$0xD470]  }
0x67f: {  	v0 =	vadd.f32 v3, v0;
	v3 =	vld [tilespmem:s0+$0xD4B0]  }
0x680: {  	v15 =	vld [tilespmem:s0+$0xD4F0]  }
0x681: {  	v0 =	vadd.f32 v8, v0;
	v8 =	vld [tilespmem:s0+$0xD530]  }
0x682: {  	v16 =	vld [tilespmem:s0+$0xD570]  }
0x683: {  	v0 =	vadd.f32 v4, v0;
	v4 =	vld [tilespmem:s0+$0xD5B0]  }
0x684: {  	v17 =	vld [tilespmem:s0+$0xD5F0]  }
0x685: {  	v0 =	vadd.f32 v9, v0;
	v9 =	vld [tilespmem:s0+$0xD630]  }
0x686: {  	v18 =	vld [tilespmem:s0+$0xD670]  }
0x687: {  	v0 =	vadd.f32 v5, v0;
	v5 =	vld [tilespmem:s0+$0xD6B0]  }
0x688: {  	v19 =	vld [tilespmem:s0+$0xD6F0]  }
0x689: {  	v0 =	vadd.f32 v10, v0;
	v10 =	vld [tilespmem:s0+$0xD730]  }
0x68a: {  	v20 =	vld [tilespmem:s0+$0xD770]  }
0x68b: {  	v0 =	vadd.f32 v1, v0;
	v21 =	vld [tilespmem:s0+$0xD7B0]  }
0x68c: {  	v22 =	vld [tilespmem:s0+$0xD7F0]  }
0x68d: {  	v0 =	vadd.f32 v11, v0;
	v11 =	vld [tilespmem:s0+$0xD830]  }
0x68e: {  	v23 =	vld [tilespmem:s0+$0xD870]  }
0x68f: {  	v0 =	vadd.f32 v6, v0;
	v6 =	vld [tilespmem:s0+$0xD8B0]  }
0x690: {  	v24 =	vld [tilespmem:s0+$0xD8F0]  }
0x691: {  	v0 =	vadd.f32 v12, v0;
	v12 =	vld [tilespmem:s0+$0xD930]  }
0x692: {  	v25 =	vld [tilespmem:s0+$0xD970]  }
0x693: {  	v0 =	vadd.f32 v2, v0;
	v2 =	vld [tilespmem:s0+$0xD9B0]  }
0x694: {  	v26 =	vld [tilespmem:s0+$0xD9F0]  }
0x695: {  	v0 =	vadd.f32 v13, v0;
	v13 =	vld [tilespmem:s0+$0xDA30]  }
0x696: {  	v27 =	vld [tilespmem:s0+$0xDA70]  }
0x697: {  	v7 =	vadd.f32 v7, v0;
	v1 =	vld [tilespmem:s0+$0xDAB0]  }
0x698: {  	v0 =	vld [tilespmem:s0+$0xDAF0]  }
0x699: {  	v7 =	vadd.f32 v14, v7;
	_ =	sdelay $0x1  }
0x69a: {  	v3 =	vadd.f32 v3, v7;
	_ =	sdelay $0x1  }
0x69b: {  	v3 =	vadd.f32 v15, v3;
	_ =	sdelay $0x1  }
0x69c: {  	v3 =	vadd.f32 v8, v3;
	_ =	sdelay $0x1  }
0x69d: {  	v3 =	vadd.f32 v16, v3;
	_ =	sdelay $0x1  }
0x69e: {  	v3 =	vadd.f32 v4, v3;
	_ =	sdelay $0x1  }
0x69f: {  	v3 =	vadd.f32 v17, v3;
	_ =	sdelay $0x1  }
0x6a0: {  	v3 =	vadd.f32 v9, v3;
	_ =	sdelay $0x1  }
0x6a1: {  	v3 =	vadd.f32 v18, v3;
	_ =	sdelay $0x1  }
0x6a2: {  	v3 =	vadd.f32 v5, v3;
	_ =	sdelay $0x1  }
0x6a3: {  	v3 =	vadd.f32 v19, v3;
	_ =	sdelay $0x1  }
0x6a4: {  	v3 =	vadd.f32 v10, v3;
	_ =	sdelay $0x1  }
0x6a5: {  	v3 =	vadd.f32 v20, v3;
	_ =	sdelay $0x1  }
0x6a6: {  	v3 =	vadd.f32 v21, v3;
	_ =	sdelay $0x1  }
0x6a7: {  	v3 =	vadd.f32 v22, v3;
	_ =	sdelay $0x1  }
0x6a8: {  	v3 =	vadd.f32 v11, v3;
	_ =	sdelay $0x1  }
0x6a9: {  	v3 =	vadd.f32 v23, v3;
	_ =	sdelay $0x1  }
0x6aa: {  	v3 =	vadd.f32 v6, v3;
	_ =	sdelay $0x1  }
0x6ab: {  	v3 =	vadd.f32 v24, v3;
	_ =	sdelay $0x1  }
0x6ac: {  	v3 =	vadd.f32 v12, v3;
	_ =	sdelay $0x1  }
0x6ad: {  	v3 =	vadd.f32 v25, v3;
	_ =	sdelay $0x1  }
0x6ae: {  	v2 =	vadd.f32 v2, v3;
	_ =	sdelay $0x1  }
.Ltmp1:
0x6af: {  	v2 =	vadd.f32 v26, v2;
	(pc) =	sbr.rel @p0 .LBB2_5-.Ltmp1, $3  }
0x6b0: {  	_ = 	snop  }
0x6b1: {  	v2 =	vadd.f32 v13, v2;
	_ =	sdelay $0x1  }
0x6b2: {  	v2 =	vadd.f32 v27, v2  }
0x6b3: {  	_ = 	snop  }
0x6b4: {  	v1 =	vadd.f32 v1, v2;
	_ =	sdelay $0x1  }
0x6b5: {  	v0 =	vadd.f32 v0, v1  }
0x6b6: {  	s0 =	sshll.u32 s2, $0x3;
	s1 =	rddreg [dreg:$0x2]  }
0x6b7: {  	s6 =	sadd.s32 $0x1, s6;
	s0 =	sadd.s32 s1, s0;
	[tilespmem:s30+$0x19AB0] =	vst v0  }
0x6b8: {  	[hbm4b:s0+s3] =	stream.linear.scatter [tilespmem:s19], [sflag:$0x3], $0x400, $0x38;
	[tilespmem:$0x1BF80] =	vst v63  }
0x6b9: {  	p0 =	sne.s32 s6, $0x10;
	_ =	swait.ge [sflag:s28], $0x400  }
.Ltmp2:
0x6ba: {  	[sflag:s28] =	ssyncset.done $0x0;
	(pc) =	sbr.rel @p0 .LBB2_2-.Ltmp2, $4  }
0x6bb: {  	[sflag:s28] =	ssyncadd.s32 $0xFFFFFC00  }
0x6bc: {  	_ =	swait.ge [sflag:s28], $0x400  }
0x6bd: {  	[sflag:s28] =	ssyncset.done $0x0  }
0x6be: {  	[sflag:s28] =	ssyncadd.s32 $0xFFFFFC00  }
0x6bf: {  	s1 =	rddreg [dreg:$0xb]  }
0x6c0: {  	s0 =	rddreg [dreg:$0xa];
	s1 =	sadd.s32 $0x1, s1  }
0x6c1: {  	p0 =	sne.s32 s1, s0  }
.Ltmp3:
0x6c2: {  	_ = 	snop;
	(pc) =	sbr.rel @p0 .LBB2_1-.Ltmp3, $1  }
0x6c3: {  	_ =	sdelay $0x3  }
0x6c4: {  	_ =	sfence.sel $0x180000  }
0x6c5: {  	[bflag:$0x0] =	sbarrier.arrive $0xFFFF  }
0x6c6: {  	_ =	strace $0x90000047  }
0x6c7: {  	s0 =	stileid.u32;
	[bflag:$0x2] =	sbarrier.arrive $0xFFFF  }
0x6c8: {  	p0 =	sne.s32 s0, $0x0;
	s0 =	rddreg [dreg:$0x3]  }
0x6c9: {  	s0 =	sadd.s32 @!p0 $0x100000, s0  }
0x6ca: {  	[sflag:s0] =	ssyncadd.tile.s32 @!p0 $0x1;
	_ =	shalt  }
.Lfunc_end2:
_tile_overlayer_lowered:
.L_overlay_start_2:
0x6cb: {  	(tag) =	ssettag $0x2  }
0x6cc: {  	s0 =	rddreg [dreg:$0x0];
	s2 =	stileid.u32  }
0x6cd: {  	s1 =	rddreg [dreg:$0x1];
	p0 =	sne.s32 s2, $0x0  }
0x6ce: {  	s3 =	rddreg [dreg:$0x2];
	[bflag:$0x3] =	sbarrier.arrive $0xFFFF;
	s2 =	simm.s32 @!p0 $0x1C04  }
0x6cf: {  	[timem:s3], [sflag:s2] =	dma.local @!p0 [hbm:s0], s1  }
0x6d0: {  	s0 =	simm.s32 @!p0 $0x4  }
0x6d1: {  	_ =	swait.ge @!p0 [sflag:s0], s1  }
0x6d2: {  	s1 =	ssub.s32 @!p0 $0x0, s1;
	[sflag:s0] =	ssyncset.done @!p0 $0x0  }
0x6d3: {  	[sflag:s0] =	ssyncadd.s32 @!p0 s1  }
0x6d4: {  	[bflag:$0x3] =	sbarrier.arrive $0xFFFF  }
0x6d5: {  	_ =	shalt  }

</sc_bundles>
